<compile_context>
chip_gen: v7x
topology: tpu7x:2x2x1
jax: 0.10.2.dev20260603
libtpu: 0.0.44.dev20260713+nightly
codegen_flags: <defaults>
</compile_context>

<pallas_src>
import functools

import jax
import jax.numpy as jnp
from jax import lax
from jax.experimental import pallas as pl
from jax.experimental.pallas import tpu as pltpu
from jax.experimental.pallas import tpu_sc as plsc

N_NODES = 10000
D = 128
N_EDGES = 320000
EPS = 1e-7
LN_EPS = 1e-5

NC = 2
NS = 16
NW = NC * NS
EW = N_EDGES // NW
K = 40
NCH = EW // K
N_PAD = 10240
RPT = N_PAD // NS
NSLOT = 5

BLK = 1024
GRID = N_PAD // BLK

_mesh = plsc.VectorSubcoreMesh(core_axis_name="c", subcore_axis_name="s")


def _sc_agg_body(with_cnt, xlin_hbm, src_hbm, dst_hbm, *rest):
    if with_cnt:
        (psum_hbm, cnt_hbm, sidx_v, didx_v, rows_v, ones_v,
         acc_sh, gsem, ssem) = rest
    else:
        (psum_hbm, sidx_v, didx_v, rows_v, ones_v,
         acc_sh, gsem, ssem) = rest

    cid = lax.axis_index("c")
    sid = lax.axis_index("s")
    wid = sid * NC + cid
    base = wid * EW

    zero16 = jnp.zeros((16,), jnp.float32)
    one16 = jnp.full((16,), 1.0, jnp.float32)

    def fill(buf, val16):
        def f(i, _):
            buf[i // (D // 16), pl.ds((i % (D // 16)) * 16, 16)] = val16
            return 0
        lax.fori_loop(0, K * (D // 16), f, 0)

    def zero_acc():
        fill(ones_v, zero16)

        def zcopy(j, _):
            pltpu.async_copy(
                ones_v, acc_sh.at[pl.ds(sid * RPT + j * K, K)], gsem.at[0])
            return 0
        lax.fori_loop(0, RPT // K, zcopy, 0)

        def zwait(j, _):
            pltpu.make_async_copy(
                ones_v, acc_sh.at[pl.ds(sid * RPT + j * K, K)],
                gsem.at[0]).wait()
            return 0
        lax.fori_loop(0, RPT // K, zwait, 0)

    def write_acc(out_hbm):
        def wround(j, _):
            for p in range(2):
                r = sid * RPT + (2 * j + p) * K

                @pl.when(j > 0)
                def _():
                    pltpu.make_async_copy(
                        rows_v.at[p], out_hbm.at[cid, pl.ds(r - 2 * K, K)],
                        gsem.at[p]).wait()
                pltpu.sync_copy(acc_sh.at[pl.ds(r, K)], rows_v.at[p])
                pltpu.async_copy(
                    rows_v.at[p], out_hbm.at[cid, pl.ds(r, K)], gsem.at[p])
            return 0
        nr = RPT // K // 2
        lax.fori_loop(0, nr, wround, 0)
        for p in range(2):
            r = sid * RPT + (2 * (nr - 1) + p) * K
            pltpu.make_async_copy(
                rows_v.at[p], out_hbm.at[cid, pl.ds(r, K)], gsem.at[p]).wait()

    zero_acc()
    plsc.subcore_barrier()

    for p in range(NSLOT):
        off = base + p * K
        pltpu.sync_copy(src_hbm.at[pl.ds(off, K)], sidx_v.at[p])
        pltpu.sync_copy(dst_hbm.at[pl.ds(off, K)], didx_v.at[p])
        pltpu.async_copy(xlin_hbm.at[sidx_v.at[p]], rows_v.at[p], gsem.at[p])

    def round_(j, _):
        for p in range(NSLOT):
            i = j * NSLOT + p
            pltpu.make_async_copy(
                xlin_hbm.at[sidx_v.at[p]], rows_v.at[p], gsem.at[p]).wait()
            pltpu.async_copy(
                rows_v.at[p], acc_sh.at[didx_v.at[p]], ssem.at[p], add=True)

            @pl.when(j < NCH // NSLOT - 1)
            def _():
                pltpu.make_async_copy(
                    rows_v.at[p], acc_sh.at[didx_v.at[p]], ssem.at[p]).wait()
                off = base + (i + NSLOT) * K
                pltpu.sync_copy(src_hbm.at[pl.ds(off, K)], sidx_v.at[p])
                pltpu.sync_copy(dst_hbm.at[pl.ds(off, K)], didx_v.at[p])
                pltpu.async_copy(
                    xlin_hbm.at[sidx_v.at[p]], rows_v.at[p], gsem.at[p])
        return 0
    lax.fori_loop(0, NCH // NSLOT, round_, 0)

    for p in range(NSLOT):
        pltpu.make_async_copy(
            rows_v.at[p], acc_sh.at[didx_v.at[p]], ssem.at[p]).wait()

    plsc.subcore_barrier()
    write_acc(psum_hbm)

    if with_cnt:
        plsc.subcore_barrier()
        zero_acc()
        plsc.subcore_barrier()
        fill(ones_v, one16)

        for p in range(NSLOT):
            pltpu.sync_copy(dst_hbm.at[pl.ds(base + p * K, K)], didx_v.at[p])
            pltpu.async_copy(
                ones_v, acc_sh.at[didx_v.at[p]], ssem.at[p], add=True)

        def cround(j, _):
            for p in range(NSLOT):
                i = j * NSLOT + p
                pltpu.make_async_copy(
                    ones_v, acc_sh.at[didx_v.at[p]], ssem.at[p]).wait()

                @pl.when(j < NCH // NSLOT - 1)
                def _():
                    off = base + (i + NSLOT) * K
                    pltpu.sync_copy(dst_hbm.at[pl.ds(off, K)], didx_v.at[p])
                    pltpu.async_copy(
                        ones_v, acc_sh.at[didx_v.at[p]], ssem.at[p], add=True)
            return 0
        lax.fori_loop(0, NCH // NSLOT, cround, 0)

        plsc.subcore_barrier()
        write_acc(cnt_hbm)


def _make_sc_agg(with_cnt):
    out_type = [jax.ShapeDtypeStruct((NC, N_PAD, D), jnp.float32)]
    scratch = [
        pltpu.VMEM((NSLOT, K), jnp.int32),
        pltpu.VMEM((NSLOT, K), jnp.int32),
        pltpu.VMEM((NSLOT, K, D), jnp.float32),
        pltpu.VMEM((K, D), jnp.float32),
    ]
    if with_cnt:
        out_type.append(jax.ShapeDtypeStruct((NC, N_PAD, D), jnp.float32))
    scratch.append(pltpu.VMEM_SHARED((N_PAD, D), jnp.float32))
    scratch.append(pltpu.SemaphoreType.DMA((NSLOT,)))
    scratch.append(pltpu.SemaphoreType.DMA((NSLOT,)))
    return pl.kernel(
        functools.partial(_sc_agg_body, with_cnt),
        out_type=tuple(out_type) if with_cnt else out_type[0],
        mesh=_mesh,
        scratch_types=scratch,
    )


_sc_agg_cnt = _make_sc_agg(True)
_sc_agg = _make_sc_agg(False)


def _tc_pre_body(sq_ref, x_ref, w_ref, b_ref, xtan_ref, xlin_ref):
    sqrtc = sq_ref[0, 0]
    x = x_ref[...]
    col = lax.broadcasted_iota(jnp.int32, (BLK, D), 1)
    y = jnp.where(col == 0, 0.0, x)
    ynorm = jnp.maximum(jnp.sqrt(jnp.sum(y * y, axis=-1, keepdims=True)), EPS)
    xt = jnp.maximum(sqrtc * x[:, 0:1], 1.0 + EPS)
    theta = jnp.log(xt + jnp.sqrt(xt * xt - 1.0))
    xtan = (theta / (sqrtc * ynorm)) * y
    xtan_ref[...] = xtan
    xlin_ref[...] = lax.dot_general(
        xtan, w_ref[...], (((1,), (1,)), ((), ())),
        preferred_element_type=jnp.float32) + b_ref[...]


_tc_pre = pl.pallas_call(
    _tc_pre_body,
    grid=(GRID,),
    in_specs=[
        pl.BlockSpec(memory_space=pltpu.SMEM),
        pl.BlockSpec((BLK, D), lambda i: (i, 0)),
        pl.BlockSpec((D, D), lambda i: (0, 0)),
        pl.BlockSpec((1, D), lambda i: (0, 0)),
    ],
    out_specs=[
        pl.BlockSpec((BLK, D), lambda i: (i, 0)),
        pl.BlockSpec((BLK, D), lambda i: (i, 0)),
    ],
    out_shape=[
        jax.ShapeDtypeStruct((N_PAD, D), jnp.float32),
        jax.ShapeDtypeStruct((N_PAD, D), jnp.float32),
    ],
)


def _tc_post_body(sq_ref, xtan_ref, p0_ref, p1_ref, c0_ref, c1_ref,
                  g_ref, beta_ref, out_ref):
    sqrtc = sq_ref[0, 0]
    cnt = c0_ref[...] + c1_ref[...]
    agg = (p0_ref[...] + p1_ref[...]) / jnp.maximum(cnt, 1.0)
    h = xtan_ref[...] + agg
    mu = jnp.mean(h, axis=-1, keepdims=True)
    var = jnp.mean((h - mu) ** 2, axis=-1, keepdims=True)
    h = (h - mu) / jnp.sqrt(var + LN_EPS) * g_ref[...] + beta_ref[...]
    col = lax.broadcasted_iota(jnp.int32, (BLK, D), 1)
    u = jnp.where(col == 0, 0.0, h)
    norm = jnp.maximum(jnp.sqrt(jnp.sum(u * u, axis=-1, keepdims=True)), EPS)
    theta = sqrtc * norm
    e = jnp.exp(theta)
    einv = 1.0 / e
    time = (0.5 * (e + einv)) / sqrtc
    space = (0.5 * (e - einv)) * u / (sqrtc * norm)
    out_ref[...] = jnp.where(col == 0, time, space)


_tc_post = pl.pallas_call(
    _tc_post_body,
    grid=(GRID,),
    in_specs=[
        pl.BlockSpec(memory_space=pltpu.SMEM),
        pl.BlockSpec((BLK, D), lambda i: (i, 0)),
        pl.BlockSpec((BLK, D), lambda i: (i, 0)),
        pl.BlockSpec((BLK, D), lambda i: (i, 0)),
        pl.BlockSpec((BLK, D), lambda i: (i, 0)),
        pl.BlockSpec((BLK, D), lambda i: (i, 0)),
        pl.BlockSpec((1, D), lambda i: (0, 0)),
        pl.BlockSpec((1, D), lambda i: (0, 0)),
    ],
    out_specs=pl.BlockSpec((BLK, D), lambda i: (i, 0)),
    out_shape=jax.ShapeDtypeStruct((N_PAD, D), jnp.float32),
)


def kernel(x_hyp, edge_index, W0, b0, g0, beta0, c0,
           W1, b1, g1, beta1, c1):
    src = edge_index[0].astype(jnp.int32)
    dst = edge_index[1].astype(jnp.int32)
    sq0 = jnp.sqrt(jnp.clip(c0, 0.1, 10.0)).reshape(1, 1)
    sq1 = jnp.sqrt(jnp.clip(c1, 0.1, 10.0)).reshape(1, 1)
    b0r = b0.reshape(1, D)
    b1r = b1.reshape(1, D)
    g0r = g0.reshape(1, D)
    g1r = g1.reshape(1, D)
    beta0r = beta0.reshape(1, D)
    beta1r = beta1.reshape(1, D)
    xp = jnp.pad(x_hyp, ((0, N_PAD - N_NODES), (0, 0)))

    xtan0, xlin0 = _tc_pre(sq0, xp, W0, b0r)
    p, cnt = _sc_agg_cnt(xlin0, src, dst)
    x1 = _tc_post(sq0, xtan0, p[0], p[1], cnt[0], cnt[1], g0r, beta0r)

    xtan1, xlin1 = _tc_pre(sq1, x1, W1, b1r)
    p2 = _sc_agg(xlin1, src, dst)
    out = _tc_post(sq1, xtan1, p2[0], p2[1], cnt[0], cnt[1], g1r, beta1r)
    return out[:N_NODES]

# --- scband reference (transcript-rebuilt; emitter-appended) ---
"""Pipeline reference for scband-hgcn-42855183680107 (READ-ONLY COPY).

The authoritative reference and input builder live on the scoring server;
editing this copy changes nothing except your own understanding.
"""

import jax, jax.numpy as jnp
import numpy as np

N_NODES = 10000
D = 128
N_EDGES = 320000
N_LAYERS = 2
EPS = 1e-7
LN_EPS = 1e-5


def _exp_map_zero(u, c):
    # Lorentz model exp map at origin; first coordinate is the time coordinate.
    sqrtc = jnp.sqrt(c)
    u_sp = jnp.concatenate([jnp.zeros_like(u[:, 0:1]), u[:, 1:]], axis=-1)
    norm = jnp.clip(jnp.linalg.norm(u_sp, axis=-1, keepdims=True), EPS)
    theta = sqrtc * norm
    time = jnp.cosh(theta) / sqrtc
    space = jnp.sinh(theta) * u_sp / (sqrtc * norm)
    return jnp.concatenate([time, space[:, 1:]], axis=-1)


def _log_map_zero(x, c):
    # Lorentz model log map at origin; tangent vector has zero time coordinate.
    sqrtc = jnp.sqrt(c)
    y = jnp.concatenate([jnp.zeros_like(x[:, 0:1]), x[:, 1:]], axis=-1)
    ynorm = jnp.clip(jnp.linalg.norm(y, axis=-1, keepdims=True), EPS)
    xt = jnp.clip(sqrtc * x[:, 0:1], 1.0 + EPS)
    theta = jnp.arccosh(xt)
    return (theta / (sqrtc * ynorm)) * y


def _layer_norm(h, g, beta):
    mu = jnp.mean(h, axis=-1, keepdims=True)
    var = jnp.mean((h - mu) ** 2, axis=-1, keepdims=True)
    return (h - mu) / jnp.sqrt(var + LN_EPS) * g + beta


def _hyp_conv(x_hyp, edge_index, W, b, g, beta, curv):
    # curvature is read via .item() in the torch code -> constant w.r.t. autodiff
    c = jnp.clip(jax.lax.stop_gradient(curv), 0.1, 10.0)
    x_tan = _log_map_zero(x_hyp, c)
    x_lin = x_tan @ W.T + b
    src = edge_index[0]
    dst = edge_index[1]
    msg = jnp.take(x_lin, src, axis=0)
    ssum = jax.ops.segment_sum(msg, dst, num_segments=N_NODES)
    cnt = jax.ops.segment_sum(jnp.ones((msg.shape[0], 1), msg.dtype), dst, num_segments=N_NODES)
    x_agg = ssum / jnp.clip(cnt, 1.0)
    # dropout is identity in eval mode
    h = x_tan + x_agg
    h = _layer_norm(h, g, beta)
    return _exp_map_zero(h, c)


def setup_inputs(seed: int = 0) -> dict:
    key = jax.random.key(seed)
    ks = jax.random.split(key, 8)
    x_tan0 = 0.1 * jax.random.normal(ks[0], (N_NODES, D), dtype=jnp.float32)
    x_hyp = _exp_map_zero(x_tan0, jnp.float32(1.0))
    edge_index = jax.random.randint(ks[1], (2, N_EDGES), 0, N_NODES, dtype=jnp.int64 if jax.config.jax_enable_x64 else jnp.int32)
    scale = 1.0 / np.sqrt(D)
    inp = {"x_hyp": x_hyp, "edge_index": edge_index}
    for l in range(N_LAYERS):
        inp[f"W{l}"] = scale * jax.random.normal(ks[2 + 2 * l], (D, D), dtype=jnp.float32)
        inp[f"b{l}"] = jnp.zeros((D,), dtype=jnp.float32)
        inp[f"g{l}"] = jnp.ones((D,), dtype=jnp.float32)
        inp[f"beta{l}"] = jnp.zeros((D,), dtype=jnp.float32)
        inp[f"c{l}"] = jnp.ones((), dtype=jnp.float32)
    return inp


def reference(x_hyp, edge_index, W0, b0, g0, beta0, c0, W1, b1, g1, beta1, c1):
    x = _hyp_conv(x_hyp, edge_index, W0, b0, g0, beta0, c0)
    x = _hyp_conv(x, edge_index, W1, b1, g1, beta1, c1)
    return x

if __name__ == "__main__":
    import jax
    _d = setup_inputs()
    print(jax.jit(kernel)(*tuple(_d.values())))

</pallas_src>

<mosaic_0001>
#map = affine_map<(d0, d1) -> (0, 0)>
#map1 = affine_map<(d0, d1) -> (0)>
#map2 = affine_map<(d0, d1) -> (0, 0, 0)>
module attributes {stable_mosaic.version = 14 : i64} {
  func.func @_sc_agg_body(%arg0: i32, %arg1: i32, %arg2: memref<10240x128xf32, #tpu.memory_space<hbm>>, %arg3: memref<320000xi32, #tpu.memory_space<hbm>>, %arg4: memref<320000xi32, #tpu.memory_space<hbm>>, %arg5: memref<2x10240x128xf32, #tpu.memory_space<hbm>>, %arg6: memref<2x10240x128xf32, #tpu.memory_space<hbm>>, %arg7: memref<5x40xi32, #tpu.memory_space<vmem>>, %arg8: memref<5x40xi32, #tpu.memory_space<vmem>>, %arg9: memref<5x40x128xf32, #tpu.memory_space<vmem>>, %arg10: memref<40x128xf32, #tpu.memory_space<vmem>>, %arg11: memref<10240x128xf32, #tpu.memory_space<vmem_shared>>, %arg12: memref<5x!tpu.dma_semaphore, #tpu.memory_space<semaphore_mem>>, %arg13: memref<5x!tpu.dma_semaphore, #tpu.memory_space<semaphore_mem>>) attributes {dimension_semantics = [#tpu.dimension_semantics<core_parallel>, #tpu.dimension_semantics<subcore_parallel>], iteration_bounds = array<i64: 2, 16>, scalar_prefetch = 0 : i64, scratch_operands = 7 : i64, tpu.core_type = #tpu.core_type<sc_vector_subcore>, window_params = [{transform_indices = #map}, {transform_indices = #map1}, {transform_indices = #map1}, {transform_indices = #map2}, {transform_indices = #map2}]} {
    %mul3A = arith.constant 2 : i32
    %mul3A_0 = arith.muli %arg1, %mul3A : i32
    %add3A = arith.addi %mul3A_0, %arg0 : i32
    %mul3A_1 = arith.constant 10000 : i32
    %mul3A_2 = arith.muli %add3A, %mul3A_1 : i32
    %broadcast_in_dim3A = arith.constant 0.000000e+00 : f32
    %broadcast_in_dim3A_3 = vector.broadcast %broadcast_in_dim3A : f32 to vector<16xf32>
    %broadcast_in_dim3A_4 = arith.constant 1.000000e+00 : f32
    %broadcast_in_dim3A_5 = vector.broadcast %broadcast_in_dim3A_4 : f32 to vector<16xf32>
    %scan3A = arith.constant 0 : i32
    %scan3A_6 = arith.constant 0 : i32
    %scan3A_7 = arith.constant 320 : i32
    %scan3A_8 = arith.addi %scan3A_6, %scan3A_7 : i32
    %scan3A_9 = arith.constant 1 : i32
    %scan3A_10 = scf.for %scan3A_406 = %scan3A_6 to %scan3A_8 step %scan3A_9 iter_args(%scan3A_407 = %scan3A) -> (i32)  : i32 {
      %jit3A = arith.constant 8 : i32
      %div3A = arith.divsi %scan3A_406, %jit3A : i32
      %sign3A = arith.constant 0 : i32
      %sign3A_408 = arith.cmpi sgt, %scan3A_406, %sign3A : i32
      %sign3A_409 = arith.extui %sign3A_408 : i1 to i32
      %sign3A_410 = arith.constant 0 : i32
      %sign3A_411 = arith.cmpi slt, %scan3A_406, %sign3A_410 : i32
      %sign3A_412 = arith.extui %sign3A_411 : i1 to i32
      %sign3A_413 = arith.subi %sign3A_409, %sign3A_412 : i32
      %sign3A_414 = arith.constant 0 : i32
      %sign3A_415 = arith.cmpi sgt, %jit3A, %sign3A_414 : i32
      %sign3A_416 = arith.extui %sign3A_415 : i1 to i32
      %sign3A_417 = arith.constant 0 : i32
      %sign3A_418 = arith.cmpi slt, %jit3A, %sign3A_417 : i32
      %sign3A_419 = arith.extui %sign3A_418 : i1 to i32
      %sign3A_420 = arith.subi %sign3A_416, %sign3A_419 : i32
      %ne3A = arith.cmpi ne, %sign3A_413, %sign3A_420 : i32
      %rem3A = arith.remsi %scan3A_406, %jit3A : i32
      %ne3A_421 = arith.constant 0 : i32
      %ne3A_422 = arith.cmpi ne, %rem3A, %ne3A_421 : i32
      %and3A = arith.andi %ne3A, %ne3A_422 : i1
      %sub3A = arith.constant 1 : i32
      %sub3A_423 = arith.subi %div3A, %sub3A : i32
      %select_n3A = arith.select %and3A, %sub3A_423, %div3A : i32
      %jit3A_424 = arith.constant 8 : i32
      %eq3A = arith.constant 0 : i32
      %eq3A_425 = arith.cmpi eq, %jit3A_424, %eq3A : i32
      %jit3A_426 = arith.constant 1 : i32
      %select_n3A_427 = arith.select %eq3A_425, %jit3A_426, %jit3A_424 : i32
      %rem3A_428 = arith.remsi %scan3A_406, %select_n3A_427 : i32
      %ne3A_429 = arith.constant 0 : i32
      %ne3A_430 = arith.cmpi ne, %rem3A_428, %ne3A_429 : i32
      %lt3A = arith.constant 0 : i32
      %lt3A_431 = arith.cmpi slt, %rem3A_428, %lt3A : i32
      %lt3A_432 = arith.constant 0 : i32
      %lt3A_433 = arith.cmpi slt, %select_n3A_427, %lt3A_432 : i32
      %ne3A_434 = arith.xori %lt3A_431, %lt3A_433 : i1
      %and3A_435 = arith.andi %ne3A_434, %ne3A_430 : i1
      %add3A_436 = arith.addi %rem3A_428, %select_n3A_427 : i32
      %select_n3A_437 = arith.select %and3A_435, %add3A_436, %rem3A_428 : i32
      %mul3A_438 = arith.constant 16 : i32
      %mul3A_439 = arith.muli %select_n3A_437, %mul3A_438 : i32
      %swap3A = arith.index_cast %select_n3A : i32 to index
      %swap3A_440 = arith.index_cast %mul3A_439 : i32 to index
      %swap3A_441 = tpu.vector_load %arg10[%swap3A, %swap3A_440] {strides = array<i32>} : memref<40x128xf32, #tpu.memory_space<vmem>>, vector<1x16xf32>,
      %swap3A_442 = vector.shape_cast %swap3A_441 : vector<1x16xf32> to vector<16xf32>
      %swap3A_443 = vector.shape_cast %broadcast_in_dim3A_3 : vector<16xf32> to vector<1x16xf32>
      tpu.vector_store %arg10[%swap3A, %swap3A_440], %swap3A_443 {strides = array<i32>} : memref<40x128xf32, #tpu.memory_space<vmem>>, vector<1x16xf32>,
      %scan3A_444 = arith.constant 0 : i32
      scf.yield %scan3A_444 : i32
    }
    %scan3A_11 = arith.constant 320 : i32
    %scan3A_12 = arith.constant 0 : i32
    %scan3A_13 = arith.constant 0 : i32
    %scan3A_14 = arith.constant 16 : i32
    %scan3A_15 = arith.addi %scan3A_13, %scan3A_14 : i32
    %scan3A_16 = arith.constant 1 : i32
    %scan3A_17 = scf.for %scan3A_406 = %scan3A_13 to %scan3A_15 step %scan3A_16 iter_args(%scan3A_407 = %scan3A_12) -> (i32)  : i32 {
      %mul3A_408 = arith.constant 640 : i32
      %mul3A_409 = arith.muli %arg1, %mul3A_408 : i32
      %mul3A_410 = arith.constant 40 : i32
      %mul3A_411 = arith.muli %scan3A_406, %mul3A_410 : i32
      %add3A_412 = arith.addi %mul3A_409, %mul3A_411 : i32
      %dma_start3A_413 = arith.constant 0 : i32
      %dma_start3A_414 = arith.constant 0 : i32
      %dma_start3A_415 = tpu.memref_slice %arg11[%add3A_412, %dma_start3A_414] : memref<10240x128xf32, #tpu.memory_space<vmem_shared>> -> memref<40x128xf32, #tpu.memory_space<vmem_shared>>
      %dma_start3A_416 = tpu.memref_slice %arg12[%dma_start3A_413] : memref<5x!tpu.dma_semaphore, #tpu.memory_space<semaphore_mem>> -> memref<1x!tpu.dma_semaphore, #tpu.memory_space<semaphore_mem>>
      %dma_start3A_417 = tpu.memref_squeeze %dma_start3A_416 : memref<1x!tpu.dma_semaphore, #tpu.memory_space<semaphore_mem>> -> memref<!tpu.dma_semaphore, #tpu.memory_space<semaphore_mem>>
      %dma_start3A_418 = arith.constant 0 : i32
      %dma_start3A_419 = tpu.memref_slice %arg11[%add3A_412, %dma_start3A_418] : memref<10240x128xf32, #tpu.memory_space<vmem_shared>> -> memref<40x128xf32, #tpu.memory_space<vmem_shared>>
      tpu.enqueue_dma source(%arg10 : memref<40x128xf32, #tpu.memory_space<vmem>>) target(%dma_start3A_419 : memref<40x128xf32, #tpu.memory_space<vmem_shared>>) target_semaphore(%dma_start3A_417 : memref<!tpu.dma_semaphore, #tpu.memory_space<semaphore_mem>>)
      %scan3A_420 = arith.constant 0 : i32
      scf.yield %scan3A_420 : i32
    }
    %scan3A_18 = arith.constant 16 : i32
    %scan3A_19 = arith.constant 0 : i32
    %scan3A_20 = arith.constant 0 : i32
    %scan3A_21 = arith.constant 16 : i32
    %scan3A_22 = arith.addi %scan3A_20, %scan3A_21 : i32
    %scan3A_23 = arith.constant 1 : i32
    %scan3A_24 = scf.for %scan3A_406 = %scan3A_20 to %scan3A_22 step %scan3A_23 iter_args(%scan3A_407 = %scan3A_19) -> (i32)  : i32 {
      %mul3A_408 = arith.constant 640 : i32
      %mul3A_409 = arith.muli %arg1, %mul3A_408 : i32
      %mul3A_410 = arith.constant 40 : i32
      %mul3A_411 = arith.muli %scan3A_406, %mul3A_410 : i32
      %add3A_412 = arith.addi %mul3A_409, %mul3A_411 : i32
      %dma_wait3A_413 = arith.constant 0 : i32
      %dma_wait3A_414 = arith.constant 0 : i32
      %dma_wait3A_415 = tpu.memref_slice %arg11[%add3A_412, %dma_wait3A_414] : memref<10240x128xf32, #tpu.memory_space<vmem_shared>> -> memref<40x128xf32, #tpu.memory_space<vmem_shared>>
      %dma_wait3A_416 = tpu.memref_slice %arg12[%dma_wait3A_413] : memref<5x!tpu.dma_semaphore, #tpu.memory_space<semaphore_mem>> -> memref<1x!tpu.dma_semaphore, #tpu.memory_space<semaphore_mem>>
      %dma_wait3A_417 = tpu.memref_squeeze %dma_wait3A_416 : memref<1x!tpu.dma_semaphore, #tpu.memory_space<semaphore_mem>> -> memref<!tpu.dma_semaphore, #tpu.memory_space<semaphore_mem>>
      %dma_wait3A_418 = arith.constant 0 : i32
      %dma_wait3A_419 = tpu.memref_slice %arg11[%add3A_412, %dma_wait3A_418] : memref<10240x128xf32, #tpu.memory_space<vmem_shared>> -> memref<40x128xf32, #tpu.memory_space<vmem_shared>>
      tpu.wait_dma2 semaphore(%dma_wait3A_417 : memref<!tpu.dma_semaphore, #tpu.memory_space<semaphore_mem>>) src(%arg10 : memref<40x128xf32, #tpu.memory_space<vmem>>) dst(%dma_wait3A_419 : memref<40x128xf32, #tpu.memory_space<vmem_shared>>)
      %scan3A_420 = arith.constant 0 : i32
      scf.yield %scan3A_420 : i32
    }
    %scan3A_25 = arith.constant 16 : i32
    %barrier3A = arith.constant 0 : index
    tpu.barrier barrier_id(%barrier3A)
    %add3A_26 = arith.constant 0 : i32
    %add3A_27 = arith.addi %mul3A_2, %add3A_26 : i32
    %run_scoped3A = arith.constant 0 : i32
    "tpu.region"() ({
      %run_scoped3A_406 = tpu.sem_alloc : memref<!tpu.dma_semaphore, #tpu.memory_space<semaphore_mem>>
      %dma_start3A_407 = arith.constant 0 : i32
      %dma_start3A_408 = tpu.memref_slice %arg7[%run_scoped3A, %dma_start3A_407] : memref<5x40xi32, #tpu.memory_space<vmem>> -> memref<1x40xi32, #tpu.memory_space<vmem>>
      %dma_start3A_409 = tpu.memref_squeeze %dma_start3A_408 : memref<1x40xi32, #tpu.memory_space<vmem>> -> memref<40xi32, #tpu.memory_space<vmem>>
      %dma_start3A_410 = tpu.memref_slice %arg3[%add3A_27] : memref<320000xi32, #tpu.memory_space<hbm>> -> memref<40xi32, #tpu.memory_space<hbm>>
      %dma_start3A_411 = arith.constant 0 : i32
      %dma_start3A_412 = tpu.memref_slice %arg7[%run_scoped3A, %dma_start3A_411] : memref<5x40xi32, #tpu.memory_space<vmem>> -> memref<1x40xi32, #tpu.memory_space<vmem>>
      %dma_start3A_413 = tpu.memref_squeeze %dma_start3A_412 : memref<1x40xi32, #tpu.memory_space<vmem>> -> memref<40xi32, #tpu.memory_space<vmem>>
      %dma_start3A_414 = tpu.memref_slice %arg3[%add3A_27] : memref<320000xi32, #tpu.memory_space<hbm>> -> memref<40xi32, #tpu.memory_space<hbm>>
      tpu.enqueue_dma source(%dma_start3A_414 : memref<40xi32, #tpu.memory_space<hbm>>) target(%dma_start3A_413 : memref<40xi32, #tpu.memory_space<vmem>>) target_semaphore(%run_scoped3A_406 : memref<!tpu.dma_semaphore, #tpu.memory_space<semaphore_mem>>)
      %dma_wait3A_415 = arith.constant 0 : i32
      %dma_wait3A_416 = tpu.memref_slice %arg7[%run_scoped3A, %dma_wait3A_415] : memref<5x40xi32, #tpu.memory_space<vmem>> -> memref<1x40xi32, #tpu.memory_space<vmem>>
      %dma_wait3A_417 = tpu.memref_squeeze %dma_wait3A_416 : memref<1x40xi32, #tpu.memory_space<vmem>> -> memref<40xi32, #tpu.memory_space<vmem>>
      %dma_wait3A_418 = tpu.memref_slice %arg3[%add3A_27] : memref<320000xi32, #tpu.memory_space<hbm>> -> memref<40xi32, #tpu.memory_space<hbm>>
      %dma_wait3A_419 = arith.constant 0 : i32
      %dma_wait3A_420 = tpu.memref_slice %arg7[%run_scoped3A, %dma_wait3A_419] : memref<5x40xi32, #tpu.memory_space<vmem>> -> memref<1x40xi32, #tpu.memory_space<vmem>>
      %dma_wait3A_421 = tpu.memref_squeeze %dma_wait3A_420 : memref<1x40xi32, #tpu.memory_space<vmem>> -> memref<40xi32, #tpu.memory_space<vmem>>
      %dma_wait3A_422 = tpu.memref_slice %arg3[%add3A_27] : memref<320000xi32, #tpu.memory_space<hbm>> -> memref<40xi32, #tpu.memory_space<hbm>>
      tpu.wait_dma2 semaphore(%run_scoped3A_406 : memref<!tpu.dma_semaphore, #tpu.memory_space<semaphore_mem>>) src(%dma_wait3A_422 : memref<40xi32, #tpu.memory_space<hbm>>) dst(%dma_wait3A_421 : memref<40xi32, #tpu.memory_space<vmem>>)
      tpu.yield
    }) : () -> ()
    %run_scoped3A_28 = arith.constant 0 : i32
    "tpu.region"() ({
      %run_scoped3A_406 = tpu.sem_alloc : memref<!tpu.dma_semaphore, #tpu.memory_space<semaphore_mem>>
      %dma_start3A_407 = arith.constant 0 : i32
      %dma_start3A_408 = tpu.memref_slice %arg8[%run_scoped3A_28, %dma_start3A_407] : memref<5x40xi32, #tpu.memory_space<vmem>> -> memref<1x40xi32, #tpu.memory_space<vmem>>
      %dma_start3A_409 = tpu.memref_squeeze %dma_start3A_408 : memref<1x40xi32, #tpu.memory_space<vmem>> -> memref<40xi32, #tpu.memory_space<vmem>>
      %dma_start3A_410 = tpu.memref_slice %arg4[%add3A_27] : memref<320000xi32, #tpu.memory_space<hbm>> -> memref<40xi32, #tpu.memory_space<hbm>>
      %dma_start3A_411 = arith.constant 0 : i32
      %dma_start3A_412 = tpu.memref_slice %arg8[%run_scoped3A_28, %dma_start3A_411] : memref<5x40xi32, #tpu.memory_space<vmem>> -> memref<1x40xi32, #tpu.memory_space<vmem>>
      %dma_start3A_413 = tpu.memref_squeeze %dma_start3A_412 : memref<1x40xi32, #tpu.memory_space<vmem>> -> memref<40xi32, #tpu.memory_space<vmem>>
      %dma_start3A_414 = tpu.memref_slice %arg4[%add3A_27] : memref<320000xi32, #tpu.memory_space<hbm>> -> memref<40xi32, #tpu.memory_space<hbm>>
      tpu.enqueue_dma source(%dma_start3A_414 : memref<40xi32, #tpu.memory_space<hbm>>) target(%dma_start3A_413 : memref<40xi32, #tpu.memory_space<vmem>>) target_semaphore(%run_scoped3A_406 : memref<!tpu.dma_semaphore, #tpu.memory_space<semaphore_mem>>)
      %dma_wait3A_415 = arith.constant 0 : i32
      %dma_wait3A_416 = tpu.memref_slice %arg8[%run_scoped3A_28, %dma_wait3A_415] : memref<5x40xi32, #tpu.memory_space<vmem>> -> memref<1x40xi32, #tpu.memory_space<vmem>>
      %dma_wait3A_417 = tpu.memref_squeeze %dma_wait3A_416 : memref<1x40xi32, #tpu.memory_space<vmem>> -> memref<40xi32, #tpu.memory_space<vmem>>
      %dma_wait3A_418 = tpu.memref_slice %arg4[%add3A_27] : memref<320000xi32, #tpu.memory_space<hbm>> -> memref<40xi32, #tpu.memory_space<hbm>>
      %dma_wait3A_419 = arith.constant 0 : i32
      %dma_wait3A_420 = tpu.memref_slice %arg8[%run_scoped3A_28, %dma_wait3A_419] : memref<5x40xi32, #tpu.memory_space<vmem>> -> memref<1x40xi32, #tpu.memory_space<vmem>>
      %dma_wait3A_421 = tpu.memref_squeeze %dma_wait3A_420 : memref<1x40xi32, #tpu.memory_space<vmem>> -> memref<40xi32, #tpu.memory_space<vmem>>
      %dma_wait3A_422 = tpu.memref_slice %arg4[%add3A_27] : memref<320000xi32, #tpu.memory_space<hbm>> -> memref<40xi32, #tpu.memory_space<hbm>>
      tpu.wait_dma2 semaphore(%run_scoped3A_406 : memref<!tpu.dma_semaphore, #tpu.memory_space<semaphore_mem>>) src(%dma_wait3A_422 : memref<40xi32, #tpu.memory_space<hbm>>) dst(%dma_wait3A_421 : memref<40xi32, #tpu.memory_space<vmem>>)
      tpu.yield
    }) : () -> ()
    %dma_start3A = arith.constant 0 : i32
    %dma_start3A_29 = arith.constant 0 : i32
    %dma_start3A_30 = arith.constant 0 : i32
    %dma_start3A_31 = arith.constant 0 : i32
    %dma_start3A_32 = arith.constant 0 : i32
    %dma_start3A_33 = tpu.memref_slice %arg9[%dma_start3A_29, %dma_start3A_31, %dma_start3A_32] : memref<5x40x128xf32, #tpu.memory_space<vmem>> -> memref<1x40x128xf32, #tpu.memory_space<vmem>>
    %dma_start3A_34 = tpu.memref_squeeze %dma_start3A_33 : memref<1x40x128xf32, #tpu.memory_space<vmem>> -> memref<40x128xf32, #tpu.memory_space<vmem>>
    %dma_start3A_35 = arith.constant 0 : i32
    %dma_start3A_36 = tpu.memref_slice %arg7[%dma_start3A, %dma_start3A_35] : memref<5x40xi32, #tpu.memory_space<vmem>> -> memref<1x40xi32, #tpu.memory_space<vmem>>
    %dma_start3A_37 = tpu.memref_squeeze %dma_start3A_36 : memref<1x40xi32, #tpu.memory_space<vmem>> -> memref<40xi32, #tpu.memory_space<vmem>>
    %dma_start3A_38 = arith.constant 0 : i32
    %dma_start3A_39 = arith.constant 0 : i32
    %dma_start3A_40 = tpu.memref_slice %arg2[%dma_start3A_38, %dma_start3A_39] : memref<10240x128xf32, #tpu.memory_space<hbm>> -> memref<10240x128xf32, #tpu.memory_space<hbm>>
    %dma_start3A_41 = tpu.memref_slice %arg12[%dma_start3A_30] : memref<5x!tpu.dma_semaphore, #tpu.memory_space<semaphore_mem>> -> memref<1x!tpu.dma_semaphore, #tpu.memory_space<semaphore_mem>>
    %dma_start3A_42 = tpu.memref_squeeze %dma_start3A_41 : memref<1x!tpu.dma_semaphore, #tpu.memory_space<semaphore_mem>> -> memref<!tpu.dma_semaphore, #tpu.memory_space<semaphore_mem>>
    tpu.enqueue_indirect_dma source(%dma_start3A_40 : memref<10240x128xf32, #tpu.memory_space<hbm>>) target(%dma_start3A_34 : memref<40x128xf32, #tpu.memory_space<vmem>>) offsets(%dma_start3A_37 : memref<40xi32, #tpu.memory_space<vmem>>) semaphore(%dma_start3A_42 : memref<!tpu.dma_semaphore, #tpu.memory_space<semaphore_mem>>)
    %add3A_43 = arith.constant 40 : i32
    %add3A_44 = arith.addi %mul3A_2, %add3A_43 : i32
    %run_scoped3A_45 = arith.constant 1 : i32
    "tpu.region"() ({
      %run_scoped3A_406 = tpu.sem_alloc : memref<!tpu.dma_semaphore, #tpu.memory_space<semaphore_mem>>
      %dma_start3A_407 = arith.constant 0 : i32
      %dma_start3A_408 = tpu.memref_slice %arg7[%run_scoped3A_45, %dma_start3A_407] : memref<5x40xi32, #tpu.memory_space<vmem>> -> memref<1x40xi32, #tpu.memory_space<vmem>>
      %dma_start3A_409 = tpu.memref_squeeze %dma_start3A_408 : memref<1x40xi32, #tpu.memory_space<vmem>> -> memref<40xi32, #tpu.memory_space<vmem>>
      %dma_start3A_410 = tpu.memref_slice %arg3[%add3A_44] : memref<320000xi32, #tpu.memory_space<hbm>> -> memref<40xi32, #tpu.memory_space<hbm>>
      %dma_start3A_411 = arith.constant 0 : i32
      %dma_start3A_412 = tpu.memref_slice %arg7[%run_scoped3A_45, %dma_start3A_411] : memref<5x40xi32, #tpu.memory_space<vmem>> -> memref<1x40xi32, #tpu.memory_space<vmem>>
      %dma_start3A_413 = tpu.memref_squeeze %dma_start3A_412 : memref<1x40xi32, #tpu.memory_space<vmem>> -> memref<40xi32, #tpu.memory_space<vmem>>
      %dma_start3A_414 = tpu.memref_slice %arg3[%add3A_44] : memref<320000xi32, #tpu.memory_space<hbm>> -> memref<40xi32, #tpu.memory_space<hbm>>
      tpu.enqueue_dma source(%dma_start3A_414 : memref<40xi32, #tpu.memory_space<hbm>>) target(%dma_start3A_413 : memref<40xi32, #tpu.memory_space<vmem>>) target_semaphore(%run_scoped3A_406 : memref<!tpu.dma_semaphore, #tpu.memory_space<semaphore_mem>>)
      %dma_wait3A_415 = arith.constant 0 : i32
      %dma_wait3A_416 = tpu.memref_slice %arg7[%run_scoped3A_45, %dma_wait3A_415] : memref<5x40xi32, #tpu.memory_space<vmem>> -> memref<1x40xi32, #tpu.memory_space<vmem>>
      %dma_wait3A_417 = tpu.memref_squeeze %dma_wait3A_416 : memref<1x40xi32, #tpu.memory_space<vmem>> -> memref<40xi32, #tpu.memory_space<vmem>>
      %dma_wait3A_418 = tpu.memref_slice %arg3[%add3A_44] : memref<320000xi32, #tpu.memory_space<hbm>> -> memref<40xi32, #tpu.memory_space<hbm>>
      %dma_wait3A_419 = arith.constant 0 : i32
      %dma_wait3A_420 = tpu.memref_slice %arg7[%run_scoped3A_45, %dma_wait3A_419] : memref<5x40xi32, #tpu.memory_space<vmem>> -> memref<1x40xi32, #tpu.memory_space<vmem>>
      %dma_wait3A_421 = tpu.memref_squeeze %dma_wait3A_420 : memref<1x40xi32, #tpu.memory_space<vmem>> -> memref<40xi32, #tpu.memory_space<vmem>>
      %dma_wait3A_422 = tpu.memref_slice %arg3[%add3A_44] : memref<320000xi32, #tpu.memory_space<hbm>> -> memref<40xi32, #tpu.memory_space<hbm>>
      tpu.wait_dma2 semaphore(%run_scoped3A_406 : memref<!tpu.dma_semaphore, #tpu.memory_space<semaphore_mem>>) src(%dma_wait3A_422 : memref<40xi32, #tpu.memory_space<hbm>>) dst(%dma_wait3A_421 : memref<40xi32, #tpu.memory_space<vmem>>)
      tpu.yield
    }) : () -> ()
    %run_scoped3A_46 = arith.constant 1 : i32
    "tpu.region"() ({
      %run_scoped3A_406 = tpu.sem_alloc : memref<!tpu.dma_semaphore, #tpu.memory_space<semaphore_mem>>
      %dma_start3A_407 = arith.constant 0 : i32
      %dma_start3A_408 = tpu.memref_slice %arg8[%run_scoped3A_46, %dma_start3A_407] : memref<5x40xi32, #tpu.memory_space<vmem>> -> memref<1x40xi32, #tpu.memory_space<vmem>>
      %dma_start3A_409 = tpu.memref_squeeze %dma_start3A_408 : memref<1x40xi32, #tpu.memory_space<vmem>> -> memref<40xi32, #tpu.memory_space<vmem>>
      %dma_start3A_410 = tpu.memref_slice %arg4[%add3A_44] : memref<320000xi32, #tpu.memory_space<hbm>> -> memref<40xi32, #tpu.memory_space<hbm>>
      %dma_start3A_411 = arith.constant 0 : i32
      %dma_start3A_412 = tpu.memref_slice %arg8[%run_scoped3A_46, %dma_start3A_411] : memref<5x40xi32, #tpu.memory_space<vmem>> -> memref<1x40xi32, #tpu.memory_space<vmem>>
      %dma_start3A_413 = tpu.memref_squeeze %dma_start3A_412 : memref<1x40xi32, #tpu.memory_space<vmem>> -> memref<40xi32, #tpu.memory_space<vmem>>
      %dma_start3A_414 = tpu.memref_slice %arg4[%add3A_44] : memref<320000xi32, #tpu.memory_space<hbm>> -> memref<40xi32, #tpu.memory_space<hbm>>
      tpu.enqueue_dma source(%dma_start3A_414 : memref<40xi32, #tpu.memory_space<hbm>>) target(%dma_start3A_413 : memref<40xi32, #tpu.memory_space<vmem>>) target_semaphore(%run_scoped3A_406 : memref<!tpu.dma_semaphore, #tpu.memory_space<semaphore_mem>>)
      %dma_wait3A_415 = arith.constant 0 : i32
      %dma_wait3A_416 = tpu.memref_slice %arg8[%run_scoped3A_46, %dma_wait3A_415] : memref<5x40xi32, #tpu.memory_space<vmem>> -> memref<1x40xi32, #tpu.memory_space<vmem>>
      %dma_wait3A_417 = tpu.memref_squeeze %dma_wait3A_416 : memref<1x40xi32, #tpu.memory_space<vmem>> -> memref<40xi32, #tpu.memory_space<vmem>>
      %dma_wait3A_418 = tpu.memref_slice %arg4[%add3A_44] : memref<320000xi32, #tpu.memory_space<hbm>> -> memref<40xi32, #tpu.memory_space<hbm>>
      %dma_wait3A_419 = arith.constant 0 : i32
      %dma_wait3A_420 = tpu.memref_slice %arg8[%run_scoped3A_46, %dma_wait3A_419] : memref<5x40xi32, #tpu.memory_space<vmem>> -> memref<1x40xi32, #tpu.memory_space<vmem>>
      %dma_wait3A_421 = tpu.memref_squeeze %dma_wait3A_420 : memref<1x40xi32, #tpu.memory_space<vmem>> -> memref<40xi32, #tpu.memory_space<vmem>>
      %dma_wait3A_422 = tpu.memref_slice %arg4[%add3A_44] : memref<320000xi32, #tpu.memory_space<hbm>> -> memref<40xi32, #tpu.memory_space<hbm>>
      tpu.wait_dma2 semaphore(%run_scoped3A_406 : memref<!tpu.dma_semaphore, #tpu.memory_space<semaphore_mem>>) src(%dma_wait3A_422 : memref<40xi32, #tpu.memory_space<hbm>>) dst(%dma_wait3A_421 : memref<40xi32, #tpu.memory_space<vmem>>)
      tpu.yield
    }) : () -> ()
    %dma_start3A_47 = arith.constant 1 : i32
    %dma_start3A_48 = arith.constant 1 : i32
    %dma_start3A_49 = arith.constant 1 : i32
    %dma_start3A_50 = arith.constant 0 : i32
    %dma_start3A_51 = arith.constant 0 : i32
    %dma_start3A_52 = tpu.memref_slice %arg9[%dma_start3A_48, %dma_start3A_50, %dma_start3A_51] : memref<5x40x128xf32, #tpu.memory_space<vmem>> -> memref<1x40x128xf32, #tpu.memory_space<vmem>>
    %dma_start3A_53 = tpu.memref_squeeze %dma_start3A_52 : memref<1x40x128xf32, #tpu.memory_space<vmem>> -> memref<40x128xf32, #tpu.memory_space<vmem>>
    %dma_start3A_54 = arith.constant 0 : i32
    %dma_start3A_55 = tpu.memref_slice %arg7[%dma_start3A_47, %dma_start3A_54] : memref<5x40xi32, #tpu.memory_space<vmem>> -> memref<1x40xi32, #tpu.memory_space<vmem>>
    %dma_start3A_56 = tpu.memref_squeeze %dma_start3A_55 : memref<1x40xi32, #tpu.memory_space<vmem>> -> memref<40xi32, #tpu.memory_space<vmem>>
    %dma_start3A_57 = arith.constant 0 : i32
    %dma_start3A_58 = arith.constant 0 : i32
    %dma_start3A_59 = tpu.memref_slice %arg2[%dma_start3A_57, %dma_start3A_58] : memref<10240x128xf32, #tpu.memory_space<hbm>> -> memref<10240x128xf32, #tpu.memory_space<hbm>>
    %dma_start3A_60 = tpu.memref_slice %arg12[%dma_start3A_49] : memref<5x!tpu.dma_semaphore, #tpu.memory_space<semaphore_mem>> -> memref<1x!tpu.dma_semaphore, #tpu.memory_space<semaphore_mem>>
    %dma_start3A_61 = tpu.memref_squeeze %dma_start3A_60 : memref<1x!tpu.dma_semaphore, #tpu.memory_space<semaphore_mem>> -> memref<!tpu.dma_semaphore, #tpu.memory_space<semaphore_mem>>
    tpu.enqueue_indirect_dma source(%dma_start3A_59 : memref<10240x128xf32, #tpu.memory_space<hbm>>) target(%dma_start3A_53 : memref<40x128xf32, #tpu.memory_space<vmem>>) offsets(%dma_start3A_56 : memref<40xi32, #tpu.memory_space<vmem>>) semaphore(%dma_start3A_61 : memref<!tpu.dma_semaphore, #tpu.memory_space<semaphore_mem>>)
    %add3A_62 = arith.constant 80 : i32
    %add3A_63 = arith.addi %mul3A_2, %add3A_62 : i32
    %run_scoped3A_64 = arith.constant 2 : i32
    "tpu.region"() ({
      %run_scoped3A_406 = tpu.sem_alloc : memref<!tpu.dma_semaphore, #tpu.memory_space<semaphore_mem>>
      %dma_start3A_407 = arith.constant 0 : i32
      %dma_start3A_408 = tpu.memref_slice %arg7[%run_scoped3A_64, %dma_start3A_407] : memref<5x40xi32, #tpu.memory_space<vmem>> -> memref<1x40xi32, #tpu.memory_space<vmem>>
      %dma_start3A_409 = tpu.memref_squeeze %dma_start3A_408 : memref<1x40xi32, #tpu.memory_space<vmem>> -> memref<40xi32, #tpu.memory_space<vmem>>
      %dma_start3A_410 = tpu.memref_slice %arg3[%add3A_63] : memref<320000xi32, #tpu.memory_space<hbm>> -> memref<40xi32, #tpu.memory_space<hbm>>
      %dma_start3A_411 = arith.constant 0 : i32
      %dma_start3A_412 = tpu.memref_slice %arg7[%run_scoped3A_64, %dma_start3A_411] : memref<5x40xi32, #tpu.memory_space<vmem>> -> memref<1x40xi32, #tpu.memory_space<vmem>>
      %dma_start3A_413 = tpu.memref_squeeze %dma_start3A_412 : memref<1x40xi32, #tpu.memory_space<vmem>> -> memref<40xi32, #tpu.memory_space<vmem>>
      %dma_start3A_414 = tpu.memref_slice %arg3[%add3A_63] : memref<320000xi32, #tpu.memory_space<hbm>> -> memref<40xi32, #tpu.memory_space<hbm>>
      tpu.enqueue_dma source(%dma_start3A_414 : memref<40xi32, #tpu.memory_space<hbm>>) target(%dma_start3A_413 : memref<40xi32, #tpu.memory_space<vmem>>) target_semaphore(%run_scoped3A_406 : memref<!tpu.dma_semaphore, #tpu.memory_space<semaphore_mem>>)
      %dma_wait3A_415 = arith.constant 0 : i32
      %dma_wait3A_416 = tpu.memref_slice %arg7[%run_scoped3A_64, %dma_wait3A_415] : memref<5x40xi32, #tpu.memory_space<vmem>> -> memref<1x40xi32, #tpu.memory_space<vmem>>
      %dma_wait3A_417 = tpu.memref_squeeze %dma_wait3A_416 : memref<1x40xi32, #tpu.memory_space<vmem>> -> memref<40xi32, #tpu.memory_space<vmem>>
      %dma_wait3A_418 = tpu.memref_slice %arg3[%add3A_63] : memref<320000xi32, #tpu.memory_space<hbm>> -> memref<40xi32, #tpu.memory_space<hbm>>
      %dma_wait3A_419 = arith.constant 0 : i32
      %dma_wait3A_420 = tpu.memref_slice %arg7[%run_scoped3A_64, %dma_wait3A_419] : memref<5x40xi32, #tpu.memory_space<vmem>> -> memref<1x40xi32, #tpu.memory_space<vmem>>
      %dma_wait3A_421 = tpu.memref_squeeze %dma_wait3A_420 : memref<1x40xi32, #tpu.memory_space<vmem>> -> memref<40xi32, #tpu.memory_space<vmem>>
      %dma_wait3A_422 = tpu.memref_slice %arg3[%add3A_63] : memref<320000xi32, #tpu.memory_space<hbm>> -> memref<40xi32, #tpu.memory_space<hbm>>
      tpu.wait_dma2 semaphore(%run_scoped3A_406 : memref<!tpu.dma_semaphore, #tpu.memory_space<semaphore_mem>>) src(%dma_wait3A_422 : memref<40xi32, #tpu.memory_space<hbm>>) dst(%dma_wait3A_421 : memref<40xi32, #tpu.memory_space<vmem>>)
      tpu.yield
    }) : () -> ()
    %run_scoped3A_65 = arith.constant 2 : i32
    "tpu.region"() ({
      %run_scoped3A_406 = tpu.sem_alloc : memref<!tpu.dma_semaphore, #tpu.memory_space<semaphore_mem>>
      %dma_start3A_407 = arith.constant 0 : i32
      %dma_start3A_408 = tpu.memref_slice %arg8[%run_scoped3A_65, %dma_start3A_407] : memref<5x40xi32, #tpu.memory_space<vmem>> -> memref<1x40xi32, #tpu.memory_space<vmem>>
      %dma_start3A_409 = tpu.memref_squeeze %dma_start3A_408 : memref<1x40xi32, #tpu.memory_space<vmem>> -> memref<40xi32, #tpu.memory_space<vmem>>
      %dma_start3A_410 = tpu.memref_slice %arg4[%add3A_63] : memref<320000xi32, #tpu.memory_space<hbm>> -> memref<40xi32, #tpu.memory_space<hbm>>
      %dma_start3A_411 = arith.constant 0 : i32
      %dma_start3A_412 = tpu.memref_slice %arg8[%run_scoped3A_65, %dma_start3A_411] : memref<5x40xi32, #tpu.memory_space<vmem>> -> memref<1x40xi32, #tpu.memory_space<vmem>>
      %dma_start3A_413 = tpu.memref_squeeze %dma_start3A_412 : memref<1x40xi32, #tpu.memory_space<vmem>> -> memref<40xi32, #tpu.memory_space<vmem>>
      %dma_start3A_414 = tpu.memref_slice %arg4[%add3A_63] : memref<320000xi32, #tpu.memory_space<hbm>> -> memref<40xi32, #tpu.memory_space<hbm>>
      tpu.enqueue_dma source(%dma_start3A_414 : memref<40xi32, #tpu.memory_space<hbm>>) target(%dma_start3A_413 : memref<40xi32, #tpu.memory_space<vmem>>) target_semaphore(%run_scoped3A_406 : memref<!tpu.dma_semaphore, #tpu.memory_space<semaphore_mem>>)
      %dma_wait3A_415 = arith.constant 0 : i32
      %dma_wait3A_416 = tpu.memref_slice %arg8[%run_scoped3A_65, %dma_wait3A_415] : memref<5x40xi32, #tpu.memory_space<vmem>> -> memref<1x40xi32, #tpu.memory_space<vmem>>
      %dma_wait3A_417 = tpu.memref_squeeze %dma_wait3A_416 : memref<1x40xi32, #tpu.memory_space<vmem>> -> memref<40xi32, #tpu.memory_space<vmem>>
      %dma_wait3A_418 = tpu.memref_slice %arg4[%add3A_63] : memref<320000xi32, #tpu.memory_space<hbm>> -> memref<40xi32, #tpu.memory_space<hbm>>
      %dma_wait3A_419 = arith.constant 0 : i32
      %dma_wait3A_420 = tpu.memref_slice %arg8[%run_scoped3A_65, %dma_wait3A_419] : memref<5x40xi32, #tpu.memory_space<vmem>> -> memref<1x40xi32, #tpu.memory_space<vmem>>
      %dma_wait3A_421 = tpu.memref_squeeze %dma_wait3A_420 : memref<1x40xi32, #tpu.memory_space<vmem>> -> memref<40xi32, #tpu.memory_space<vmem>>
      %dma_wait3A_422 = tpu.memref_slice %arg4[%add3A_63] : memref<320000xi32, #tpu.memory_space<hbm>> -> memref<40xi32, #tpu.memory_space<hbm>>
      tpu.wait_dma2 semaphore(%run_scoped3A_406 : memref<!tpu.dma_semaphore, #tpu.memory_space<semaphore_mem>>) src(%dma_wait3A_422 : memref<40xi32, #tpu.memory_space<hbm>>) dst(%dma_wait3A_421 : memref<40xi32, #tpu.memory_space<vmem>>)
      tpu.yield
    }) : () -> ()
    %dma_start3A_66 = arith.constant 2 : i32
    %dma_start3A_67 = arith.constant 2 : i32
    %dma_start3A_68 = arith.constant 2 : i32
    %dma_start3A_69 = arith.constant 0 : i32
    %dma_start3A_70 = arith.constant 0 : i32
    %dma_start3A_71 = tpu.memref_slice %arg9[%dma_start3A_67, %dma_start3A_69, %dma_start3A_70] : memref<5x40x128xf32, #tpu.memory_space<vmem>> -> memref<1x40x128xf32, #tpu.memory_space<vmem>>
    %dma_start3A_72 = tpu.memref_squeeze %dma_start3A_71 : memref<1x40x128xf32, #tpu.memory_space<vmem>> -> memref<40x128xf32, #tpu.memory_space<vmem>>
    %dma_start3A_73 = arith.constant 0 : i32
    %dma_start3A_74 = tpu.memref_slice %arg7[%dma_start3A_66, %dma_start3A_73] : memref<5x40xi32, #tpu.memory_space<vmem>> -> memref<1x40xi32, #tpu.memory_space<vmem>>
    %dma_start3A_75 = tpu.memref_squeeze %dma_start3A_74 : memref<1x40xi32, #tpu.memory_space<vmem>> -> memref<40xi32, #tpu.memory_space<vmem>>
    %dma_start3A_76 = arith.constant 0 : i32
    %dma_start3A_77 = arith.constant 0 : i32
    %dma_start3A_78 = tpu.memref_slice %arg2[%dma_start3A_76, %dma_start3A_77] : memref<10240x128xf32, #tpu.memory_space<hbm>> -> memref<10240x128xf32, #tpu.memory_space<hbm>>
    %dma_start3A_79 = tpu.memref_slice %arg12[%dma_start3A_68] : memref<5x!tpu.dma_semaphore, #tpu.memory_space<semaphore_mem>> -> memref<1x!tpu.dma_semaphore, #tpu.memory_space<semaphore_mem>>
    %dma_start3A_80 = tpu.memref_squeeze %dma_start3A_79 : memref<1x!tpu.dma_semaphore, #tpu.memory_space<semaphore_mem>> -> memref<!tpu.dma_semaphore, #tpu.memory_space<semaphore_mem>>
    tpu.enqueue_indirect_dma source(%dma_start3A_78 : memref<10240x128xf32, #tpu.memory_space<hbm>>) target(%dma_start3A_72 : memref<40x128xf32, #tpu.memory_space<vmem>>) offsets(%dma_start3A_75 : memref<40xi32, #tpu.memory_space<vmem>>) semaphore(%dma_start3A_80 : memref<!tpu.dma_semaphore, #tpu.memory_space<semaphore_mem>>)
    %add3A_81 = arith.constant 120 : i32
    %add3A_82 = arith.addi %mul3A_2, %add3A_81 : i32
    %run_scoped3A_83 = arith.constant 3 : i32
    "tpu.region"() ({
      %run_scoped3A_406 = tpu.sem_alloc : memref<!tpu.dma_semaphore, #tpu.memory_space<semaphore_mem>>
      %dma_start3A_407 = arith.constant 0 : i32
      %dma_start3A_408 = tpu.memref_slice %arg7[%run_scoped3A_83, %dma_start3A_407] : memref<5x40xi32, #tpu.memory_space<vmem>> -> memref<1x40xi32, #tpu.memory_space<vmem>>
      %dma_start3A_409 = tpu.memref_squeeze %dma_start3A_408 : memref<1x40xi32, #tpu.memory_space<vmem>> -> memref<40xi32, #tpu.memory_space<vmem>>
      %dma_start3A_410 = tpu.memref_slice %arg3[%add3A_82] : memref<320000xi32, #tpu.memory_space<hbm>> -> memref<40xi32, #tpu.memory_space<hbm>>
      %dma_start3A_411 = arith.constant 0 : i32
      %dma_start3A_412 = tpu.memref_slice %arg7[%run_scoped3A_83, %dma_start3A_411] : memref<5x40xi32, #tpu.memory_space<vmem>> -> memref<1x40xi32, #tpu.memory_space<vmem>>
      %dma_start3A_413 = tpu.memref_squeeze %dma_start3A_412 : memref<1x40xi32, #tpu.memory_space<vmem>> -> memref<40xi32, #tpu.memory_space<vmem>>
      %dma_start3A_414 = tpu.memref_slice %arg3[%add3A_82] : memref<320000xi32, #tpu.memory_space<hbm>> -> memref<40xi32, #tpu.memory_space<hbm>>
      tpu.enqueue_dma source(%dma_start3A_414 : memref<40xi32, #tpu.memory_space<hbm>>) target(%dma_start3A_413 : memref<40xi32, #tpu.memory_space<vmem>>) target_semaphore(%run_scoped3A_406 : memref<!tpu.dma_semaphore, #tpu.memory_space<semaphore_mem>>)
      %dma_wait3A_415 = arith.constant 0 : i32
      %dma_wait3A_416 = tpu.memref_slice %arg7[%run_scoped3A_83, %dma_wait3A_415] : memref<5x40xi32, #tpu.memory_space<vmem>> -> memref<1x40xi32, #tpu.memory_space<vmem>>
      %dma_wait3A_417 = tpu.memref_squeeze %dma_wait3A_416 : memref<1x40xi32, #tpu.memory_space<vmem>> -> memref<40xi32, #tpu.memory_space<vmem>>
      %dma_wait3A_418 = tpu.memref_slice %arg3[%add3A_82] : memref<320000xi32, #tpu.memory_space<hbm>> -> memref<40xi32, #tpu.memory_space<hbm>>
      %dma_wait3A_419 = arith.constant 0 : i32
      %dma_wait3A_420 = tpu.memref_slice %arg7[%run_scoped3A_83, %dma_wait3A_419] : memref<5x40xi32, #tpu.memory_space<vmem>> -> memref<1x40xi32, #tpu.memory_space<vmem>>
      %dma_wait3A_421 = tpu.memref_squeeze %dma_wait3A_420 : memref<1x40xi32, #tpu.memory_space<vmem>> -> memref<40xi32, #tpu.memory_space<vmem>>
      %dma_wait3A_422 = tpu.memref_slice %arg3[%add3A_82] : memref<320000xi32, #tpu.memory_space<hbm>> -> memref<40xi32, #tpu.memory_space<hbm>>
      tpu.wait_dma2 semaphore(%run_scoped3A_406 : memref<!tpu.dma_semaphore, #tpu.memory_space<semaphore_mem>>) src(%dma_wait3A_422 : memref<40xi32, #tpu.memory_space<hbm>>) dst(%dma_wait3A_421 : memref<40xi32, #tpu.memory_space<vmem>>)
      tpu.yield
    }) : () -> ()
    %run_scoped3A_84 = arith.constant 3 : i32
    "tpu.region"() ({
      %run_scoped3A_406 = tpu.sem_alloc : memref<!tpu.dma_semaphore, #tpu.memory_space<semaphore_mem>>
      %dma_start3A_407 = arith.constant 0 : i32
      %dma_start3A_408 = tpu.memref_slice %arg8[%run_scoped3A_84, %dma_start3A_407] : memref<5x40xi32, #tpu.memory_space<vmem>> -> memref<1x40xi32, #tpu.memory_space<vmem>>
      %dma_start3A_409 = tpu.memref_squeeze %dma_start3A_408 : memref<1x40xi32, #tpu.memory_space<vmem>> -> memref<40xi32, #tpu.memory_space<vmem>>
      %dma_start3A_410 = tpu.memref_slice %arg4[%add3A_82] : memref<320000xi32, #tpu.memory_space<hbm>> -> memref<40xi32, #tpu.memory_space<hbm>>
      %dma_start3A_411 = arith.constant 0 : i32
      %dma_start3A_412 = tpu.memref_slice %arg8[%run_scoped3A_84, %dma_start3A_411] : memref<5x40xi32, #tpu.memory_space<vmem>> -> memref<1x40xi32, #tpu.memory_space<vmem>>
      %dma_start3A_413 = tpu.memref_squeeze %dma_start3A_412 : memref<1x40xi32, #tpu.memory_space<vmem>> -> memref<40xi32, #tpu.memory_space<vmem>>
      %dma_start3A_414 = tpu.memref_slice %arg4[%add3A_82] : memref<320000xi32, #tpu.memory_space<hbm>> -> memref<40xi32, #tpu.memory_space<hbm>>
      tpu.enqueue_dma source(%dma_start3A_414 : memref<40xi32, #tpu.memory_space<hbm>>) target(%dma_start3A_413 : memref<40xi32, #tpu.memory_space<vmem>>) target_semaphore(%run_scoped3A_406 : memref<!tpu.dma_semaphore, #tpu.memory_space<semaphore_mem>>)
      %dma_wait3A_415 = arith.constant 0 : i32
      %dma_wait3A_416 = tpu.memref_slice %arg8[%run_scoped3A_84, %dma_wait3A_415] : memref<5x40xi32, #tpu.memory_space<vmem>> -> memref<1x40xi32, #tpu.memory_space<vmem>>
      %dma_wait3A_417 = tpu.memref_squeeze %dma_wait3A_416 : memref<1x40xi32, #tpu.memory_space<vmem>> -> memref<40xi32, #tpu.memory_space<vmem>>
      %dma_wait3A_418 = tpu.memref_slice %arg4[%add3A_82] : memref<320000xi32, #tpu.memory_space<hbm>> -> memref<40xi32, #tpu.memory_space<hbm>>
      %dma_wait3A_419 = arith.constant 0 : i32
      %dma_wait3A_420 = tpu.memref_slice %arg8[%run_scoped3A_84, %dma_wait3A_419] : memref<5x40xi32, #tpu.memory_space<vmem>> -> memref<1x40xi32, #tpu.memory_space<vmem>>
      %dma_wait3A_421 = tpu.memref_squeeze %dma_wait3A_420 : memref<1x40xi32, #tpu.memory_space<vmem>> -> memref<40xi32, #tpu.memory_space<vmem>>
      %dma_wait3A_422 = tpu.memref_slice %arg4[%add3A_82] : memref<320000xi32, #tpu.memory_space<hbm>> -> memref<40xi32, #tpu.memory_space<hbm>>
      tpu.wait_dma2 semaphore(%run_scoped3A_406 : memref<!tpu.dma_semaphore, #tpu.memory_space<semaphore_mem>>) src(%dma_wait3A_422 : memref<40xi32, #tpu.memory_space<hbm>>) dst(%dma_wait3A_421 : memref<40xi32, #tpu.memory_space<vmem>>)
      tpu.yield
    }) : () -> ()
    %dma_start3A_85 = arith.constant 3 : i32
    %dma_start3A_86 = arith.constant 3 : i32
    %dma_start3A_87 = arith.constant 3 : i32
    %dma_start3A_88 = arith.constant 0 : i32
    %dma_start3A_89 = arith.constant 0 : i32
    %dma_start3A_90 = tpu.memref_slice %arg9[%dma_start3A_86, %dma_start3A_88, %dma_start3A_89] : memref<5x40x128xf32, #tpu.memory_space<vmem>> -> memref<1x40x128xf32, #tpu.memory_space<vmem>>
    %dma_start3A_91 = tpu.memref_squeeze %dma_start3A_90 : memref<1x40x128xf32, #tpu.memory_space<vmem>> -> memref<40x128xf32, #tpu.memory_space<vmem>>
    %dma_start3A_92 = arith.constant 0 : i32
    %dma_start3A_93 = tpu.memref_slice %arg7[%dma_start3A_85, %dma_start3A_92] : memref<5x40xi32, #tpu.memory_space<vmem>> -> memref<1x40xi32, #tpu.memory_space<vmem>>
    %dma_start3A_94 = tpu.memref_squeeze %dma_start3A_93 : memref<1x40xi32, #tpu.memory_space<vmem>> -> memref<40xi32, #tpu.memory_space<vmem>>
    %dma_start3A_95 = arith.constant 0 : i32
    %dma_start3A_96 = arith.constant 0 : i32
    %dma_start3A_97 = tpu.memref_slice %arg2[%dma_start3A_95, %dma_start3A_96] : memref<10240x128xf32, #tpu.memory_space<hbm>> -> memref<10240x128xf32, #tpu.memory_space<hbm>>
    %dma_start3A_98 = tpu.memref_slice %arg12[%dma_start3A_87] : memref<5x!tpu.dma_semaphore, #tpu.memory_space<semaphore_mem>> -> memref<1x!tpu.dma_semaphore, #tpu.memory_space<semaphore_mem>>
    %dma_start3A_99 = tpu.memref_squeeze %dma_start3A_98 : memref<1x!tpu.dma_semaphore, #tpu.memory_space<semaphore_mem>> -> memref<!tpu.dma_semaphore, #tpu.memory_space<semaphore_mem>>
    tpu.enqueue_indirect_dma source(%dma_start3A_97 : memref<10240x128xf32, #tpu.memory_space<hbm>>) target(%dma_start3A_91 : memref<40x128xf32, #tpu.memory_space<vmem>>) offsets(%dma_start3A_94 : memref<40xi32, #tpu.memory_space<vmem>>) semaphore(%dma_start3A_99 : memref<!tpu.dma_semaphore, #tpu.memory_space<semaphore_mem>>)
    %add3A_100 = arith.constant 160 : i32
    %add3A_101 = arith.addi %mul3A_2, %add3A_100 : i32
    %run_scoped3A_102 = arith.constant 4 : i32
    "tpu.region"() ({
      %run_scoped3A_406 = tpu.sem_alloc : memref<!tpu.dma_semaphore, #tpu.memory_space<semaphore_mem>>
      %dma_start3A_407 = arith.constant 0 : i32
      %dma_start3A_408 = tpu.memref_slice %arg7[%run_scoped3A_102, %dma_start3A_407] : memref<5x40xi32, #tpu.memory_space<vmem>> -> memref<1x40xi32, #tpu.memory_space<vmem>>
      %dma_start3A_409 = tpu.memref_squeeze %dma_start3A_408 : memref<1x40xi32, #tpu.memory_space<vmem>> -> memref<40xi32, #tpu.memory_space<vmem>>
      %dma_start3A_410 = tpu.memref_slice %arg3[%add3A_101] : memref<320000xi32, #tpu.memory_space<hbm>> -> memref<40xi32, #tpu.memory_space<hbm>>
      %dma_start3A_411 = arith.constant 0 : i32
      %dma_start3A_412 = tpu.memref_slice %arg7[%run_scoped3A_102, %dma_start3A_411] : memref<5x40xi32, #tpu.memory_space<vmem>> -> memref<1x40xi32, #tpu.memory_space<vmem>>
      %dma_start3A_413 = tpu.memref_squeeze %dma_start3A_412 : memref<1x40xi32, #tpu.memory_space<vmem>> -> memref<40xi32, #tpu.memory_space<vmem>>
      %dma_start3A_414 = tpu.memref_slice %arg3[%add3A_101] : memref<320000xi32, #tpu.memory_space<hbm>> -> memref<40xi32, #tpu.memory_space<hbm>>
      tpu.enqueue_dma source(%dma_start3A_414 : memref<40xi32, #tpu.memory_space<hbm>>) target(%dma_start3A_413 : memref<40xi32, #tpu.memory_space<vmem>>) target_semaphore(%run_scoped3A_406 : memref<!tpu.dma_semaphore, #tpu.memory_space<semaphore_mem>>)
      %dma_wait3A_415 = arith.constant 0 : i32
      %dma_wait3A_416 = tpu.memref_slice %arg7[%run_scoped3A_102, %dma_wait3A_415] : memref<5x40xi32, #tpu.memory_space<vmem>> -> memref<1x40xi32, #tpu.memory_space<vmem>>
      %dma_wait3A_417 = tpu.memref_squeeze %dma_wait3A_416 : memref<1x40xi32, #tpu.memory_space<vmem>> -> memref<40xi32, #tpu.memory_space<vmem>>
      %dma_wait3A_418 = tpu.memref_slice %arg3[%add3A_101] : memref<320000xi32, #tpu.memory_space<hbm>> -> memref<40xi32, #tpu.memory_space<hbm>>
      %dma_wait3A_419 = arith.constant 0 : i32
      %dma_wait3A_420 = tpu.memref_slice %arg7[%run_scoped3A_102, %dma_wait3A_419] : memref<5x40xi32, #tpu.memory_space<vmem>> -> memref<1x40xi32, #tpu.memory_space<vmem>>
      %dma_wait3A_421 = tpu.memref_squeeze %dma_wait3A_420 : memref<1x40xi32, #tpu.memory_space<vmem>> -> memref<40xi32, #tpu.memory_space<vmem>>
      %dma_wait3A_422 = tpu.memref_slice %arg3[%add3A_101] : memref<320000xi32, #tpu.memory_space<hbm>> -> memref<40xi32, #tpu.memory_space<hbm>>
      tpu.wait_dma2 semaphore(%run_scoped3A_406 : memref<!tpu.dma_semaphore, #tpu.memory_space<semaphore_mem>>) src(%dma_wait3A_422 : memref<40xi32, #tpu.memory_space<hbm>>) dst(%dma_wait3A_421 : memref<40xi32, #tpu.memory_space<vmem>>)
      tpu.yield
    }) : () -> ()
    %run_scoped3A_103 = arith.constant 4 : i32
    "tpu.region"() ({
      %run_scoped3A_406 = tpu.sem_alloc : memref<!tpu.dma_semaphore, #tpu.memory_space<semaphore_mem>>
      %dma_start3A_407 = arith.constant 0 : i32
      %dma_start3A_408 = tpu.memref_slice %arg8[%run_scoped3A_103, %dma_start3A_407] : memref<5x40xi32, #tpu.memory_space<vmem>> -> memref<1x40xi32, #tpu.memory_space<vmem>>
      %dma_start3A_409 = tpu.memref_squeeze %dma_start3A_408 : memref<1x40xi32, #tpu.memory_space<vmem>> -> memref<40xi32, #tpu.memory_space<vmem>>
      %dma_start3A_410 = tpu.memref_slice %arg4[%add3A_101] : memref<320000xi32, #tpu.memory_space<hbm>> -> memref<40xi32, #tpu.memory_space<hbm>>
      %dma_start3A_411 = arith.constant 0 : i32
      %dma_start3A_412 = tpu.memref_slice %arg8[%run_scoped3A_103, %dma_start3A_411] : memref<5x40xi32, #tpu.memory_space<vmem>> -> memref<1x40xi32, #tpu.memory_space<vmem>>
      %dma_start3A_413 = tpu.memref_squeeze %dma_start3A_412 : memref<1x40xi32, #tpu.memory_space<vmem>> -> memref<40xi32, #tpu.memory_space<vmem>>
      %dma_start3A_414 = tpu.memref_slice %arg4[%add3A_101] : memref<320000xi32, #tpu.memory_space<hbm>> -> memref<40xi32, #tpu.memory_space<hbm>>
      tpu.enqueue_dma source(%dma_start3A_414 : memref<40xi32, #tpu.memory_space<hbm>>) target(%dma_start3A_413 : memref<40xi32, #tpu.memory_space<vmem>>) target_semaphore(%run_scoped3A_406 : memref<!tpu.dma_semaphore, #tpu.memory_space<semaphore_mem>>)
      %dma_wait3A_415 = arith.constant 0 : i32
      %dma_wait3A_416 = tpu.memref_slice %arg8[%run_scoped3A_103, %dma_wait3A_415] : memref<5x40xi32, #tpu.memory_space<vmem>> -> memref<1x40xi32, #tpu.memory_space<vmem>>
      %dma_wait3A_417 = tpu.memref_squeeze %dma_wait3A_416 : memref<1x40xi32, #tpu.memory_space<vmem>> -> memref<40xi32, #tpu.memory_space<vmem>>
      %dma_wait3A_418 = tpu.memref_slice %arg4[%add3A_101] : memref<320000xi32, #tpu.memory_space<hbm>> -> memref<40xi32, #tpu.memory_space<hbm>>
      %dma_wait3A_419 = arith.constant 0 : i32
      %dma_wait3A_420 = tpu.memref_slice %arg8[%run_scoped3A_103, %dma_wait3A_419] : memref<5x40xi32, #tpu.memory_space<vmem>> -> memref<1x40xi32, #tpu.memory_space<vmem>>
      %dma_wait3A_421 = tpu.memref_squeeze %dma_wait3A_420 : memref<1x40xi32, #tpu.memory_space<vmem>> -> memref<40xi32, #tpu.memory_space<vmem>>
      %dma_wait3A_422 = tpu.memref_slice %arg4[%add3A_101] : memref<320000xi32, #tpu.memory_space<hbm>> -> memref<40xi32, #tpu.memory_space<hbm>>
      tpu.wait_dma2 semaphore(%run_scoped3A_406 : memref<!tpu.dma_semaphore, #tpu.memory_space<semaphore_mem>>) src(%dma_wait3A_422 : memref<40xi32, #tpu.memory_space<hbm>>) dst(%dma_wait3A_421 : memref<40xi32, #tpu.memory_space<vmem>>)
      tpu.yield
    }) : () -> ()
    %dma_start3A_104 = arith.constant 4 : i32
    %dma_start3A_105 = arith.constant 4 : i32
    %dma_start3A_106 = arith.constant 4 : i32
    %dma_start3A_107 = arith.constant 0 : i32
    %dma_start3A_108 = arith.constant 0 : i32
    %dma_start3A_109 = tpu.memref_slice %arg9[%dma_start3A_105, %dma_start3A_107, %dma_start3A_108] : memref<5x40x128xf32, #tpu.memory_space<vmem>> -> memref<1x40x128xf32, #tpu.memory_space<vmem>>
    %dma_start3A_110 = tpu.memref_squeeze %dma_start3A_109 : memref<1x40x128xf32, #tpu.memory_space<vmem>> -> memref<40x128xf32, #tpu.memory_space<vmem>>
    %dma_start3A_111 = arith.constant 0 : i32
    %dma_start3A_112 = tpu.memref_slice %arg7[%dma_start3A_104, %dma_start3A_111] : memref<5x40xi32, #tpu.memory_space<vmem>> -> memref<1x40xi32, #tpu.memory_space<vmem>>
    %dma_start3A_113 = tpu.memref_squeeze %dma_start3A_112 : memref<1x40xi32, #tpu.memory_space<vmem>> -> memref<40xi32, #tpu.memory_space<vmem>>
    %dma_start3A_114 = arith.constant 0 : i32
    %dma_start3A_115 = arith.constant 0 : i32
    %dma_start3A_116 = tpu.memref_slice %arg2[%dma_start3A_114, %dma_start3A_115] : memref<10240x128xf32, #tpu.memory_space<hbm>> -> memref<10240x128xf32, #tpu.memory_space<hbm>>
    %dma_start3A_117 = tpu.memref_slice %arg12[%dma_start3A_106] : memref<5x!tpu.dma_semaphore, #tpu.memory_space<semaphore_mem>> -> memref<1x!tpu.dma_semaphore, #tpu.memory_space<semaphore_mem>>
    %dma_start3A_118 = tpu.memref_squeeze %dma_start3A_117 : memref<1x!tpu.dma_semaphore, #tpu.memory_space<semaphore_mem>> -> memref<!tpu.dma_semaphore, #tpu.memory_space<semaphore_mem>>
    tpu.enqueue_indirect_dma source(%dma_start3A_116 : memref<10240x128xf32, #tpu.memory_space<hbm>>) target(%dma_start3A_110 : memref<40x128xf32, #tpu.memory_space<vmem>>) offsets(%dma_start3A_113 : memref<40xi32, #tpu.memory_space<vmem>>) semaphore(%dma_start3A_118 : memref<!tpu.dma_semaphore, #tpu.memory_space<semaphore_mem>>)
    %scan3A_119 = arith.constant 0 : i32
    %scan3A_120 = arith.constant 0 : i32
    %scan3A_121 = arith.constant 50 : i32
    %scan3A_122 = arith.addi %scan3A_120, %scan3A_121 : i32
    %scan3A_123 = arith.constant 1 : i32
    %scan3A_124 = scf.for %scan3A_406 = %scan3A_120 to %scan3A_122 step %scan3A_123 iter_args(%scan3A_407 = %scan3A_119) -> (i32)  : i32 {
      %mul3A_408 = arith.constant 5 : i32
      %mul3A_409 = arith.muli %scan3A_406, %mul3A_408 : i32
      %add3A_410 = arith.constant 0 : i32
      %add3A_411 = arith.addi %mul3A_409, %add3A_410 : i32
      %dma_wait3A_412 = arith.constant 0 : i32
      %dma_wait3A_413 = arith.constant 0 : i32
      %dma_wait3A_414 = arith.constant 0 : i32
      %dma_wait3A_415 = arith.constant 0 : i32
      %dma_wait3A_416 = arith.constant 0 : i32
      %dma_wait3A_417 = tpu.memref_slice %arg9[%dma_wait3A_413, %dma_wait3A_415, %dma_wait3A_416] : memref<5x40x128xf32, #tpu.memory_space<vmem>> -> memref<1x40x128xf32, #tpu.memory_space<vmem>>
      %dma_wait3A_418 = tpu.memref_squeeze %dma_wait3A_417 : memref<1x40x128xf32, #tpu.memory_space<vmem>> -> memref<40x128xf32, #tpu.memory_space<vmem>>
      %dma_wait3A_419 = arith.constant 0 : i32
      %dma_wait3A_420 = tpu.memref_slice %arg7[%dma_wait3A_412, %dma_wait3A_419] : memref<5x40xi32, #tpu.memory_space<vmem>> -> memref<1x40xi32, #tpu.memory_space<vmem>>
      %dma_wait3A_421 = tpu.memref_squeeze %dma_wait3A_420 : memref<1x40xi32, #tpu.memory_space<vmem>> -> memref<40xi32, #tpu.memory_space<vmem>>
      %dma_wait3A_422 = arith.constant 0 : i32
      %dma_wait3A_423 = arith.constant 0 : i32
      %dma_wait3A_424 = tpu.memref_slice %arg2[%dma_wait3A_422, %dma_wait3A_423] : memref<10240x128xf32, #tpu.memory_space<hbm>> -> memref<10240x128xf32, #tpu.memory_space<hbm>>
      %dma_wait3A_425 = tpu.memref_slice %arg12[%dma_wait3A_414] : memref<5x!tpu.dma_semaphore, #tpu.memory_space<semaphore_mem>> -> memref<1x!tpu.dma_semaphore, #tpu.memory_space<semaphore_mem>>
      %dma_wait3A_426 = tpu.memref_squeeze %dma_wait3A_425 : memref<1x!tpu.dma_semaphore, #tpu.memory_space<semaphore_mem>> -> memref<!tpu.dma_semaphore, #tpu.memory_space<semaphore_mem>>
      tpu.wait_indirect_dma semaphore(%dma_wait3A_426 : memref<!tpu.dma_semaphore, #tpu.memory_space<semaphore_mem>>) src(%dma_wait3A_424 : memref<10240x128xf32, #tpu.memory_space<hbm>>) dst(%dma_wait3A_418 : memref<40x128xf32, #tpu.memory_space<vmem>>)
      %dma_start3A_427 = arith.constant 0 : i32
      %dma_start3A_428 = arith.constant 0 : i32
      %dma_start3A_429 = arith.constant 0 : i32
      %dma_start3A_430 = arith.constant 0 : i32
      %dma_start3A_431 = arith.constant 0 : i32
      %dma_start3A_432 = tpu.memref_slice %arg9[%dma_start3A_427, %dma_start3A_430, %dma_start3A_431] : memref<5x40x128xf32, #tpu.memory_space<vmem>> -> memref<1x40x128xf32, #tpu.memory_space<vmem>>
      %dma_start3A_433 = tpu.memref_squeeze %dma_start3A_432 : memref<1x40x128xf32, #tpu.memory_space<vmem>> -> memref<40x128xf32, #tpu.memory_space<vmem>>
      %dma_start3A_434 = arith.constant 0 : i32
      %dma_start3A_435 = tpu.memref_slice %arg8[%dma_start3A_428, %dma_start3A_434] : memref<5x40xi32, #tpu.memory_space<vmem>> -> memref<1x40xi32, #tpu.memory_space<vmem>>
      %dma_start3A_436 = tpu.memref_squeeze %dma_start3A_435 : memref<1x40xi32, #tpu.memory_space<vmem>> -> memref<40xi32, #tpu.memory_space<vmem>>
      %dma_start3A_437 = arith.constant 0 : i32
      %dma_start3A_438 = arith.constant 0 : i32
      %dma_start3A_439 = tpu.memref_slice %arg11[%dma_start3A_437, %dma_start3A_438] : memref<10240x128xf32, #tpu.memory_space<vmem_shared>> -> memref<10240x128xf32, #tpu.memory_space<vmem_shared>>
      %dma_start3A_440 = tpu.memref_slice %arg13[%dma_start3A_429] : memref<5x!tpu.dma_semaphore, #tpu.memory_space<semaphore_mem>> -> memref<1x!tpu.dma_semaphore, #tpu.memory_space<semaphore_mem>>
      %dma_start3A_441 = tpu.memref_squeeze %dma_start3A_440 : memref<1x!tpu.dma_semaphore, #tpu.memory_space<semaphore_mem>> -> memref<!tpu.dma_semaphore, #tpu.memory_space<semaphore_mem>>
      tpu.enqueue_indirect_dma source(%dma_start3A_433 : memref<40x128xf32, #tpu.memory_space<vmem>>) target(%dma_start3A_439 : memref<10240x128xf32, #tpu.memory_space<vmem_shared>>) offsets(%dma_start3A_436 : memref<40xi32, #tpu.memory_space<vmem>>) semaphore(%dma_start3A_441 : memref<!tpu.dma_semaphore, #tpu.memory_space<semaphore_mem>>) {add = true}
      %lt3A = arith.constant 49 : i32
      %lt3A_442 = arith.cmpi slt, %scan3A_406, %lt3A : i32
      %convert_element_type3A = arith.extui %lt3A_442 : i1 to i32
      %cond3A = arith.constant 0 : i32
      %cond3A_443 = arith.cmpi ne, %convert_element_type3A, %cond3A : i32
      scf.if %cond3A_443 {
        %dma_wait3A_601 = arith.constant 0 : i32
        %dma_wait3A_602 = arith.constant 0 : i32
        %dma_wait3A_603 = arith.constant 0 : i32
        %dma_wait3A_604 = arith.constant 0 : i32
        %dma_wait3A_605 = arith.constant 0 : i32
        %dma_wait3A_606 = tpu.memref_slice %arg9[%dma_wait3A_601, %dma_wait3A_604, %dma_wait3A_605] : memref<5x40x128xf32, #tpu.memory_space<vmem>> -> memref<1x40x128xf32, #tpu.memory_space<vmem>>
        %dma_wait3A_607 = tpu.memref_squeeze %dma_wait3A_606 : memref<1x40x128xf32, #tpu.memory_space<vmem>> -> memref<40x128xf32, #tpu.memory_space<vmem>>
        %dma_wait3A_608 = arith.constant 0 : i32
        %dma_wait3A_609 = tpu.memref_slice %arg8[%dma_wait3A_602, %dma_wait3A_608] : memref<5x40xi32, #tpu.memory_space<vmem>> -> memref<1x40xi32, #tpu.memory_space<vmem>>
        %dma_wait3A_610 = tpu.memref_squeeze %dma_wait3A_609 : memref<1x40xi32, #tpu.memory_space<vmem>> -> memref<40xi32, #tpu.memory_space<vmem>>
        %dma_wait3A_611 = arith.constant 0 : i32
        %dma_wait3A_612 = arith.constant 0 : i32
        %dma_wait3A_613 = tpu.memref_slice %arg11[%dma_wait3A_611, %dma_wait3A_612] : memref<10240x128xf32, #tpu.memory_space<vmem_shared>> -> memref<10240x128xf32, #tpu.memory_space<vmem_shared>>
        %dma_wait3A_614 = tpu.memref_slice %arg13[%dma_wait3A_603] : memref<5x!tpu.dma_semaphore, #tpu.memory_space<semaphore_mem>> -> memref<1x!tpu.dma_semaphore, #tpu.memory_space<semaphore_mem>>
        %dma_wait3A_615 = tpu.memref_squeeze %dma_wait3A_614 : memref<1x!tpu.dma_semaphore, #tpu.memory_space<semaphore_mem>> -> memref<!tpu.dma_semaphore, #tpu.memory_space<semaphore_mem>>
        tpu.wait_indirect_dma semaphore(%dma_wait3A_615 : memref<!tpu.dma_semaphore, #tpu.memory_space<semaphore_mem>>) src(%dma_wait3A_607 : memref<40x128xf32, #tpu.memory_space<vmem>>) dst(%dma_wait3A_613 : memref<10240x128xf32, #tpu.memory_space<vmem_shared>>)
        %add3A_616 = arith.constant 5 : i32
        %add3A_617 = arith.addi %add3A_411, %add3A_616 : i32
        %mul3A_618 = arith.constant 40 : i32
        %mul3A_619 = arith.muli %add3A_617, %mul3A_618 : i32
        %add3A_620 = arith.addi %mul3A_2, %mul3A_619 : i32
        %run_scoped3A_621 = arith.constant 0 : i32
        "tpu.region"() ({
          %run_scoped3A_638 = tpu.sem_alloc : memref<!tpu.dma_semaphore, #tpu.memory_space<semaphore_mem>>
          %dma_start3A_639 = arith.constant 0 : i32
          %dma_start3A_640 = tpu.memref_slice %arg7[%run_scoped3A_621, %dma_start3A_639] : memref<5x40xi32, #tpu.memory_space<vmem>> -> memref<1x40xi32, #tpu.memory_space<vmem>>
          %dma_start3A_641 = tpu.memref_squeeze %dma_start3A_640 : memref<1x40xi32, #tpu.memory_space<vmem>> -> memref<40xi32, #tpu.memory_space<vmem>>
          %dma_start3A_642 = tpu.memref_slice %arg3[%add3A_620] : memref<320000xi32, #tpu.memory_space<hbm>> -> memref<40xi32, #tpu.memory_space<hbm>>
          %dma_start3A_643 = arith.constant 0 : i32
          %dma_start3A_644 = tpu.memref_slice %arg7[%run_scoped3A_621, %dma_start3A_643] : memref<5x40xi32, #tpu.memory_space<vmem>> -> memref<1x40xi32, #tpu.memory_space<vmem>>
          %dma_start3A_645 = tpu.memref_squeeze %dma_start3A_644 : memref<1x40xi32, #tpu.memory_space<vmem>> -> memref<40xi32, #tpu.memory_space<vmem>>
          %dma_start3A_646 = tpu.memref_slice %arg3[%add3A_620] : memref<320000xi32, #tpu.memory_space<hbm>> -> memref<40xi32, #tpu.memory_space<hbm>>
          tpu.enqueue_dma source(%dma_start3A_646 : memref<40xi32, #tpu.memory_space<hbm>>) target(%dma_start3A_645 : memref<40xi32, #tpu.memory_space<vmem>>) target_semaphore(%run_scoped3A_638 : memref<!tpu.dma_semaphore, #tpu.memory_space<semaphore_mem>>)
          %dma_wait3A_647 = arith.constant 0 : i32
          %dma_wait3A_648 = tpu.memref_slice %arg7[%run_scoped3A_621, %dma_wait3A_647] : memref<5x40xi32, #tpu.memory_space<vmem>> -> memref<1x40xi32, #tpu.memory_space<vmem>>
          %dma_wait3A_649 = tpu.memref_squeeze %dma_wait3A_648 : memref<1x40xi32, #tpu.memory_space<vmem>> -> memref<40xi32, #tpu.memory_space<vmem>>
          %dma_wait3A_650 = tpu.memref_slice %arg3[%add3A_620] : memref<320000xi32, #tpu.memory_space<hbm>> -> memref<40xi32, #tpu.memory_space<hbm>>
          %dma_wait3A_651 = arith.constant 0 : i32
          %dma_wait3A_652 = tpu.memref_slice %arg7[%run_scoped3A_621, %dma_wait3A_651] : memref<5x40xi32, #tpu.memory_space<vmem>> -> memref<1x40xi32, #tpu.memory_space<vmem>>
          %dma_wait3A_653 = tpu.memref_squeeze %dma_wait3A_652 : memref<1x40xi32, #tpu.memory_space<vmem>> -> memref<40xi32, #tpu.memory_space<vmem>>
          %dma_wait3A_654 = tpu.memref_slice %arg3[%add3A_620] : memref<320000xi32, #tpu.memory_space<hbm>> -> memref<40xi32, #tpu.memory_space<hbm>>
          tpu.wait_dma2 semaphore(%run_scoped3A_638 : memref<!tpu.dma_semaphore, #tpu.memory_space<semaphore_mem>>) src(%dma_wait3A_654 : memref<40xi32, #tpu.memory_space<hbm>>) dst(%dma_wait3A_653 : memref<40xi32, #tpu.memory_space<vmem>>)
          tpu.yield
        }) : () -> ()
        %run_scoped3A_622 = arith.constant 0 : i32
        "tpu.region"() ({
          %run_scoped3A_638 = tpu.sem_alloc : memref<!tpu.dma_semaphore, #tpu.memory_space<semaphore_mem>>
          %dma_start3A_639 = arith.constant 0 : i32
          %dma_start3A_640 = tpu.memref_slice %arg8[%run_scoped3A_622, %dma_start3A_639] : memref<5x40xi32, #tpu.memory_space<vmem>> -> memref<1x40xi32, #tpu.memory_space<vmem>>
          %dma_start3A_641 = tpu.memref_squeeze %dma_start3A_640 : memref<1x40xi32, #tpu.memory_space<vmem>> -> memref<40xi32, #tpu.memory_space<vmem>>
          %dma_start3A_642 = tpu.memref_slice %arg4[%add3A_620] : memref<320000xi32, #tpu.memory_space<hbm>> -> memref<40xi32, #tpu.memory_space<hbm>>
          %dma_start3A_643 = arith.constant 0 : i32
          %dma_start3A_644 = tpu.memref_slice %arg8[%run_scoped3A_622, %dma_start3A_643] : memref<5x40xi32, #tpu.memory_space<vmem>> -> memref<1x40xi32, #tpu.memory_space<vmem>>
          %dma_start3A_645 = tpu.memref_squeeze %dma_start3A_644 : memref<1x40xi32, #tpu.memory_space<vmem>> -> memref<40xi32, #tpu.memory_space<vmem>>
          %dma_start3A_646 = tpu.memref_slice %arg4[%add3A_620] : memref<320000xi32, #tpu.memory_space<hbm>> -> memref<40xi32, #tpu.memory_space<hbm>>
          tpu.enqueue_dma source(%dma_start3A_646 : memref<40xi32, #tpu.memory_space<hbm>>) target(%dma_start3A_645 : memref<40xi32, #tpu.memory_space<vmem>>) target_semaphore(%run_scoped3A_638 : memref<!tpu.dma_semaphore, #tpu.memory_space<semaphore_mem>>)
          %dma_wait3A_647 = arith.constant 0 : i32
          %dma_wait3A_648 = tpu.memref_slice %arg8[%run_scoped3A_622, %dma_wait3A_647] : memref<5x40xi32, #tpu.memory_space<vmem>> -> memref<1x40xi32, #tpu.memory_space<vmem>>
          %dma_wait3A_649 = tpu.memref_squeeze %dma_wait3A_648 : memref<1x40xi32, #tpu.memory_space<vmem>> -> memref<40xi32, #tpu.memory_space<vmem>>
          %dma_wait3A_650 = tpu.memref_slice %arg4[%add3A_620] : memref<320000xi32, #tpu.memory_space<hbm>> -> memref<40xi32, #tpu.memory_space<hbm>>
          %dma_wait3A_651 = arith.constant 0 : i32
          %dma_wait3A_652 = tpu.memref_slice %arg8[%run_scoped3A_622, %dma_wait3A_651] : memref<5x40xi32, #tpu.memory_space<vmem>> -> memref<1x40xi32, #tpu.memory_space<vmem>>
          %dma_wait3A_653 = tpu.memref_squeeze %dma_wait3A_652 : memref<1x40xi32, #tpu.memory_space<vmem>> -> memref<40xi32, #tpu.memory_space<vmem>>
          %dma_wait3A_654 = tpu.memref_slice %arg4[%add3A_620] : memref<320000xi32, #tpu.memory_space<hbm>> -> memref<40xi32, #tpu.memory_space<hbm>>
          tpu.wait_dma2 semaphore(%run_scoped3A_638 : memref<!tpu.dma_semaphore, #tpu.memory_space<semaphore_mem>>) src(%dma_wait3A_654 : memref<40xi32, #tpu.memory_space<hbm>>) dst(%dma_wait3A_653 : memref<40xi32, #tpu.memory_space<vmem>>)
          tpu.yield
        }) : () -> ()
        %dma_start3A_623 = arith.constant 0 : i32
        %dma_start3A_624 = arith.constant 0 : i32
        %dma_start3A_625 = arith.constant 0 : i32
        %dma_start3A_626 = arith.constant 0 : i32
        %dma_start3A_627 = arith.constant 0 : i32
        %dma_start3A_628 = tpu.memref_slice %arg9[%dma_start3A_624, %dma_start3A_626, %dma_start3A_627] : memref<5x40x128xf32, #tpu.memory_space<vmem>> -> memref<1x40x128xf32, #tpu.memory_space<vmem>>
        %dma_start3A_629 = tpu.memref_squeeze %dma_start3A_628 : memref<1x40x128xf32, #tpu.memory_space<vmem>> -> memref<40x128xf32, #tpu.memory_space<vmem>>
        %dma_start3A_630 = arith.constant 0 : i32
        %dma_start3A_631 = tpu.memref_slice %arg7[%dma_start3A_623, %dma_start3A_630] : memref<5x40xi32, #tpu.memory_space<vmem>> -> memref<1x40xi32, #tpu.memory_space<vmem>>
        %dma_start3A_632 = tpu.memref_squeeze %dma_start3A_631 : memref<1x40xi32, #tpu.memory_space<vmem>> -> memref<40xi32, #tpu.memory_space<vmem>>
        %dma_start3A_633 = arith.constant 0 : i32
        %dma_start3A_634 = arith.constant 0 : i32
        %dma_start3A_635 = tpu.memref_slice %arg2[%dma_start3A_633, %dma_start3A_634] : memref<10240x128xf32, #tpu.memory_space<hbm>> -> memref<10240x128xf32, #tpu.memory_space<hbm>>
        %dma_start3A_636 = tpu.memref_slice %arg12[%dma_start3A_625] : memref<5x!tpu.dma_semaphore, #tpu.memory_space<semaphore_mem>> -> memref<1x!tpu.dma_semaphore, #tpu.memory_space<semaphore_mem>>
        %dma_start3A_637 = tpu.memref_squeeze %dma_start3A_636 : memref<1x!tpu.dma_semaphore, #tpu.memory_space<semaphore_mem>> -> memref<!tpu.dma_semaphore, #tpu.memory_space<semaphore_mem>>
        tpu.enqueue_indirect_dma source(%dma_start3A_635 : memref<10240x128xf32, #tpu.memory_space<hbm>>) target(%dma_start3A_629 : memref<40x128xf32, #tpu.memory_space<vmem>>) offsets(%dma_start3A_632 : memref<40xi32, #tpu.memory_space<vmem>>) semaphore(%dma_start3A_637 : memref<!tpu.dma_semaphore, #tpu.memory_space<semaphore_mem>>)
      } else {
      }
      %mul3A_444 = arith.constant 5 : i32
      %mul3A_445 = arith.muli %scan3A_406, %mul3A_444 : i32
      %add3A_446 = arith.constant 1 : i32
      %add3A_447 = arith.addi %mul3A_445, %add3A_446 : i32
      %dma_wait3A_448 = arith.constant 1 : i32
      %dma_wait3A_449 = arith.constant 1 : i32
      %dma_wait3A_450 = arith.constant 1 : i32
      %dma_wait3A_451 = arith.constant 0 : i32
      %dma_wait3A_452 = arith.constant 0 : i32
      %dma_wait3A_453 = tpu.memref_slice %arg9[%dma_wait3A_449, %dma_wait3A_451, %dma_wait3A_452] : memref<5x40x128xf32, #tpu.memory_space<vmem>> -> memref<1x40x128xf32, #tpu.memory_space<vmem>>
      %dma_wait3A_454 = tpu.memref_squeeze %dma_wait3A_453 : memref<1x40x128xf32, #tpu.memory_space<vmem>> -> memref<40x128xf32, #tpu.memory_space<vmem>>
      %dma_wait3A_455 = arith.constant 0 : i32
      %dma_wait3A_456 = tpu.memref_slice %arg7[%dma_wait3A_448, %dma_wait3A_455] : memref<5x40xi32, #tpu.memory_space<vmem>> -> memref<1x40xi32, #tpu.memory_space<vmem>>
      %dma_wait3A_457 = tpu.memref_squeeze %dma_wait3A_456 : memref<1x40xi32, #tpu.memory_space<vmem>> -> memref<40xi32, #tpu.memory_space<vmem>>
      %dma_wait3A_458 = arith.constant 0 : i32
      %dma_wait3A_459 = arith.constant 0 : i32
      %dma_wait3A_460 = tpu.memref_slice %arg2[%dma_wait3A_458, %dma_wait3A_459] : memref<10240x128xf32, #tpu.memory_space<hbm>> -> memref<10240x128xf32, #tpu.memory_space<hbm>>
      %dma_wait3A_461 = tpu.memref_slice %arg12[%dma_wait3A_450] : memref<5x!tpu.dma_semaphore, #tpu.memory_space<semaphore_mem>> -> memref<1x!tpu.dma_semaphore, #tpu.memory_space<semaphore_mem>>
      %dma_wait3A_462 = tpu.memref_squeeze %dma_wait3A_461 : memref<1x!tpu.dma_semaphore, #tpu.memory_space<semaphore_mem>> -> memref<!tpu.dma_semaphore, #tpu.memory_space<semaphore_mem>>
      tpu.wait_indirect_dma semaphore(%dma_wait3A_462 : memref<!tpu.dma_semaphore, #tpu.memory_space<semaphore_mem>>) src(%dma_wait3A_460 : memref<10240x128xf32, #tpu.memory_space<hbm>>) dst(%dma_wait3A_454 : memref<40x128xf32, #tpu.memory_space<vmem>>)
      %dma_start3A_463 = arith.constant 1 : i32
      %dma_start3A_464 = arith.constant 1 : i32
      %dma_start3A_465 = arith.constant 1 : i32
      %dma_start3A_466 = arith.constant 0 : i32
      %dma_start3A_467 = arith.constant 0 : i32
      %dma_start3A_468 = tpu.memref_slice %arg9[%dma_start3A_463, %dma_start3A_466, %dma_start3A_467] : memref<5x40x128xf32, #tpu.memory_space<vmem>> -> memref<1x40x128xf32, #tpu.memory_space<vmem>>
      %dma_start3A_469 = tpu.memref_squeeze %dma_start3A_468 : memref<1x40x128xf32, #tpu.memory_space<vmem>> -> memref<40x128xf32, #tpu.memory_space<vmem>>
      %dma_start3A_470 = arith.constant 0 : i32
      %dma_start3A_471 = tpu.memref_slice %arg8[%dma_start3A_464, %dma_start3A_470] : memref<5x40xi32, #tpu.memory_space<vmem>> -> memref<1x40xi32, #tpu.memory_space<vmem>>
      %dma_start3A_472 = tpu.memref_squeeze %dma_start3A_471 : memref<1x40xi32, #tpu.memory_space<vmem>> -> memref<40xi32, #tpu.memory_space<vmem>>
      %dma_start3A_473 = arith.constant 0 : i32
      %dma_start3A_474 = arith.constant 0 : i32
      %dma_start3A_475 = tpu.memref_slice %arg11[%dma_start3A_473, %dma_start3A_474] : memref<10240x128xf32, #tpu.memory_space<vmem_shared>> -> memref<10240x128xf32, #tpu.memory_space<vmem_shared>>
      %dma_start3A_476 = tpu.memref_slice %arg13[%dma_start3A_465] : memref<5x!tpu.dma_semaphore, #tpu.memory_space<semaphore_mem>> -> memref<1x!tpu.dma_semaphore, #tpu.memory_space<semaphore_mem>>
      %dma_start3A_477 = tpu.memref_squeeze %dma_start3A_476 : memref<1x!tpu.dma_semaphore, #tpu.memory_space<semaphore_mem>> -> memref<!tpu.dma_semaphore, #tpu.memory_space<semaphore_mem>>
      tpu.enqueue_indirect_dma source(%dma_start3A_469 : memref<40x128xf32, #tpu.memory_space<vmem>>) target(%dma_start3A_475 : memref<10240x128xf32, #tpu.memory_space<vmem_shared>>) offsets(%dma_start3A_472 : memref<40xi32, #tpu.memory_space<vmem>>) semaphore(%dma_start3A_477 : memref<!tpu.dma_semaphore, #tpu.memory_space<semaphore_mem>>) {add = true}
      %lt3A_478 = arith.constant 49 : i32
      %lt3A_479 = arith.cmpi slt, %scan3A_406, %lt3A_478 : i32
      %convert_element_type3A_480 = arith.extui %lt3A_479 : i1 to i32
      %cond3A_481 = arith.constant 0 : i32
      %cond3A_482 = arith.cmpi ne, %convert_element_type3A_480, %cond3A_481 : i32
      scf.if %cond3A_482 {
        %dma_wait3A_601 = arith.constant 1 : i32
        %dma_wait3A_602 = arith.constant 1 : i32
        %dma_wait3A_603 = arith.constant 1 : i32
        %dma_wait3A_604 = arith.constant 0 : i32
        %dma_wait3A_605 = arith.constant 0 : i32
        %dma_wait3A_606 = tpu.memref_slice %arg9[%dma_wait3A_601, %dma_wait3A_604, %dma_wait3A_605] : memref<5x40x128xf32, #tpu.memory_space<vmem>> -> memref<1x40x128xf32, #tpu.memory_space<vmem>>
        %dma_wait3A_607 = tpu.memref_squeeze %dma_wait3A_606 : memref<1x40x128xf32, #tpu.memory_space<vmem>> -> memref<40x128xf32, #tpu.memory_space<vmem>>
        %dma_wait3A_608 = arith.constant 0 : i32
        %dma_wait3A_609 = tpu.memref_slice %arg8[%dma_wait3A_602, %dma_wait3A_608] : memref<5x40xi32, #tpu.memory_space<vmem>> -> memref<1x40xi32, #tpu.memory_space<vmem>>
        %dma_wait3A_610 = tpu.memref_squeeze %dma_wait3A_609 : memref<1x40xi32, #tpu.memory_space<vmem>> -> memref<40xi32, #tpu.memory_space<vmem>>
        %dma_wait3A_611 = arith.constant 0 : i32
        %dma_wait3A_612 = arith.constant 0 : i32
        %dma_wait3A_613 = tpu.memref_slice %arg11[%dma_wait3A_611, %dma_wait3A_612] : memref<10240x128xf32, #tpu.memory_space<vmem_shared>> -> memref<10240x128xf32, #tpu.memory_space<vmem_shared>>
        %dma_wait3A_614 = tpu.memref_slice %arg13[%dma_wait3A_603] : memref<5x!tpu.dma_semaphore, #tpu.memory_space<semaphore_mem>> -> memref<1x!tpu.dma_semaphore, #tpu.memory_space<semaphore_mem>>
        %dma_wait3A_615 = tpu.memref_squeeze %dma_wait3A_614 : memref<1x!tpu.dma_semaphore, #tpu.memory_space<semaphore_mem>> -> memref<!tpu.dma_semaphore, #tpu.memory_space<semaphore_mem>>
        tpu.wait_indirect_dma semaphore(%dma_wait3A_615 : memref<!tpu.dma_semaphore, #tpu.memory_space<semaphore_mem>>) src(%dma_wait3A_607 : memref<40x128xf32, #tpu.memory_space<vmem>>) dst(%dma_wait3A_613 : memref<10240x128xf32, #tpu.memory_space<vmem_shared>>)
        %add3A_616 = arith.constant 5 : i32
        %add3A_617 = arith.addi %add3A_447, %add3A_616 : i32
        %mul3A_618 = arith.constant 40 : i32
        %mul3A_619 = arith.muli %add3A_617, %mul3A_618 : i32
        %add3A_620 = arith.addi %mul3A_2, %mul3A_619 : i32
        %run_scoped3A_621 = arith.constant 1 : i32
        "tpu.region"() ({
          %run_scoped3A_638 = tpu.sem_alloc : memref<!tpu.dma_semaphore, #tpu.memory_space<semaphore_mem>>
          %dma_start3A_639 = arith.constant 0 : i32
          %dma_start3A_640 = tpu.memref_slice %arg7[%run_scoped3A_621, %dma_start3A_639] : memref<5x40xi32, #tpu.memory_space<vmem>> -> memref<1x40xi32, #tpu.memory_space<vmem>>
          %dma_start3A_641 = tpu.memref_squeeze %dma_start3A_640 : memref<1x40xi32, #tpu.memory_space<vmem>> -> memref<40xi32, #tpu.memory_space<vmem>>
          %dma_start3A_642 = tpu.memref_slice %arg3[%add3A_620] : memref<320000xi32, #tpu.memory_space<hbm>> -> memref<40xi32, #tpu.memory_space<hbm>>
          %dma_start3A_643 = arith.constant 0 : i32
          %dma_start3A_644 = tpu.memref_slice %arg7[%run_scoped3A_621, %dma_start3A_643] : memref<5x40xi32, #tpu.memory_space<vmem>> -> memref<1x40xi32, #tpu.memory_space<vmem>>
          %dma_start3A_645 = tpu.memref_squeeze %dma_start3A_644 : memref<1x40xi32, #tpu.memory_space<vmem>> -> memref<40xi32, #tpu.memory_space<vmem>>
          %dma_start3A_646 = tpu.memref_slice %arg3[%add3A_620] : memref<320000xi32, #tpu.memory_space<hbm>> -> memref<40xi32, #tpu.memory_space<hbm>>
          tpu.enqueue_dma source(%dma_start3A_646 : memref<40xi32, #tpu.memory_space<hbm>>) target(%dma_start3A_645 : memref<40xi32, #tpu.memory_space<vmem>>) target_semaphore(%run_scoped3A_638 : memref<!tpu.dma_semaphore, #tpu.memory_space<semaphore_mem>>)
          %dma_wait3A_647 = arith.constant 0 : i32
          %dma_wait3A_648 = tpu.memref_slice %arg7[%run_scoped3A_621, %dma_wait3A_647] : memref<5x40xi32, #tpu.memory_space<vmem>> -> memref<1x40xi32, #tpu.memory_space<vmem>>
          %dma_wait3A_649 = tpu.memref_squeeze %dma_wait3A_648 : memref<1x40xi32, #tpu.memory_space<vmem>> -> memref<40xi32, #tpu.memory_space<vmem>>
          %dma_wait3A_650 = tpu.memref_slice %arg3[%add3A_620] : memref<320000xi32, #tpu.memory_space<hbm>> -> memref<40xi32, #tpu.memory_space<hbm>>
          %dma_wait3A_651 = arith.constant 0 : i32
          %dma_wait3A_652 = tpu.memref_slice %arg7[%run_scoped3A_621, %dma_wait3A_651] : memref<5x40xi32, #tpu.memory_space<vmem>> -> memref<1x40xi32, #tpu.memory_space<vmem>>
          %dma_wait3A_653 = tpu.memref_squeeze %dma_wait3A_652 : memref<1x40xi32, #tpu.memory_space<vmem>> -> memref<40xi32, #tpu.memory_space<vmem>>
          %dma_wait3A_654 = tpu.memref_slice %arg3[%add3A_620] : memref<320000xi32, #tpu.memory_space<hbm>> -> memref<40xi32, #tpu.memory_space<hbm>>
          tpu.wait_dma2 semaphore(%run_scoped3A_638 : memref<!tpu.dma_semaphore, #tpu.memory_space<semaphore_mem>>) src(%dma_wait3A_654 : memref<40xi32, #tpu.memory_space<hbm>>) dst(%dma_wait3A_653 : memref<40xi32, #tpu.memory_space<vmem>>)
          tpu.yield
        }) : () -> ()
        %run_scoped3A_622 = arith.constant 1 : i32
        "tpu.region"() ({
          %run_scoped3A_638 = tpu.sem_alloc : memref<!tpu.dma_semaphore, #tpu.memory_space<semaphore_mem>>
          %dma_start3A_639 = arith.constant 0 : i32
          %dma_start3A_640 = tpu.memref_slice %arg8[%run_scoped3A_622, %dma_start3A_639] : memref<5x40xi32, #tpu.memory_space<vmem>> -> memref<1x40xi32, #tpu.memory_space<vmem>>
          %dma_start3A_641 = tpu.memref_squeeze %dma_start3A_640 : memref<1x40xi32, #tpu.memory_space<vmem>> -> memref<40xi32, #tpu.memory_space<vmem>>
          %dma_start3A_642 = tpu.memref_slice %arg4[%add3A_620] : memref<320000xi32, #tpu.memory_space<hbm>> -> memref<40xi32, #tpu.memory_space<hbm>>
          %dma_start3A_643 = arith.constant 0 : i32
          %dma_start3A_644 = tpu.memref_slice %arg8[%run_scoped3A_622, %dma_start3A_643] : memref<5x40xi32, #tpu.memory_space<vmem>> -> memref<1x40xi32, #tpu.memory_space<vmem>>
          %dma_start3A_645 = tpu.memref_squeeze %dma_start3A_644 : memref<1x40xi32, #tpu.memory_space<vmem>> -> memref<40xi32, #tpu.memory_space<vmem>>
          %dma_start3A_646 = tpu.memref_slice %arg4[%add3A_620] : memref<320000xi32, #tpu.memory_space<hbm>> -> memref<40xi32, #tpu.memory_space<hbm>>
          tpu.enqueue_dma source(%dma_start3A_646 : memref<40xi32, #tpu.memory_space<hbm>>) target(%dma_start3A_645 : memref<40xi32, #tpu.memory_space<vmem>>) target_semaphore(%run_scoped3A_638 : memref<!tpu.dma_semaphore, #tpu.memory_space<semaphore_mem>>)
          %dma_wait3A_647 = arith.constant 0 : i32
          %dma_wait3A_648 = tpu.memref_slice %arg8[%run_scoped3A_622, %dma_wait3A_647] : memref<5x40xi32, #tpu.memory_space<vmem>> -> memref<1x40xi32, #tpu.memory_space<vmem>>
          %dma_wait3A_649 = tpu.memref_squeeze %dma_wait3A_648 : memref<1x40xi32, #tpu.memory_space<vmem>> -> memref<40xi32, #tpu.memory_space<vmem>>
          %dma_wait3A_650 = tpu.memref_slice %arg4[%add3A_620] : memref<320000xi32, #tpu.memory_space<hbm>> -> memref<40xi32, #tpu.memory_space<hbm>>
          %dma_wait3A_651 = arith.constant 0 : i32
          %dma_wait3A_652 = tpu.memref_slice %arg8[%run_scoped3A_622, %dma_wait3A_651] : memref<5x40xi32, #tpu.memory_space<vmem>> -> memref<1x40xi32, #tpu.memory_space<vmem>>
          %dma_wait3A_653 = tpu.memref_squeeze %dma_wait3A_652 : memref<1x40xi32, #tpu.memory_space<vmem>> -> memref<40xi32, #tpu.memory_space<vmem>>
          %dma_wait3A_654 = tpu.memref_slice %arg4[%add3A_620] : memref<320000xi32, #tpu.memory_space<hbm>> -> memref<40xi32, #tpu.memory_space<hbm>>
          tpu.wait_dma2 semaphore(%run_scoped3A_638 : memref<!tpu.dma_semaphore, #tpu.memory_space<semaphore_mem>>) src(%dma_wait3A_654 : memref<40xi32, #tpu.memory_space<hbm>>) dst(%dma_wait3A_653 : memref<40xi32, #tpu.memory_space<vmem>>)
          tpu.yield
        }) : () -> ()
        %dma_start3A_623 = arith.constant 1 : i32
        %dma_start3A_624 = arith.constant 1 : i32
        %dma_start3A_625 = arith.constant 1 : i32
        %dma_start3A_626 = arith.constant 0 : i32
        %dma_start3A_627 = arith.constant 0 : i32
        %dma_start3A_628 = tpu.memref_slice %arg9[%dma_start3A_624, %dma_start3A_626, %dma_start3A_627] : memref<5x40x128xf32, #tpu.memory_space<vmem>> -> memref<1x40x128xf32, #tpu.memory_space<vmem>>
        %dma_start3A_629 = tpu.memref_squeeze %dma_start3A_628 : memref<1x40x128xf32, #tpu.memory_space<vmem>> -> memref<40x128xf32, #tpu.memory_space<vmem>>
        %dma_start3A_630 = arith.constant 0 : i32
        %dma_start3A_631 = tpu.memref_slice %arg7[%dma_start3A_623, %dma_start3A_630] : memref<5x40xi32, #tpu.memory_space<vmem>> -> memref<1x40xi32, #tpu.memory_space<vmem>>
        %dma_start3A_632 = tpu.memref_squeeze %dma_start3A_631 : memref<1x40xi32, #tpu.memory_space<vmem>> -> memref<40xi32, #tpu.memory_space<vmem>>
        %dma_start3A_633 = arith.constant 0 : i32
        %dma_start3A_634 = arith.constant 0 : i32
        %dma_start3A_635 = tpu.memref_slice %arg2[%dma_start3A_633, %dma_start3A_634] : memref<10240x128xf32, #tpu.memory_space<hbm>> -> memref<10240x128xf32, #tpu.memory_space<hbm>>
        %dma_start3A_636 = tpu.memref_slice %arg12[%dma_start3A_625] : memref<5x!tpu.dma_semaphore, #tpu.memory_space<semaphore_mem>> -> memref<1x!tpu.dma_semaphore, #tpu.memory_space<semaphore_mem>>
        %dma_start3A_637 = tpu.memref_squeeze %dma_start3A_636 : memref<1x!tpu.dma_semaphore, #tpu.memory_space<semaphore_mem>> -> memref<!tpu.dma_semaphore, #tpu.memory_space<semaphore_mem>>
        tpu.enqueue_indirect_dma source(%dma_start3A_635 : memref<10240x128xf32, #tpu.memory_space<hbm>>) target(%dma_start3A_629 : memref<40x128xf32, #tpu.memory_space<vmem>>) offsets(%dma_start3A_632 : memref<40xi32, #tpu.memory_space<vmem>>) semaphore(%dma_start3A_637 : memref<!tpu.dma_semaphore, #tpu.memory_space<semaphore_mem>>)
      } else {
      }
      %mul3A_483 = arith.constant 5 : i32
      %mul3A_484 = arith.muli %scan3A_406, %mul3A_483 : i32
      %add3A_485 = arith.constant 2 : i32
      %add3A_486 = arith.addi %mul3A_484, %add3A_485 : i32
      %dma_wait3A_487 = arith.constant 2 : i32
      %dma_wait3A_488 = arith.constant 2 : i32
      %dma_wait3A_489 = arith.constant 2 : i32
      %dma_wait3A_490 = arith.constant 0 : i32
      %dma_wait3A_491 = arith.constant 0 : i32
      %dma_wait3A_492 = tpu.memref_slice %arg9[%dma_wait3A_488, %dma_wait3A_490, %dma_wait3A_491] : memref<5x40x128xf32, #tpu.memory_space<vmem>> -> memref<1x40x128xf32, #tpu.memory_space<vmem>>
      %dma_wait3A_493 = tpu.memref_squeeze %dma_wait3A_492 : memref<1x40x128xf32, #tpu.memory_space<vmem>> -> memref<40x128xf32, #tpu.memory_space<vmem>>
      %dma_wait3A_494 = arith.constant 0 : i32
      %dma_wait3A_495 = tpu.memref_slice %arg7[%dma_wait3A_487, %dma_wait3A_494] : memref<5x40xi32, #tpu.memory_space<vmem>> -> memref<1x40xi32, #tpu.memory_space<vmem>>
      %dma_wait3A_496 = tpu.memref_squeeze %dma_wait3A_495 : memref<1x40xi32, #tpu.memory_space<vmem>> -> memref<40xi32, #tpu.memory_space<vmem>>
      %dma_wait3A_497 = arith.constant 0 : i32
      %dma_wait3A_498 = arith.constant 0 : i32
      %dma_wait3A_499 = tpu.memref_slice %arg2[%dma_wait3A_497, %dma_wait3A_498] : memref<10240x128xf32, #tpu.memory_space<hbm>> -> memref<10240x128xf32, #tpu.memory_space<hbm>>
      %dma_wait3A_500 = tpu.memref_slice %arg12[%dma_wait3A_489] : memref<5x!tpu.dma_semaphore, #tpu.memory_space<semaphore_mem>> -> memref<1x!tpu.dma_semaphore, #tpu.memory_space<semaphore_mem>>
      %dma_wait3A_501 = tpu.memref_squeeze %dma_wait3A_500 : memref<1x!tpu.dma_semaphore, #tpu.memory_space<semaphore_mem>> -> memref<!tpu.dma_semaphore, #tpu.memory_space<semaphore_mem>>
      tpu.wait_indirect_dma semaphore(%dma_wait3A_501 : memref<!tpu.dma_semaphore, #tpu.memory_space<semaphore_mem>>) src(%dma_wait3A_499 : memref<10240x128xf32, #tpu.memory_space<hbm>>) dst(%dma_wait3A_493 : memref<40x128xf32, #tpu.memory_space<vmem>>)
      %dma_start3A_502 = arith.constant 2 : i32
      %dma_start3A_503 = arith.constant 2 : i32
      %dma_start3A_504 = arith.constant 2 : i32
      %dma_start3A_505 = arith.constant 0 : i32
      %dma_start3A_506 = arith.constant 0 : i32
      %dma_start3A_507 = tpu.memref_slice %arg9[%dma_start3A_502, %dma_start3A_505, %dma_start3A_506] : memref<5x40x128xf32, #tpu.memory_space<vmem>> -> memref<1x40x128xf32, #tpu.memory_space<vmem>>
      %dma_start3A_508 = tpu.memref_squeeze %dma_start3A_507 : memref<1x40x128xf32, #tpu.memory_space<vmem>> -> memref<40x128xf32, #tpu.memory_space<vmem>>
      %dma_start3A_509 = arith.constant 0 : i32
      %dma_start3A_510 = tpu.memref_slice %arg8[%dma_start3A_503, %dma_start3A_509] : memref<5x40xi32, #tpu.memory_space<vmem>> -> memref<1x40xi32, #tpu.memory_space<vmem>>
      %dma_start3A_511 = tpu.memref_squeeze %dma_start3A_510 : memref<1x40xi32, #tpu.memory_space<vmem>> -> memref<40xi32, #tpu.memory_space<vmem>>
      %dma_start3A_512 = arith.constant 0 : i32
      %dma_start3A_513 = arith.constant 0 : i32
      %dma_start3A_514 = tpu.memref_slice %arg11[%dma_start3A_512, %dma_start3A_513] : memref<10240x128xf32, #tpu.memory_space<vmem_shared>> -> memref<10240x128xf32, #tpu.memory_space<vmem_shared>>
      %dma_start3A_515 = tpu.memref_slice %arg13[%dma_start3A_504] : memref<5x!tpu.dma_semaphore, #tpu.memory_space<semaphore_mem>> -> memref<1x!tpu.dma_semaphore, #tpu.memory_space<semaphore_mem>>
      %dma_start3A_516 = tpu.memref_squeeze %dma_start3A_515 : memref<1x!tpu.dma_semaphore, #tpu.memory_space<semaphore_mem>> -> memref<!tpu.dma_semaphore, #tpu.memory_space<semaphore_mem>>
      tpu.enqueue_indirect_dma source(%dma_start3A_508 : memref<40x128xf32, #tpu.memory_space<vmem>>) target(%dma_start3A_514 : memref<10240x128xf32, #tpu.memory_space<vmem_shared>>) offsets(%dma_start3A_511 : memref<40xi32, #tpu.memory_space<vmem>>) semaphore(%dma_start3A_516 : memref<!tpu.dma_semaphore, #tpu.memory_space<semaphore_mem>>) {add = true}
      %lt3A_517 = arith.constant 49 : i32
      %lt3A_518 = arith.cmpi slt, %scan3A_406, %lt3A_517 : i32
      %convert_element_type3A_519 = arith.extui %lt3A_518 : i1 to i32
      %cond3A_520 = arith.constant 0 : i32
      %cond3A_521 = arith.cmpi ne, %convert_element_type3A_519, %cond3A_520 : i32
      scf.if %cond3A_521 {
        %dma_wait3A_601 = arith.constant 2 : i32
        %dma_wait3A_602 = arith.constant 2 : i32
        %dma_wait3A_603 = arith.constant 2 : i32
        %dma_wait3A_604 = arith.constant 0 : i32
        %dma_wait3A_605 = arith.constant 0 : i32
        %dma_wait3A_606 = tpu.memref_slice %arg9[%dma_wait3A_601, %dma_wait3A_604, %dma_wait3A_605] : memref<5x40x128xf32, #tpu.memory_space<vmem>> -> memref<1x40x128xf32, #tpu.memory_space<vmem>>
        %dma_wait3A_607 = tpu.memref_squeeze %dma_wait3A_606 : memref<1x40x128xf32, #tpu.memory_space<vmem>> -> memref<40x128xf32, #tpu.memory_space<vmem>>
        %dma_wait3A_608 = arith.constant 0 : i32
        %dma_wait3A_609 = tpu.memref_slice %arg8[%dma_wait3A_602, %dma_wait3A_608] : memref<5x40xi32, #tpu.memory_space<vmem>> -> memref<1x40xi32, #tpu.memory_space<vmem>>
        %dma_wait3A_610 = tpu.memref_squeeze %dma_wait3A_609 : memref<1x40xi32, #tpu.memory_space<vmem>> -> memref<40xi32, #tpu.memory_space<vmem>>
        %dma_wait3A_611 = arith.constant 0 : i32
        %dma_wait3A_612 = arith.constant 0 : i32
        %dma_wait3A_613 = tpu.memref_slice %arg11[%dma_wait3A_611, %dma_wait3A_612] : memref<10240x128xf32, #tpu.memory_space<vmem_shared>> -> memref<10240x128xf32, #tpu.memory_space<vmem_shared>>
        %dma_wait3A_614 = tpu.memref_slice %arg13[%dma_wait3A_603] : memref<5x!tpu.dma_semaphore, #tpu.memory_space<semaphore_mem>> -> memref<1x!tpu.dma_semaphore, #tpu.memory_space<semaphore_mem>>
        %dma_wait3A_615 = tpu.memref_squeeze %dma_wait3A_614 : memref<1x!tpu.dma_semaphore, #tpu.memory_space<semaphore_mem>> -> memref<!tpu.dma_semaphore, #tpu.memory_space<semaphore_mem>>
        tpu.wait_indirect_dma semaphore(%dma_wait3A_615 : memref<!tpu.dma_semaphore, #tpu.memory_space<semaphore_mem>>) src(%dma_wait3A_607 : memref<40x128xf32, #tpu.memory_space<vmem>>) dst(%dma_wait3A_613 : memref<10240x128xf32, #tpu.memory_space<vmem_shared>>)
        %add3A_616 = arith.constant 5 : i32
        %add3A_617 = arith.addi %add3A_486, %add3A_616 : i32
        %mul3A_618 = arith.constant 40 : i32
        %mul3A_619 = arith.muli %add3A_617, %mul3A_618 : i32
        %add3A_620 = arith.addi %mul3A_2, %mul3A_619 : i32
        %run_scoped3A_621 = arith.constant 2 : i32
        "tpu.region"() ({
          %run_scoped3A_638 = tpu.sem_alloc : memref<!tpu.dma_semaphore, #tpu.memory_space<semaphore_mem>>
          %dma_start3A_639 = arith.constant 0 : i32
          %dma_start3A_640 = tpu.memref_slice %arg7[%run_scoped3A_621, %dma_start3A_639] : memref<5x40xi32, #tpu.memory_space<vmem>> -> memref<1x40xi32, #tpu.memory_space<vmem>>
          %dma_start3A_641 = tpu.memref_squeeze %dma_start3A_640 : memref<1x40xi32, #tpu.memory_space<vmem>> -> memref<40xi32, #tpu.memory_space<vmem>>
          %dma_start3A_642 = tpu.memref_slice %arg3[%add3A_620] : memref<320000xi32, #tpu.memory_space<hbm>> -> memref<40xi32, #tpu.memory_space<hbm>>
          %dma_start3A_643 = arith.constant 0 : i32
          %dma_start3A_644 = tpu.memref_slice %arg7[%run_scoped3A_621, %dma_start3A_643] : memref<5x40xi32, #tpu.memory_space<vmem>> -> memref<1x40xi32, #tpu.memory_space<vmem>>
          %dma_start3A_645 = tpu.memref_squeeze %dma_start3A_644 : memref<1x40xi32, #tpu.memory_space<vmem>> -> memref<40xi32, #tpu.memory_space<vmem>>
          %dma_start3A_646 = tpu.memref_slice %arg3[%add3A_620] : memref<320000xi32, #tpu.memory_space<hbm>> -> memref<40xi32, #tpu.memory_space<hbm>>
          tpu.enqueue_dma source(%dma_start3A_646 : memref<40xi32, #tpu.memory_space<hbm>>) target(%dma_start3A_645 : memref<40xi32, #tpu.memory_space<vmem>>) target_semaphore(%run_scoped3A_638 : memref<!tpu.dma_semaphore, #tpu.memory_space<semaphore_mem>>)
          %dma_wait3A_647 = arith.constant 0 : i32
          %dma_wait3A_648 = tpu.memref_slice %arg7[%run_scoped3A_621, %dma_wait3A_647] : memref<5x40xi32, #tpu.memory_space<vmem>> -> memref<1x40xi32, #tpu.memory_space<vmem>>
          %dma_wait3A_649 = tpu.memref_squeeze %dma_wait3A_648 : memref<1x40xi32, #tpu.memory_space<vmem>> -> memref<40xi32, #tpu.memory_space<vmem>>
          %dma_wait3A_650 = tpu.memref_slice %arg3[%add3A_620] : memref<320000xi32, #tpu.memory_space<hbm>> -> memref<40xi32, #tpu.memory_space<hbm>>
          %dma_wait3A_651 = arith.constant 0 : i32
          %dma_wait3A_652 = tpu.memref_slice %arg7[%run_scoped3A_621, %dma_wait3A_651] : memref<5x40xi32, #tpu.memory_space<vmem>> -> memref<1x40xi32, #tpu.memory_space<vmem>>
          %dma_wait3A_653 = tpu.memref_squeeze %dma_wait3A_652 : memref<1x40xi32, #tpu.memory_space<vmem>> -> memref<40xi32, #tpu.memory_space<vmem>>
          %dma_wait3A_654 = tpu.memref_slice %arg3[%add3A_620] : memref<320000xi32, #tpu.memory_space<hbm>> -> memref<40xi32, #tpu.memory_space<hbm>>
          tpu.wait_dma2 semaphore(%run_scoped3A_638 : memref<!tpu.dma_semaphore, #tpu.memory_space<semaphore_mem>>) src(%dma_wait3A_654 : memref<40xi32, #tpu.memory_space<hbm>>) dst(%dma_wait3A_653 : memref<40xi32, #tpu.memory_space<vmem>>)
          tpu.yield
        }) : () -> ()
        %run_scoped3A_622 = arith.constant 2 : i32
        "tpu.region"() ({
          %run_scoped3A_638 = tpu.sem_alloc : memref<!tpu.dma_semaphore, #tpu.memory_space<semaphore_mem>>
          %dma_start3A_639 = arith.constant 0 : i32
          %dma_start3A_640 = tpu.memref_slice %arg8[%run_scoped3A_622, %dma_start3A_639] : memref<5x40xi32, #tpu.memory_space<vmem>> -> memref<1x40xi32, #tpu.memory_space<vmem>>
          %dma_start3A_641 = tpu.memref_squeeze %dma_start3A_640 : memref<1x40xi32, #tpu.memory_space<vmem>> -> memref<40xi32, #tpu.memory_space<vmem>>
          %dma_start3A_642 = tpu.memref_slice %arg4[%add3A_620] : memref<320000xi32, #tpu.memory_space<hbm>> -> memref<40xi32, #tpu.memory_space<hbm>>
          %dma_start3A_643 = arith.constant 0 : i32
          %dma_start3A_644 = tpu.memref_slice %arg8[%run_scoped3A_622, %dma_start3A_643] : memref<5x40xi32, #tpu.memory_space<vmem>> -> memref<1x40xi32, #tpu.memory_space<vmem>>
          %dma_start3A_645 = tpu.memref_squeeze %dma_start3A_644 : memref<1x40xi32, #tpu.memory_space<vmem>> -> memref<40xi32, #tpu.memory_space<vmem>>
          %dma_start3A_646 = tpu.memref_slice %arg4[%add3A_620] : memref<320000xi32, #tpu.memory_space<hbm>> -> memref<40xi32, #tpu.memory_space<hbm>>
          tpu.enqueue_dma source(%dma_start3A_646 : memref<40xi32, #tpu.memory_space<hbm>>) target(%dma_start3A_645 : memref<40xi32, #tpu.memory_space<vmem>>) target_semaphore(%run_scoped3A_638 : memref<!tpu.dma_semaphore, #tpu.memory_space<semaphore_mem>>)
          %dma_wait3A_647 = arith.constant 0 : i32
          %dma_wait3A_648 = tpu.memref_slice %arg8[%run_scoped3A_622, %dma_wait3A_647] : memref<5x40xi32, #tpu.memory_space<vmem>> -> memref<1x40xi32, #tpu.memory_space<vmem>>
          %dma_wait3A_649 = tpu.memref_squeeze %dma_wait3A_648 : memref<1x40xi32, #tpu.memory_space<vmem>> -> memref<40xi32, #tpu.memory_space<vmem>>
          %dma_wait3A_650 = tpu.memref_slice %arg4[%add3A_620] : memref<320000xi32, #tpu.memory_space<hbm>> -> memref<40xi32, #tpu.memory_space<hbm>>
          %dma_wait3A_651 = arith.constant 0 : i32
          %dma_wait3A_652 = tpu.memref_slice %arg8[%run_scoped3A_622, %dma_wait3A_651] : memref<5x40xi32, #tpu.memory_space<vmem>> -> memref<1x40xi32, #tpu.memory_space<vmem>>
          %dma_wait3A_653 = tpu.memref_squeeze %dma_wait3A_652 : memref<1x40xi32, #tpu.memory_space<vmem>> -> memref<40xi32, #tpu.memory_space<vmem>>
          %dma_wait3A_654 = tpu.memref_slice %arg4[%add3A_620] : memref<320000xi32, #tpu.memory_space<hbm>> -> memref<40xi32, #tpu.memory_space<hbm>>
          tpu.wait_dma2 semaphore(%run_scoped3A_638 : memref<!tpu.dma_semaphore, #tpu.memory_space<semaphore_mem>>) src(%dma_wait3A_654 : memref<40xi32, #tpu.memory_space<hbm>>) dst(%dma_wait3A_653 : memref<40xi32, #tpu.memory_space<vmem>>)
          tpu.yield
        }) : () -> ()
        %dma_start3A_623 = arith.constant 2 : i32
        %dma_start3A_624 = arith.constant 2 : i32
        %dma_start3A_625 = arith.constant 2 : i32
        %dma_start3A_626 = arith.constant 0 : i32
        %dma_start3A_627 = arith.constant 0 : i32
        %dma_start3A_628 = tpu.memref_slice %arg9[%dma_start3A_624, %dma_start3A_626, %dma_start3A_627] : memref<5x40x128xf32, #tpu.memory_space<vmem>> -> memref<1x40x128xf32, #tpu.memory_space<vmem>>
        %dma_start3A_629 = tpu.memref_squeeze %dma_start3A_628 : memref<1x40x128xf32, #tpu.memory_space<vmem>> -> memref<40x128xf32, #tpu.memory_space<vmem>>
        %dma_start3A_630 = arith.constant 0 : i32
        %dma_start3A_631 = tpu.memref_slice %arg7[%dma_start3A_623, %dma_start3A_630] : memref<5x40xi32, #tpu.memory_space<vmem>> -> memref<1x40xi32, #tpu.memory_space<vmem>>
        %dma_start3A_632 = tpu.memref_squeeze %dma_start3A_631 : memref<1x40xi32, #tpu.memory_space<vmem>> -> memref<40xi32, #tpu.memory_space<vmem>>
        %dma_start3A_633 = arith.constant 0 : i32
        %dma_start3A_634 = arith.constant 0 : i32
        %dma_start3A_635 = tpu.memref_slice %arg2[%dma_start3A_633, %dma_start3A_634] : memref<10240x128xf32, #tpu.memory_space<hbm>> -> memref<10240x128xf32, #tpu.memory_space<hbm>>
        %dma_start3A_636 = tpu.memref_slice %arg12[%dma_start3A_625] : memref<5x!tpu.dma_semaphore, #tpu.memory_space<semaphore_mem>> -> memref<1x!tpu.dma_semaphore, #tpu.memory_space<semaphore_mem>>
        %dma_start3A_637 = tpu.memref_squeeze %dma_start3A_636 : memref<1x!tpu.dma_semaphore, #tpu.memory_space<semaphore_mem>> -> memref<!tpu.dma_semaphore, #tpu.memory_space<semaphore_mem>>
        tpu.enqueue_indirect_dma source(%dma_start3A_635 : memref<10240x128xf32, #tpu.memory_space<hbm>>) target(%dma_start3A_629 : memref<40x128xf32, #tpu.memory_space<vmem>>) offsets(%dma_start3A_632 : memref<40xi32, #tpu.memory_space<vmem>>) semaphore(%dma_start3A_637 : memref<!tpu.dma_semaphore, #tpu.memory_space<semaphore_mem>>)
      } else {
      }
      %mul3A_522 = arith.constant 5 : i32
      %mul3A_523 = arith.muli %scan3A_406, %mul3A_522 : i32
      %add3A_524 = arith.constant 3 : i32
      %add3A_525 = arith.addi %mul3A_523, %add3A_524 : i32
      %dma_wait3A_526 = arith.constant 3 : i32
      %dma_wait3A_527 = arith.constant 3 : i32
      %dma_wait3A_528 = arith.constant 3 : i32
      %dma_wait3A_529 = arith.constant 0 : i32
      %dma_wait3A_530 = arith.constant 0 : i32
      %dma_wait3A_531 = tpu.memref_slice %arg9[%dma_wait3A_527, %dma_wait3A_529, %dma_wait3A_530] : memref<5x40x128xf32, #tpu.memory_space<vmem>> -> memref<1x40x128xf32, #tpu.memory_space<vmem>>
      %dma_wait3A_532 = tpu.memref_squeeze %dma_wait3A_531 : memref<1x40x128xf32, #tpu.memory_space<vmem>> -> memref<40x128xf32, #tpu.memory_space<vmem>>
      %dma_wait3A_533 = arith.constant 0 : i32
      %dma_wait3A_534 = tpu.memref_slice %arg7[%dma_wait3A_526, %dma_wait3A_533] : memref<5x40xi32, #tpu.memory_space<vmem>> -> memref<1x40xi32, #tpu.memory_space<vmem>>
      %dma_wait3A_535 = tpu.memref_squeeze %dma_wait3A_534 : memref<1x40xi32, #tpu.memory_space<vmem>> -> memref<40xi32, #tpu.memory_space<vmem>>
      %dma_wait3A_536 = arith.constant 0 : i32
      %dma_wait3A_537 = arith.constant 0 : i32
      %dma_wait3A_538 = tpu.memref_slice %arg2[%dma_wait3A_536, %dma_wait3A_537] : memref<10240x128xf32, #tpu.memory_space<hbm>> -> memref<10240x128xf32, #tpu.memory_space<hbm>>
      %dma_wait3A_539 = tpu.memref_slice %arg12[%dma_wait3A_528] : memref<5x!tpu.dma_semaphore, #tpu.memory_space<semaphore_mem>> -> memref<1x!tpu.dma_semaphore, #tpu.memory_space<semaphore_mem>>
      %dma_wait3A_540 = tpu.memref_squeeze %dma_wait3A_539 : memref<1x!tpu.dma_semaphore, #tpu.memory_space<semaphore_mem>> -> memref<!tpu.dma_semaphore, #tpu.memory_space<semaphore_mem>>
      tpu.wait_indirect_dma semaphore(%dma_wait3A_540 : memref<!tpu.dma_semaphore, #tpu.memory_space<semaphore_mem>>) src(%dma_wait3A_538 : memref<10240x128xf32, #tpu.memory_space<hbm>>) dst(%dma_wait3A_532 : memref<40x128xf32, #tpu.memory_space<vmem>>)
      %dma_start3A_541 = arith.constant 3 : i32
      %dma_start3A_542 = arith.constant 3 : i32
      %dma_start3A_543 = arith.constant 3 : i32
      %dma_start3A_544 = arith.constant 0 : i32
      %dma_start3A_545 = arith.constant 0 : i32
      %dma_start3A_546 = tpu.memref_slice %arg9[%dma_start3A_541, %dma_start3A_544, %dma_start3A_545] : memref<5x40x128xf32, #tpu.memory_space<vmem>> -> memref<1x40x128xf32, #tpu.memory_space<vmem>>
      %dma_start3A_547 = tpu.memref_squeeze %dma_start3A_546 : memref<1x40x128xf32, #tpu.memory_space<vmem>> -> memref<40x128xf32, #tpu.memory_space<vmem>>
      %dma_start3A_548 = arith.constant 0 : i32
      %dma_start3A_549 = tpu.memref_slice %arg8[%dma_start3A_542, %dma_start3A_548] : memref<5x40xi32, #tpu.memory_space<vmem>> -> memref<1x40xi32, #tpu.memory_space<vmem>>
      %dma_start3A_550 = tpu.memref_squeeze %dma_start3A_549 : memref<1x40xi32, #tpu.memory_space<vmem>> -> memref<40xi32, #tpu.memory_space<vmem>>
      %dma_start3A_551 = arith.constant 0 : i32
      %dma_start3A_552 = arith.constant 0 : i32
      %dma_start3A_553 = tpu.memref_slice %arg11[%dma_start3A_551, %dma_start3A_552] : memref<10240x128xf32, #tpu.memory_space<vmem_shared>> -> memref<10240x128xf32, #tpu.memory_space<vmem_shared>>
      %dma_start3A_554 = tpu.memref_slice %arg13[%dma_start3A_543] : memref<5x!tpu.dma_semaphore, #tpu.memory_space<semaphore_mem>> -> memref<1x!tpu.dma_semaphore, #tpu.memory_space<semaphore_mem>>
      %dma_start3A_555 = tpu.memref_squeeze %dma_start3A_554 : memref<1x!tpu.dma_semaphore, #tpu.memory_space<semaphore_mem>> -> memref<!tpu.dma_semaphore, #tpu.memory_space<semaphore_mem>>
      tpu.enqueue_indirect_dma source(%dma_start3A_547 : memref<40x128xf32, #tpu.memory_space<vmem>>) target(%dma_start3A_553 : memref<10240x128xf32, #tpu.memory_space<vmem_shared>>) offsets(%dma_start3A_550 : memref<40xi32, #tpu.memory_space<vmem>>) semaphore(%dma_start3A_555 : memref<!tpu.dma_semaphore, #tpu.memory_space<semaphore_mem>>) {add = true}
      %lt3A_556 = arith.constant 49 : i32
      %lt3A_557 = arith.cmpi slt, %scan3A_406, %lt3A_556 : i32
      %convert_element_type3A_558 = arith.extui %lt3A_557 : i1 to i32
      %cond3A_559 = arith.constant 0 : i32
      %cond3A_560 = arith.cmpi ne, %convert_element_type3A_558, %cond3A_559 : i32
      scf.if %cond3A_560 {
        %dma_wait3A_601 = arith.constant 3 : i32
        %dma_wait3A_602 = arith.constant 3 : i32
        %dma_wait3A_603 = arith.constant 3 : i32
        %dma_wait3A_604 = arith.constant 0 : i32
        %dma_wait3A_605 = arith.constant 0 : i32
        %dma_wait3A_606 = tpu.memref_slice %arg9[%dma_wait3A_601, %dma_wait3A_604, %dma_wait3A_605] : memref<5x40x128xf32, #tpu.memory_space<vmem>> -> memref<1x40x128xf32, #tpu.memory_space<vmem>>
        %dma_wait3A_607 = tpu.memref_squeeze %dma_wait3A_606 : memref<1x40x128xf32, #tpu.memory_space<vmem>> -> memref<40x128xf32, #tpu.memory_space<vmem>>
        %dma_wait3A_608 = arith.constant 0 : i32
        %dma_wait3A_609 = tpu.memref_slice %arg8[%dma_wait3A_602, %dma_wait3A_608] : memref<5x40xi32, #tpu.memory_space<vmem>> -> memref<1x40xi32, #tpu.memory_space<vmem>>
        %dma_wait3A_610 = tpu.memref_squeeze %dma_wait3A_609 : memref<1x40xi32, #tpu.memory_space<vmem>> -> memref<40xi32, #tpu.memory_space<vmem>>
        %dma_wait3A_611 = arith.constant 0 : i32
        %dma_wait3A_612 = arith.constant 0 : i32
        %dma_wait3A_613 = tpu.memref_slice %arg11[%dma_wait3A_611, %dma_wait3A_612] : memref<10240x128xf32, #tpu.memory_space<vmem_shared>> -> memref<10240x128xf32, #tpu.memory_space<vmem_shared>>
        %dma_wait3A_614 = tpu.memref_slice %arg13[%dma_wait3A_603] : memref<5x!tpu.dma_semaphore, #tpu.memory_space<semaphore_mem>> -> memref<1x!tpu.dma_semaphore, #tpu.memory_space<semaphore_mem>>
        %dma_wait3A_615 = tpu.memref_squeeze %dma_wait3A_614 : memref<1x!tpu.dma_semaphore, #tpu.memory_space<semaphore_mem>> -> memref<!tpu.dma_semaphore, #tpu.memory_space<semaphore_mem>>
        tpu.wait_indirect_dma semaphore(%dma_wait3A_615 : memref<!tpu.dma_semaphore, #tpu.memory_space<semaphore_mem>>) src(%dma_wait3A_607 : memref<40x128xf32, #tpu.memory_space<vmem>>) dst(%dma_wait3A_613 : memref<10240x128xf32, #tpu.memory_space<vmem_shared>>)
        %add3A_616 = arith.constant 5 : i32
        %add3A_617 = arith.addi %add3A_525, %add3A_616 : i32
        %mul3A_618 = arith.constant 40 : i32
        %mul3A_619 = arith.muli %add3A_617, %mul3A_618 : i32
        %add3A_620 = arith.addi %mul3A_2, %mul3A_619 : i32
        %run_scoped3A_621 = arith.constant 3 : i32
        "tpu.region"() ({
          %run_scoped3A_638 = tpu.sem_alloc : memref<!tpu.dma_semaphore, #tpu.memory_space<semaphore_mem>>
          %dma_start3A_639 = arith.constant 0 : i32
          %dma_start3A_640 = tpu.memref_slice %arg7[%run_scoped3A_621, %dma_start3A_639] : memref<5x40xi32, #tpu.memory_space<vmem>> -> memref<1x40xi32, #tpu.memory_space<vmem>>
          %dma_start3A_641 = tpu.memref_squeeze %dma_start3A_640 : memref<1x40xi32, #tpu.memory_space<vmem>> -> memref<40xi32, #tpu.memory_space<vmem>>
          %dma_start3A_642 = tpu.memref_slice %arg3[%add3A_620] : memref<320000xi32, #tpu.memory_space<hbm>> -> memref<40xi32, #tpu.memory_space<hbm>>
          %dma_start3A_643 = arith.constant 0 : i32
          %dma_start3A_644 = tpu.memref_slice %arg7[%run_scoped3A_621, %dma_start3A_643] : memref<5x40xi32, #tpu.memory_space<vmem>> -> memref<1x40xi32, #tpu.memory_space<vmem>>
          %dma_start3A_645 = tpu.memref_squeeze %dma_start3A_644 : memref<1x40xi32, #tpu.memory_space<vmem>> -> memref<40xi32, #tpu.memory_space<vmem>>
          %dma_start3A_646 = tpu.memref_slice %arg3[%add3A_620] : memref<320000xi32, #tpu.memory_space<hbm>> -> memref<40xi32, #tpu.memory_space<hbm>>
          tpu.enqueue_dma source(%dma_start3A_646 : memref<40xi32, #tpu.memory_space<hbm>>) target(%dma_start3A_645 : memref<40xi32, #tpu.memory_space<vmem>>) target_semaphore(%run_scoped3A_638 : memref<!tpu.dma_semaphore, #tpu.memory_space<semaphore_mem>>)
          %dma_wait3A_647 = arith.constant 0 : i32
          %dma_wait3A_648 = tpu.memref_slice %arg7[%run_scoped3A_621, %dma_wait3A_647] : memref<5x40xi32, #tpu.memory_space<vmem>> -> memref<1x40xi32, #tpu.memory_space<vmem>>
          %dma_wait3A_649 = tpu.memref_squeeze %dma_wait3A_648 : memref<1x40xi32, #tpu.memory_space<vmem>> -> memref<40xi32, #tpu.memory_space<vmem>>
          %dma_wait3A_650 = tpu.memref_slice %arg3[%add3A_620] : memref<320000xi32, #tpu.memory_space<hbm>> -> memref<40xi32, #tpu.memory_space<hbm>>
          %dma_wait3A_651 = arith.constant 0 : i32
          %dma_wait3A_652 = tpu.memref_slice %arg7[%run_scoped3A_621, %dma_wait3A_651] : memref<5x40xi32, #tpu.memory_space<vmem>> -> memref<1x40xi32, #tpu.memory_space<vmem>>
          %dma_wait3A_653 = tpu.memref_squeeze %dma_wait3A_652 : memref<1x40xi32, #tpu.memory_space<vmem>> -> memref<40xi32, #tpu.memory_space<vmem>>
          %dma_wait3A_654 = tpu.memref_slice %arg3[%add3A_620] : memref<320000xi32, #tpu.memory_space<hbm>> -> memref<40xi32, #tpu.memory_space<hbm>>
          tpu.wait_dma2 semaphore(%run_scoped3A_638 : memref<!tpu.dma_semaphore, #tpu.memory_space<semaphore_mem>>) src(%dma_wait3A_654 : memref<40xi32, #tpu.memory_space<hbm>>) dst(%dma_wait3A_653 : memref<40xi32, #tpu.memory_space<vmem>>)
          tpu.yield
        }) : () -> ()
        %run_scoped3A_622 = arith.constant 3 : i32
        "tpu.region"() ({
          %run_scoped3A_638 = tpu.sem_alloc : memref<!tpu.dma_semaphore, #tpu.memory_space<semaphore_mem>>
          %dma_start3A_639 = arith.constant 0 : i32
          %dma_start3A_640 = tpu.memref_slice %arg8[%run_scoped3A_622, %dma_start3A_639] : memref<5x40xi32, #tpu.memory_space<vmem>> -> memref<1x40xi32, #tpu.memory_space<vmem>>
          %dma_start3A_641 = tpu.memref_squeeze %dma_start3A_640 : memref<1x40xi32, #tpu.memory_space<vmem>> -> memref<40xi32, #tpu.memory_space<vmem>>
          %dma_start3A_642 = tpu.memref_slice %arg4[%add3A_620] : memref<320000xi32, #tpu.memory_space<hbm>> -> memref<40xi32, #tpu.memory_space<hbm>>
          %dma_start3A_643 = arith.constant 0 : i32
          %dma_start3A_644 = tpu.memref_slice %arg8[%run_scoped3A_622, %dma_start3A_643] : memref<5x40xi32, #tpu.memory_space<vmem>> -> memref<1x40xi32, #tpu.memory_space<vmem>>
          %dma_start3A_645 = tpu.memref_squeeze %dma_start3A_644 : memref<1x40xi32, #tpu.memory_space<vmem>> -> memref<40xi32, #tpu.memory_space<vmem>>
          %dma_start3A_646 = tpu.memref_slice %arg4[%add3A_620] : memref<320000xi32, #tpu.memory_space<hbm>> -> memref<40xi32, #tpu.memory_space<hbm>>
          tpu.enqueue_dma source(%dma_start3A_646 : memref<40xi32, #tpu.memory_space<hbm>>) target(%dma_start3A_645 : memref<40xi32, #tpu.memory_space<vmem>>) target_semaphore(%run_scoped3A_638 : memref<!tpu.dma_semaphore, #tpu.memory_space<semaphore_mem>>)
          %dma_wait3A_647 = arith.constant 0 : i32
          %dma_wait3A_648 = tpu.memref_slice %arg8[%run_scoped3A_622, %dma_wait3A_647] : memref<5x40xi32, #tpu.memory_space<vmem>> -> memref<1x40xi32, #tpu.memory_space<vmem>>
          %dma_wait3A_649 = tpu.memref_squeeze %dma_wait3A_648 : memref<1x40xi32, #tpu.memory_space<vmem>> -> memref<40xi32, #tpu.memory_space<vmem>>
          %dma_wait3A_650 = tpu.memref_slice %arg4[%add3A_620] : memref<320000xi32, #tpu.memory_space<hbm>> -> memref<40xi32, #tpu.memory_space<hbm>>
          %dma_wait3A_651 = arith.constant 0 : i32
          %dma_wait3A_652 = tpu.memref_slice %arg8[%run_scoped3A_622, %dma_wait3A_651] : memref<5x40xi32, #tpu.memory_space<vmem>> -> memref<1x40xi32, #tpu.memory_space<vmem>>
          %dma_wait3A_653 = tpu.memref_squeeze %dma_wait3A_652 : memref<1x40xi32, #tpu.memory_space<vmem>> -> memref<40xi32, #tpu.memory_space<vmem>>
          %dma_wait3A_654 = tpu.memref_slice %arg4[%add3A_620] : memref<320000xi32, #tpu.memory_space<hbm>> -> memref<40xi32, #tpu.memory_space<hbm>>
          tpu.wait_dma2 semaphore(%run_scoped3A_638 : memref<!tpu.dma_semaphore, #tpu.memory_space<semaphore_mem>>) src(%dma_wait3A_654 : memref<40xi32, #tpu.memory_space<hbm>>) dst(%dma_wait3A_653 : memref<40xi32, #tpu.memory_space<vmem>>)
          tpu.yield
        }) : () -> ()
        %dma_start3A_623 = arith.constant 3 : i32
        %dma_start3A_624 = arith.constant 3 : i32
        %dma_start3A_625 = arith.constant 3 : i32
        %dma_start3A_626 = arith.constant 0 : i32
        %dma_start3A_627 = arith.constant 0 : i32
        %dma_start3A_628 = tpu.memref_slice %arg9[%dma_start3A_624, %dma_start3A_626, %dma_start3A_627] : memref<5x40x128xf32, #tpu.memory_space<vmem>> -> memref<1x40x128xf32, #tpu.memory_space<vmem>>
        %dma_start3A_629 = tpu.memref_squeeze %dma_start3A_628 : memref<1x40x128xf32, #tpu.memory_space<vmem>> -> memref<40x128xf32, #tpu.memory_space<vmem>>
        %dma_start3A_630 = arith.constant 0 : i32
        %dma_start3A_631 = tpu.memref_slice %arg7[%dma_start3A_623, %dma_start3A_630] : memref<5x40xi32, #tpu.memory_space<vmem>> -> memref<1x40xi32, #tpu.memory_space<vmem>>
        %dma_start3A_632 = tpu.memref_squeeze %dma_start3A_631 : memref<1x40xi32, #tpu.memory_space<vmem>> -> memref<40xi32, #tpu.memory_space<vmem>>
        %dma_start3A_633 = arith.constant 0 : i32
        %dma_start3A_634 = arith.constant 0 : i32
        %dma_start3A_635 = tpu.memref_slice %arg2[%dma_start3A_633, %dma_start3A_634] : memref<10240x128xf32, #tpu.memory_space<hbm>> -> memref<10240x128xf32, #tpu.memory_space<hbm>>
        %dma_start3A_636 = tpu.memref_slice %arg12[%dma_start3A_625] : memref<5x!tpu.dma_semaphore, #tpu.memory_space<semaphore_mem>> -> memref<1x!tpu.dma_semaphore, #tpu.memory_space<semaphore_mem>>
        %dma_start3A_637 = tpu.memref_squeeze %dma_start3A_636 : memref<1x!tpu.dma_semaphore, #tpu.memory_space<semaphore_mem>> -> memref<!tpu.dma_semaphore, #tpu.memory_space<semaphore_mem>>
        tpu.enqueue_indirect_dma source(%dma_start3A_635 : memref<10240x128xf32, #tpu.memory_space<hbm>>) target(%dma_start3A_629 : memref<40x128xf32, #tpu.memory_space<vmem>>) offsets(%dma_start3A_632 : memref<40xi32, #tpu.memory_space<vmem>>) semaphore(%dma_start3A_637 : memref<!tpu.dma_semaphore, #tpu.memory_space<semaphore_mem>>)
      } else {
      }
      %mul3A_561 = arith.constant 5 : i32
      %mul3A_562 = arith.muli %scan3A_406, %mul3A_561 : i32
      %add3A_563 = arith.constant 4 : i32
      %add3A_564 = arith.addi %mul3A_562, %add3A_563 : i32
      %dma_wait3A_565 = arith.constant 4 : i32
      %dma_wait3A_566 = arith.constant 4 : i32
      %dma_wait3A_567 = arith.constant 4 : i32
      %dma_wait3A_568 = arith.constant 0 : i32
      %dma_wait3A_569 = arith.constant 0 : i32
      %dma_wait3A_570 = tpu.memref_slice %arg9[%dma_wait3A_566, %dma_wait3A_568, %dma_wait3A_569] : memref<5x40x128xf32, #tpu.memory_space<vmem>> -> memref<1x40x128xf32, #tpu.memory_space<vmem>>
      %dma_wait3A_571 = tpu.memref_squeeze %dma_wait3A_570 : memref<1x40x128xf32, #tpu.memory_space<vmem>> -> memref<40x128xf32, #tpu.memory_space<vmem>>
      %dma_wait3A_572 = arith.constant 0 : i32
      %dma_wait3A_573 = tpu.memref_slice %arg7[%dma_wait3A_565, %dma_wait3A_572] : memref<5x40xi32, #tpu.memory_space<vmem>> -> memref<1x40xi32, #tpu.memory_space<vmem>>
      %dma_wait3A_574 = tpu.memref_squeeze %dma_wait3A_573 : memref<1x40xi32, #tpu.memory_space<vmem>> -> memref<40xi32, #tpu.memory_space<vmem>>
      %dma_wait3A_575 = arith.constant 0 : i32
      %dma_wait3A_576 = arith.constant 0 : i32
      %dma_wait3A_577 = tpu.memref_slice %arg2[%dma_wait3A_575, %dma_wait3A_576] : memref<10240x128xf32, #tpu.memory_space<hbm>> -> memref<10240x128xf32, #tpu.memory_space<hbm>>
      %dma_wait3A_578 = tpu.memref_slice %arg12[%dma_wait3A_567] : memref<5x!tpu.dma_semaphore, #tpu.memory_space<semaphore_mem>> -> memref<1x!tpu.dma_semaphore, #tpu.memory_space<semaphore_mem>>
      %dma_wait3A_579 = tpu.memref_squeeze %dma_wait3A_578 : memref<1x!tpu.dma_semaphore, #tpu.memory_space<semaphore_mem>> -> memref<!tpu.dma_semaphore, #tpu.memory_space<semaphore_mem>>
      tpu.wait_indirect_dma semaphore(%dma_wait3A_579 : memref<!tpu.dma_semaphore, #tpu.memory_space<semaphore_mem>>) src(%dma_wait3A_577 : memref<10240x128xf32, #tpu.memory_space<hbm>>) dst(%dma_wait3A_571 : memref<40x128xf32, #tpu.memory_space<vmem>>)
      %dma_start3A_580 = arith.constant 4 : i32
      %dma_start3A_581 = arith.constant 4 : i32
      %dma_start3A_582 = arith.constant 4 : i32
      %dma_start3A_583 = arith.constant 0 : i32
      %dma_start3A_584 = arith.constant 0 : i32
      %dma_start3A_585 = tpu.memref_slice %arg9[%dma_start3A_580, %dma_start3A_583, %dma_start3A_584] : memref<5x40x128xf32, #tpu.memory_space<vmem>> -> memref<1x40x128xf32, #tpu.memory_space<vmem>>
      %dma_start3A_586 = tpu.memref_squeeze %dma_start3A_585 : memref<1x40x128xf32, #tpu.memory_space<vmem>> -> memref<40x128xf32, #tpu.memory_space<vmem>>
      %dma_start3A_587 = arith.constant 0 : i32
      %dma_start3A_588 = tpu.memref_slice %arg8[%dma_start3A_581, %dma_start3A_587] : memref<5x40xi32, #tpu.memory_space<vmem>> -> memref<1x40xi32, #tpu.memory_space<vmem>>
      %dma_start3A_589 = tpu.memref_squeeze %dma_start3A_588 : memref<1x40xi32, #tpu.memory_space<vmem>> -> memref<40xi32, #tpu.memory_space<vmem>>
      %dma_start3A_590 = arith.constant 0 : i32
      %dma_start3A_591 = arith.constant 0 : i32
      %dma_start3A_592 = tpu.memref_slice %arg11[%dma_start3A_590, %dma_start3A_591] : memref<10240x128xf32, #tpu.memory_space<vmem_shared>> -> memref<10240x128xf32, #tpu.memory_space<vmem_shared>>
      %dma_start3A_593 = tpu.memref_slice %arg13[%dma_start3A_582] : memref<5x!tpu.dma_semaphore, #tpu.memory_space<semaphore_mem>> -> memref<1x!tpu.dma_semaphore, #tpu.memory_space<semaphore_mem>>
      %dma_start3A_594 = tpu.memref_squeeze %dma_start3A_593 : memref<1x!tpu.dma_semaphore, #tpu.memory_space<semaphore_mem>> -> memref<!tpu.dma_semaphore, #tpu.memory_space<semaphore_mem>>
      tpu.enqueue_indirect_dma source(%dma_start3A_586 : memref<40x128xf32, #tpu.memory_space<vmem>>) target(%dma_start3A_592 : memref<10240x128xf32, #tpu.memory_space<vmem_shared>>) offsets(%dma_start3A_589 : memref<40xi32, #tpu.memory_space<vmem>>) semaphore(%dma_start3A_594 : memref<!tpu.dma_semaphore, #tpu.memory_space<semaphore_mem>>) {add = true}
      %lt3A_595 = arith.constant 49 : i32
      %lt3A_596 = arith.cmpi slt, %scan3A_406, %lt3A_595 : i32
      %convert_element_type3A_597 = arith.extui %lt3A_596 : i1 to i32
      %cond3A_598 = arith.constant 0 : i32
      %cond3A_599 = arith.cmpi ne, %convert_element_type3A_597, %cond3A_598 : i32
      scf.if %cond3A_599 {
        %dma_wait3A_601 = arith.constant 4 : i32
        %dma_wait3A_602 = arith.constant 4 : i32
        %dma_wait3A_603 = arith.constant 4 : i32
        %dma_wait3A_604 = arith.constant 0 : i32
        %dma_wait3A_605 = arith.constant 0 : i32
        %dma_wait3A_606 = tpu.memref_slice %arg9[%dma_wait3A_601, %dma_wait3A_604, %dma_wait3A_605] : memref<5x40x128xf32, #tpu.memory_space<vmem>> -> memref<1x40x128xf32, #tpu.memory_space<vmem>>
        %dma_wait3A_607 = tpu.memref_squeeze %dma_wait3A_606 : memref<1x40x128xf32, #tpu.memory_space<vmem>> -> memref<40x128xf32, #tpu.memory_space<vmem>>
        %dma_wait3A_608 = arith.constant 0 : i32
        %dma_wait3A_609 = tpu.memref_slice %arg8[%dma_wait3A_602, %dma_wait3A_608] : memref<5x40xi32, #tpu.memory_space<vmem>> -> memref<1x40xi32, #tpu.memory_space<vmem>>
        %dma_wait3A_610 = tpu.memref_squeeze %dma_wait3A_609 : memref<1x40xi32, #tpu.memory_space<vmem>> -> memref<40xi32, #tpu.memory_space<vmem>>
        %dma_wait3A_611 = arith.constant 0 : i32
        %dma_wait3A_612 = arith.constant 0 : i32
        %dma_wait3A_613 = tpu.memref_slice %arg11[%dma_wait3A_611, %dma_wait3A_612] : memref<10240x128xf32, #tpu.memory_space<vmem_shared>> -> memref<10240x128xf32, #tpu.memory_space<vmem_shared>>
        %dma_wait3A_614 = tpu.memref_slice %arg13[%dma_wait3A_603] : memref<5x!tpu.dma_semaphore, #tpu.memory_space<semaphore_mem>> -> memref<1x!tpu.dma_semaphore, #tpu.memory_space<semaphore_mem>>
        %dma_wait3A_615 = tpu.memref_squeeze %dma_wait3A_614 : memref<1x!tpu.dma_semaphore, #tpu.memory_space<semaphore_mem>> -> memref<!tpu.dma_semaphore, #tpu.memory_space<semaphore_mem>>
        tpu.wait_indirect_dma semaphore(%dma_wait3A_615 : memref<!tpu.dma_semaphore, #tpu.memory_space<semaphore_mem>>) src(%dma_wait3A_607 : memref<40x128xf32, #tpu.memory_space<vmem>>) dst(%dma_wait3A_613 : memref<10240x128xf32, #tpu.memory_space<vmem_shared>>)
        %add3A_616 = arith.constant 5 : i32
        %add3A_617 = arith.addi %add3A_564, %add3A_616 : i32
        %mul3A_618 = arith.constant 40 : i32
        %mul3A_619 = arith.muli %add3A_617, %mul3A_618 : i32
        %add3A_620 = arith.addi %mul3A_2, %mul3A_619 : i32
        %run_scoped3A_621 = arith.constant 4 : i32
        "tpu.region"() ({
          %run_scoped3A_638 = tpu.sem_alloc : memref<!tpu.dma_semaphore, #tpu.memory_space<semaphore_mem>>
          %dma_start3A_639 = arith.constant 0 : i32
          %dma_start3A_640 = tpu.memref_slice %arg7[%run_scoped3A_621, %dma_start3A_639] : memref<5x40xi32, #tpu.memory_space<vmem>> -> memref<1x40xi32, #tpu.memory_space<vmem>>
          %dma_start3A_641 = tpu.memref_squeeze %dma_start3A_640 : memref<1x40xi32, #tpu.memory_space<vmem>> -> memref<40xi32, #tpu.memory_space<vmem>>
          %dma_start3A_642 = tpu.memref_slice %arg3[%add3A_620] : memref<320000xi32, #tpu.memory_space<hbm>> -> memref<40xi32, #tpu.memory_space<hbm>>
          %dma_start3A_643 = arith.constant 0 : i32
          %dma_start3A_644 = tpu.memref_slice %arg7[%run_scoped3A_621, %dma_start3A_643] : memref<5x40xi32, #tpu.memory_space<vmem>> -> memref<1x40xi32, #tpu.memory_space<vmem>>
          %dma_start3A_645 = tpu.memref_squeeze %dma_start3A_644 : memref<1x40xi32, #tpu.memory_space<vmem>> -> memref<40xi32, #tpu.memory_space<vmem>>
          %dma_start3A_646 = tpu.memref_slice %arg3[%add3A_620] : memref<320000xi32, #tpu.memory_space<hbm>> -> memref<40xi32, #tpu.memory_space<hbm>>
          tpu.enqueue_dma source(%dma_start3A_646 : memref<40xi32, #tpu.memory_space<hbm>>) target(%dma_start3A_645 : memref<40xi32, #tpu.memory_space<vmem>>) target_semaphore(%run_scoped3A_638 : memref<!tpu.dma_semaphore, #tpu.memory_space<semaphore_mem>>)
          %dma_wait3A_647 = arith.constant 0 : i32
          %dma_wait3A_648 = tpu.memref_slice %arg7[%run_scoped3A_621, %dma_wait3A_647] : memref<5x40xi32, #tpu.memory_space<vmem>> -> memref<1x40xi32, #tpu.memory_space<vmem>>
          %dma_wait3A_649 = tpu.memref_squeeze %dma_wait3A_648 : memref<1x40xi32, #tpu.memory_space<vmem>> -> memref<40xi32, #tpu.memory_space<vmem>>
          %dma_wait3A_650 = tpu.memref_slice %arg3[%add3A_620] : memref<320000xi32, #tpu.memory_space<hbm>> -> memref<40xi32, #tpu.memory_space<hbm>>
          %dma_wait3A_651 = arith.constant 0 : i32
          %dma_wait3A_652 = tpu.memref_slice %arg7[%run_scoped3A_621, %dma_wait3A_651] : memref<5x40xi32, #tpu.memory_space<vmem>> -> memref<1x40xi32, #tpu.memory_space<vmem>>
          %dma_wait3A_653 = tpu.memref_squeeze %dma_wait3A_652 : memref<1x40xi32, #tpu.memory_space<vmem>> -> memref<40xi32, #tpu.memory_space<vmem>>
          %dma_wait3A_654 = tpu.memref_slice %arg3[%add3A_620] : memref<320000xi32, #tpu.memory_space<hbm>> -> memref<40xi32, #tpu.memory_space<hbm>>
          tpu.wait_dma2 semaphore(%run_scoped3A_638 : memref<!tpu.dma_semaphore, #tpu.memory_space<semaphore_mem>>) src(%dma_wait3A_654 : memref<40xi32, #tpu.memory_space<hbm>>) dst(%dma_wait3A_653 : memref<40xi32, #tpu.memory_space<vmem>>)
          tpu.yield
        }) : () -> ()
        %run_scoped3A_622 = arith.constant 4 : i32
        "tpu.region"() ({
          %run_scoped3A_638 = tpu.sem_alloc : memref<!tpu.dma_semaphore, #tpu.memory_space<semaphore_mem>>
          %dma_start3A_639 = arith.constant 0 : i32
          %dma_start3A_640 = tpu.memref_slice %arg8[%run_scoped3A_622, %dma_start3A_639] : memref<5x40xi32, #tpu.memory_space<vmem>> -> memref<1x40xi32, #tpu.memory_space<vmem>>
          %dma_start3A_641 = tpu.memref_squeeze %dma_start3A_640 : memref<1x40xi32, #tpu.memory_space<vmem>> -> memref<40xi32, #tpu.memory_space<vmem>>
          %dma_start3A_642 = tpu.memref_slice %arg4[%add3A_620] : memref<320000xi32, #tpu.memory_space<hbm>> -> memref<40xi32, #tpu.memory_space<hbm>>
          %dma_start3A_643 = arith.constant 0 : i32
          %dma_start3A_644 = tpu.memref_slice %arg8[%run_scoped3A_622, %dma_start3A_643] : memref<5x40xi32, #tpu.memory_space<vmem>> -> memref<1x40xi32, #tpu.memory_space<vmem>>
          %dma_start3A_645 = tpu.memref_squeeze %dma_start3A_644 : memref<1x40xi32, #tpu.memory_space<vmem>> -> memref<40xi32, #tpu.memory_space<vmem>>
          %dma_start3A_646 = tpu.memref_slice %arg4[%add3A_620] : memref<320000xi32, #tpu.memory_space<hbm>> -> memref<40xi32, #tpu.memory_space<hbm>>
          tpu.enqueue_dma source(%dma_start3A_646 : memref<40xi32, #tpu.memory_space<hbm>>) target(%dma_start3A_645 : memref<40xi32, #tpu.memory_space<vmem>>) target_semaphore(%run_scoped3A_638 : memref<!tpu.dma_semaphore, #tpu.memory_space<semaphore_mem>>)
          %dma_wait3A_647 = arith.constant 0 : i32
          %dma_wait3A_648 = tpu.memref_slice %arg8[%run_scoped3A_622, %dma_wait3A_647] : memref<5x40xi32, #tpu.memory_space<vmem>> -> memref<1x40xi32, #tpu.memory_space<vmem>>
          %dma_wait3A_649 = tpu.memref_squeeze %dma_wait3A_648 : memref<1x40xi32, #tpu.memory_space<vmem>> -> memref<40xi32, #tpu.memory_space<vmem>>
          %dma_wait3A_650 = tpu.memref_slice %arg4[%add3A_620] : memref<320000xi32, #tpu.memory_space<hbm>> -> memref<40xi32, #tpu.memory_space<hbm>>
          %dma_wait3A_651 = arith.constant 0 : i32
          %dma_wait3A_652 = tpu.memref_slice %arg8[%run_scoped3A_622, %dma_wait3A_651] : memref<5x40xi32, #tpu.memory_space<vmem>> -> memref<1x40xi32, #tpu.memory_space<vmem>>
          %dma_wait3A_653 = tpu.memref_squeeze %dma_wait3A_652 : memref<1x40xi32, #tpu.memory_space<vmem>> -> memref<40xi32, #tpu.memory_space<vmem>>
          %dma_wait3A_654 = tpu.memref_slice %arg4[%add3A_620] : memref<320000xi32, #tpu.memory_space<hbm>> -> memref<40xi32, #tpu.memory_space<hbm>>
          tpu.wait_dma2 semaphore(%run_scoped3A_638 : memref<!tpu.dma_semaphore, #tpu.memory_space<semaphore_mem>>) src(%dma_wait3A_654 : memref<40xi32, #tpu.memory_space<hbm>>) dst(%dma_wait3A_653 : memref<40xi32, #tpu.memory_space<vmem>>)
          tpu.yield
        }) : () -> ()
        %dma_start3A_623 = arith.constant 4 : i32
        %dma_start3A_624 = arith.constant 4 : i32
        %dma_start3A_625 = arith.constant 4 : i32
        %dma_start3A_626 = arith.constant 0 : i32
        %dma_start3A_627 = arith.constant 0 : i32
        %dma_start3A_628 = tpu.memref_slice %arg9[%dma_start3A_624, %dma_start3A_626, %dma_start3A_627] : memref<5x40x128xf32, #tpu.memory_space<vmem>> -> memref<1x40x128xf32, #tpu.memory_space<vmem>>
        %dma_start3A_629 = tpu.memref_squeeze %dma_start3A_628 : memref<1x40x128xf32, #tpu.memory_space<vmem>> -> memref<40x128xf32, #tpu.memory_space<vmem>>
        %dma_start3A_630 = arith.constant 0 : i32
        %dma_start3A_631 = tpu.memref_slice %arg7[%dma_start3A_623, %dma_start3A_630] : memref<5x40xi32, #tpu.memory_space<vmem>> -> memref<1x40xi32, #tpu.memory_space<vmem>>
        %dma_start3A_632 = tpu.memref_squeeze %dma_start3A_631 : memref<1x40xi32, #tpu.memory_space<vmem>> -> memref<40xi32, #tpu.memory_space<vmem>>
        %dma_start3A_633 = arith.constant 0 : i32
        %dma_start3A_634 = arith.constant 0 : i32
        %dma_start3A_635 = tpu.memref_slice %arg2[%dma_start3A_633, %dma_start3A_634] : memref<10240x128xf32, #tpu.memory_space<hbm>> -> memref<10240x128xf32, #tpu.memory_space<hbm>>
        %dma_start3A_636 = tpu.memref_slice %arg12[%dma_start3A_625] : memref<5x!tpu.dma_semaphore, #tpu.memory_space<semaphore_mem>> -> memref<1x!tpu.dma_semaphore, #tpu.memory_space<semaphore_mem>>
        %dma_start3A_637 = tpu.memref_squeeze %dma_start3A_636 : memref<1x!tpu.dma_semaphore, #tpu.memory_space<semaphore_mem>> -> memref<!tpu.dma_semaphore, #tpu.memory_space<semaphore_mem>>
        tpu.enqueue_indirect_dma source(%dma_start3A_635 : memref<10240x128xf32, #tpu.memory_space<hbm>>) target(%dma_start3A_629 : memref<40x128xf32, #tpu.memory_space<vmem>>) offsets(%dma_start3A_632 : memref<40xi32, #tpu.memory_space<vmem>>) semaphore(%dma_start3A_637 : memref<!tpu.dma_semaphore, #tpu.memory_space<semaphore_mem>>)
      } else {
      }
      %scan3A_600 = arith.constant 0 : i32
      scf.yield %scan3A_600 : i32
    }
    %scan3A_125 = arith.constant 50 : i32
    %dma_wait3A = arith.constant 0 : i32
    %dma_wait3A_126 = arith.constant 0 : i32
    %dma_wait3A_127 = arith.constant 0 : i32
    %dma_wait3A_128 = arith.constant 0 : i32
    %dma_wait3A_129 = arith.constant 0 : i32
    %dma_wait3A_130 = tpu.memref_slice %arg9[%dma_wait3A, %dma_wait3A_128, %dma_wait3A_129] : memref<5x40x128xf32, #tpu.memory_space<vmem>> -> memref<1x40x128xf32, #tpu.memory_space<vmem>>
    %dma_wait3A_131 = tpu.memref_squeeze %dma_wait3A_130 : memref<1x40x128xf32, #tpu.memory_space<vmem>> -> memref<40x128xf32, #tpu.memory_space<vmem>>
    %dma_wait3A_132 = arith.constant 0 : i32
    %dma_wait3A_133 = tpu.memref_slice %arg8[%dma_wait3A_126, %dma_wait3A_132] : memref<5x40xi32, #tpu.memory_space<vmem>> -> memref<1x40xi32, #tpu.memory_space<vmem>>
    %dma_wait3A_134 = tpu.memref_squeeze %dma_wait3A_133 : memref<1x40xi32, #tpu.memory_space<vmem>> -> memref<40xi32, #tpu.memory_space<vmem>>
    %dma_wait3A_135 = arith.constant 0 : i32
    %dma_wait3A_136 = arith.constant 0 : i32
    %dma_wait3A_137 = tpu.memref_slice %arg11[%dma_wait3A_135, %dma_wait3A_136] : memref<10240x128xf32, #tpu.memory_space<vmem_shared>> -> memref<10240x128xf32, #tpu.memory_space<vmem_shared>>
    %dma_wait3A_138 = tpu.memref_slice %arg13[%dma_wait3A_127] : memref<5x!tpu.dma_semaphore, #tpu.memory_space<semaphore_mem>> -> memref<1x!tpu.dma_semaphore, #tpu.memory_space<semaphore_mem>>
    %dma_wait3A_139 = tpu.memref_squeeze %dma_wait3A_138 : memref<1x!tpu.dma_semaphore, #tpu.memory_space<semaphore_mem>> -> memref<!tpu.dma_semaphore, #tpu.memory_space<semaphore_mem>>
    tpu.wait_indirect_dma semaphore(%dma_wait3A_139 : memref<!tpu.dma_semaphore, #tpu.memory_space<semaphore_mem>>) src(%dma_wait3A_131 : memref<40x128xf32, #tpu.memory_space<vmem>>) dst(%dma_wait3A_137 : memref<10240x128xf32, #tpu.memory_space<vmem_shared>>)
    %dma_wait3A_140 = arith.constant 1 : i32
    %dma_wait3A_141 = arith.constant 1 : i32
    %dma_wait3A_142 = arith.constant 1 : i32
    %dma_wait3A_143 = arith.constant 0 : i32
    %dma_wait3A_144 = arith.constant 0 : i32
    %dma_wait3A_145 = tpu.memref_slice %arg9[%dma_wait3A_140, %dma_wait3A_143, %dma_wait3A_144] : memref<5x40x128xf32, #tpu.memory_space<vmem>> -> memref<1x40x128xf32, #tpu.memory_space<vmem>>
    %dma_wait3A_146 = tpu.memref_squeeze %dma_wait3A_145 : memref<1x40x128xf32, #tpu.memory_space<vmem>> -> memref<40x128xf32, #tpu.memory_space<vmem>>
    %dma_wait3A_147 = arith.constant 0 : i32
    %dma_wait3A_148 = tpu.memref_slice %arg8[%dma_wait3A_141, %dma_wait3A_147] : memref<5x40xi32, #tpu.memory_space<vmem>> -> memref<1x40xi32, #tpu.memory_space<vmem>>
    %dma_wait3A_149 = tpu.memref_squeeze %dma_wait3A_148 : memref<1x40xi32, #tpu.memory_space<vmem>> -> memref<40xi32, #tpu.memory_space<vmem>>
    %dma_wait3A_150 = arith.constant 0 : i32
    %dma_wait3A_151 = arith.constant 0 : i32
    %dma_wait3A_152 = tpu.memref_slice %arg11[%dma_wait3A_150, %dma_wait3A_151] : memref<10240x128xf32, #tpu.memory_space<vmem_shared>> -> memref<10240x128xf32, #tpu.memory_space<vmem_shared>>
    %dma_wait3A_153 = tpu.memref_slice %arg13[%dma_wait3A_142] : memref<5x!tpu.dma_semaphore, #tpu.memory_space<semaphore_mem>> -> memref<1x!tpu.dma_semaphore, #tpu.memory_space<semaphore_mem>>
    %dma_wait3A_154 = tpu.memref_squeeze %dma_wait3A_153 : memref<1x!tpu.dma_semaphore, #tpu.memory_space<semaphore_mem>> -> memref<!tpu.dma_semaphore, #tpu.memory_space<semaphore_mem>>
    tpu.wait_indirect_dma semaphore(%dma_wait3A_154 : memref<!tpu.dma_semaphore, #tpu.memory_space<semaphore_mem>>) src(%dma_wait3A_146 : memref<40x128xf32, #tpu.memory_space<vmem>>) dst(%dma_wait3A_152 : memref<10240x128xf32, #tpu.memory_space<vmem_shared>>)
    %dma_wait3A_155 = arith.constant 2 : i32
    %dma_wait3A_156 = arith.constant 2 : i32
    %dma_wait3A_157 = arith.constant 2 : i32
    %dma_wait3A_158 = arith.constant 0 : i32
    %dma_wait3A_159 = arith.constant 0 : i32
    %dma_wait3A_160 = tpu.memref_slice %arg9[%dma_wait3A_155, %dma_wait3A_158, %dma_wait3A_159] : memref<5x40x128xf32, #tpu.memory_space<vmem>> -> memref<1x40x128xf32, #tpu.memory_space<vmem>>
    %dma_wait3A_161 = tpu.memref_squeeze %dma_wait3A_160 : memref<1x40x128xf32, #tpu.memory_space<vmem>> -> memref<40x128xf32, #tpu.memory_space<vmem>>
    %dma_wait3A_162 = arith.constant 0 : i32
    %dma_wait3A_163 = tpu.memref_slice %arg8[%dma_wait3A_156, %dma_wait3A_162] : memref<5x40xi32, #tpu.memory_space<vmem>> -> memref<1x40xi32, #tpu.memory_space<vmem>>
    %dma_wait3A_164 = tpu.memref_squeeze %dma_wait3A_163 : memref<1x40xi32, #tpu.memory_space<vmem>> -> memref<40xi32, #tpu.memory_space<vmem>>
    %dma_wait3A_165 = arith.constant 0 : i32
    %dma_wait3A_166 = arith.constant 0 : i32
    %dma_wait3A_167 = tpu.memref_slice %arg11[%dma_wait3A_165, %dma_wait3A_166] : memref<10240x128xf32, #tpu.memory_space<vmem_shared>> -> memref<10240x128xf32, #tpu.memory_space<vmem_shared>>
    %dma_wait3A_168 = tpu.memref_slice %arg13[%dma_wait3A_157] : memref<5x!tpu.dma_semaphore, #tpu.memory_space<semaphore_mem>> -> memref<1x!tpu.dma_semaphore, #tpu.memory_space<semaphore_mem>>
    %dma_wait3A_169 = tpu.memref_squeeze %dma_wait3A_168 : memref<1x!tpu.dma_semaphore, #tpu.memory_space<semaphore_mem>> -> memref<!tpu.dma_semaphore, #tpu.memory_space<semaphore_mem>>
    tpu.wait_indirect_dma semaphore(%dma_wait3A_169 : memref<!tpu.dma_semaphore, #tpu.memory_space<semaphore_mem>>) src(%dma_wait3A_161 : memref<40x128xf32, #tpu.memory_space<vmem>>) dst(%dma_wait3A_167 : memref<10240x128xf32, #tpu.memory_space<vmem_shared>>)
    %dma_wait3A_170 = arith.constant 3 : i32
    %dma_wait3A_171 = arith.constant 3 : i32
    %dma_wait3A_172 = arith.constant 3 : i32
    %dma_wait3A_173 = arith.constant 0 : i32
    %dma_wait3A_174 = arith.constant 0 : i32
    %dma_wait3A_175 = tpu.memref_slice %arg9[%dma_wait3A_170, %dma_wait3A_173, %dma_wait3A_174] : memref<5x40x128xf32, #tpu.memory_space<vmem>> -> memref<1x40x128xf32, #tpu.memory_space<vmem>>
    %dma_wait3A_176 = tpu.memref_squeeze %dma_wait3A_175 : memref<1x40x128xf32, #tpu.memory_space<vmem>> -> memref<40x128xf32, #tpu.memory_space<vmem>>
    %dma_wait3A_177 = arith.constant 0 : i32
    %dma_wait3A_178 = tpu.memref_slice %arg8[%dma_wait3A_171, %dma_wait3A_177] : memref<5x40xi32, #tpu.memory_space<vmem>> -> memref<1x40xi32, #tpu.memory_space<vmem>>
    %dma_wait3A_179 = tpu.memref_squeeze %dma_wait3A_178 : memref<1x40xi32, #tpu.memory_space<vmem>> -> memref<40xi32, #tpu.memory_space<vmem>>
    %dma_wait3A_180 = arith.constant 0 : i32
    %dma_wait3A_181 = arith.constant 0 : i32
    %dma_wait3A_182 = tpu.memref_slice %arg11[%dma_wait3A_180, %dma_wait3A_181] : memref<10240x128xf32, #tpu.memory_space<vmem_shared>> -> memref<10240x128xf32, #tpu.memory_space<vmem_shared>>
    %dma_wait3A_183 = tpu.memref_slice %arg13[%dma_wait3A_172] : memref<5x!tpu.dma_semaphore, #tpu.memory_space<semaphore_mem>> -> memref<1x!tpu.dma_semaphore, #tpu.memory_space<semaphore_mem>>
    %dma_wait3A_184 = tpu.memref_squeeze %dma_wait3A_183 : memref<1x!tpu.dma_semaphore, #tpu.memory_space<semaphore_mem>> -> memref<!tpu.dma_semaphore, #tpu.memory_space<semaphore_mem>>
    tpu.wait_indirect_dma semaphore(%dma_wait3A_184 : memref<!tpu.dma_semaphore, #tpu.memory_space<semaphore_mem>>) src(%dma_wait3A_176 : memref<40x128xf32, #tpu.memory_space<vmem>>) dst(%dma_wait3A_182 : memref<10240x128xf32, #tpu.memory_space<vmem_shared>>)
    %dma_wait3A_185 = arith.constant 4 : i32
    %dma_wait3A_186 = arith.constant 4 : i32
    %dma_wait3A_187 = arith.constant 4 : i32
    %dma_wait3A_188 = arith.constant 0 : i32
    %dma_wait3A_189 = arith.constant 0 : i32
    %dma_wait3A_190 = tpu.memref_slice %arg9[%dma_wait3A_185, %dma_wait3A_188, %dma_wait3A_189] : memref<5x40x128xf32, #tpu.memory_space<vmem>> -> memref<1x40x128xf32, #tpu.memory_space<vmem>>
    %dma_wait3A_191 = tpu.memref_squeeze %dma_wait3A_190 : memref<1x40x128xf32, #tpu.memory_space<vmem>> -> memref<40x128xf32, #tpu.memory_space<vmem>>
    %dma_wait3A_192 = arith.constant 0 : i32
    %dma_wait3A_193 = tpu.memref_slice %arg8[%dma_wait3A_186, %dma_wait3A_192] : memref<5x40xi32, #tpu.memory_space<vmem>> -> memref<1x40xi32, #tpu.memory_space<vmem>>
    %dma_wait3A_194 = tpu.memref_squeeze %dma_wait3A_193 : memref<1x40xi32, #tpu.memory_space<vmem>> -> memref<40xi32, #tpu.memory_space<vmem>>
    %dma_wait3A_195 = arith.constant 0 : i32
    %dma_wait3A_196 = arith.constant 0 : i32
    %dma_wait3A_197 = tpu.memref_slice %arg11[%dma_wait3A_195, %dma_wait3A_196] : memref<10240x128xf32, #tpu.memory_space<vmem_shared>> -> memref<10240x128xf32, #tpu.memory_space<vmem_shared>>
    %dma_wait3A_198 = tpu.memref_slice %arg13[%dma_wait3A_187] : memref<5x!tpu.dma_semaphore, #tpu.memory_space<semaphore_mem>> -> memref<1x!tpu.dma_semaphore, #tpu.memory_space<semaphore_mem>>
    %dma_wait3A_199 = tpu.memref_squeeze %dma_wait3A_198 : memref<1x!tpu.dma_semaphore, #tpu.memory_space<semaphore_mem>> -> memref<!tpu.dma_semaphore, #tpu.memory_space<semaphore_mem>>
    tpu.wait_indirect_dma semaphore(%dma_wait3A_199 : memref<!tpu.dma_semaphore, #tpu.memory_space<semaphore_mem>>) src(%dma_wait3A_191 : memref<40x128xf32, #tpu.memory_space<vmem>>) dst(%dma_wait3A_197 : memref<10240x128xf32, #tpu.memory_space<vmem_shared>>)
    %barrier3A_200 = arith.constant 0 : index
    tpu.barrier barrier_id(%barrier3A_200)
    %scan3A_201 = arith.constant 0 : i32
    %scan3A_202 = arith.constant 0 : i32
    %scan3A_203 = arith.constant 8 : i32
    %scan3A_204 = arith.addi %scan3A_202, %scan3A_203 : i32
    %scan3A_205 = arith.constant 1 : i32
    %scan3A_206 = scf.for %scan3A_406 = %scan3A_202 to %scan3A_204 step %scan3A_205 iter_args(%scan3A_407 = %scan3A_201) -> (i32)  : i32 {
      %mul3A_408 = arith.constant 640 : i32
      %mul3A_409 = arith.muli %arg1, %mul3A_408 : i32
      %mul3A_410 = arith.constant 2 : i32
      %mul3A_411 = arith.muli %mul3A_410, %scan3A_406 : i32
      %add3A_412 = arith.constant 0 : i32
      %add3A_413 = arith.addi %mul3A_411, %add3A_412 : i32
      %mul3A_414 = arith.constant 40 : i32
      %mul3A_415 = arith.muli %add3A_413, %mul3A_414 : i32
      %add3A_416 = arith.addi %mul3A_409, %mul3A_415 : i32
      %gt3A = arith.constant 0 : i32
      %gt3A_417 = arith.cmpi sgt, %scan3A_406, %gt3A : i32
      %convert_element_type3A = arith.extui %gt3A_417 : i1 to i32
      %cond3A = arith.constant 0 : i32
      %cond3A_418 = arith.cmpi ne, %convert_element_type3A, %cond3A : i32
      scf.if %cond3A_418 {
        %sub3A = arith.constant 80 : i32
        %sub3A_472 = arith.subi %add3A_416, %sub3A : i32
        %dma_wait3A_473 = arith.constant 0 : i32
        %dma_wait3A_474 = arith.constant 0 : i32
        %dma_wait3A_475 = arith.constant 0 : i32
        %dma_wait3A_476 = arith.constant 0 : i32
        %dma_wait3A_477 = tpu.memref_slice %arg9[%dma_wait3A_473, %dma_wait3A_475, %dma_wait3A_476] : memref<5x40x128xf32, #tpu.memory_space<vmem>> -> memref<1x40x128xf32, #tpu.memory_space<vmem>>
        %dma_wait3A_478 = tpu.memref_squeeze %dma_wait3A_477 : memref<1x40x128xf32, #tpu.memory_space<vmem>> -> memref<40x128xf32, #tpu.memory_space<vmem>>
        %dma_wait3A_479 = arith.constant 0 : i32
        %dma_wait3A_480 = tpu.memref_slice %arg5[%arg0, %sub3A_472, %dma_wait3A_479] : memref<2x10240x128xf32, #tpu.memory_space<hbm>> -> memref<1x40x128xf32, #tpu.memory_space<hbm>>
        %dma_wait3A_481 = tpu.memref_squeeze %dma_wait3A_480 : memref<1x40x128xf32, #tpu.memory_space<hbm>> -> memref<40x128xf32, #tpu.memory_space<hbm>>
        %dma_wait3A_482 = tpu.memref_slice %arg12[%dma_wait3A_474] : memref<5x!tpu.dma_semaphore, #tpu.memory_space<semaphore_mem>> -> memref<1x!tpu.dma_semaphore, #tpu.memory_space<semaphore_mem>>
        %dma_wait3A_483 = tpu.memref_squeeze %dma_wait3A_482 : memref<1x!tpu.dma_semaphore, #tpu.memory_space<semaphore_mem>> -> memref<!tpu.dma_semaphore, #tpu.memory_space<semaphore_mem>>
        %dma_wait3A_484 = arith.constant 0 : i32
        %dma_wait3A_485 = tpu.memref_slice %arg5[%arg0, %sub3A_472, %dma_wait3A_484] : memref<2x10240x128xf32, #tpu.memory_space<hbm>> -> memref<1x40x128xf32, #tpu.memory_space<hbm>>
        %dma_wait3A_486 = tpu.memref_squeeze %dma_wait3A_485 : memref<1x40x128xf32, #tpu.memory_space<hbm>> -> memref<40x128xf32, #tpu.memory_space<hbm>>
        %dma_wait3A_487 = arith.constant 0 : i32
        %dma_wait3A_488 = arith.constant 0 : i32
        %dma_wait3A_489 = tpu.memref_slice %arg9[%dma_wait3A_473, %dma_wait3A_487, %dma_wait3A_488] : memref<5x40x128xf32, #tpu.memory_space<vmem>> -> memref<1x40x128xf32, #tpu.memory_space<vmem>>
        %dma_wait3A_490 = tpu.memref_squeeze %dma_wait3A_489 : memref<1x40x128xf32, #tpu.memory_space<vmem>> -> memref<40x128xf32, #tpu.memory_space<vmem>>
        tpu.wait_dma2 semaphore(%dma_wait3A_483 : memref<!tpu.dma_semaphore, #tpu.memory_space<semaphore_mem>>) src(%dma_wait3A_490 : memref<40x128xf32, #tpu.memory_space<vmem>>) dst(%dma_wait3A_486 : memref<40x128xf32, #tpu.memory_space<hbm>>)
      } else {
      }
      %run_scoped3A_419 = arith.constant 0 : i32
      "tpu.region"() ({
        %run_scoped3A_472 = tpu.sem_alloc : memref<!tpu.dma_semaphore, #tpu.memory_space<semaphore_mem>>
        %dma_start3A_473 = arith.constant 0 : i32
        %dma_start3A_474 = arith.constant 0 : i32
        %dma_start3A_475 = tpu.memref_slice %arg9[%run_scoped3A_419, %dma_start3A_473, %dma_start3A_474] : memref<5x40x128xf32, #tpu.memory_space<vmem>> -> memref<1x40x128xf32, #tpu.memory_space<vmem>>
        %dma_start3A_476 = tpu.memref_squeeze %dma_start3A_475 : memref<1x40x128xf32, #tpu.memory_space<vmem>> -> memref<40x128xf32, #tpu.memory_space<vmem>>
        %dma_start3A_477 = arith.constant 0 : i32
        %dma_start3A_478 = tpu.memref_slice %arg11[%add3A_416, %dma_start3A_477] : memref<10240x128xf32, #tpu.memory_space<vmem_shared>> -> memref<40x128xf32, #tpu.memory_space<vmem_shared>>
        %dma_start3A_479 = arith.constant 0 : i32
        %dma_start3A_480 = arith.constant 0 : i32
        %dma_start3A_481 = tpu.memref_slice %arg9[%run_scoped3A_419, %dma_start3A_479, %dma_start3A_480] : memref<5x40x128xf32, #tpu.memory_space<vmem>> -> memref<1x40x128xf32, #tpu.memory_space<vmem>>
        %dma_start3A_482 = tpu.memref_squeeze %dma_start3A_481 : memref<1x40x128xf32, #tpu.memory_space<vmem>> -> memref<40x128xf32, #tpu.memory_space<vmem>>
        %dma_start3A_483 = arith.constant 0 : i32
        %dma_start3A_484 = tpu.memref_slice %arg11[%add3A_416, %dma_start3A_483] : memref<10240x128xf32, #tpu.memory_space<vmem_shared>> -> memref<40x128xf32, #tpu.memory_space<vmem_shared>>
        tpu.enqueue_dma source(%dma_start3A_484 : memref<40x128xf32, #tpu.memory_space<vmem_shared>>) target(%dma_start3A_482 : memref<40x128xf32, #tpu.memory_space<vmem>>) target_semaphore(%run_scoped3A_472 : memref<!tpu.dma_semaphore, #tpu.memory_space<semaphore_mem>>)
        %dma_wait3A_485 = arith.constant 0 : i32
        %dma_wait3A_486 = arith.constant 0 : i32
        %dma_wait3A_487 = tpu.memref_slice %arg9[%run_scoped3A_419, %dma_wait3A_485, %dma_wait3A_486] : memref<5x40x128xf32, #tpu.memory_space<vmem>> -> memref<1x40x128xf32, #tpu.memory_space<vmem>>
        %dma_wait3A_488 = tpu.memref_squeeze %dma_wait3A_487 : memref<1x40x128xf32, #tpu.memory_space<vmem>> -> memref<40x128xf32, #tpu.memory_space<vmem>>
        %dma_wait3A_489 = arith.constant 0 : i32
        %dma_wait3A_490 = tpu.memref_slice %arg11[%add3A_416, %dma_wait3A_489] : memref<10240x128xf32, #tpu.memory_space<vmem_shared>> -> memref<40x128xf32, #tpu.memory_space<vmem_shared>>
        %dma_wait3A_491 = arith.constant 0 : i32
        %dma_wait3A_492 = arith.constant 0 : i32
        %dma_wait3A_493 = tpu.memref_slice %arg9[%run_scoped3A_419, %dma_wait3A_491, %dma_wait3A_492] : memref<5x40x128xf32, #tpu.memory_space<vmem>> -> memref<1x40x128xf32, #tpu.memory_space<vmem>>
        %dma_wait3A_494 = tpu.memref_squeeze %dma_wait3A_493 : memref<1x40x128xf32, #tpu.memory_space<vmem>> -> memref<40x128xf32, #tpu.memory_space<vmem>>
        %dma_wait3A_495 = arith.constant 0 : i32
        %dma_wait3A_496 = tpu.memref_slice %arg11[%add3A_416, %dma_wait3A_495] : memref<10240x128xf32, #tpu.memory_space<vmem_shared>> -> memref<40x128xf32, #tpu.memory_space<vmem_shared>>
        tpu.wait_dma2 semaphore(%run_scoped3A_472 : memref<!tpu.dma_semaphore, #tpu.memory_space<semaphore_mem>>) src(%dma_wait3A_496 : memref<40x128xf32, #tpu.memory_space<vmem_shared>>) dst(%dma_wait3A_494 : memref<40x128xf32, #tpu.memory_space<vmem>>)
        tpu.yield
      }) : () -> ()
      %dma_start3A_420 = arith.constant 0 : i32
      %dma_start3A_421 = arith.constant 0 : i32
      %dma_start3A_422 = arith.constant 0 : i32
      %dma_start3A_423 = arith.constant 0 : i32
      %dma_start3A_424 = tpu.memref_slice %arg9[%dma_start3A_420, %dma_start3A_422, %dma_start3A_423] : memref<5x40x128xf32, #tpu.memory_space<vmem>> -> memref<1x40x128xf32, #tpu.memory_space<vmem>>
      %dma_start3A_425 = tpu.memref_squeeze %dma_start3A_424 : memref<1x40x128xf32, #tpu.memory_space<vmem>> -> memref<40x128xf32, #tpu.memory_space<vmem>>
      %dma_start3A_426 = arith.constant 0 : i32
      %dma_start3A_427 = tpu.memref_slice %arg5[%arg0, %add3A_416, %dma_start3A_426] : memref<2x10240x128xf32, #tpu.memory_space<hbm>> -> memref<1x40x128xf32, #tpu.memory_space<hbm>>
      %dma_start3A_428 = tpu.memref_squeeze %dma_start3A_427 : memref<1x40x128xf32, #tpu.memory_space<hbm>> -> memref<40x128xf32, #tpu.memory_space<hbm>>
      %dma_start3A_429 = tpu.memref_slice %arg12[%dma_start3A_421] : memref<5x!tpu.dma_semaphore, #tpu.memory_space<semaphore_mem>> -> memref<1x!tpu.dma_semaphore, #tpu.memory_space<semaphore_mem>>
      %dma_start3A_430 = tpu.memref_squeeze %dma_start3A_429 : memref<1x!tpu.dma_semaphore, #tpu.memory_space<semaphore_mem>> -> memref<!tpu.dma_semaphore, #tpu.memory_space<semaphore_mem>>
      %dma_start3A_431 = arith.constant 0 : i32
      %dma_start3A_432 = tpu.memref_slice %arg5[%arg0, %add3A_416, %dma_start3A_431] : memref<2x10240x128xf32, #tpu.memory_space<hbm>> -> memref<1x40x128xf32, #tpu.memory_space<hbm>>
      %dma_start3A_433 = tpu.memref_squeeze %dma_start3A_432 : memref<1x40x128xf32, #tpu.memory_space<hbm>> -> memref<40x128xf32, #tpu.memory_space<hbm>>
      %dma_start3A_434 = arith.constant 0 : i32
      %dma_start3A_435 = arith.constant 0 : i32
      %dma_start3A_436 = tpu.memref_slice %arg9[%dma_start3A_420, %dma_start3A_434, %dma_start3A_435] : memref<5x40x128xf32, #tpu.memory_space<vmem>> -> memref<1x40x128xf32, #tpu.memory_space<vmem>>
      %dma_start3A_437 = tpu.memref_squeeze %dma_start3A_436 : memref<1x40x128xf32, #tpu.memory_space<vmem>> -> memref<40x128xf32, #tpu.memory_space<vmem>>
      tpu.enqueue_dma source(%dma_start3A_437 : memref<40x128xf32, #tpu.memory_space<vmem>>) target(%dma_start3A_433 : memref<40x128xf32, #tpu.memory_space<hbm>>) target_semaphore(%dma_start3A_430 : memref<!tpu.dma_semaphore, #tpu.memory_space<semaphore_mem>>)
      %mul3A_438 = arith.constant 640 : i32
      %mul3A_439 = arith.muli %arg1, %mul3A_438 : i32
      %mul3A_440 = arith.constant 2 : i32
      %mul3A_441 = arith.muli %mul3A_440, %scan3A_406 : i32
      %add3A_442 = arith.constant 1 : i32
      %add3A_443 = arith.addi %mul3A_441, %add3A_442 : i32
      %mul3A_444 = arith.constant 40 : i32
      %mul3A_445 = arith.muli %add3A_443, %mul3A_444 : i32
      %add3A_446 = arith.addi %mul3A_439, %mul3A_445 : i32
      %gt3A_447 = arith.constant 0 : i32
      %gt3A_448 = arith.cmpi sgt, %scan3A_406, %gt3A_447 : i32
      %convert_element_type3A_449 = arith.extui %gt3A_448 : i1 to i32
      %cond3A_450 = arith.constant 0 : i32
      %cond3A_451 = arith.cmpi ne, %convert_element_type3A_449, %cond3A_450 : i32
      scf.if %cond3A_451 {
        %sub3A = arith.constant 80 : i32
        %sub3A_472 = arith.subi %add3A_446, %sub3A : i32
        %dma_wait3A_473 = arith.constant 1 : i32
        %dma_wait3A_474 = arith.constant 1 : i32
        %dma_wait3A_475 = arith.constant 0 : i32
        %dma_wait3A_476 = arith.constant 0 : i32
        %dma_wait3A_477 = tpu.memref_slice %arg9[%dma_wait3A_473, %dma_wait3A_475, %dma_wait3A_476] : memref<5x40x128xf32, #tpu.memory_space<vmem>> -> memref<1x40x128xf32, #tpu.memory_space<vmem>>
        %dma_wait3A_478 = tpu.memref_squeeze %dma_wait3A_477 : memref<1x40x128xf32, #tpu.memory_space<vmem>> -> memref<40x128xf32, #tpu.memory_space<vmem>>
        %dma_wait3A_479 = arith.constant 0 : i32
        %dma_wait3A_480 = tpu.memref_slice %arg5[%arg0, %sub3A_472, %dma_wait3A_479] : memref<2x10240x128xf32, #tpu.memory_space<hbm>> -> memref<1x40x128xf32, #tpu.memory_space<hbm>>
        %dma_wait3A_481 = tpu.memref_squeeze %dma_wait3A_480 : memref<1x40x128xf32, #tpu.memory_space<hbm>> -> memref<40x128xf32, #tpu.memory_space<hbm>>
        %dma_wait3A_482 = tpu.memref_slice %arg12[%dma_wait3A_474] : memref<5x!tpu.dma_semaphore, #tpu.memory_space<semaphore_mem>> -> memref<1x!tpu.dma_semaphore, #tpu.memory_space<semaphore_mem>>
        %dma_wait3A_483 = tpu.memref_squeeze %dma_wait3A_482 : memref<1x!tpu.dma_semaphore, #tpu.memory_space<semaphore_mem>> -> memref<!tpu.dma_semaphore, #tpu.memory_space<semaphore_mem>>
        %dma_wait3A_484 = arith.constant 0 : i32
        %dma_wait3A_485 = tpu.memref_slice %arg5[%arg0, %sub3A_472, %dma_wait3A_484] : memref<2x10240x128xf32, #tpu.memory_space<hbm>> -> memref<1x40x128xf32, #tpu.memory_space<hbm>>
        %dma_wait3A_486 = tpu.memref_squeeze %dma_wait3A_485 : memref<1x40x128xf32, #tpu.memory_space<hbm>> -> memref<40x128xf32, #tpu.memory_space<hbm>>
        %dma_wait3A_487 = arith.constant 0 : i32
        %dma_wait3A_488 = arith.constant 0 : i32
        %dma_wait3A_489 = tpu.memref_slice %arg9[%dma_wait3A_473, %dma_wait3A_487, %dma_wait3A_488] : memref<5x40x128xf32, #tpu.memory_space<vmem>> -> memref<1x40x128xf32, #tpu.memory_space<vmem>>
        %dma_wait3A_490 = tpu.memref_squeeze %dma_wait3A_489 : memref<1x40x128xf32, #tpu.memory_space<vmem>> -> memref<40x128xf32, #tpu.memory_space<vmem>>
        tpu.wait_dma2 semaphore(%dma_wait3A_483 : memref<!tpu.dma_semaphore, #tpu.memory_space<semaphore_mem>>) src(%dma_wait3A_490 : memref<40x128xf32, #tpu.memory_space<vmem>>) dst(%dma_wait3A_486 : memref<40x128xf32, #tpu.memory_space<hbm>>)
      } else {
      }
      %run_scoped3A_452 = arith.constant 1 : i32
      "tpu.region"() ({
        %run_scoped3A_472 = tpu.sem_alloc : memref<!tpu.dma_semaphore, #tpu.memory_space<semaphore_mem>>
        %dma_start3A_473 = arith.constant 0 : i32
        %dma_start3A_474 = arith.constant 0 : i32
        %dma_start3A_475 = tpu.memref_slice %arg9[%run_scoped3A_452, %dma_start3A_473, %dma_start3A_474] : memref<5x40x128xf32, #tpu.memory_space<vmem>> -> memref<1x40x128xf32, #tpu.memory_space<vmem>>
        %dma_start3A_476 = tpu.memref_squeeze %dma_start3A_475 : memref<1x40x128xf32, #tpu.memory_space<vmem>> -> memref<40x128xf32, #tpu.memory_space<vmem>>
        %dma_start3A_477 = arith.constant 0 : i32
        %dma_start3A_478 = tpu.memref_slice %arg11[%add3A_446, %dma_start3A_477] : memref<10240x128xf32, #tpu.memory_space<vmem_shared>> -> memref<40x128xf32, #tpu.memory_space<vmem_shared>>
        %dma_start3A_479 = arith.constant 0 : i32
        %dma_start3A_480 = arith.constant 0 : i32
        %dma_start3A_481 = tpu.memref_slice %arg9[%run_scoped3A_452, %dma_start3A_479, %dma_start3A_480] : memref<5x40x128xf32, #tpu.memory_space<vmem>> -> memref<1x40x128xf32, #tpu.memory_space<vmem>>
        %dma_start3A_482 = tpu.memref_squeeze %dma_start3A_481 : memref<1x40x128xf32, #tpu.memory_space<vmem>> -> memref<40x128xf32, #tpu.memory_space<vmem>>
        %dma_start3A_483 = arith.constant 0 : i32
        %dma_start3A_484 = tpu.memref_slice %arg11[%add3A_446, %dma_start3A_483] : memref<10240x128xf32, #tpu.memory_space<vmem_shared>> -> memref<40x128xf32, #tpu.memory_space<vmem_shared>>
        tpu.enqueue_dma source(%dma_start3A_484 : memref<40x128xf32, #tpu.memory_space<vmem_shared>>) target(%dma_start3A_482 : memref<40x128xf32, #tpu.memory_space<vmem>>) target_semaphore(%run_scoped3A_472 : memref<!tpu.dma_semaphore, #tpu.memory_space<semaphore_mem>>)
        %dma_wait3A_485 = arith.constant 0 : i32
        %dma_wait3A_486 = arith.constant 0 : i32
        %dma_wait3A_487 = tpu.memref_slice %arg9[%run_scoped3A_452, %dma_wait3A_485, %dma_wait3A_486] : memref<5x40x128xf32, #tpu.memory_space<vmem>> -> memref<1x40x128xf32, #tpu.memory_space<vmem>>
        %dma_wait3A_488 = tpu.memref_squeeze %dma_wait3A_487 : memref<1x40x128xf32, #tpu.memory_space<vmem>> -> memref<40x128xf32, #tpu.memory_space<vmem>>
        %dma_wait3A_489 = arith.constant 0 : i32
        %dma_wait3A_490 = tpu.memref_slice %arg11[%add3A_446, %dma_wait3A_489] : memref<10240x128xf32, #tpu.memory_space<vmem_shared>> -> memref<40x128xf32, #tpu.memory_space<vmem_shared>>
        %dma_wait3A_491 = arith.constant 0 : i32
        %dma_wait3A_492 = arith.constant 0 : i32
        %dma_wait3A_493 = tpu.memref_slice %arg9[%run_scoped3A_452, %dma_wait3A_491, %dma_wait3A_492] : memref<5x40x128xf32, #tpu.memory_space<vmem>> -> memref<1x40x128xf32, #tpu.memory_space<vmem>>
        %dma_wait3A_494 = tpu.memref_squeeze %dma_wait3A_493 : memref<1x40x128xf32, #tpu.memory_space<vmem>> -> memref<40x128xf32, #tpu.memory_space<vmem>>
        %dma_wait3A_495 = arith.constant 0 : i32
        %dma_wait3A_496 = tpu.memref_slice %arg11[%add3A_446, %dma_wait3A_495] : memref<10240x128xf32, #tpu.memory_space<vmem_shared>> -> memref<40x128xf32, #tpu.memory_space<vmem_shared>>
        tpu.wait_dma2 semaphore(%run_scoped3A_472 : memref<!tpu.dma_semaphore, #tpu.memory_space<semaphore_mem>>) src(%dma_wait3A_496 : memref<40x128xf32, #tpu.memory_space<vmem_shared>>) dst(%dma_wait3A_494 : memref<40x128xf32, #tpu.memory_space<vmem>>)
        tpu.yield
      }) : () -> ()
      %dma_start3A_453 = arith.constant 1 : i32
      %dma_start3A_454 = arith.constant 1 : i32
      %dma_start3A_455 = arith.constant 0 : i32
      %dma_start3A_456 = arith.constant 0 : i32
      %dma_start3A_457 = tpu.memref_slice %arg9[%dma_start3A_453, %dma_start3A_455, %dma_start3A_456] : memref<5x40x128xf32, #tpu.memory_space<vmem>> -> memref<1x40x128xf32, #tpu.memory_space<vmem>>
      %dma_start3A_458 = tpu.memref_squeeze %dma_start3A_457 : memref<1x40x128xf32, #tpu.memory_space<vmem>> -> memref<40x128xf32, #tpu.memory_space<vmem>>
      %dma_start3A_459 = arith.constant 0 : i32
      %dma_start3A_460 = tpu.memref_slice %arg5[%arg0, %add3A_446, %dma_start3A_459] : memref<2x10240x128xf32, #tpu.memory_space<hbm>> -> memref<1x40x128xf32, #tpu.memory_space<hbm>>
      %dma_start3A_461 = tpu.memref_squeeze %dma_start3A_460 : memref<1x40x128xf32, #tpu.memory_space<hbm>> -> memref<40x128xf32, #tpu.memory_space<hbm>>
      %dma_start3A_462 = tpu.memref_slice %arg12[%dma_start3A_454] : memref<5x!tpu.dma_semaphore, #tpu.memory_space<semaphore_mem>> -> memref<1x!tpu.dma_semaphore, #tpu.memory_space<semaphore_mem>>
      %dma_start3A_463 = tpu.memref_squeeze %dma_start3A_462 : memref<1x!tpu.dma_semaphore, #tpu.memory_space<semaphore_mem>> -> memref<!tpu.dma_semaphore, #tpu.memory_space<semaphore_mem>>
      %dma_start3A_464 = arith.constant 0 : i32
      %dma_start3A_465 = tpu.memref_slice %arg5[%arg0, %add3A_446, %dma_start3A_464] : memref<2x10240x128xf32, #tpu.memory_space<hbm>> -> memref<1x40x128xf32, #tpu.memory_space<hbm>>
      %dma_start3A_466 = tpu.memref_squeeze %dma_start3A_465 : memref<1x40x128xf32, #tpu.memory_space<hbm>> -> memref<40x128xf32, #tpu.memory_space<hbm>>
      %dma_start3A_467 = arith.constant 0 : i32
      %dma_start3A_468 = arith.constant 0 : i32
      %dma_start3A_469 = tpu.memref_slice %arg9[%dma_start3A_453, %dma_start3A_467, %dma_start3A_468] : memref<5x40x128xf32, #tpu.memory_space<vmem>> -> memref<1x40x128xf32, #tpu.memory_space<vmem>>
      %dma_start3A_470 = tpu.memref_squeeze %dma_start3A_469 : memref<1x40x128xf32, #tpu.memory_space<vmem>> -> memref<40x128xf32, #tpu.memory_space<vmem>>
      tpu.enqueue_dma source(%dma_start3A_470 : memref<40x128xf32, #tpu.memory_space<vmem>>) target(%dma_start3A_466 : memref<40x128xf32, #tpu.memory_space<hbm>>) target_semaphore(%dma_start3A_463 : memref<!tpu.dma_semaphore, #tpu.memory_space<semaphore_mem>>)
      %scan3A_471 = arith.constant 0 : i32
      scf.yield %scan3A_471 : i32
    }
    %scan3A_207 = arith.constant 8 : i32
    %mul3A_208 = arith.constant 640 : i32
    %mul3A_209 = arith.muli %arg1, %mul3A_208 : i32
    %add3A_210 = arith.constant 560 : i32
    %add3A_211 = arith.addi %mul3A_209, %add3A_210 : i32
    %dma_wait3A_212 = arith.constant 0 : i32
    %dma_wait3A_213 = arith.constant 0 : i32
    %dma_wait3A_214 = arith.constant 0 : i32
    %dma_wait3A_215 = arith.constant 0 : i32
    %dma_wait3A_216 = tpu.memref_slice %arg9[%dma_wait3A_212, %dma_wait3A_214, %dma_wait3A_215] : memref<5x40x128xf32, #tpu.memory_space<vmem>> -> memref<1x40x128xf32, #tpu.memory_space<vmem>>
    %dma_wait3A_217 = tpu.memref_squeeze %dma_wait3A_216 : memref<1x40x128xf32, #tpu.memory_space<vmem>> -> memref<40x128xf32, #tpu.memory_space<vmem>>
    %dma_wait3A_218 = arith.constant 0 : i32
    %dma_wait3A_219 = tpu.memref_slice %arg5[%arg0, %add3A_211, %dma_wait3A_218] : memref<2x10240x128xf32, #tpu.memory_space<hbm>> -> memref<1x40x128xf32, #tpu.memory_space<hbm>>
    %dma_wait3A_220 = tpu.memref_squeeze %dma_wait3A_219 : memref<1x40x128xf32, #tpu.memory_space<hbm>> -> memref<40x128xf32, #tpu.memory_space<hbm>>
    %dma_wait3A_221 = tpu.memref_slice %arg12[%dma_wait3A_213] : memref<5x!tpu.dma_semaphore, #tpu.memory_space<semaphore_mem>> -> memref<1x!tpu.dma_semaphore, #tpu.memory_space<semaphore_mem>>
    %dma_wait3A_222 = tpu.memref_squeeze %dma_wait3A_221 : memref<1x!tpu.dma_semaphore, #tpu.memory_space<semaphore_mem>> -> memref<!tpu.dma_semaphore, #tpu.memory_space<semaphore_mem>>
    %dma_wait3A_223 = arith.constant 0 : i32
    %dma_wait3A_224 = tpu.memref_slice %arg5[%arg0, %add3A_211, %dma_wait3A_223] : memref<2x10240x128xf32, #tpu.memory_space<hbm>> -> memref<1x40x128xf32, #tpu.memory_space<hbm>>
    %dma_wait3A_225 = tpu.memref_squeeze %dma_wait3A_224 : memref<1x40x128xf32, #tpu.memory_space<hbm>> -> memref<40x128xf32, #tpu.memory_space<hbm>>
    %dma_wait3A_226 = arith.constant 0 : i32
    %dma_wait3A_227 = arith.constant 0 : i32
    %dma_wait3A_228 = tpu.memref_slice %arg9[%dma_wait3A_212, %dma_wait3A_226, %dma_wait3A_227] : memref<5x40x128xf32, #tpu.memory_space<vmem>> -> memref<1x40x128xf32, #tpu.memory_space<vmem>>
    %dma_wait3A_229 = tpu.memref_squeeze %dma_wait3A_228 : memref<1x40x128xf32, #tpu.memory_space<vmem>> -> memref<40x128xf32, #tpu.memory_space<vmem>>
    tpu.wait_dma2 semaphore(%dma_wait3A_222 : memref<!tpu.dma_semaphore, #tpu.memory_space<semaphore_mem>>) src(%dma_wait3A_229 : memref<40x128xf32, #tpu.memory_space<vmem>>) dst(%dma_wait3A_225 : memref<40x128xf32, #tpu.memory_space<hbm>>)
    %mul3A_230 = arith.constant 640 : i32
    %mul3A_231 = arith.muli %arg1, %mul3A_230 : i32
    %add3A_232 = arith.constant 600 : i32
    %add3A_233 = arith.addi %mul3A_231, %add3A_232 : i32
    %dma_wait3A_234 = arith.constant 1 : i32
    %dma_wait3A_235 = arith.constant 1 : i32
    %dma_wait3A_236 = arith.constant 0 : i32
    %dma_wait3A_237 = arith.constant 0 : i32
    %dma_wait3A_238 = tpu.memref_slice %arg9[%dma_wait3A_234, %dma_wait3A_236, %dma_wait3A_237] : memref<5x40x128xf32, #tpu.memory_space<vmem>> -> memref<1x40x128xf32, #tpu.memory_space<vmem>>
    %dma_wait3A_239 = tpu.memref_squeeze %dma_wait3A_238 : memref<1x40x128xf32, #tpu.memory_space<vmem>> -> memref<40x128xf32, #tpu.memory_space<vmem>>
    %dma_wait3A_240 = arith.constant 0 : i32
    %dma_wait3A_241 = tpu.memref_slice %arg5[%arg0, %add3A_233, %dma_wait3A_240] : memref<2x10240x128xf32, #tpu.memory_space<hbm>> -> memref<1x40x128xf32, #tpu.memory_space<hbm>>
    %dma_wait3A_242 = tpu.memref_squeeze %dma_wait3A_241 : memref<1x40x128xf32, #tpu.memory_space<hbm>> -> memref<40x128xf32, #tpu.memory_space<hbm>>
    %dma_wait3A_243 = tpu.memref_slice %arg12[%dma_wait3A_235] : memref<5x!tpu.dma_semaphore, #tpu.memory_space<semaphore_mem>> -> memref<1x!tpu.dma_semaphore, #tpu.memory_space<semaphore_mem>>
    %dma_wait3A_244 = tpu.memref_squeeze %dma_wait3A_243 : memref<1x!tpu.dma_semaphore, #tpu.memory_space<semaphore_mem>> -> memref<!tpu.dma_semaphore, #tpu.memory_space<semaphore_mem>>
    %dma_wait3A_245 = arith.constant 0 : i32
    %dma_wait3A_246 = tpu.memref_slice %arg5[%arg0, %add3A_233, %dma_wait3A_245] : memref<2x10240x128xf32, #tpu.memory_space<hbm>> -> memref<1x40x128xf32, #tpu.memory_space<hbm>>
    %dma_wait3A_247 = tpu.memref_squeeze %dma_wait3A_246 : memref<1x40x128xf32, #tpu.memory_space<hbm>> -> memref<40x128xf32, #tpu.memory_space<hbm>>
    %dma_wait3A_248 = arith.constant 0 : i32
    %dma_wait3A_249 = arith.constant 0 : i32
    %dma_wait3A_250 = tpu.memref_slice %arg9[%dma_wait3A_234, %dma_wait3A_248, %dma_wait3A_249] : memref<5x40x128xf32, #tpu.memory_space<vmem>> -> memref<1x40x128xf32, #tpu.memory_space<vmem>>
    %dma_wait3A_251 = tpu.memref_squeeze %dma_wait3A_250 : memref<1x40x128xf32, #tpu.memory_space<vmem>> -> memref<40x128xf32, #tpu.memory_space<vmem>>
    tpu.wait_dma2 semaphore(%dma_wait3A_244 : memref<!tpu.dma_semaphore, #tpu.memory_space<semaphore_mem>>) src(%dma_wait3A_251 : memref<40x128xf32, #tpu.memory_space<vmem>>) dst(%dma_wait3A_247 : memref<40x128xf32, #tpu.memory_space<hbm>>)
    %barrier3A_252 = arith.constant 0 : index
    tpu.barrier barrier_id(%barrier3A_252)
    %scan3A_253 = arith.constant 0 : i32
    %scan3A_254 = arith.constant 0 : i32
    %scan3A_255 = arith.constant 320 : i32
    %scan3A_256 = arith.addi %scan3A_254, %scan3A_255 : i32
    %scan3A_257 = arith.constant 1 : i32
    %scan3A_258 = scf.for %scan3A_406 = %scan3A_254 to %scan3A_256 step %scan3A_257 iter_args(%scan3A_407 = %scan3A_253) -> (i32)  : i32 {
      %jit3A = arith.constant 8 : i32
      %div3A = arith.divsi %scan3A_406, %jit3A : i32
      %sign3A = arith.constant 0 : i32
      %sign3A_408 = arith.cmpi sgt, %scan3A_406, %sign3A : i32
      %sign3A_409 = arith.extui %sign3A_408 : i1 to i32
      %sign3A_410 = arith.constant 0 : i32
      %sign3A_411 = arith.cmpi slt, %scan3A_406, %sign3A_410 : i32
      %sign3A_412 = arith.extui %sign3A_411 : i1 to i32
      %sign3A_413 = arith.subi %sign3A_409, %sign3A_412 : i32
      %sign3A_414 = arith.constant 0 : i32
      %sign3A_415 = arith.cmpi sgt, %jit3A, %sign3A_414 : i32
      %sign3A_416 = arith.extui %sign3A_415 : i1 to i32
      %sign3A_417 = arith.constant 0 : i32
      %sign3A_418 = arith.cmpi slt, %jit3A, %sign3A_417 : i32
      %sign3A_419 = arith.extui %sign3A_418 : i1 to i32
      %sign3A_420 = arith.subi %sign3A_416, %sign3A_419 : i32
      %ne3A = arith.cmpi ne, %sign3A_413, %sign3A_420 : i32
      %rem3A = arith.remsi %scan3A_406, %jit3A : i32
      %ne3A_421 = arith.constant 0 : i32
      %ne3A_422 = arith.cmpi ne, %rem3A, %ne3A_421 : i32
      %and3A = arith.andi %ne3A, %ne3A_422 : i1
      %sub3A = arith.constant 1 : i32
      %sub3A_423 = arith.subi %div3A, %sub3A : i32
      %select_n3A = arith.select %and3A, %sub3A_423, %div3A : i32
      %jit3A_424 = arith.constant 8 : i32
      %eq3A = arith.constant 0 : i32
      %eq3A_425 = arith.cmpi eq, %jit3A_424, %eq3A : i32
      %jit3A_426 = arith.constant 1 : i32
      %select_n3A_427 = arith.select %eq3A_425, %jit3A_426, %jit3A_424 : i32
      %rem3A_428 = arith.remsi %scan3A_406, %select_n3A_427 : i32
      %ne3A_429 = arith.constant 0 : i32
      %ne3A_430 = arith.cmpi ne, %rem3A_428, %ne3A_429 : i32
      %lt3A = arith.constant 0 : i32
      %lt3A_431 = arith.cmpi slt, %rem3A_428, %lt3A : i32
      %lt3A_432 = arith.constant 0 : i32
      %lt3A_433 = arith.cmpi slt, %select_n3A_427, %lt3A_432 : i32
      %ne3A_434 = arith.xori %lt3A_431, %lt3A_433 : i1
      %and3A_435 = arith.andi %ne3A_434, %ne3A_430 : i1
      %add3A_436 = arith.addi %rem3A_428, %select_n3A_427 : i32
      %select_n3A_437 = arith.select %and3A_435, %add3A_436, %rem3A_428 : i32
      %mul3A_438 = arith.constant 16 : i32
      %mul3A_439 = arith.muli %select_n3A_437, %mul3A_438 : i32
      %swap3A = arith.index_cast %select_n3A : i32 to index
      %swap3A_440 = arith.index_cast %mul3A_439 : i32 to index
      %swap3A_441 = tpu.vector_load %arg10[%swap3A, %swap3A_440] {strides = array<i32>} : memref<40x128xf32, #tpu.memory_space<vmem>>, vector<1x16xf32>,
      %swap3A_442 = vector.shape_cast %swap3A_441 : vector<1x16xf32> to vector<16xf32>
      %swap3A_443 = vector.shape_cast %broadcast_in_dim3A_3 : vector<16xf32> to vector<1x16xf32>
      tpu.vector_store %arg10[%swap3A, %swap3A_440], %swap3A_443 {strides = array<i32>} : memref<40x128xf32, #tpu.memory_space<vmem>>, vector<1x16xf32>,
      %scan3A_444 = arith.constant 0 : i32
      scf.yield %scan3A_444 : i32
    }
    %scan3A_259 = arith.constant 320 : i32
    %scan3A_260 = arith.constant 0 : i32
    %scan3A_261 = arith.constant 0 : i32
    %scan3A_262 = arith.constant 16 : i32
    %scan3A_263 = arith.addi %scan3A_261, %scan3A_262 : i32
    %scan3A_264 = arith.constant 1 : i32
    %scan3A_265 = scf.for %scan3A_406 = %scan3A_261 to %scan3A_263 step %scan3A_264 iter_args(%scan3A_407 = %scan3A_260) -> (i32)  : i32 {
      %mul3A_408 = arith.constant 640 : i32
      %mul3A_409 = arith.muli %arg1, %mul3A_408 : i32
      %mul3A_410 = arith.constant 40 : i32
      %mul3A_411 = arith.muli %scan3A_406, %mul3A_410 : i32
      %add3A_412 = arith.addi %mul3A_409, %mul3A_411 : i32
      %dma_start3A_413 = arith.constant 0 : i32
      %dma_start3A_414 = arith.constant 0 : i32
      %dma_start3A_415 = tpu.memref_slice %arg11[%add3A_412, %dma_start3A_414] : memref<10240x128xf32, #tpu.memory_space<vmem_shared>> -> memref<40x128xf32, #tpu.memory_space<vmem_shared>>
      %dma_start3A_416 = tpu.memref_slice %arg12[%dma_start3A_413] : memref<5x!tpu.dma_semaphore, #tpu.memory_space<semaphore_mem>> -> memref<1x!tpu.dma_semaphore, #tpu.memory_space<semaphore_mem>>
      %dma_start3A_417 = tpu.memref_squeeze %dma_start3A_416 : memref<1x!tpu.dma_semaphore, #tpu.memory_space<semaphore_mem>> -> memref<!tpu.dma_semaphore, #tpu.memory_space<semaphore_mem>>
      %dma_start3A_418 = arith.constant 0 : i32
      %dma_start3A_419 = tpu.memref_slice %arg11[%add3A_412, %dma_start3A_418] : memref<10240x128xf32, #tpu.memory_space<vmem_shared>> -> memref<40x128xf32, #tpu.memory_space<vmem_shared>>
      tpu.enqueue_dma source(%arg10 : memref<40x128xf32, #tpu.memory_space<vmem>>) target(%dma_start3A_419 : memref<40x128xf32, #tpu.memory_space<vmem_shared>>) target_semaphore(%dma_start3A_417 : memref<!tpu.dma_semaphore, #tpu.memory_space<semaphore_mem>>)
      %scan3A_420 = arith.constant 0 : i32
      scf.yield %scan3A_420 : i32
    }
    %scan3A_266 = arith.constant 16 : i32
    %scan3A_267 = arith.constant 0 : i32
    %scan3A_268 = arith.constant 0 : i32
    %scan3A_269 = arith.constant 16 : i32
    %scan3A_270 = arith.addi %scan3A_268, %scan3A_269 : i32
    %scan3A_271 = arith.constant 1 : i32
    %scan3A_272 = scf.for %scan3A_406 = %scan3A_268 to %scan3A_270 step %scan3A_271 iter_args(%scan3A_407 = %scan3A_267) -> (i32)  : i32 {
      %mul3A_408 = arith.constant 640 : i32
      %mul3A_409 = arith.muli %arg1, %mul3A_408 : i32
      %mul3A_410 = arith.constant 40 : i32
      %mul3A_411 = arith.muli %scan3A_406, %mul3A_410 : i32
      %add3A_412 = arith.addi %mul3A_409, %mul3A_411 : i32
      %dma_wait3A_413 = arith.constant 0 : i32
      %dma_wait3A_414 = arith.constant 0 : i32
      %dma_wait3A_415 = tpu.memref_slice %arg11[%add3A_412, %dma_wait3A_414] : memref<10240x128xf32, #tpu.memory_space<vmem_shared>> -> memref<40x128xf32, #tpu.memory_space<vmem_shared>>
      %dma_wait3A_416 = tpu.memref_slice %arg12[%dma_wait3A_413] : memref<5x!tpu.dma_semaphore, #tpu.memory_space<semaphore_mem>> -> memref<1x!tpu.dma_semaphore, #tpu.memory_space<semaphore_mem>>
      %dma_wait3A_417 = tpu.memref_squeeze %dma_wait3A_416 : memref<1x!tpu.dma_semaphore, #tpu.memory_space<semaphore_mem>> -> memref<!tpu.dma_semaphore, #tpu.memory_space<semaphore_mem>>
      %dma_wait3A_418 = arith.constant 0 : i32
      %dma_wait3A_419 = tpu.memref_slice %arg11[%add3A_412, %dma_wait3A_418] : memref<10240x128xf32, #tpu.memory_space<vmem_shared>> -> memref<40x128xf32, #tpu.memory_space<vmem_shared>>
      tpu.wait_dma2 semaphore(%dma_wait3A_417 : memref<!tpu.dma_semaphore, #tpu.memory_space<semaphore_mem>>) src(%arg10 : memref<40x128xf32, #tpu.memory_space<vmem>>) dst(%dma_wait3A_419 : memref<40x128xf32, #tpu.memory_space<vmem_shared>>)
      %scan3A_420 = arith.constant 0 : i32
      scf.yield %scan3A_420 : i32
    }
    %scan3A_273 = arith.constant 16 : i32
    %barrier3A_274 = arith.constant 0 : index
    tpu.barrier barrier_id(%barrier3A_274)
    %scan3A_275 = arith.constant 0 : i32
    %scan3A_276 = arith.constant 0 : i32
    %scan3A_277 = arith.constant 320 : i32
    %scan3A_278 = arith.addi %scan3A_276, %scan3A_277 : i32
    %scan3A_279 = arith.constant 1 : i32
    %scan3A_280 = scf.for %scan3A_406 = %scan3A_276 to %scan3A_278 step %scan3A_279 iter_args(%scan3A_407 = %scan3A_275) -> (i32)  : i32 {
      %jit3A = arith.constant 8 : i32
      %div3A = arith.divsi %scan3A_406, %jit3A : i32
      %sign3A = arith.constant 0 : i32
      %sign3A_408 = arith.cmpi sgt, %scan3A_406, %sign3A : i32
      %sign3A_409 = arith.extui %sign3A_408 : i1 to i32
      %sign3A_410 = arith.constant 0 : i32
      %sign3A_411 = arith.cmpi slt, %scan3A_406, %sign3A_410 : i32
      %sign3A_412 = arith.extui %sign3A_411 : i1 to i32
      %sign3A_413 = arith.subi %sign3A_409, %sign3A_412 : i32
      %sign3A_414 = arith.constant 0 : i32
      %sign3A_415 = arith.cmpi sgt, %jit3A, %sign3A_414 : i32
      %sign3A_416 = arith.extui %sign3A_415 : i1 to i32
      %sign3A_417 = arith.constant 0 : i32
      %sign3A_418 = arith.cmpi slt, %jit3A, %sign3A_417 : i32
      %sign3A_419 = arith.extui %sign3A_418 : i1 to i32
      %sign3A_420 = arith.subi %sign3A_416, %sign3A_419 : i32
      %ne3A = arith.cmpi ne, %sign3A_413, %sign3A_420 : i32
      %rem3A = arith.remsi %scan3A_406, %jit3A : i32
      %ne3A_421 = arith.constant 0 : i32
      %ne3A_422 = arith.cmpi ne, %rem3A, %ne3A_421 : i32
      %and3A = arith.andi %ne3A, %ne3A_422 : i1
      %sub3A = arith.constant 1 : i32
      %sub3A_423 = arith.subi %div3A, %sub3A : i32
      %select_n3A = arith.select %and3A, %sub3A_423, %div3A : i32
      %jit3A_424 = arith.constant 8 : i32
      %eq3A = arith.constant 0 : i32
      %eq3A_425 = arith.cmpi eq, %jit3A_424, %eq3A : i32
      %jit3A_426 = arith.constant 1 : i32
      %select_n3A_427 = arith.select %eq3A_425, %jit3A_426, %jit3A_424 : i32
      %rem3A_428 = arith.remsi %scan3A_406, %select_n3A_427 : i32
      %ne3A_429 = arith.constant 0 : i32
      %ne3A_430 = arith.cmpi ne, %rem3A_428, %ne3A_429 : i32
      %lt3A = arith.constant 0 : i32
      %lt3A_431 = arith.cmpi slt, %rem3A_428, %lt3A : i32
      %lt3A_432 = arith.constant 0 : i32
      %lt3A_433 = arith.cmpi slt, %select_n3A_427, %lt3A_432 : i32
      %ne3A_434 = arith.xori %lt3A_431, %lt3A_433 : i1
      %and3A_435 = arith.andi %ne3A_434, %ne3A_430 : i1
      %add3A_436 = arith.addi %rem3A_428, %select_n3A_427 : i32
      %select_n3A_437 = arith.select %and3A_435, %add3A_436, %rem3A_428 : i32
      %mul3A_438 = arith.constant 16 : i32
      %mul3A_439 = arith.muli %select_n3A_437, %mul3A_438 : i32
      %swap3A = arith.index_cast %select_n3A : i32 to index
      %swap3A_440 = arith.index_cast %mul3A_439 : i32 to index
      %swap3A_441 = tpu.vector_load %arg10[%swap3A, %swap3A_440] {strides = array<i32>} : memref<40x128xf32, #tpu.memory_space<vmem>>, vector<1x16xf32>,
      %swap3A_442 = vector.shape_cast %swap3A_441 : vector<1x16xf32> to vector<16xf32>
      %swap3A_443 = vector.shape_cast %broadcast_in_dim3A_5 : vector<16xf32> to vector<1x16xf32>
      tpu.vector_store %arg10[%swap3A, %swap3A_440], %swap3A_443 {strides = array<i32>} : memref<40x128xf32, #tpu.memory_space<vmem>>, vector<1x16xf32>,
      %scan3A_444 = arith.constant 0 : i32
      scf.yield %scan3A_444 : i32
    }
    %scan3A_281 = arith.constant 320 : i32
    %add3A_282 = arith.constant 0 : i32
    %add3A_283 = arith.addi %mul3A_2, %add3A_282 : i32
    %run_scoped3A_284 = arith.constant 0 : i32
    "tpu.region"() ({
      %run_scoped3A_406 = tpu.sem_alloc : memref<!tpu.dma_semaphore, #tpu.memory_space<semaphore_mem>>
      %dma_start3A_407 = arith.constant 0 : i32
      %dma_start3A_408 = tpu.memref_slice %arg8[%run_scoped3A_284, %dma_start3A_407] : memref<5x40xi32, #tpu.memory_space<vmem>> -> memref<1x40xi32, #tpu.memory_space<vmem>>
      %dma_start3A_409 = tpu.memref_squeeze %dma_start3A_408 : memref<1x40xi32, #tpu.memory_space<vmem>> -> memref<40xi32, #tpu.memory_space<vmem>>
      %dma_start3A_410 = tpu.memref_slice %arg4[%add3A_283] : memref<320000xi32, #tpu.memory_space<hbm>> -> memref<40xi32, #tpu.memory_space<hbm>>
      %dma_start3A_411 = arith.constant 0 : i32
      %dma_start3A_412 = tpu.memref_slice %arg8[%run_scoped3A_284, %dma_start3A_411] : memref<5x40xi32, #tpu.memory_space<vmem>> -> memref<1x40xi32, #tpu.memory_space<vmem>>
      %dma_start3A_413 = tpu.memref_squeeze %dma_start3A_412 : memref<1x40xi32, #tpu.memory_space<vmem>> -> memref<40xi32, #tpu.memory_space<vmem>>
      %dma_start3A_414 = tpu.memref_slice %arg4[%add3A_283] : memref<320000xi32, #tpu.memory_space<hbm>> -> memref<40xi32, #tpu.memory_space<hbm>>
      tpu.enqueue_dma source(%dma_start3A_414 : memref<40xi32, #tpu.memory_space<hbm>>) target(%dma_start3A_413 : memref<40xi32, #tpu.memory_space<vmem>>) target_semaphore(%run_scoped3A_406 : memref<!tpu.dma_semaphore, #tpu.memory_space<semaphore_mem>>)
      %dma_wait3A_415 = arith.constant 0 : i32
      %dma_wait3A_416 = tpu.memref_slice %arg8[%run_scoped3A_284, %dma_wait3A_415] : memref<5x40xi32, #tpu.memory_space<vmem>> -> memref<1x40xi32, #tpu.memory_space<vmem>>
      %dma_wait3A_417 = tpu.memref_squeeze %dma_wait3A_416 : memref<1x40xi32, #tpu.memory_space<vmem>> -> memref<40xi32, #tpu.memory_space<vmem>>
      %dma_wait3A_418 = tpu.memref_slice %arg4[%add3A_283] : memref<320000xi32, #tpu.memory_space<hbm>> -> memref<40xi32, #tpu.memory_space<hbm>>
      %dma_wait3A_419 = arith.constant 0 : i32
      %dma_wait3A_420 = tpu.memref_slice %arg8[%run_scoped3A_284, %dma_wait3A_419] : memref<5x40xi32, #tpu.memory_space<vmem>> -> memref<1x40xi32, #tpu.memory_space<vmem>>
      %dma_wait3A_421 = tpu.memref_squeeze %dma_wait3A_420 : memref<1x40xi32, #tpu.memory_space<vmem>> -> memref<40xi32, #tpu.memory_space<vmem>>
      %dma_wait3A_422 = tpu.memref_slice %arg4[%add3A_283] : memref<320000xi32, #tpu.memory_space<hbm>> -> memref<40xi32, #tpu.memory_space<hbm>>
      tpu.wait_dma2 semaphore(%run_scoped3A_406 : memref<!tpu.dma_semaphore, #tpu.memory_space<semaphore_mem>>) src(%dma_wait3A_422 : memref<40xi32, #tpu.memory_space<hbm>>) dst(%dma_wait3A_421 : memref<40xi32, #tpu.memory_space<vmem>>)
      tpu.yield
    }) : () -> ()
    %dma_start3A_285 = arith.constant 0 : i32
    %dma_start3A_286 = arith.constant 0 : i32
    %dma_start3A_287 = arith.constant 0 : i32
    %dma_start3A_288 = tpu.memref_slice %arg8[%dma_start3A_285, %dma_start3A_287] : memref<5x40xi32, #tpu.memory_space<vmem>> -> memref<1x40xi32, #tpu.memory_space<vmem>>
    %dma_start3A_289 = tpu.memref_squeeze %dma_start3A_288 : memref<1x40xi32, #tpu.memory_space<vmem>> -> memref<40xi32, #tpu.memory_space<vmem>>
    %dma_start3A_290 = arith.constant 0 : i32
    %dma_start3A_291 = arith.constant 0 : i32
    %dma_start3A_292 = tpu.memref_slice %arg11[%dma_start3A_290, %dma_start3A_291] : memref<10240x128xf32, #tpu.memory_space<vmem_shared>> -> memref<10240x128xf32, #tpu.memory_space<vmem_shared>>
    %dma_start3A_293 = tpu.memref_slice %arg13[%dma_start3A_286] : memref<5x!tpu.dma_semaphore, #tpu.memory_space<semaphore_mem>> -> memref<1x!tpu.dma_semaphore, #tpu.memory_space<semaphore_mem>>
    %dma_start3A_294 = tpu.memref_squeeze %dma_start3A_293 : memref<1x!tpu.dma_semaphore, #tpu.memory_space<semaphore_mem>> -> memref<!tpu.dma_semaphore, #tpu.memory_space<semaphore_mem>>
    tpu.enqueue_indirect_dma source(%arg10 : memref<40x128xf32, #tpu.memory_space<vmem>>) target(%dma_start3A_292 : memref<10240x128xf32, #tpu.memory_space<vmem_shared>>) offsets(%dma_start3A_289 : memref<40xi32, #tpu.memory_space<vmem>>) semaphore(%dma_start3A_294 : memref<!tpu.dma_semaphore, #tpu.memory_space<semaphore_mem>>) {add = true}
    %add3A_295 = arith.constant 40 : i32
    %add3A_296 = arith.addi %mul3A_2, %add3A_295 : i32
    %run_scoped3A_297 = arith.constant 1 : i32
    "tpu.region"() ({
      %run_scoped3A_406 = tpu.sem_alloc : memref<!tpu.dma_semaphore, #tpu.memory_space<semaphore_mem>>
      %dma_start3A_407 = arith.constant 0 : i32
      %dma_start3A_408 = tpu.memref_slice %arg8[%run_scoped3A_297, %dma_start3A_407] : memref<5x40xi32, #tpu.memory_space<vmem>> -> memref<1x40xi32, #tpu.memory_space<vmem>>
      %dma_start3A_409 = tpu.memref_squeeze %dma_start3A_408 : memref<1x40xi32, #tpu.memory_space<vmem>> -> memref<40xi32, #tpu.memory_space<vmem>>
      %dma_start3A_410 = tpu.memref_slice %arg4[%add3A_296] : memref<320000xi32, #tpu.memory_space<hbm>> -> memref<40xi32, #tpu.memory_space<hbm>>
      %dma_start3A_411 = arith.constant 0 : i32
      %dma_start3A_412 = tpu.memref_slice %arg8[%run_scoped3A_297, %dma_start3A_411] : memref<5x40xi32, #tpu.memory_space<vmem>> -> memref<1x40xi32, #tpu.memory_space<vmem>>
      %dma_start3A_413 = tpu.memref_squeeze %dma_start3A_412 : memref<1x40xi32, #tpu.memory_space<vmem>> -> memref<40xi32, #tpu.memory_space<vmem>>
      %dma_start3A_414 = tpu.memref_slice %arg4[%add3A_296] : memref<320000xi32, #tpu.memory_space<hbm>> -> memref<40xi32, #tpu.memory_space<hbm>>
      tpu.enqueue_dma source(%dma_start3A_414 : memref<40xi32, #tpu.memory_space<hbm>>) target(%dma_start3A_413 : memref<40xi32, #tpu.memory_space<vmem>>) target_semaphore(%run_scoped3A_406 : memref<!tpu.dma_semaphore, #tpu.memory_space<semaphore_mem>>)
      %dma_wait3A_415 = arith.constant 0 : i32
      %dma_wait3A_416 = tpu.memref_slice %arg8[%run_scoped3A_297, %dma_wait3A_415] : memref<5x40xi32, #tpu.memory_space<vmem>> -> memref<1x40xi32, #tpu.memory_space<vmem>>
      %dma_wait3A_417 = tpu.memref_squeeze %dma_wait3A_416 : memref<1x40xi32, #tpu.memory_space<vmem>> -> memref<40xi32, #tpu.memory_space<vmem>>
      %dma_wait3A_418 = tpu.memref_slice %arg4[%add3A_296] : memref<320000xi32, #tpu.memory_space<hbm>> -> memref<40xi32, #tpu.memory_space<hbm>>
      %dma_wait3A_419 = arith.constant 0 : i32
      %dma_wait3A_420 = tpu.memref_slice %arg8[%run_scoped3A_297, %dma_wait3A_419] : memref<5x40xi32, #tpu.memory_space<vmem>> -> memref<1x40xi32, #tpu.memory_space<vmem>>
      %dma_wait3A_421 = tpu.memref_squeeze %dma_wait3A_420 : memref<1x40xi32, #tpu.memory_space<vmem>> -> memref<40xi32, #tpu.memory_space<vmem>>
      %dma_wait3A_422 = tpu.memref_slice %arg4[%add3A_296] : memref<320000xi32, #tpu.memory_space<hbm>> -> memref<40xi32, #tpu.memory_space<hbm>>
      tpu.wait_dma2 semaphore(%run_scoped3A_406 : memref<!tpu.dma_semaphore, #tpu.memory_space<semaphore_mem>>) src(%dma_wait3A_422 : memref<40xi32, #tpu.memory_space<hbm>>) dst(%dma_wait3A_421 : memref<40xi32, #tpu.memory_space<vmem>>)
      tpu.yield
    }) : () -> ()
    %dma_start3A_298 = arith.constant 1 : i32
    %dma_start3A_299 = arith.constant 1 : i32
    %dma_start3A_300 = arith.constant 0 : i32
    %dma_start3A_301 = tpu.memref_slice %arg8[%dma_start3A_298, %dma_start3A_300] : memref<5x40xi32, #tpu.memory_space<vmem>> -> memref<1x40xi32, #tpu.memory_space<vmem>>
    %dma_start3A_302 = tpu.memref_squeeze %dma_start3A_301 : memref<1x40xi32, #tpu.memory_space<vmem>> -> memref<40xi32, #tpu.memory_space<vmem>>
    %dma_start3A_303 = arith.constant 0 : i32
    %dma_start3A_304 = arith.constant 0 : i32
    %dma_start3A_305 = tpu.memref_slice %arg11[%dma_start3A_303, %dma_start3A_304] : memref<10240x128xf32, #tpu.memory_space<vmem_shared>> -> memref<10240x128xf32, #tpu.memory_space<vmem_shared>>
    %dma_start3A_306 = tpu.memref_slice %arg13[%dma_start3A_299] : memref<5x!tpu.dma_semaphore, #tpu.memory_space<semaphore_mem>> -> memref<1x!tpu.dma_semaphore, #tpu.memory_space<semaphore_mem>>
    %dma_start3A_307 = tpu.memref_squeeze %dma_start3A_306 : memref<1x!tpu.dma_semaphore, #tpu.memory_space<semaphore_mem>> -> memref<!tpu.dma_semaphore, #tpu.memory_space<semaphore_mem>>
    tpu.enqueue_indirect_dma source(%arg10 : memref<40x128xf32, #tpu.memory_space<vmem>>) target(%dma_start3A_305 : memref<10240x128xf32, #tpu.memory_space<vmem_shared>>) offsets(%dma_start3A_302 : memref<40xi32, #tpu.memory_space<vmem>>) semaphore(%dma_start3A_307 : memref<!tpu.dma_semaphore, #tpu.memory_space<semaphore_mem>>) {add = true}
    %add3A_308 = arith.constant 80 : i32
    %add3A_309 = arith.addi %mul3A_2, %add3A_308 : i32
    %run_scoped3A_310 = arith.constant 2 : i32
    "tpu.region"() ({
      %run_scoped3A_406 = tpu.sem_alloc : memref<!tpu.dma_semaphore, #tpu.memory_space<semaphore_mem>>
      %dma_start3A_407 = arith.constant 0 : i32
      %dma_start3A_408 = tpu.memref_slice %arg8[%run_scoped3A_310, %dma_start3A_407] : memref<5x40xi32, #tpu.memory_space<vmem>> -> memref<1x40xi32, #tpu.memory_space<vmem>>
      %dma_start3A_409 = tpu.memref_squeeze %dma_start3A_408 : memref<1x40xi32, #tpu.memory_space<vmem>> -> memref<40xi32, #tpu.memory_space<vmem>>
      %dma_start3A_410 = tpu.memref_slice %arg4[%add3A_309] : memref<320000xi32, #tpu.memory_space<hbm>> -> memref<40xi32, #tpu.memory_space<hbm>>
      %dma_start3A_411 = arith.constant 0 : i32
      %dma_start3A_412 = tpu.memref_slice %arg8[%run_scoped3A_310, %dma_start3A_411] : memref<5x40xi32, #tpu.memory_space<vmem>> -> memref<1x40xi32, #tpu.memory_space<vmem>>
      %dma_start3A_413 = tpu.memref_squeeze %dma_start3A_412 : memref<1x40xi32, #tpu.memory_space<vmem>> -> memref<40xi32, #tpu.memory_space<vmem>>
      %dma_start3A_414 = tpu.memref_slice %arg4[%add3A_309] : memref<320000xi32, #tpu.memory_space<hbm>> -> memref<40xi32, #tpu.memory_space<hbm>>
      tpu.enqueue_dma source(%dma_start3A_414 : memref<40xi32, #tpu.memory_space<hbm>>) target(%dma_start3A_413 : memref<40xi32, #tpu.memory_space<vmem>>) target_semaphore(%run_scoped3A_406 : memref<!tpu.dma_semaphore, #tpu.memory_space<semaphore_mem>>)
      %dma_wait3A_415 = arith.constant 0 : i32
      %dma_wait3A_416 = tpu.memref_slice %arg8[%run_scoped3A_310, %dma_wait3A_415] : memref<5x40xi32, #tpu.memory_space<vmem>> -> memref<1x40xi32, #tpu.memory_space<vmem>>
      %dma_wait3A_417 = tpu.memref_squeeze %dma_wait3A_416 : memref<1x40xi32, #tpu.memory_space<vmem>> -> memref<40xi32, #tpu.memory_space<vmem>>
      %dma_wait3A_418 = tpu.memref_slice %arg4[%add3A_309] : memref<320000xi32, #tpu.memory_space<hbm>> -> memref<40xi32, #tpu.memory_space<hbm>>
      %dma_wait3A_419 = arith.constant 0 : i32
      %dma_wait3A_420 = tpu.memref_slice %arg8[%run_scoped3A_310, %dma_wait3A_419] : memref<5x40xi32, #tpu.memory_space<vmem>> -> memref<1x40xi32, #tpu.memory_space<vmem>>
      %dma_wait3A_421 = tpu.memref_squeeze %dma_wait3A_420 : memref<1x40xi32, #tpu.memory_space<vmem>> -> memref<40xi32, #tpu.memory_space<vmem>>
      %dma_wait3A_422 = tpu.memref_slice %arg4[%add3A_309] : memref<320000xi32, #tpu.memory_space<hbm>> -> memref<40xi32, #tpu.memory_space<hbm>>
      tpu.wait_dma2 semaphore(%run_scoped3A_406 : memref<!tpu.dma_semaphore, #tpu.memory_space<semaphore_mem>>) src(%dma_wait3A_422 : memref<40xi32, #tpu.memory_space<hbm>>) dst(%dma_wait3A_421 : memref<40xi32, #tpu.memory_space<vmem>>)
      tpu.yield
    }) : () -> ()
    %dma_start3A_311 = arith.constant 2 : i32
    %dma_start3A_312 = arith.constant 2 : i32
    %dma_start3A_313 = arith.constant 0 : i32
    %dma_start3A_314 = tpu.memref_slice %arg8[%dma_start3A_311, %dma_start3A_313] : memref<5x40xi32, #tpu.memory_space<vmem>> -> memref<1x40xi32, #tpu.memory_space<vmem>>
    %dma_start3A_315 = tpu.memref_squeeze %dma_start3A_314 : memref<1x40xi32, #tpu.memory_space<vmem>> -> memref<40xi32, #tpu.memory_space<vmem>>
    %dma_start3A_316 = arith.constant 0 : i32
    %dma_start3A_317 = arith.constant 0 : i32
    %dma_start3A_318 = tpu.memref_slice %arg11[%dma_start3A_316, %dma_start3A_317] : memref<10240x128xf32, #tpu.memory_space<vmem_shared>> -> memref<10240x128xf32, #tpu.memory_space<vmem_shared>>
    %dma_start3A_319 = tpu.memref_slice %arg13[%dma_start3A_312] : memref<5x!tpu.dma_semaphore, #tpu.memory_space<semaphore_mem>> -> memref<1x!tpu.dma_semaphore, #tpu.memory_space<semaphore_mem>>
    %dma_start3A_320 = tpu.memref_squeeze %dma_start3A_319 : memref<1x!tpu.dma_semaphore, #tpu.memory_space<semaphore_mem>> -> memref<!tpu.dma_semaphore, #tpu.memory_space<semaphore_mem>>
    tpu.enqueue_indirect_dma source(%arg10 : memref<40x128xf32, #tpu.memory_space<vmem>>) target(%dma_start3A_318 : memref<10240x128xf32, #tpu.memory_space<vmem_shared>>) offsets(%dma_start3A_315 : memref<40xi32, #tpu.memory_space<vmem>>) semaphore(%dma_start3A_320 : memref<!tpu.dma_semaphore, #tpu.memory_space<semaphore_mem>>) {add = true}
    %add3A_321 = arith.constant 120 : i32
    %add3A_322 = arith.addi %mul3A_2, %add3A_321 : i32
    %run_scoped3A_323 = arith.constant 3 : i32
    "tpu.region"() ({
      %run_scoped3A_406 = tpu.sem_alloc : memref<!tpu.dma_semaphore, #tpu.memory_space<semaphore_mem>>
      %dma_start3A_407 = arith.constant 0 : i32
      %dma_start3A_408 = tpu.memref_slice %arg8[%run_scoped3A_323, %dma_start3A_407] : memref<5x40xi32, #tpu.memory_space<vmem>> -> memref<1x40xi32, #tpu.memory_space<vmem>>
      %dma_start3A_409 = tpu.memref_squeeze %dma_start3A_408 : memref<1x40xi32, #tpu.memory_space<vmem>> -> memref<40xi32, #tpu.memory_space<vmem>>
      %dma_start3A_410 = tpu.memref_slice %arg4[%add3A_322] : memref<320000xi32, #tpu.memory_space<hbm>> -> memref<40xi32, #tpu.memory_space<hbm>>
      %dma_start3A_411 = arith.constant 0 : i32
      %dma_start3A_412 = tpu.memref_slice %arg8[%run_scoped3A_323, %dma_start3A_411] : memref<5x40xi32, #tpu.memory_space<vmem>> -> memref<1x40xi32, #tpu.memory_space<vmem>>
      %dma_start3A_413 = tpu.memref_squeeze %dma_start3A_412 : memref<1x40xi32, #tpu.memory_space<vmem>> -> memref<40xi32, #tpu.memory_space<vmem>>
      %dma_start3A_414 = tpu.memref_slice %arg4[%add3A_322] : memref<320000xi32, #tpu.memory_space<hbm>> -> memref<40xi32, #tpu.memory_space<hbm>>
      tpu.enqueue_dma source(%dma_start3A_414 : memref<40xi32, #tpu.memory_space<hbm>>) target(%dma_start3A_413 : memref<40xi32, #tpu.memory_space<vmem>>) target_semaphore(%run_scoped3A_406 : memref<!tpu.dma_semaphore, #tpu.memory_space<semaphore_mem>>)
      %dma_wait3A_415 = arith.constant 0 : i32
      %dma_wait3A_416 = tpu.memref_slice %arg8[%run_scoped3A_323, %dma_wait3A_415] : memref<5x40xi32, #tpu.memory_space<vmem>> -> memref<1x40xi32, #tpu.memory_space<vmem>>
      %dma_wait3A_417 = tpu.memref_squeeze %dma_wait3A_416 : memref<1x40xi32, #tpu.memory_space<vmem>> -> memref<40xi32, #tpu.memory_space<vmem>>
      %dma_wait3A_418 = tpu.memref_slice %arg4[%add3A_322] : memref<320000xi32, #tpu.memory_space<hbm>> -> memref<40xi32, #tpu.memory_space<hbm>>
      %dma_wait3A_419 = arith.constant 0 : i32
      %dma_wait3A_420 = tpu.memref_slice %arg8[%run_scoped3A_323, %dma_wait3A_419] : memref<5x40xi32, #tpu.memory_space<vmem>> -> memref<1x40xi32, #tpu.memory_space<vmem>>
      %dma_wait3A_421 = tpu.memref_squeeze %dma_wait3A_420 : memref<1x40xi32, #tpu.memory_space<vmem>> -> memref<40xi32, #tpu.memory_space<vmem>>
      %dma_wait3A_422 = tpu.memref_slice %arg4[%add3A_322] : memref<320000xi32, #tpu.memory_space<hbm>> -> memref<40xi32, #tpu.memory_space<hbm>>
      tpu.wait_dma2 semaphore(%run_scoped3A_406 : memref<!tpu.dma_semaphore, #tpu.memory_space<semaphore_mem>>) src(%dma_wait3A_422 : memref<40xi32, #tpu.memory_space<hbm>>) dst(%dma_wait3A_421 : memref<40xi32, #tpu.memory_space<vmem>>)
      tpu.yield
    }) : () -> ()
    %dma_start3A_324 = arith.constant 3 : i32
    %dma_start3A_325 = arith.constant 3 : i32
    %dma_start3A_326 = arith.constant 0 : i32
    %dma_start3A_327 = tpu.memref_slice %arg8[%dma_start3A_324, %dma_start3A_326] : memref<5x40xi32, #tpu.memory_space<vmem>> -> memref<1x40xi32, #tpu.memory_space<vmem>>
    %dma_start3A_328 = tpu.memref_squeeze %dma_start3A_327 : memref<1x40xi32, #tpu.memory_space<vmem>> -> memref<40xi32, #tpu.memory_space<vmem>>
    %dma_start3A_329 = arith.constant 0 : i32
    %dma_start3A_330 = arith.constant 0 : i32
    %dma_start3A_331 = tpu.memref_slice %arg11[%dma_start3A_329, %dma_start3A_330] : memref<10240x128xf32, #tpu.memory_space<vmem_shared>> -> memref<10240x128xf32, #tpu.memory_space<vmem_shared>>
    %dma_start3A_332 = tpu.memref_slice %arg13[%dma_start3A_325] : memref<5x!tpu.dma_semaphore, #tpu.memory_space<semaphore_mem>> -> memref<1x!tpu.dma_semaphore, #tpu.memory_space<semaphore_mem>>
    %dma_start3A_333 = tpu.memref_squeeze %dma_start3A_332 : memref<1x!tpu.dma_semaphore, #tpu.memory_space<semaphore_mem>> -> memref<!tpu.dma_semaphore, #tpu.memory_space<semaphore_mem>>
    tpu.enqueue_indirect_dma source(%arg10 : memref<40x128xf32, #tpu.memory_space<vmem>>) target(%dma_start3A_331 : memref<10240x128xf32, #tpu.memory_space<vmem_shared>>) offsets(%dma_start3A_328 : memref<40xi32, #tpu.memory_space<vmem>>) semaphore(%dma_start3A_333 : memref<!tpu.dma_semaphore, #tpu.memory_space<semaphore_mem>>) {add = true}
    %add3A_334 = arith.constant 160 : i32
    %add3A_335 = arith.addi %mul3A_2, %add3A_334 : i32
    %run_scoped3A_336 = arith.constant 4 : i32
    "tpu.region"() ({
      %run_scoped3A_406 = tpu.sem_alloc : memref<!tpu.dma_semaphore, #tpu.memory_space<semaphore_mem>>
      %dma_start3A_407 = arith.constant 0 : i32
      %dma_start3A_408 = tpu.memref_slice %arg8[%run_scoped3A_336, %dma_start3A_407] : memref<5x40xi32, #tpu.memory_space<vmem>> -> memref<1x40xi32, #tpu.memory_space<vmem>>
      %dma_start3A_409 = tpu.memref_squeeze %dma_start3A_408 : memref<1x40xi32, #tpu.memory_space<vmem>> -> memref<40xi32, #tpu.memory_space<vmem>>
      %dma_start3A_410 = tpu.memref_slice %arg4[%add3A_335] : memref<320000xi32, #tpu.memory_space<hbm>> -> memref<40xi32, #tpu.memory_space<hbm>>
      %dma_start3A_411 = arith.constant 0 : i32
      %dma_start3A_412 = tpu.memref_slice %arg8[%run_scoped3A_336, %dma_start3A_411] : memref<5x40xi32, #tpu.memory_space<vmem>> -> memref<1x40xi32, #tpu.memory_space<vmem>>
      %dma_start3A_413 = tpu.memref_squeeze %dma_start3A_412 : memref<1x40xi32, #tpu.memory_space<vmem>> -> memref<40xi32, #tpu.memory_space<vmem>>
      %dma_start3A_414 = tpu.memref_slice %arg4[%add3A_335] : memref<320000xi32, #tpu.memory_space<hbm>> -> memref<40xi32, #tpu.memory_space<hbm>>
      tpu.enqueue_dma source(%dma_start3A_414 : memref<40xi32, #tpu.memory_space<hbm>>) target(%dma_start3A_413 : memref<40xi32, #tpu.memory_space<vmem>>) target_semaphore(%run_scoped3A_406 : memref<!tpu.dma_semaphore, #tpu.memory_space<semaphore_mem>>)
      %dma_wait3A_415 = arith.constant 0 : i32
      %dma_wait3A_416 = tpu.memref_slice %arg8[%run_scoped3A_336, %dma_wait3A_415] : memref<5x40xi32, #tpu.memory_space<vmem>> -> memref<1x40xi32, #tpu.memory_space<vmem>>
      %dma_wait3A_417 = tpu.memref_squeeze %dma_wait3A_416 : memref<1x40xi32, #tpu.memory_space<vmem>> -> memref<40xi32, #tpu.memory_space<vmem>>
      %dma_wait3A_418 = tpu.memref_slice %arg4[%add3A_335] : memref<320000xi32, #tpu.memory_space<hbm>> -> memref<40xi32, #tpu.memory_space<hbm>>
      %dma_wait3A_419 = arith.constant 0 : i32
      %dma_wait3A_420 = tpu.memref_slice %arg8[%run_scoped3A_336, %dma_wait3A_419] : memref<5x40xi32, #tpu.memory_space<vmem>> -> memref<1x40xi32, #tpu.memory_space<vmem>>
      %dma_wait3A_421 = tpu.memref_squeeze %dma_wait3A_420 : memref<1x40xi32, #tpu.memory_space<vmem>> -> memref<40xi32, #tpu.memory_space<vmem>>
      %dma_wait3A_422 = tpu.memref_slice %arg4[%add3A_335] : memref<320000xi32, #tpu.memory_space<hbm>> -> memref<40xi32, #tpu.memory_space<hbm>>
      tpu.wait_dma2 semaphore(%run_scoped3A_406 : memref<!tpu.dma_semaphore, #tpu.memory_space<semaphore_mem>>) src(%dma_wait3A_422 : memref<40xi32, #tpu.memory_space<hbm>>) dst(%dma_wait3A_421 : memref<40xi32, #tpu.memory_space<vmem>>)
      tpu.yield
    }) : () -> ()
    %dma_start3A_337 = arith.constant 4 : i32
    %dma_start3A_338 = arith.constant 4 : i32
    %dma_start3A_339 = arith.constant 0 : i32
    %dma_start3A_340 = tpu.memref_slice %arg8[%dma_start3A_337, %dma_start3A_339] : memref<5x40xi32, #tpu.memory_space<vmem>> -> memref<1x40xi32, #tpu.memory_space<vmem>>
    %dma_start3A_341 = tpu.memref_squeeze %dma_start3A_340 : memref<1x40xi32, #tpu.memory_space<vmem>> -> memref<40xi32, #tpu.memory_space<vmem>>
    %dma_start3A_342 = arith.constant 0 : i32
    %dma_start3A_343 = arith.constant 0 : i32
    %dma_start3A_344 = tpu.memref_slice %arg11[%dma_start3A_342, %dma_start3A_343] : memref<10240x128xf32, #tpu.memory_space<vmem_shared>> -> memref<10240x128xf32, #tpu.memory_space<vmem_shared>>
    %dma_start3A_345 = tpu.memref_slice %arg13[%dma_start3A_338] : memref<5x!tpu.dma_semaphore, #tpu.memory_space<semaphore_mem>> -> memref<1x!tpu.dma_semaphore, #tpu.memory_space<semaphore_mem>>
    %dma_start3A_346 = tpu.memref_squeeze %dma_start3A_345 : memref<1x!tpu.dma_semaphore, #tpu.memory_space<semaphore_mem>> -> memref<!tpu.dma_semaphore, #tpu.memory_space<semaphore_mem>>
    tpu.enqueue_indirect_dma source(%arg10 : memref<40x128xf32, #tpu.memory_space<vmem>>) target(%dma_start3A_344 : memref<10240x128xf32, #tpu.memory_space<vmem_shared>>) offsets(%dma_start3A_341 : memref<40xi32, #tpu.memory_space<vmem>>) semaphore(%dma_start3A_346 : memref<!tpu.dma_semaphore, #tpu.memory_space<semaphore_mem>>) {add = true}
    %scan3A_347 = arith.constant 0 : i32
    %scan3A_348 = arith.constant 0 : i32
    %scan3A_349 = arith.constant 50 : i32
    %scan3A_350 = arith.addi %scan3A_348, %scan3A_349 : i32
    %scan3A_351 = arith.constant 1 : i32
    %scan3A_352 = scf.for %scan3A_406 = %scan3A_348 to %scan3A_350 step %scan3A_351 iter_args(%scan3A_407 = %scan3A_347) -> (i32)  : i32 {
      %mul3A_408 = arith.constant 5 : i32
      %mul3A_409 = arith.muli %scan3A_406, %mul3A_408 : i32
      %add3A_410 = arith.constant 0 : i32
      %add3A_411 = arith.addi %mul3A_409, %add3A_410 : i32
      %dma_wait3A_412 = arith.constant 0 : i32
      %dma_wait3A_413 = arith.constant 0 : i32
      %dma_wait3A_414 = arith.constant 0 : i32
      %dma_wait3A_415 = tpu.memref_slice %arg8[%dma_wait3A_412, %dma_wait3A_414] : memref<5x40xi32, #tpu.memory_space<vmem>> -> memref<1x40xi32, #tpu.memory_space<vmem>>
      %dma_wait3A_416 = tpu.memref_squeeze %dma_wait3A_415 : memref<1x40xi32, #tpu.memory_space<vmem>> -> memref<40xi32, #tpu.memory_space<vmem>>
      %dma_wait3A_417 = arith.constant 0 : i32
      %dma_wait3A_418 = arith.constant 0 : i32
      %dma_wait3A_419 = tpu.memref_slice %arg11[%dma_wait3A_417, %dma_wait3A_418] : memref<10240x128xf32, #tpu.memory_space<vmem_shared>> -> memref<10240x128xf32, #tpu.memory_space<vmem_shared>>
      %dma_wait3A_420 = tpu.memref_slice %arg13[%dma_wait3A_413] : memref<5x!tpu.dma_semaphore, #tpu.memory_space<semaphore_mem>> -> memref<1x!tpu.dma_semaphore, #tpu.memory_space<semaphore_mem>>
      %dma_wait3A_421 = tpu.memref_squeeze %dma_wait3A_420 : memref<1x!tpu.dma_semaphore, #tpu.memory_space<semaphore_mem>> -> memref<!tpu.dma_semaphore, #tpu.memory_space<semaphore_mem>>
      tpu.wait_indirect_dma semaphore(%dma_wait3A_421 : memref<!tpu.dma_semaphore, #tpu.memory_space<semaphore_mem>>) src(%arg10 : memref<40x128xf32, #tpu.memory_space<vmem>>) dst(%dma_wait3A_419 : memref<10240x128xf32, #tpu.memory_space<vmem_shared>>)
      %lt3A = arith.constant 49 : i32
      %lt3A_422 = arith.cmpi slt, %scan3A_406, %lt3A : i32
      %convert_element_type3A = arith.extui %lt3A_422 : i1 to i32
      %cond3A = arith.constant 0 : i32
      %cond3A_423 = arith.cmpi ne, %convert_element_type3A, %cond3A : i32
      scf.if %cond3A_423 {
        %add3A_501 = arith.constant 5 : i32
        %add3A_502 = arith.addi %add3A_411, %add3A_501 : i32
        %mul3A_503 = arith.constant 40 : i32
        %mul3A_504 = arith.muli %add3A_502, %mul3A_503 : i32
        %add3A_505 = arith.addi %mul3A_2, %mul3A_504 : i32
        %run_scoped3A_506 = arith.constant 0 : i32
        "tpu.region"() ({
          %run_scoped3A_517 = tpu.sem_alloc : memref<!tpu.dma_semaphore, #tpu.memory_space<semaphore_mem>>
          %dma_start3A_518 = arith.constant 0 : i32
          %dma_start3A_519 = tpu.memref_slice %arg8[%run_scoped3A_506, %dma_start3A_518] : memref<5x40xi32, #tpu.memory_space<vmem>> -> memref<1x40xi32, #tpu.memory_space<vmem>>
          %dma_start3A_520 = tpu.memref_squeeze %dma_start3A_519 : memref<1x40xi32, #tpu.memory_space<vmem>> -> memref<40xi32, #tpu.memory_space<vmem>>
          %dma_start3A_521 = tpu.memref_slice %arg4[%add3A_505] : memref<320000xi32, #tpu.memory_space<hbm>> -> memref<40xi32, #tpu.memory_space<hbm>>
          %dma_start3A_522 = arith.constant 0 : i32
          %dma_start3A_523 = tpu.memref_slice %arg8[%run_scoped3A_506, %dma_start3A_522] : memref<5x40xi32, #tpu.memory_space<vmem>> -> memref<1x40xi32, #tpu.memory_space<vmem>>
          %dma_start3A_524 = tpu.memref_squeeze %dma_start3A_523 : memref<1x40xi32, #tpu.memory_space<vmem>> -> memref<40xi32, #tpu.memory_space<vmem>>
          %dma_start3A_525 = tpu.memref_slice %arg4[%add3A_505] : memref<320000xi32, #tpu.memory_space<hbm>> -> memref<40xi32, #tpu.memory_space<hbm>>
          tpu.enqueue_dma source(%dma_start3A_525 : memref<40xi32, #tpu.memory_space<hbm>>) target(%dma_start3A_524 : memref<40xi32, #tpu.memory_space<vmem>>) target_semaphore(%run_scoped3A_517 : memref<!tpu.dma_semaphore, #tpu.memory_space<semaphore_mem>>)
          %dma_wait3A_526 = arith.constant 0 : i32
          %dma_wait3A_527 = tpu.memref_slice %arg8[%run_scoped3A_506, %dma_wait3A_526] : memref<5x40xi32, #tpu.memory_space<vmem>> -> memref<1x40xi32, #tpu.memory_space<vmem>>
          %dma_wait3A_528 = tpu.memref_squeeze %dma_wait3A_527 : memref<1x40xi32, #tpu.memory_space<vmem>> -> memref<40xi32, #tpu.memory_space<vmem>>
          %dma_wait3A_529 = tpu.memref_slice %arg4[%add3A_505] : memref<320000xi32, #tpu.memory_space<hbm>> -> memref<40xi32, #tpu.memory_space<hbm>>
          %dma_wait3A_530 = arith.constant 0 : i32
          %dma_wait3A_531 = tpu.memref_slice %arg8[%run_scoped3A_506, %dma_wait3A_530] : memref<5x40xi32, #tpu.memory_space<vmem>> -> memref<1x40xi32, #tpu.memory_space<vmem>>
          %dma_wait3A_532 = tpu.memref_squeeze %dma_wait3A_531 : memref<1x40xi32, #tpu.memory_space<vmem>> -> memref<40xi32, #tpu.memory_space<vmem>>
          %dma_wait3A_533 = tpu.memref_slice %arg4[%add3A_505] : memref<320000xi32, #tpu.memory_space<hbm>> -> memref<40xi32, #tpu.memory_space<hbm>>
          tpu.wait_dma2 semaphore(%run_scoped3A_517 : memref<!tpu.dma_semaphore, #tpu.memory_space<semaphore_mem>>) src(%dma_wait3A_533 : memref<40xi32, #tpu.memory_space<hbm>>) dst(%dma_wait3A_532 : memref<40xi32, #tpu.memory_space<vmem>>)
          tpu.yield
        }) : () -> ()
        %dma_start3A_507 = arith.constant 0 : i32
        %dma_start3A_508 = arith.constant 0 : i32
        %dma_start3A_509 = arith.constant 0 : i32
        %dma_start3A_510 = tpu.memref_slice %arg8[%dma_start3A_507, %dma_start3A_509] : memref<5x40xi32, #tpu.memory_space<vmem>> -> memref<1x40xi32, #tpu.memory_space<vmem>>
        %dma_start3A_511 = tpu.memref_squeeze %dma_start3A_510 : memref<1x40xi32, #tpu.memory_space<vmem>> -> memref<40xi32, #tpu.memory_space<vmem>>
        %dma_start3A_512 = arith.constant 0 : i32
        %dma_start3A_513 = arith.constant 0 : i32
        %dma_start3A_514 = tpu.memref_slice %arg11[%dma_start3A_512, %dma_start3A_513] : memref<10240x128xf32, #tpu.memory_space<vmem_shared>> -> memref<10240x128xf32, #tpu.memory_space<vmem_shared>>
        %dma_start3A_515 = tpu.memref_slice %arg13[%dma_start3A_508] : memref<5x!tpu.dma_semaphore, #tpu.memory_space<semaphore_mem>> -> memref<1x!tpu.dma_semaphore, #tpu.memory_space<semaphore_mem>>
        %dma_start3A_516 = tpu.memref_squeeze %dma_start3A_515 : memref<1x!tpu.dma_semaphore, #tpu.memory_space<semaphore_mem>> -> memref<!tpu.dma_semaphore, #tpu.memory_space<semaphore_mem>>
        tpu.enqueue_indirect_dma source(%arg10 : memref<40x128xf32, #tpu.memory_space<vmem>>) target(%dma_start3A_514 : memref<10240x128xf32, #tpu.memory_space<vmem_shared>>) offsets(%dma_start3A_511 : memref<40xi32, #tpu.memory_space<vmem>>) semaphore(%dma_start3A_516 : memref<!tpu.dma_semaphore, #tpu.memory_space<semaphore_mem>>) {add = true}
      } else {
      }
      %mul3A_424 = arith.constant 5 : i32
      %mul3A_425 = arith.muli %scan3A_406, %mul3A_424 : i32
      %add3A_426 = arith.constant 1 : i32
      %add3A_427 = arith.addi %mul3A_425, %add3A_426 : i32
      %dma_wait3A_428 = arith.constant 1 : i32
      %dma_wait3A_429 = arith.constant 1 : i32
      %dma_wait3A_430 = arith.constant 0 : i32
      %dma_wait3A_431 = tpu.memref_slice %arg8[%dma_wait3A_428, %dma_wait3A_430] : memref<5x40xi32, #tpu.memory_space<vmem>> -> memref<1x40xi32, #tpu.memory_space<vmem>>
      %dma_wait3A_432 = tpu.memref_squeeze %dma_wait3A_431 : memref<1x40xi32, #tpu.memory_space<vmem>> -> memref<40xi32, #tpu.memory_space<vmem>>
      %dma_wait3A_433 = arith.constant 0 : i32
      %dma_wait3A_434 = arith.constant 0 : i32
      %dma_wait3A_435 = tpu.memref_slice %arg11[%dma_wait3A_433, %dma_wait3A_434] : memref<10240x128xf32, #tpu.memory_space<vmem_shared>> -> memref<10240x128xf32, #tpu.memory_space<vmem_shared>>
      %dma_wait3A_436 = tpu.memref_slice %arg13[%dma_wait3A_429] : memref<5x!tpu.dma_semaphore, #tpu.memory_space<semaphore_mem>> -> memref<1x!tpu.dma_semaphore, #tpu.memory_space<semaphore_mem>>
      %dma_wait3A_437 = tpu.memref_squeeze %dma_wait3A_436 : memref<1x!tpu.dma_semaphore, #tpu.memory_space<semaphore_mem>> -> memref<!tpu.dma_semaphore, #tpu.memory_space<semaphore_mem>>
      tpu.wait_indirect_dma semaphore(%dma_wait3A_437 : memref<!tpu.dma_semaphore, #tpu.memory_space<semaphore_mem>>) src(%arg10 : memref<40x128xf32, #tpu.memory_space<vmem>>) dst(%dma_wait3A_435 : memref<10240x128xf32, #tpu.memory_space<vmem_shared>>)
      %lt3A_438 = arith.constant 49 : i32
      %lt3A_439 = arith.cmpi slt, %scan3A_406, %lt3A_438 : i32
      %convert_element_type3A_440 = arith.extui %lt3A_439 : i1 to i32
      %cond3A_441 = arith.constant 0 : i32
      %cond3A_442 = arith.cmpi ne, %convert_element_type3A_440, %cond3A_441 : i32
      scf.if %cond3A_442 {
        %add3A_501 = arith.constant 5 : i32
        %add3A_502 = arith.addi %add3A_427, %add3A_501 : i32
        %mul3A_503 = arith.constant 40 : i32
        %mul3A_504 = arith.muli %add3A_502, %mul3A_503 : i32
        %add3A_505 = arith.addi %mul3A_2, %mul3A_504 : i32
        %run_scoped3A_506 = arith.constant 1 : i32
        "tpu.region"() ({
          %run_scoped3A_517 = tpu.sem_alloc : memref<!tpu.dma_semaphore, #tpu.memory_space<semaphore_mem>>
          %dma_start3A_518 = arith.constant 0 : i32
          %dma_start3A_519 = tpu.memref_slice %arg8[%run_scoped3A_506, %dma_start3A_518] : memref<5x40xi32, #tpu.memory_space<vmem>> -> memref<1x40xi32, #tpu.memory_space<vmem>>
          %dma_start3A_520 = tpu.memref_squeeze %dma_start3A_519 : memref<1x40xi32, #tpu.memory_space<vmem>> -> memref<40xi32, #tpu.memory_space<vmem>>
          %dma_start3A_521 = tpu.memref_slice %arg4[%add3A_505] : memref<320000xi32, #tpu.memory_space<hbm>> -> memref<40xi32, #tpu.memory_space<hbm>>
          %dma_start3A_522 = arith.constant 0 : i32
          %dma_start3A_523 = tpu.memref_slice %arg8[%run_scoped3A_506, %dma_start3A_522] : memref<5x40xi32, #tpu.memory_space<vmem>> -> memref<1x40xi32, #tpu.memory_space<vmem>>
          %dma_start3A_524 = tpu.memref_squeeze %dma_start3A_523 : memref<1x40xi32, #tpu.memory_space<vmem>> -> memref<40xi32, #tpu.memory_space<vmem>>
          %dma_start3A_525 = tpu.memref_slice %arg4[%add3A_505] : memref<320000xi32, #tpu.memory_space<hbm>> -> memref<40xi32, #tpu.memory_space<hbm>>
          tpu.enqueue_dma source(%dma_start3A_525 : memref<40xi32, #tpu.memory_space<hbm>>) target(%dma_start3A_524 : memref<40xi32, #tpu.memory_space<vmem>>) target_semaphore(%run_scoped3A_517 : memref<!tpu.dma_semaphore, #tpu.memory_space<semaphore_mem>>)
          %dma_wait3A_526 = arith.constant 0 : i32
          %dma_wait3A_527 = tpu.memref_slice %arg8[%run_scoped3A_506, %dma_wait3A_526] : memref<5x40xi32, #tpu.memory_space<vmem>> -> memref<1x40xi32, #tpu.memory_space<vmem>>
          %dma_wait3A_528 = tpu.memref_squeeze %dma_wait3A_527 : memref<1x40xi32, #tpu.memory_space<vmem>> -> memref<40xi32, #tpu.memory_space<vmem>>
          %dma_wait3A_529 = tpu.memref_slice %arg4[%add3A_505] : memref<320000xi32, #tpu.memory_space<hbm>> -> memref<40xi32, #tpu.memory_space<hbm>>
          %dma_wait3A_530 = arith.constant 0 : i32
          %dma_wait3A_531 = tpu.memref_slice %arg8[%run_scoped3A_506, %dma_wait3A_530] : memref<5x40xi32, #tpu.memory_space<vmem>> -> memref<1x40xi32, #tpu.memory_space<vmem>>
          %dma_wait3A_532 = tpu.memref_squeeze %dma_wait3A_531 : memref<1x40xi32, #tpu.memory_space<vmem>> -> memref<40xi32, #tpu.memory_space<vmem>>
          %dma_wait3A_533 = tpu.memref_slice %arg4[%add3A_505] : memref<320000xi32, #tpu.memory_space<hbm>> -> memref<40xi32, #tpu.memory_space<hbm>>
          tpu.wait_dma2 semaphore(%run_scoped3A_517 : memref<!tpu.dma_semaphore, #tpu.memory_space<semaphore_mem>>) src(%dma_wait3A_533 : memref<40xi32, #tpu.memory_space<hbm>>) dst(%dma_wait3A_532 : memref<40xi32, #tpu.memory_space<vmem>>)
          tpu.yield
        }) : () -> ()
        %dma_start3A_507 = arith.constant 1 : i32
        %dma_start3A_508 = arith.constant 1 : i32
        %dma_start3A_509 = arith.constant 0 : i32
        %dma_start3A_510 = tpu.memref_slice %arg8[%dma_start3A_507, %dma_start3A_509] : memref<5x40xi32, #tpu.memory_space<vmem>> -> memref<1x40xi32, #tpu.memory_space<vmem>>
        %dma_start3A_511 = tpu.memref_squeeze %dma_start3A_510 : memref<1x40xi32, #tpu.memory_space<vmem>> -> memref<40xi32, #tpu.memory_space<vmem>>
        %dma_start3A_512 = arith.constant 0 : i32
        %dma_start3A_513 = arith.constant 0 : i32
        %dma_start3A_514 = tpu.memref_slice %arg11[%dma_start3A_512, %dma_start3A_513] : memref<10240x128xf32, #tpu.memory_space<vmem_shared>> -> memref<10240x128xf32, #tpu.memory_space<vmem_shared>>
        %dma_start3A_515 = tpu.memref_slice %arg13[%dma_start3A_508] : memref<5x!tpu.dma_semaphore, #tpu.memory_space<semaphore_mem>> -> memref<1x!tpu.dma_semaphore, #tpu.memory_space<semaphore_mem>>
        %dma_start3A_516 = tpu.memref_squeeze %dma_start3A_515 : memref<1x!tpu.dma_semaphore, #tpu.memory_space<semaphore_mem>> -> memref<!tpu.dma_semaphore, #tpu.memory_space<semaphore_mem>>
        tpu.enqueue_indirect_dma source(%arg10 : memref<40x128xf32, #tpu.memory_space<vmem>>) target(%dma_start3A_514 : memref<10240x128xf32, #tpu.memory_space<vmem_shared>>) offsets(%dma_start3A_511 : memref<40xi32, #tpu.memory_space<vmem>>) semaphore(%dma_start3A_516 : memref<!tpu.dma_semaphore, #tpu.memory_space<semaphore_mem>>) {add = true}
      } else {
      }
      %mul3A_443 = arith.constant 5 : i32
      %mul3A_444 = arith.muli %scan3A_406, %mul3A_443 : i32
      %add3A_445 = arith.constant 2 : i32
      %add3A_446 = arith.addi %mul3A_444, %add3A_445 : i32
      %dma_wait3A_447 = arith.constant 2 : i32
      %dma_wait3A_448 = arith.constant 2 : i32
      %dma_wait3A_449 = arith.constant 0 : i32
      %dma_wait3A_450 = tpu.memref_slice %arg8[%dma_wait3A_447, %dma_wait3A_449] : memref<5x40xi32, #tpu.memory_space<vmem>> -> memref<1x40xi32, #tpu.memory_space<vmem>>
      %dma_wait3A_451 = tpu.memref_squeeze %dma_wait3A_450 : memref<1x40xi32, #tpu.memory_space<vmem>> -> memref<40xi32, #tpu.memory_space<vmem>>
      %dma_wait3A_452 = arith.constant 0 : i32
      %dma_wait3A_453 = arith.constant 0 : i32
      %dma_wait3A_454 = tpu.memref_slice %arg11[%dma_wait3A_452, %dma_wait3A_453] : memref<10240x128xf32, #tpu.memory_space<vmem_shared>> -> memref<10240x128xf32, #tpu.memory_space<vmem_shared>>
      %dma_wait3A_455 = tpu.memref_slice %arg13[%dma_wait3A_448] : memref<5x!tpu.dma_semaphore, #tpu.memory_space<semaphore_mem>> -> memref<1x!tpu.dma_semaphore, #tpu.memory_space<semaphore_mem>>
      %dma_wait3A_456 = tpu.memref_squeeze %dma_wait3A_455 : memref<1x!tpu.dma_semaphore, #tpu.memory_space<semaphore_mem>> -> memref<!tpu.dma_semaphore, #tpu.memory_space<semaphore_mem>>
      tpu.wait_indirect_dma semaphore(%dma_wait3A_456 : memref<!tpu.dma_semaphore, #tpu.memory_space<semaphore_mem>>) src(%arg10 : memref<40x128xf32, #tpu.memory_space<vmem>>) dst(%dma_wait3A_454 : memref<10240x128xf32, #tpu.memory_space<vmem_shared>>)
      %lt3A_457 = arith.constant 49 : i32
      %lt3A_458 = arith.cmpi slt, %scan3A_406, %lt3A_457 : i32
      %convert_element_type3A_459 = arith.extui %lt3A_458 : i1 to i32
      %cond3A_460 = arith.constant 0 : i32
      %cond3A_461 = arith.cmpi ne, %convert_element_type3A_459, %cond3A_460 : i32
      scf.if %cond3A_461 {
        %add3A_501 = arith.constant 5 : i32
        %add3A_502 = arith.addi %add3A_446, %add3A_501 : i32
        %mul3A_503 = arith.constant 40 : i32
        %mul3A_504 = arith.muli %add3A_502, %mul3A_503 : i32
        %add3A_505 = arith.addi %mul3A_2, %mul3A_504 : i32
        %run_scoped3A_506 = arith.constant 2 : i32
        "tpu.region"() ({
          %run_scoped3A_517 = tpu.sem_alloc : memref<!tpu.dma_semaphore, #tpu.memory_space<semaphore_mem>>
          %dma_start3A_518 = arith.constant 0 : i32
          %dma_start3A_519 = tpu.memref_slice %arg8[%run_scoped3A_506, %dma_start3A_518] : memref<5x40xi32, #tpu.memory_space<vmem>> -> memref<1x40xi32, #tpu.memory_space<vmem>>
          %dma_start3A_520 = tpu.memref_squeeze %dma_start3A_519 : memref<1x40xi32, #tpu.memory_space<vmem>> -> memref<40xi32, #tpu.memory_space<vmem>>
          %dma_start3A_521 = tpu.memref_slice %arg4[%add3A_505] : memref<320000xi32, #tpu.memory_space<hbm>> -> memref<40xi32, #tpu.memory_space<hbm>>
          %dma_start3A_522 = arith.constant 0 : i32
          %dma_start3A_523 = tpu.memref_slice %arg8[%run_scoped3A_506, %dma_start3A_522] : memref<5x40xi32, #tpu.memory_space<vmem>> -> memref<1x40xi32, #tpu.memory_space<vmem>>
          %dma_start3A_524 = tpu.memref_squeeze %dma_start3A_523 : memref<1x40xi32, #tpu.memory_space<vmem>> -> memref<40xi32, #tpu.memory_space<vmem>>
          %dma_start3A_525 = tpu.memref_slice %arg4[%add3A_505] : memref<320000xi32, #tpu.memory_space<hbm>> -> memref<40xi32, #tpu.memory_space<hbm>>
          tpu.enqueue_dma source(%dma_start3A_525 : memref<40xi32, #tpu.memory_space<hbm>>) target(%dma_start3A_524 : memref<40xi32, #tpu.memory_space<vmem>>) target_semaphore(%run_scoped3A_517 : memref<!tpu.dma_semaphore, #tpu.memory_space<semaphore_mem>>)
          %dma_wait3A_526 = arith.constant 0 : i32
          %dma_wait3A_527 = tpu.memref_slice %arg8[%run_scoped3A_506, %dma_wait3A_526] : memref<5x40xi32, #tpu.memory_space<vmem>> -> memref<1x40xi32, #tpu.memory_space<vmem>>
          %dma_wait3A_528 = tpu.memref_squeeze %dma_wait3A_527 : memref<1x40xi32, #tpu.memory_space<vmem>> -> memref<40xi32, #tpu.memory_space<vmem>>
          %dma_wait3A_529 = tpu.memref_slice %arg4[%add3A_505] : memref<320000xi32, #tpu.memory_space<hbm>> -> memref<40xi32, #tpu.memory_space<hbm>>
          %dma_wait3A_530 = arith.constant 0 : i32
          %dma_wait3A_531 = tpu.memref_slice %arg8[%run_scoped3A_506, %dma_wait3A_530] : memref<5x40xi32, #tpu.memory_space<vmem>> -> memref<1x40xi32, #tpu.memory_space<vmem>>
          %dma_wait3A_532 = tpu.memref_squeeze %dma_wait3A_531 : memref<1x40xi32, #tpu.memory_space<vmem>> -> memref<40xi32, #tpu.memory_space<vmem>>
          %dma_wait3A_533 = tpu.memref_slice %arg4[%add3A_505] : memref<320000xi32, #tpu.memory_space<hbm>> -> memref<40xi32, #tpu.memory_space<hbm>>
          tpu.wait_dma2 semaphore(%run_scoped3A_517 : memref<!tpu.dma_semaphore, #tpu.memory_space<semaphore_mem>>) src(%dma_wait3A_533 : memref<40xi32, #tpu.memory_space<hbm>>) dst(%dma_wait3A_532 : memref<40xi32, #tpu.memory_space<vmem>>)
          tpu.yield
        }) : () -> ()
        %dma_start3A_507 = arith.constant 2 : i32
        %dma_start3A_508 = arith.constant 2 : i32
        %dma_start3A_509 = arith.constant 0 : i32
        %dma_start3A_510 = tpu.memref_slice %arg8[%dma_start3A_507, %dma_start3A_509] : memref<5x40xi32, #tpu.memory_space<vmem>> -> memref<1x40xi32, #tpu.memory_space<vmem>>
        %dma_start3A_511 = tpu.memref_squeeze %dma_start3A_510 : memref<1x40xi32, #tpu.memory_space<vmem>> -> memref<40xi32, #tpu.memory_space<vmem>>
        %dma_start3A_512 = arith.constant 0 : i32
        %dma_start3A_513 = arith.constant 0 : i32
        %dma_start3A_514 = tpu.memref_slice %arg11[%dma_start3A_512, %dma_start3A_513] : memref<10240x128xf32, #tpu.memory_space<vmem_shared>> -> memref<10240x128xf32, #tpu.memory_space<vmem_shared>>
        %dma_start3A_515 = tpu.memref_slice %arg13[%dma_start3A_508] : memref<5x!tpu.dma_semaphore, #tpu.memory_space<semaphore_mem>> -> memref<1x!tpu.dma_semaphore, #tpu.memory_space<semaphore_mem>>
        %dma_start3A_516 = tpu.memref_squeeze %dma_start3A_515 : memref<1x!tpu.dma_semaphore, #tpu.memory_space<semaphore_mem>> -> memref<!tpu.dma_semaphore, #tpu.memory_space<semaphore_mem>>
        tpu.enqueue_indirect_dma source(%arg10 : memref<40x128xf32, #tpu.memory_space<vmem>>) target(%dma_start3A_514 : memref<10240x128xf32, #tpu.memory_space<vmem_shared>>) offsets(%dma_start3A_511 : memref<40xi32, #tpu.memory_space<vmem>>) semaphore(%dma_start3A_516 : memref<!tpu.dma_semaphore, #tpu.memory_space<semaphore_mem>>) {add = true}
      } else {
      }
      %mul3A_462 = arith.constant 5 : i32
      %mul3A_463 = arith.muli %scan3A_406, %mul3A_462 : i32
      %add3A_464 = arith.constant 3 : i32
      %add3A_465 = arith.addi %mul3A_463, %add3A_464 : i32
      %dma_wait3A_466 = arith.constant 3 : i32
      %dma_wait3A_467 = arith.constant 3 : i32
      %dma_wait3A_468 = arith.constant 0 : i32
      %dma_wait3A_469 = tpu.memref_slice %arg8[%dma_wait3A_466, %dma_wait3A_468] : memref<5x40xi32, #tpu.memory_space<vmem>> -> memref<1x40xi32, #tpu.memory_space<vmem>>
      %dma_wait3A_470 = tpu.memref_squeeze %dma_wait3A_469 : memref<1x40xi32, #tpu.memory_space<vmem>> -> memref<40xi32, #tpu.memory_space<vmem>>
      %dma_wait3A_471 = arith.constant 0 : i32
      %dma_wait3A_472 = arith.constant 0 : i32
      %dma_wait3A_473 = tpu.memref_slice %arg11[%dma_wait3A_471, %dma_wait3A_472] : memref<10240x128xf32, #tpu.memory_space<vmem_shared>> -> memref<10240x128xf32, #tpu.memory_space<vmem_shared>>
      %dma_wait3A_474 = tpu.memref_slice %arg13[%dma_wait3A_467] : memref<5x!tpu.dma_semaphore, #tpu.memory_space<semaphore_mem>> -> memref<1x!tpu.dma_semaphore, #tpu.memory_space<semaphore_mem>>
      %dma_wait3A_475 = tpu.memref_squeeze %dma_wait3A_474 : memref<1x!tpu.dma_semaphore, #tpu.memory_space<semaphore_mem>> -> memref<!tpu.dma_semaphore, #tpu.memory_space<semaphore_mem>>
      tpu.wait_indirect_dma semaphore(%dma_wait3A_475 : memref<!tpu.dma_semaphore, #tpu.memory_space<semaphore_mem>>) src(%arg10 : memref<40x128xf32, #tpu.memory_space<vmem>>) dst(%dma_wait3A_473 : memref<10240x128xf32, #tpu.memory_space<vmem_shared>>)
      %lt3A_476 = arith.constant 49 : i32
      %lt3A_477 = arith.cmpi slt, %scan3A_406, %lt3A_476 : i32
      %convert_element_type3A_478 = arith.extui %lt3A_477 : i1 to i32
      %cond3A_479 = arith.constant 0 : i32
      %cond3A_480 = arith.cmpi ne, %convert_element_type3A_478, %cond3A_479 : i32
      scf.if %cond3A_480 {
        %add3A_501 = arith.constant 5 : i32
        %add3A_502 = arith.addi %add3A_465, %add3A_501 : i32
        %mul3A_503 = arith.constant 40 : i32
        %mul3A_504 = arith.muli %add3A_502, %mul3A_503 : i32
        %add3A_505 = arith.addi %mul3A_2, %mul3A_504 : i32
        %run_scoped3A_506 = arith.constant 3 : i32
        "tpu.region"() ({
          %run_scoped3A_517 = tpu.sem_alloc : memref<!tpu.dma_semaphore, #tpu.memory_space<semaphore_mem>>
          %dma_start3A_518 = arith.constant 0 : i32
          %dma_start3A_519 = tpu.memref_slice %arg8[%run_scoped3A_506, %dma_start3A_518] : memref<5x40xi32, #tpu.memory_space<vmem>> -> memref<1x40xi32, #tpu.memory_space<vmem>>
          %dma_start3A_520 = tpu.memref_squeeze %dma_start3A_519 : memref<1x40xi32, #tpu.memory_space<vmem>> -> memref<40xi32, #tpu.memory_space<vmem>>
          %dma_start3A_521 = tpu.memref_slice %arg4[%add3A_505] : memref<320000xi32, #tpu.memory_space<hbm>> -> memref<40xi32, #tpu.memory_space<hbm>>
          %dma_start3A_522 = arith.constant 0 : i32
          %dma_start3A_523 = tpu.memref_slice %arg8[%run_scoped3A_506, %dma_start3A_522] : memref<5x40xi32, #tpu.memory_space<vmem>> -> memref<1x40xi32, #tpu.memory_space<vmem>>
          %dma_start3A_524 = tpu.memref_squeeze %dma_start3A_523 : memref<1x40xi32, #tpu.memory_space<vmem>> -> memref<40xi32, #tpu.memory_space<vmem>>
          %dma_start3A_525 = tpu.memref_slice %arg4[%add3A_505] : memref<320000xi32, #tpu.memory_space<hbm>> -> memref<40xi32, #tpu.memory_space<hbm>>
          tpu.enqueue_dma source(%dma_start3A_525 : memref<40xi32, #tpu.memory_space<hbm>>) target(%dma_start3A_524 : memref<40xi32, #tpu.memory_space<vmem>>) target_semaphore(%run_scoped3A_517 : memref<!tpu.dma_semaphore, #tpu.memory_space<semaphore_mem>>)
          %dma_wait3A_526 = arith.constant 0 : i32
          %dma_wait3A_527 = tpu.memref_slice %arg8[%run_scoped3A_506, %dma_wait3A_526] : memref<5x40xi32, #tpu.memory_space<vmem>> -> memref<1x40xi32, #tpu.memory_space<vmem>>
          %dma_wait3A_528 = tpu.memref_squeeze %dma_wait3A_527 : memref<1x40xi32, #tpu.memory_space<vmem>> -> memref<40xi32, #tpu.memory_space<vmem>>
          %dma_wait3A_529 = tpu.memref_slice %arg4[%add3A_505] : memref<320000xi32, #tpu.memory_space<hbm>> -> memref<40xi32, #tpu.memory_space<hbm>>
          %dma_wait3A_530 = arith.constant 0 : i32
          %dma_wait3A_531 = tpu.memref_slice %arg8[%run_scoped3A_506, %dma_wait3A_530] : memref<5x40xi32, #tpu.memory_space<vmem>> -> memref<1x40xi32, #tpu.memory_space<vmem>>
          %dma_wait3A_532 = tpu.memref_squeeze %dma_wait3A_531 : memref<1x40xi32, #tpu.memory_space<vmem>> -> memref<40xi32, #tpu.memory_space<vmem>>
          %dma_wait3A_533 = tpu.memref_slice %arg4[%add3A_505] : memref<320000xi32, #tpu.memory_space<hbm>> -> memref<40xi32, #tpu.memory_space<hbm>>
          tpu.wait_dma2 semaphore(%run_scoped3A_517 : memref<!tpu.dma_semaphore, #tpu.memory_space<semaphore_mem>>) src(%dma_wait3A_533 : memref<40xi32, #tpu.memory_space<hbm>>) dst(%dma_wait3A_532 : memref<40xi32, #tpu.memory_space<vmem>>)
          tpu.yield
        }) : () -> ()
        %dma_start3A_507 = arith.constant 3 : i32
        %dma_start3A_508 = arith.constant 3 : i32
        %dma_start3A_509 = arith.constant 0 : i32
        %dma_start3A_510 = tpu.memref_slice %arg8[%dma_start3A_507, %dma_start3A_509] : memref<5x40xi32, #tpu.memory_space<vmem>> -> memref<1x40xi32, #tpu.memory_space<vmem>>
        %dma_start3A_511 = tpu.memref_squeeze %dma_start3A_510 : memref<1x40xi32, #tpu.memory_space<vmem>> -> memref<40xi32, #tpu.memory_space<vmem>>
        %dma_start3A_512 = arith.constant 0 : i32
        %dma_start3A_513 = arith.constant 0 : i32
        %dma_start3A_514 = tpu.memref_slice %arg11[%dma_start3A_512, %dma_start3A_513] : memref<10240x128xf32, #tpu.memory_space<vmem_shared>> -> memref<10240x128xf32, #tpu.memory_space<vmem_shared>>
        %dma_start3A_515 = tpu.memref_slice %arg13[%dma_start3A_508] : memref<5x!tpu.dma_semaphore, #tpu.memory_space<semaphore_mem>> -> memref<1x!tpu.dma_semaphore, #tpu.memory_space<semaphore_mem>>
        %dma_start3A_516 = tpu.memref_squeeze %dma_start3A_515 : memref<1x!tpu.dma_semaphore, #tpu.memory_space<semaphore_mem>> -> memref<!tpu.dma_semaphore, #tpu.memory_space<semaphore_mem>>
        tpu.enqueue_indirect_dma source(%arg10 : memref<40x128xf32, #tpu.memory_space<vmem>>) target(%dma_start3A_514 : memref<10240x128xf32, #tpu.memory_space<vmem_shared>>) offsets(%dma_start3A_511 : memref<40xi32, #tpu.memory_space<vmem>>) semaphore(%dma_start3A_516 : memref<!tpu.dma_semaphore, #tpu.memory_space<semaphore_mem>>) {add = true}
      } else {
      }
      %mul3A_481 = arith.constant 5 : i32
      %mul3A_482 = arith.muli %scan3A_406, %mul3A_481 : i32
      %add3A_483 = arith.constant 4 : i32
      %add3A_484 = arith.addi %mul3A_482, %add3A_483 : i32
      %dma_wait3A_485 = arith.constant 4 : i32
      %dma_wait3A_486 = arith.constant 4 : i32
      %dma_wait3A_487 = arith.constant 0 : i32
      %dma_wait3A_488 = tpu.memref_slice %arg8[%dma_wait3A_485, %dma_wait3A_487] : memref<5x40xi32, #tpu.memory_space<vmem>> -> memref<1x40xi32, #tpu.memory_space<vmem>>
      %dma_wait3A_489 = tpu.memref_squeeze %dma_wait3A_488 : memref<1x40xi32, #tpu.memory_space<vmem>> -> memref<40xi32, #tpu.memory_space<vmem>>
      %dma_wait3A_490 = arith.constant 0 : i32
      %dma_wait3A_491 = arith.constant 0 : i32
      %dma_wait3A_492 = tpu.memref_slice %arg11[%dma_wait3A_490, %dma_wait3A_491] : memref<10240x128xf32, #tpu.memory_space<vmem_shared>> -> memref<10240x128xf32, #tpu.memory_space<vmem_shared>>
      %dma_wait3A_493 = tpu.memref_slice %arg13[%dma_wait3A_486] : memref<5x!tpu.dma_semaphore, #tpu.memory_space<semaphore_mem>> -> memref<1x!tpu.dma_semaphore, #tpu.memory_space<semaphore_mem>>
      %dma_wait3A_494 = tpu.memref_squeeze %dma_wait3A_493 : memref<1x!tpu.dma_semaphore, #tpu.memory_space<semaphore_mem>> -> memref<!tpu.dma_semaphore, #tpu.memory_space<semaphore_mem>>
      tpu.wait_indirect_dma semaphore(%dma_wait3A_494 : memref<!tpu.dma_semaphore, #tpu.memory_space<semaphore_mem>>) src(%arg10 : memref<40x128xf32, #tpu.memory_space<vmem>>) dst(%dma_wait3A_492 : memref<10240x128xf32, #tpu.memory_space<vmem_shared>>)
      %lt3A_495 = arith.constant 49 : i32
      %lt3A_496 = arith.cmpi slt, %scan3A_406, %lt3A_495 : i32
      %convert_element_type3A_497 = arith.extui %lt3A_496 : i1 to i32
      %cond3A_498 = arith.constant 0 : i32
      %cond3A_499 = arith.cmpi ne, %convert_element_type3A_497, %cond3A_498 : i32
      scf.if %cond3A_499 {
        %add3A_501 = arith.constant 5 : i32
        %add3A_502 = arith.addi %add3A_484, %add3A_501 : i32
        %mul3A_503 = arith.constant 40 : i32
        %mul3A_504 = arith.muli %add3A_502, %mul3A_503 : i32
        %add3A_505 = arith.addi %mul3A_2, %mul3A_504 : i32
        %run_scoped3A_506 = arith.constant 4 : i32
        "tpu.region"() ({
          %run_scoped3A_517 = tpu.sem_alloc : memref<!tpu.dma_semaphore, #tpu.memory_space<semaphore_mem>>
          %dma_start3A_518 = arith.constant 0 : i32
          %dma_start3A_519 = tpu.memref_slice %arg8[%run_scoped3A_506, %dma_start3A_518] : memref<5x40xi32, #tpu.memory_space<vmem>> -> memref<1x40xi32, #tpu.memory_space<vmem>>
          %dma_start3A_520 = tpu.memref_squeeze %dma_start3A_519 : memref<1x40xi32, #tpu.memory_space<vmem>> -> memref<40xi32, #tpu.memory_space<vmem>>
          %dma_start3A_521 = tpu.memref_slice %arg4[%add3A_505] : memref<320000xi32, #tpu.memory_space<hbm>> -> memref<40xi32, #tpu.memory_space<hbm>>
          %dma_start3A_522 = arith.constant 0 : i32
          %dma_start3A_523 = tpu.memref_slice %arg8[%run_scoped3A_506, %dma_start3A_522] : memref<5x40xi32, #tpu.memory_space<vmem>> -> memref<1x40xi32, #tpu.memory_space<vmem>>
          %dma_start3A_524 = tpu.memref_squeeze %dma_start3A_523 : memref<1x40xi32, #tpu.memory_space<vmem>> -> memref<40xi32, #tpu.memory_space<vmem>>
          %dma_start3A_525 = tpu.memref_slice %arg4[%add3A_505] : memref<320000xi32, #tpu.memory_space<hbm>> -> memref<40xi32, #tpu.memory_space<hbm>>
          tpu.enqueue_dma source(%dma_start3A_525 : memref<40xi32, #tpu.memory_space<hbm>>) target(%dma_start3A_524 : memref<40xi32, #tpu.memory_space<vmem>>) target_semaphore(%run_scoped3A_517 : memref<!tpu.dma_semaphore, #tpu.memory_space<semaphore_mem>>)
          %dma_wait3A_526 = arith.constant 0 : i32
          %dma_wait3A_527 = tpu.memref_slice %arg8[%run_scoped3A_506, %dma_wait3A_526] : memref<5x40xi32, #tpu.memory_space<vmem>> -> memref<1x40xi32, #tpu.memory_space<vmem>>
          %dma_wait3A_528 = tpu.memref_squeeze %dma_wait3A_527 : memref<1x40xi32, #tpu.memory_space<vmem>> -> memref<40xi32, #tpu.memory_space<vmem>>
          %dma_wait3A_529 = tpu.memref_slice %arg4[%add3A_505] : memref<320000xi32, #tpu.memory_space<hbm>> -> memref<40xi32, #tpu.memory_space<hbm>>
          %dma_wait3A_530 = arith.constant 0 : i32
          %dma_wait3A_531 = tpu.memref_slice %arg8[%run_scoped3A_506, %dma_wait3A_530] : memref<5x40xi32, #tpu.memory_space<vmem>> -> memref<1x40xi32, #tpu.memory_space<vmem>>
          %dma_wait3A_532 = tpu.memref_squeeze %dma_wait3A_531 : memref<1x40xi32, #tpu.memory_space<vmem>> -> memref<40xi32, #tpu.memory_space<vmem>>
          %dma_wait3A_533 = tpu.memref_slice %arg4[%add3A_505] : memref<320000xi32, #tpu.memory_space<hbm>> -> memref<40xi32, #tpu.memory_space<hbm>>
          tpu.wait_dma2 semaphore(%run_scoped3A_517 : memref<!tpu.dma_semaphore, #tpu.memory_space<semaphore_mem>>) src(%dma_wait3A_533 : memref<40xi32, #tpu.memory_space<hbm>>) dst(%dma_wait3A_532 : memref<40xi32, #tpu.memory_space<vmem>>)
          tpu.yield
        }) : () -> ()
        %dma_start3A_507 = arith.constant 4 : i32
        %dma_start3A_508 = arith.constant 4 : i32
        %dma_start3A_509 = arith.constant 0 : i32
        %dma_start3A_510 = tpu.memref_slice %arg8[%dma_start3A_507, %dma_start3A_509] : memref<5x40xi32, #tpu.memory_space<vmem>> -> memref<1x40xi32, #tpu.memory_space<vmem>>
        %dma_start3A_511 = tpu.memref_squeeze %dma_start3A_510 : memref<1x40xi32, #tpu.memory_space<vmem>> -> memref<40xi32, #tpu.memory_space<vmem>>
        %dma_start3A_512 = arith.constant 0 : i32
        %dma_start3A_513 = arith.constant 0 : i32
        %dma_start3A_514 = tpu.memref_slice %arg11[%dma_start3A_512, %dma_start3A_513] : memref<10240x128xf32, #tpu.memory_space<vmem_shared>> -> memref<10240x128xf32, #tpu.memory_space<vmem_shared>>
        %dma_start3A_515 = tpu.memref_slice %arg13[%dma_start3A_508] : memref<5x!tpu.dma_semaphore, #tpu.memory_space<semaphore_mem>> -> memref<1x!tpu.dma_semaphore, #tpu.memory_space<semaphore_mem>>
        %dma_start3A_516 = tpu.memref_squeeze %dma_start3A_515 : memref<1x!tpu.dma_semaphore, #tpu.memory_space<semaphore_mem>> -> memref<!tpu.dma_semaphore, #tpu.memory_space<semaphore_mem>>
        tpu.enqueue_indirect_dma source(%arg10 : memref<40x128xf32, #tpu.memory_space<vmem>>) target(%dma_start3A_514 : memref<10240x128xf32, #tpu.memory_space<vmem_shared>>) offsets(%dma_start3A_511 : memref<40xi32, #tpu.memory_space<vmem>>) semaphore(%dma_start3A_516 : memref<!tpu.dma_semaphore, #tpu.memory_space<semaphore_mem>>) {add = true}
      } else {
      }
      %scan3A_500 = arith.constant 0 : i32
      scf.yield %scan3A_500 : i32
    }
    %scan3A_353 = arith.constant 50 : i32
    %barrier3A_354 = arith.constant 0 : index
    tpu.barrier barrier_id(%barrier3A_354)
    %scan3A_355 = arith.constant 0 : i32
    %scan3A_356 = arith.constant 0 : i32
    %scan3A_357 = arith.constant 8 : i32
    %scan3A_358 = arith.addi %scan3A_356, %scan3A_357 : i32
    %scan3A_359 = arith.constant 1 : i32
    %scan3A_360 = scf.for %scan3A_406 = %scan3A_356 to %scan3A_358 step %scan3A_359 iter_args(%scan3A_407 = %scan3A_355) -> (i32)  : i32 {
      %mul3A_408 = arith.constant 640 : i32
      %mul3A_409 = arith.muli %arg1, %mul3A_408 : i32
      %mul3A_410 = arith.constant 2 : i32
      %mul3A_411 = arith.muli %mul3A_410, %scan3A_406 : i32
      %add3A_412 = arith.constant 0 : i32
      %add3A_413 = arith.addi %mul3A_411, %add3A_412 : i32
      %mul3A_414 = arith.constant 40 : i32
      %mul3A_415 = arith.muli %add3A_413, %mul3A_414 : i32
      %add3A_416 = arith.addi %mul3A_409, %mul3A_415 : i32
      %gt3A = arith.constant 0 : i32
      %gt3A_417 = arith.cmpi sgt, %scan3A_406, %gt3A : i32
      %convert_element_type3A = arith.extui %gt3A_417 : i1 to i32
      %cond3A = arith.constant 0 : i32
      %cond3A_418 = arith.cmpi ne, %convert_element_type3A, %cond3A : i32
      scf.if %cond3A_418 {
        %sub3A = arith.constant 80 : i32
        %sub3A_472 = arith.subi %add3A_416, %sub3A : i32
        %dma_wait3A_473 = arith.constant 0 : i32
        %dma_wait3A_474 = arith.constant 0 : i32
        %dma_wait3A_475 = arith.constant 0 : i32
        %dma_wait3A_476 = arith.constant 0 : i32
        %dma_wait3A_477 = tpu.memref_slice %arg9[%dma_wait3A_473, %dma_wait3A_475, %dma_wait3A_476] : memref<5x40x128xf32, #tpu.memory_space<vmem>> -> memref<1x40x128xf32, #tpu.memory_space<vmem>>
        %dma_wait3A_478 = tpu.memref_squeeze %dma_wait3A_477 : memref<1x40x128xf32, #tpu.memory_space<vmem>> -> memref<40x128xf32, #tpu.memory_space<vmem>>
        %dma_wait3A_479 = arith.constant 0 : i32
        %dma_wait3A_480 = tpu.memref_slice %arg6[%arg0, %sub3A_472, %dma_wait3A_479] : memref<2x10240x128xf32, #tpu.memory_space<hbm>> -> memref<1x40x128xf32, #tpu.memory_space<hbm>>
        %dma_wait3A_481 = tpu.memref_squeeze %dma_wait3A_480 : memref<1x40x128xf32, #tpu.memory_space<hbm>> -> memref<40x128xf32, #tpu.memory_space<hbm>>
        %dma_wait3A_482 = tpu.memref_slice %arg12[%dma_wait3A_474] : memref<5x!tpu.dma_semaphore, #tpu.memory_space<semaphore_mem>> -> memref<1x!tpu.dma_semaphore, #tpu.memory_space<semaphore_mem>>
        %dma_wait3A_483 = tpu.memref_squeeze %dma_wait3A_482 : memref<1x!tpu.dma_semaphore, #tpu.memory_space<semaphore_mem>> -> memref<!tpu.dma_semaphore, #tpu.memory_space<semaphore_mem>>
        %dma_wait3A_484 = arith.constant 0 : i32
        %dma_wait3A_485 = tpu.memref_slice %arg6[%arg0, %sub3A_472, %dma_wait3A_484] : memref<2x10240x128xf32, #tpu.memory_space<hbm>> -> memref<1x40x128xf32, #tpu.memory_space<hbm>>
        %dma_wait3A_486 = tpu.memref_squeeze %dma_wait3A_485 : memref<1x40x128xf32, #tpu.memory_space<hbm>> -> memref<40x128xf32, #tpu.memory_space<hbm>>
        %dma_wait3A_487 = arith.constant 0 : i32
        %dma_wait3A_488 = arith.constant 0 : i32
        %dma_wait3A_489 = tpu.memref_slice %arg9[%dma_wait3A_473, %dma_wait3A_487, %dma_wait3A_488] : memref<5x40x128xf32, #tpu.memory_space<vmem>> -> memref<1x40x128xf32, #tpu.memory_space<vmem>>
        %dma_wait3A_490 = tpu.memref_squeeze %dma_wait3A_489 : memref<1x40x128xf32, #tpu.memory_space<vmem>> -> memref<40x128xf32, #tpu.memory_space<vmem>>
        tpu.wait_dma2 semaphore(%dma_wait3A_483 : memref<!tpu.dma_semaphore, #tpu.memory_space<semaphore_mem>>) src(%dma_wait3A_490 : memref<40x128xf32, #tpu.memory_space<vmem>>) dst(%dma_wait3A_486 : memref<40x128xf32, #tpu.memory_space<hbm>>)
      } else {
      }
      %run_scoped3A_419 = arith.constant 0 : i32
      "tpu.region"() ({
        %run_scoped3A_472 = tpu.sem_alloc : memref<!tpu.dma_semaphore, #tpu.memory_space<semaphore_mem>>
        %dma_start3A_473 = arith.constant 0 : i32
        %dma_start3A_474 = arith.constant 0 : i32
        %dma_start3A_475 = tpu.memref_slice %arg9[%run_scoped3A_419, %dma_start3A_473, %dma_start3A_474] : memref<5x40x128xf32, #tpu.memory_space<vmem>> -> memref<1x40x128xf32, #tpu.memory_space<vmem>>
        %dma_start3A_476 = tpu.memref_squeeze %dma_start3A_475 : memref<1x40x128xf32, #tpu.memory_space<vmem>> -> memref<40x128xf32, #tpu.memory_space<vmem>>
        %dma_start3A_477 = arith.constant 0 : i32
        %dma_start3A_478 = tpu.memref_slice %arg11[%add3A_416, %dma_start3A_477] : memref<10240x128xf32, #tpu.memory_space<vmem_shared>> -> memref<40x128xf32, #tpu.memory_space<vmem_shared>>
        %dma_start3A_479 = arith.constant 0 : i32
        %dma_start3A_480 = arith.constant 0 : i32
        %dma_start3A_481 = tpu.memref_slice %arg9[%run_scoped3A_419, %dma_start3A_479, %dma_start3A_480] : memref<5x40x128xf32, #tpu.memory_space<vmem>> -> memref<1x40x128xf32, #tpu.memory_space<vmem>>
        %dma_start3A_482 = tpu.memref_squeeze %dma_start3A_481 : memref<1x40x128xf32, #tpu.memory_space<vmem>> -> memref<40x128xf32, #tpu.memory_space<vmem>>
        %dma_start3A_483 = arith.constant 0 : i32
        %dma_start3A_484 = tpu.memref_slice %arg11[%add3A_416, %dma_start3A_483] : memref<10240x128xf32, #tpu.memory_space<vmem_shared>> -> memref<40x128xf32, #tpu.memory_space<vmem_shared>>
        tpu.enqueue_dma source(%dma_start3A_484 : memref<40x128xf32, #tpu.memory_space<vmem_shared>>) target(%dma_start3A_482 : memref<40x128xf32, #tpu.memory_space<vmem>>) target_semaphore(%run_scoped3A_472 : memref<!tpu.dma_semaphore, #tpu.memory_space<semaphore_mem>>)
        %dma_wait3A_485 = arith.constant 0 : i32
        %dma_wait3A_486 = arith.constant 0 : i32
        %dma_wait3A_487 = tpu.memref_slice %arg9[%run_scoped3A_419, %dma_wait3A_485, %dma_wait3A_486] : memref<5x40x128xf32, #tpu.memory_space<vmem>> -> memref<1x40x128xf32, #tpu.memory_space<vmem>>
        %dma_wait3A_488 = tpu.memref_squeeze %dma_wait3A_487 : memref<1x40x128xf32, #tpu.memory_space<vmem>> -> memref<40x128xf32, #tpu.memory_space<vmem>>
        %dma_wait3A_489 = arith.constant 0 : i32
        %dma_wait3A_490 = tpu.memref_slice %arg11[%add3A_416, %dma_wait3A_489] : memref<10240x128xf32, #tpu.memory_space<vmem_shared>> -> memref<40x128xf32, #tpu.memory_space<vmem_shared>>
        %dma_wait3A_491 = arith.constant 0 : i32
        %dma_wait3A_492 = arith.constant 0 : i32
        %dma_wait3A_493 = tpu.memref_slice %arg9[%run_scoped3A_419, %dma_wait3A_491, %dma_wait3A_492] : memref<5x40x128xf32, #tpu.memory_space<vmem>> -> memref<1x40x128xf32, #tpu.memory_space<vmem>>
        %dma_wait3A_494 = tpu.memref_squeeze %dma_wait3A_493 : memref<1x40x128xf32, #tpu.memory_space<vmem>> -> memref<40x128xf32, #tpu.memory_space<vmem>>
        %dma_wait3A_495 = arith.constant 0 : i32
        %dma_wait3A_496 = tpu.memref_slice %arg11[%add3A_416, %dma_wait3A_495] : memref<10240x128xf32, #tpu.memory_space<vmem_shared>> -> memref<40x128xf32, #tpu.memory_space<vmem_shared>>
        tpu.wait_dma2 semaphore(%run_scoped3A_472 : memref<!tpu.dma_semaphore, #tpu.memory_space<semaphore_mem>>) src(%dma_wait3A_496 : memref<40x128xf32, #tpu.memory_space<vmem_shared>>) dst(%dma_wait3A_494 : memref<40x128xf32, #tpu.memory_space<vmem>>)
        tpu.yield
      }) : () -> ()
      %dma_start3A_420 = arith.constant 0 : i32
      %dma_start3A_421 = arith.constant 0 : i32
      %dma_start3A_422 = arith.constant 0 : i32
      %dma_start3A_423 = arith.constant 0 : i32
      %dma_start3A_424 = tpu.memref_slice %arg9[%dma_start3A_420, %dma_start3A_422, %dma_start3A_423] : memref<5x40x128xf32, #tpu.memory_space<vmem>> -> memref<1x40x128xf32, #tpu.memory_space<vmem>>
      %dma_start3A_425 = tpu.memref_squeeze %dma_start3A_424 : memref<1x40x128xf32, #tpu.memory_space<vmem>> -> memref<40x128xf32, #tpu.memory_space<vmem>>
      %dma_start3A_426 = arith.constant 0 : i32
      %dma_start3A_427 = tpu.memref_slice %arg6[%arg0, %add3A_416, %dma_start3A_426] : memref<2x10240x128xf32, #tpu.memory_space<hbm>> -> memref<1x40x128xf32, #tpu.memory_space<hbm>>
      %dma_start3A_428 = tpu.memref_squeeze %dma_start3A_427 : memref<1x40x128xf32, #tpu.memory_space<hbm>> -> memref<40x128xf32, #tpu.memory_space<hbm>>
      %dma_start3A_429 = tpu.memref_slice %arg12[%dma_start3A_421] : memref<5x!tpu.dma_semaphore, #tpu.memory_space<semaphore_mem>> -> memref<1x!tpu.dma_semaphore, #tpu.memory_space<semaphore_mem>>
      %dma_start3A_430 = tpu.memref_squeeze %dma_start3A_429 : memref<1x!tpu.dma_semaphore, #tpu.memory_space<semaphore_mem>> -> memref<!tpu.dma_semaphore, #tpu.memory_space<semaphore_mem>>
      %dma_start3A_431 = arith.constant 0 : i32
      %dma_start3A_432 = tpu.memref_slice %arg6[%arg0, %add3A_416, %dma_start3A_431] : memref<2x10240x128xf32, #tpu.memory_space<hbm>> -> memref<1x40x128xf32, #tpu.memory_space<hbm>>
      %dma_start3A_433 = tpu.memref_squeeze %dma_start3A_432 : memref<1x40x128xf32, #tpu.memory_space<hbm>> -> memref<40x128xf32, #tpu.memory_space<hbm>>
      %dma_start3A_434 = arith.constant 0 : i32
      %dma_start3A_435 = arith.constant 0 : i32
      %dma_start3A_436 = tpu.memref_slice %arg9[%dma_start3A_420, %dma_start3A_434, %dma_start3A_435] : memref<5x40x128xf32, #tpu.memory_space<vmem>> -> memref<1x40x128xf32, #tpu.memory_space<vmem>>
      %dma_start3A_437 = tpu.memref_squeeze %dma_start3A_436 : memref<1x40x128xf32, #tpu.memory_space<vmem>> -> memref<40x128xf32, #tpu.memory_space<vmem>>
      tpu.enqueue_dma source(%dma_start3A_437 : memref<40x128xf32, #tpu.memory_space<vmem>>) target(%dma_start3A_433 : memref<40x128xf32, #tpu.memory_space<hbm>>) target_semaphore(%dma_start3A_430 : memref<!tpu.dma_semaphore, #tpu.memory_space<semaphore_mem>>)
      %mul3A_438 = arith.constant 640 : i32
      %mul3A_439 = arith.muli %arg1, %mul3A_438 : i32
      %mul3A_440 = arith.constant 2 : i32
      %mul3A_441 = arith.muli %mul3A_440, %scan3A_406 : i32
      %add3A_442 = arith.constant 1 : i32
      %add3A_443 = arith.addi %mul3A_441, %add3A_442 : i32
      %mul3A_444 = arith.constant 40 : i32
      %mul3A_445 = arith.muli %add3A_443, %mul3A_444 : i32
      %add3A_446 = arith.addi %mul3A_439, %mul3A_445 : i32
      %gt3A_447 = arith.constant 0 : i32
      %gt3A_448 = arith.cmpi sgt, %scan3A_406, %gt3A_447 : i32
      %convert_element_type3A_449 = arith.extui %gt3A_448 : i1 to i32
      %cond3A_450 = arith.constant 0 : i32
      %cond3A_451 = arith.cmpi ne, %convert_element_type3A_449, %cond3A_450 : i32
      scf.if %cond3A_451 {
        %sub3A = arith.constant 80 : i32
        %sub3A_472 = arith.subi %add3A_446, %sub3A : i32
        %dma_wait3A_473 = arith.constant 1 : i32
        %dma_wait3A_474 = arith.constant 1 : i32
        %dma_wait3A_475 = arith.constant 0 : i32
        %dma_wait3A_476 = arith.constant 0 : i32
        %dma_wait3A_477 = tpu.memref_slice %arg9[%dma_wait3A_473, %dma_wait3A_475, %dma_wait3A_476] : memref<5x40x128xf32, #tpu.memory_space<vmem>> -> memref<1x40x128xf32, #tpu.memory_space<vmem>>
        %dma_wait3A_478 = tpu.memref_squeeze %dma_wait3A_477 : memref<1x40x128xf32, #tpu.memory_space<vmem>> -> memref<40x128xf32, #tpu.memory_space<vmem>>
        %dma_wait3A_479 = arith.constant 0 : i32
        %dma_wait3A_480 = tpu.memref_slice %arg6[%arg0, %sub3A_472, %dma_wait3A_479] : memref<2x10240x128xf32, #tpu.memory_space<hbm>> -> memref<1x40x128xf32, #tpu.memory_space<hbm>>
        %dma_wait3A_481 = tpu.memref_squeeze %dma_wait3A_480 : memref<1x40x128xf32, #tpu.memory_space<hbm>> -> memref<40x128xf32, #tpu.memory_space<hbm>>
        %dma_wait3A_482 = tpu.memref_slice %arg12[%dma_wait3A_474] : memref<5x!tpu.dma_semaphore, #tpu.memory_space<semaphore_mem>> -> memref<1x!tpu.dma_semaphore, #tpu.memory_space<semaphore_mem>>
        %dma_wait3A_483 = tpu.memref_squeeze %dma_wait3A_482 : memref<1x!tpu.dma_semaphore, #tpu.memory_space<semaphore_mem>> -> memref<!tpu.dma_semaphore, #tpu.memory_space<semaphore_mem>>
        %dma_wait3A_484 = arith.constant 0 : i32
        %dma_wait3A_485 = tpu.memref_slice %arg6[%arg0, %sub3A_472, %dma_wait3A_484] : memref<2x10240x128xf32, #tpu.memory_space<hbm>> -> memref<1x40x128xf32, #tpu.memory_space<hbm>>
        %dma_wait3A_486 = tpu.memref_squeeze %dma_wait3A_485 : memref<1x40x128xf32, #tpu.memory_space<hbm>> -> memref<40x128xf32, #tpu.memory_space<hbm>>
        %dma_wait3A_487 = arith.constant 0 : i32
        %dma_wait3A_488 = arith.constant 0 : i32
        %dma_wait3A_489 = tpu.memref_slice %arg9[%dma_wait3A_473, %dma_wait3A_487, %dma_wait3A_488] : memref<5x40x128xf32, #tpu.memory_space<vmem>> -> memref<1x40x128xf32, #tpu.memory_space<vmem>>
        %dma_wait3A_490 = tpu.memref_squeeze %dma_wait3A_489 : memref<1x40x128xf32, #tpu.memory_space<vmem>> -> memref<40x128xf32, #tpu.memory_space<vmem>>
        tpu.wait_dma2 semaphore(%dma_wait3A_483 : memref<!tpu.dma_semaphore, #tpu.memory_space<semaphore_mem>>) src(%dma_wait3A_490 : memref<40x128xf32, #tpu.memory_space<vmem>>) dst(%dma_wait3A_486 : memref<40x128xf32, #tpu.memory_space<hbm>>)
      } else {
      }
      %run_scoped3A_452 = arith.constant 1 : i32
      "tpu.region"() ({
        %run_scoped3A_472 = tpu.sem_alloc : memref<!tpu.dma_semaphore, #tpu.memory_space<semaphore_mem>>
        %dma_start3A_473 = arith.constant 0 : i32
        %dma_start3A_474 = arith.constant 0 : i32
        %dma_start3A_475 = tpu.memref_slice %arg9[%run_scoped3A_452, %dma_start3A_473, %dma_start3A_474] : memref<5x40x128xf32, #tpu.memory_space<vmem>> -> memref<1x40x128xf32, #tpu.memory_space<vmem>>
        %dma_start3A_476 = tpu.memref_squeeze %dma_start3A_475 : memref<1x40x128xf32, #tpu.memory_space<vmem>> -> memref<40x128xf32, #tpu.memory_space<vmem>>
        %dma_start3A_477 = arith.constant 0 : i32
        %dma_start3A_478 = tpu.memref_slice %arg11[%add3A_446, %dma_start3A_477] : memref<10240x128xf32, #tpu.memory_space<vmem_shared>> -> memref<40x128xf32, #tpu.memory_space<vmem_shared>>
        %dma_start3A_479 = arith.constant 0 : i32
        %dma_start3A_480 = arith.constant 0 : i32
        %dma_start3A_481 = tpu.memref_slice %arg9[%run_scoped3A_452, %dma_start3A_479, %dma_start3A_480] : memref<5x40x128xf32, #tpu.memory_space<vmem>> -> memref<1x40x128xf32, #tpu.memory_space<vmem>>
        %dma_start3A_482 = tpu.memref_squeeze %dma_start3A_481 : memref<1x40x128xf32, #tpu.memory_space<vmem>> -> memref<40x128xf32, #tpu.memory_space<vmem>>
        %dma_start3A_483 = arith.constant 0 : i32
        %dma_start3A_484 = tpu.memref_slice %arg11[%add3A_446, %dma_start3A_483] : memref<10240x128xf32, #tpu.memory_space<vmem_shared>> -> memref<40x128xf32, #tpu.memory_space<vmem_shared>>
        tpu.enqueue_dma source(%dma_start3A_484 : memref<40x128xf32, #tpu.memory_space<vmem_shared>>) target(%dma_start3A_482 : memref<40x128xf32, #tpu.memory_space<vmem>>) target_semaphore(%run_scoped3A_472 : memref<!tpu.dma_semaphore, #tpu.memory_space<semaphore_mem>>)
        %dma_wait3A_485 = arith.constant 0 : i32
        %dma_wait3A_486 = arith.constant 0 : i32
        %dma_wait3A_487 = tpu.memref_slice %arg9[%run_scoped3A_452, %dma_wait3A_485, %dma_wait3A_486] : memref<5x40x128xf32, #tpu.memory_space<vmem>> -> memref<1x40x128xf32, #tpu.memory_space<vmem>>
        %dma_wait3A_488 = tpu.memref_squeeze %dma_wait3A_487 : memref<1x40x128xf32, #tpu.memory_space<vmem>> -> memref<40x128xf32, #tpu.memory_space<vmem>>
        %dma_wait3A_489 = arith.constant 0 : i32
        %dma_wait3A_490 = tpu.memref_slice %arg11[%add3A_446, %dma_wait3A_489] : memref<10240x128xf32, #tpu.memory_space<vmem_shared>> -> memref<40x128xf32, #tpu.memory_space<vmem_shared>>
        %dma_wait3A_491 = arith.constant 0 : i32
        %dma_wait3A_492 = arith.constant 0 : i32
        %dma_wait3A_493 = tpu.memref_slice %arg9[%run_scoped3A_452, %dma_wait3A_491, %dma_wait3A_492] : memref<5x40x128xf32, #tpu.memory_space<vmem>> -> memref<1x40x128xf32, #tpu.memory_space<vmem>>
        %dma_wait3A_494 = tpu.memref_squeeze %dma_wait3A_493 : memref<1x40x128xf32, #tpu.memory_space<vmem>> -> memref<40x128xf32, #tpu.memory_space<vmem>>
        %dma_wait3A_495 = arith.constant 0 : i32
        %dma_wait3A_496 = tpu.memref_slice %arg11[%add3A_446, %dma_wait3A_495] : memref<10240x128xf32, #tpu.memory_space<vmem_shared>> -> memref<40x128xf32, #tpu.memory_space<vmem_shared>>
        tpu.wait_dma2 semaphore(%run_scoped3A_472 : memref<!tpu.dma_semaphore, #tpu.memory_space<semaphore_mem>>) src(%dma_wait3A_496 : memref<40x128xf32, #tpu.memory_space<vmem_shared>>) dst(%dma_wait3A_494 : memref<40x128xf32, #tpu.memory_space<vmem>>)
        tpu.yield
      }) : () -> ()
      %dma_start3A_453 = arith.constant 1 : i32
      %dma_start3A_454 = arith.constant 1 : i32
      %dma_start3A_455 = arith.constant 0 : i32
      %dma_start3A_456 = arith.constant 0 : i32
      %dma_start3A_457 = tpu.memref_slice %arg9[%dma_start3A_453, %dma_start3A_455, %dma_start3A_456] : memref<5x40x128xf32, #tpu.memory_space<vmem>> -> memref<1x40x128xf32, #tpu.memory_space<vmem>>
      %dma_start3A_458 = tpu.memref_squeeze %dma_start3A_457 : memref<1x40x128xf32, #tpu.memory_space<vmem>> -> memref<40x128xf32, #tpu.memory_space<vmem>>
      %dma_start3A_459 = arith.constant 0 : i32
      %dma_start3A_460 = tpu.memref_slice %arg6[%arg0, %add3A_446, %dma_start3A_459] : memref<2x10240x128xf32, #tpu.memory_space<hbm>> -> memref<1x40x128xf32, #tpu.memory_space<hbm>>
      %dma_start3A_461 = tpu.memref_squeeze %dma_start3A_460 : memref<1x40x128xf32, #tpu.memory_space<hbm>> -> memref<40x128xf32, #tpu.memory_space<hbm>>
      %dma_start3A_462 = tpu.memref_slice %arg12[%dma_start3A_454] : memref<5x!tpu.dma_semaphore, #tpu.memory_space<semaphore_mem>> -> memref<1x!tpu.dma_semaphore, #tpu.memory_space<semaphore_mem>>
      %dma_start3A_463 = tpu.memref_squeeze %dma_start3A_462 : memref<1x!tpu.dma_semaphore, #tpu.memory_space<semaphore_mem>> -> memref<!tpu.dma_semaphore, #tpu.memory_space<semaphore_mem>>
      %dma_start3A_464 = arith.constant 0 : i32
      %dma_start3A_465 = tpu.memref_slice %arg6[%arg0, %add3A_446, %dma_start3A_464] : memref<2x10240x128xf32, #tpu.memory_space<hbm>> -> memref<1x40x128xf32, #tpu.memory_space<hbm>>
      %dma_start3A_466 = tpu.memref_squeeze %dma_start3A_465 : memref<1x40x128xf32, #tpu.memory_space<hbm>> -> memref<40x128xf32, #tpu.memory_space<hbm>>
      %dma_start3A_467 = arith.constant 0 : i32
      %dma_start3A_468 = arith.constant 0 : i32
      %dma_start3A_469 = tpu.memref_slice %arg9[%dma_start3A_453, %dma_start3A_467, %dma_start3A_468] : memref<5x40x128xf32, #tpu.memory_space<vmem>> -> memref<1x40x128xf32, #tpu.memory_space<vmem>>
      %dma_start3A_470 = tpu.memref_squeeze %dma_start3A_469 : memref<1x40x128xf32, #tpu.memory_space<vmem>> -> memref<40x128xf32, #tpu.memory_space<vmem>>
      tpu.enqueue_dma source(%dma_start3A_470 : memref<40x128xf32, #tpu.memory_space<vmem>>) target(%dma_start3A_466 : memref<40x128xf32, #tpu.memory_space<hbm>>) target_semaphore(%dma_start3A_463 : memref<!tpu.dma_semaphore, #tpu.memory_space<semaphore_mem>>)
      %scan3A_471 = arith.constant 0 : i32
      scf.yield %scan3A_471 : i32
    }
    %scan3A_361 = arith.constant 8 : i32
    %mul3A_362 = arith.constant 640 : i32
    %mul3A_363 = arith.muli %arg1, %mul3A_362 : i32
    %add3A_364 = arith.constant 560 : i32
    %add3A_365 = arith.addi %mul3A_363, %add3A_364 : i32
    %dma_wait3A_366 = arith.constant 0 : i32
    %dma_wait3A_367 = arith.constant 0 : i32
    %dma_wait3A_368 = arith.constant 0 : i32
    %dma_wait3A_369 = arith.constant 0 : i32
    %dma_wait3A_370 = tpu.memref_slice %arg9[%dma_wait3A_366, %dma_wait3A_368, %dma_wait3A_369] : memref<5x40x128xf32, #tpu.memory_space<vmem>> -> memref<1x40x128xf32, #tpu.memory_space<vmem>>
    %dma_wait3A_371 = tpu.memref_squeeze %dma_wait3A_370 : memref<1x40x128xf32, #tpu.memory_space<vmem>> -> memref<40x128xf32, #tpu.memory_space<vmem>>
    %dma_wait3A_372 = arith.constant 0 : i32
    %dma_wait3A_373 = tpu.memref_slice %arg6[%arg0, %add3A_365, %dma_wait3A_372] : memref<2x10240x128xf32, #tpu.memory_space<hbm>> -> memref<1x40x128xf32, #tpu.memory_space<hbm>>
    %dma_wait3A_374 = tpu.memref_squeeze %dma_wait3A_373 : memref<1x40x128xf32, #tpu.memory_space<hbm>> -> memref<40x128xf32, #tpu.memory_space<hbm>>
    %dma_wait3A_375 = tpu.memref_slice %arg12[%dma_wait3A_367] : memref<5x!tpu.dma_semaphore, #tpu.memory_space<semaphore_mem>> -> memref<1x!tpu.dma_semaphore, #tpu.memory_space<semaphore_mem>>
    %dma_wait3A_376 = tpu.memref_squeeze %dma_wait3A_375 : memref<1x!tpu.dma_semaphore, #tpu.memory_space<semaphore_mem>> -> memref<!tpu.dma_semaphore, #tpu.memory_space<semaphore_mem>>
    %dma_wait3A_377 = arith.constant 0 : i32
    %dma_wait3A_378 = tpu.memref_slice %arg6[%arg0, %add3A_365, %dma_wait3A_377] : memref<2x10240x128xf32, #tpu.memory_space<hbm>> -> memref<1x40x128xf32, #tpu.memory_space<hbm>>
    %dma_wait3A_379 = tpu.memref_squeeze %dma_wait3A_378 : memref<1x40x128xf32, #tpu.memory_space<hbm>> -> memref<40x128xf32, #tpu.memory_space<hbm>>
    %dma_wait3A_380 = arith.constant 0 : i32
    %dma_wait3A_381 = arith.constant 0 : i32
    %dma_wait3A_382 = tpu.memref_slice %arg9[%dma_wait3A_366, %dma_wait3A_380, %dma_wait3A_381] : memref<5x40x128xf32, #tpu.memory_space<vmem>> -> memref<1x40x128xf32, #tpu.memory_space<vmem>>
    %dma_wait3A_383 = tpu.memref_squeeze %dma_wait3A_382 : memref<1x40x128xf32, #tpu.memory_space<vmem>> -> memref<40x128xf32, #tpu.memory_space<vmem>>
    tpu.wait_dma2 semaphore(%dma_wait3A_376 : memref<!tpu.dma_semaphore, #tpu.memory_space<semaphore_mem>>) src(%dma_wait3A_383 : memref<40x128xf32, #tpu.memory_space<vmem>>) dst(%dma_wait3A_379 : memref<40x128xf32, #tpu.memory_space<hbm>>)
    %mul3A_384 = arith.constant 640 : i32
    %mul3A_385 = arith.muli %arg1, %mul3A_384 : i32
    %add3A_386 = arith.constant 600 : i32
    %add3A_387 = arith.addi %mul3A_385, %add3A_386 : i32
    %dma_wait3A_388 = arith.constant 1 : i32
    %dma_wait3A_389 = arith.constant 1 : i32
    %dma_wait3A_390 = arith.constant 0 : i32
    %dma_wait3A_391 = arith.constant 0 : i32
    %dma_wait3A_392 = tpu.memref_slice %arg9[%dma_wait3A_388, %dma_wait3A_390, %dma_wait3A_391] : memref<5x40x128xf32, #tpu.memory_space<vmem>> -> memref<1x40x128xf32, #tpu.memory_space<vmem>>
    %dma_wait3A_393 = tpu.memref_squeeze %dma_wait3A_392 : memref<1x40x128xf32, #tpu.memory_space<vmem>> -> memref<40x128xf32, #tpu.memory_space<vmem>>
    %dma_wait3A_394 = arith.constant 0 : i32
    %dma_wait3A_395 = tpu.memref_slice %arg6[%arg0, %add3A_387, %dma_wait3A_394] : memref<2x10240x128xf32, #tpu.memory_space<hbm>> -> memref<1x40x128xf32, #tpu.memory_space<hbm>>
    %dma_wait3A_396 = tpu.memref_squeeze %dma_wait3A_395 : memref<1x40x128xf32, #tpu.memory_space<hbm>> -> memref<40x128xf32, #tpu.memory_space<hbm>>
    %dma_wait3A_397 = tpu.memref_slice %arg12[%dma_wait3A_389] : memref<5x!tpu.dma_semaphore, #tpu.memory_space<semaphore_mem>> -> memref<1x!tpu.dma_semaphore, #tpu.memory_space<semaphore_mem>>
    %dma_wait3A_398 = tpu.memref_squeeze %dma_wait3A_397 : memref<1x!tpu.dma_semaphore, #tpu.memory_space<semaphore_mem>> -> memref<!tpu.dma_semaphore, #tpu.memory_space<semaphore_mem>>
    %dma_wait3A_399 = arith.constant 0 : i32
    %dma_wait3A_400 = tpu.memref_slice %arg6[%arg0, %add3A_387, %dma_wait3A_399] : memref<2x10240x128xf32, #tpu.memory_space<hbm>> -> memref<1x40x128xf32, #tpu.memory_space<hbm>>
    %dma_wait3A_401 = tpu.memref_squeeze %dma_wait3A_400 : memref<1x40x128xf32, #tpu.memory_space<hbm>> -> memref<40x128xf32, #tpu.memory_space<hbm>>
    %dma_wait3A_402 = arith.constant 0 : i32
    %dma_wait3A_403 = arith.constant 0 : i32
    %dma_wait3A_404 = tpu.memref_slice %arg9[%dma_wait3A_388, %dma_wait3A_402, %dma_wait3A_403] : memref<5x40x128xf32, #tpu.memory_space<vmem>> -> memref<1x40x128xf32, #tpu.memory_space<vmem>>
    %dma_wait3A_405 = tpu.memref_squeeze %dma_wait3A_404 : memref<1x40x128xf32, #tpu.memory_space<vmem>> -> memref<40x128xf32, #tpu.memory_space<vmem>>
    tpu.wait_dma2 semaphore(%dma_wait3A_398 : memref<!tpu.dma_semaphore, #tpu.memory_space<semaphore_mem>>) src(%dma_wait3A_405 : memref<40x128xf32, #tpu.memory_space<vmem>>) dst(%dma_wait3A_401 : memref<40x128xf32, #tpu.memory_space<hbm>>)
    return
  }
}

#map = affine_map<(d0, d1) -> (0, 0)>
#map1 = affine_map<(d0, d1) -> (0)>
#map2 = affine_map<(d0, d1) -> (0, 0, 0)>
module attributes {stable_mosaic.version = 14 : i64} {
  func.func @_sc_agg_body(%arg0: i32, %arg1: i32, %arg2: memref<10240x128xf32, #tpu.memory_space<hbm>>, %arg3: memref<320000xi32, #tpu.memory_space<hbm>>, %arg4: memref<320000xi32, #tpu.memory_space<hbm>>, %arg5: memref<2x10240x128xf32, #tpu.memory_space<hbm>>, %arg6: memref<5x40xi32, #tpu.memory_space<vmem>>, %arg7: memref<5x40xi32, #tpu.memory_space<vmem>>, %arg8: memref<5x40x128xf32, #tpu.memory_space<vmem>>, %arg9: memref<40x128xf32, #tpu.memory_space<vmem>>, %arg10: memref<10240x128xf32, #tpu.memory_space<vmem_shared>>, %arg11: memref<5x!tpu.dma_semaphore, #tpu.memory_space<semaphore_mem>>, %arg12: memref<5x!tpu.dma_semaphore, #tpu.memory_space<semaphore_mem>>) attributes {dimension_semantics = [#tpu.dimension_semantics<core_parallel>, #tpu.dimension_semantics<subcore_parallel>], iteration_bounds = array<i64: 2, 16>, scalar_prefetch = 0 : i64, scratch_operands = 7 : i64, tpu.core_type = #tpu.core_type<sc_vector_subcore>, window_params = [{transform_indices = #map}, {transform_indices = #map1}, {transform_indices = #map1}, {transform_indices = #map2}]} {
    %mul3A = arith.constant 2 : i32
    %mul3A_0 = arith.muli %arg1, %mul3A : i32
    %add3A = arith.addi %mul3A_0, %arg0 : i32
    %mul3A_1 = arith.constant 10000 : i32
    %mul3A_2 = arith.muli %add3A, %mul3A_1 : i32
    %broadcast_in_dim3A = arith.constant 0.000000e+00 : f32
    %broadcast_in_dim3A_3 = vector.broadcast %broadcast_in_dim3A : f32 to vector<16xf32>
    %broadcast_in_dim3A_4 = arith.constant 1.000000e+00 : f32
    %broadcast_in_dim3A_5 = vector.broadcast %broadcast_in_dim3A_4 : f32 to vector<16xf32>
    %scan3A = arith.constant 0 : i32
    %scan3A_6 = arith.constant 0 : i32
    %scan3A_7 = arith.constant 320 : i32
    %scan3A_8 = arith.addi %scan3A_6, %scan3A_7 : i32
    %scan3A_9 = arith.constant 1 : i32
    %scan3A_10 = scf.for %scan3A_252 = %scan3A_6 to %scan3A_8 step %scan3A_9 iter_args(%scan3A_253 = %scan3A) -> (i32)  : i32 {
      %jit3A = arith.constant 8 : i32
      %div3A = arith.divsi %scan3A_252, %jit3A : i32
      %sign3A = arith.constant 0 : i32
      %sign3A_254 = arith.cmpi sgt, %scan3A_252, %sign3A : i32
      %sign3A_255 = arith.extui %sign3A_254 : i1 to i32
      %sign3A_256 = arith.constant 0 : i32
      %sign3A_257 = arith.cmpi slt, %scan3A_252, %sign3A_256 : i32
      %sign3A_258 = arith.extui %sign3A_257 : i1 to i32
      %sign3A_259 = arith.subi %sign3A_255, %sign3A_258 : i32
      %sign3A_260 = arith.constant 0 : i32
      %sign3A_261 = arith.cmpi sgt, %jit3A, %sign3A_260 : i32
      %sign3A_262 = arith.extui %sign3A_261 : i1 to i32
      %sign3A_263 = arith.constant 0 : i32
      %sign3A_264 = arith.cmpi slt, %jit3A, %sign3A_263 : i32
      %sign3A_265 = arith.extui %sign3A_264 : i1 to i32
      %sign3A_266 = arith.subi %sign3A_262, %sign3A_265 : i32
      %ne3A = arith.cmpi ne, %sign3A_259, %sign3A_266 : i32
      %rem3A = arith.remsi %scan3A_252, %jit3A : i32
      %ne3A_267 = arith.constant 0 : i32
      %ne3A_268 = arith.cmpi ne, %rem3A, %ne3A_267 : i32
      %and3A = arith.andi %ne3A, %ne3A_268 : i1
      %sub3A = arith.constant 1 : i32
      %sub3A_269 = arith.subi %div3A, %sub3A : i32
      %select_n3A = arith.select %and3A, %sub3A_269, %div3A : i32
      %jit3A_270 = arith.constant 8 : i32
      %eq3A = arith.constant 0 : i32
      %eq3A_271 = arith.cmpi eq, %jit3A_270, %eq3A : i32
      %jit3A_272 = arith.constant 1 : i32
      %select_n3A_273 = arith.select %eq3A_271, %jit3A_272, %jit3A_270 : i32
      %rem3A_274 = arith.remsi %scan3A_252, %select_n3A_273 : i32
      %ne3A_275 = arith.constant 0 : i32
      %ne3A_276 = arith.cmpi ne, %rem3A_274, %ne3A_275 : i32
      %lt3A = arith.constant 0 : i32
      %lt3A_277 = arith.cmpi slt, %rem3A_274, %lt3A : i32
      %lt3A_278 = arith.constant 0 : i32
      %lt3A_279 = arith.cmpi slt, %select_n3A_273, %lt3A_278 : i32
      %ne3A_280 = arith.xori %lt3A_277, %lt3A_279 : i1
      %and3A_281 = arith.andi %ne3A_280, %ne3A_276 : i1
      %add3A_282 = arith.addi %rem3A_274, %select_n3A_273 : i32
      %select_n3A_283 = arith.select %and3A_281, %add3A_282, %rem3A_274 : i32
      %mul3A_284 = arith.constant 16 : i32
      %mul3A_285 = arith.muli %select_n3A_283, %mul3A_284 : i32
      %swap3A = arith.index_cast %select_n3A : i32 to index
      %swap3A_286 = arith.index_cast %mul3A_285 : i32 to index
      %swap3A_287 = tpu.vector_load %arg9[%swap3A, %swap3A_286] {strides = array<i32>} : memref<40x128xf32, #tpu.memory_space<vmem>>, vector<1x16xf32>,
      %swap3A_288 = vector.shape_cast %swap3A_287 : vector<1x16xf32> to vector<16xf32>
      %swap3A_289 = vector.shape_cast %broadcast_in_dim3A_3 : vector<16xf32> to vector<1x16xf32>
      tpu.vector_store %arg9[%swap3A, %swap3A_286], %swap3A_289 {strides = array<i32>} : memref<40x128xf32, #tpu.memory_space<vmem>>, vector<1x16xf32>,
      %scan3A_290 = arith.constant 0 : i32
      scf.yield %scan3A_290 : i32
    }
    %scan3A_11 = arith.constant 320 : i32
    %scan3A_12 = arith.constant 0 : i32
    %scan3A_13 = arith.constant 0 : i32
    %scan3A_14 = arith.constant 16 : i32
    %scan3A_15 = arith.addi %scan3A_13, %scan3A_14 : i32
    %scan3A_16 = arith.constant 1 : i32
    %scan3A_17 = scf.for %scan3A_252 = %scan3A_13 to %scan3A_15 step %scan3A_16 iter_args(%scan3A_253 = %scan3A_12) -> (i32)  : i32 {
      %mul3A_254 = arith.constant 640 : i32
      %mul3A_255 = arith.muli %arg1, %mul3A_254 : i32
      %mul3A_256 = arith.constant 40 : i32
      %mul3A_257 = arith.muli %scan3A_252, %mul3A_256 : i32
      %add3A_258 = arith.addi %mul3A_255, %mul3A_257 : i32
      %dma_start3A_259 = arith.constant 0 : i32
      %dma_start3A_260 = arith.constant 0 : i32
      %dma_start3A_261 = tpu.memref_slice %arg10[%add3A_258, %dma_start3A_260] : memref<10240x128xf32, #tpu.memory_space<vmem_shared>> -> memref<40x128xf32, #tpu.memory_space<vmem_shared>>
      %dma_start3A_262 = tpu.memref_slice %arg11[%dma_start3A_259] : memref<5x!tpu.dma_semaphore, #tpu.memory_space<semaphore_mem>> -> memref<1x!tpu.dma_semaphore, #tpu.memory_space<semaphore_mem>>
      %dma_start3A_263 = tpu.memref_squeeze %dma_start3A_262 : memref<1x!tpu.dma_semaphore, #tpu.memory_space<semaphore_mem>> -> memref<!tpu.dma_semaphore, #tpu.memory_space<semaphore_mem>>
      %dma_start3A_264 = arith.constant 0 : i32
      %dma_start3A_265 = tpu.memref_slice %arg10[%add3A_258, %dma_start3A_264] : memref<10240x128xf32, #tpu.memory_space<vmem_shared>> -> memref<40x128xf32, #tpu.memory_space<vmem_shared>>
      tpu.enqueue_dma source(%arg9 : memref<40x128xf32, #tpu.memory_space<vmem>>) target(%dma_start3A_265 : memref<40x128xf32, #tpu.memory_space<vmem_shared>>) target_semaphore(%dma_start3A_263 : memref<!tpu.dma_semaphore, #tpu.memory_space<semaphore_mem>>)
      %scan3A_266 = arith.constant 0 : i32
      scf.yield %scan3A_266 : i32
    }
    %scan3A_18 = arith.constant 16 : i32
    %scan3A_19 = arith.constant 0 : i32
    %scan3A_20 = arith.constant 0 : i32
    %scan3A_21 = arith.constant 16 : i32
    %scan3A_22 = arith.addi %scan3A_20, %scan3A_21 : i32
    %scan3A_23 = arith.constant 1 : i32
    %scan3A_24 = scf.for %scan3A_252 = %scan3A_20 to %scan3A_22 step %scan3A_23 iter_args(%scan3A_253 = %scan3A_19) -> (i32)  : i32 {
      %mul3A_254 = arith.constant 640 : i32
      %mul3A_255 = arith.muli %arg1, %mul3A_254 : i32
      %mul3A_256 = arith.constant 40 : i32
      %mul3A_257 = arith.muli %scan3A_252, %mul3A_256 : i32
      %add3A_258 = arith.addi %mul3A_255, %mul3A_257 : i32
      %dma_wait3A_259 = arith.constant 0 : i32
      %dma_wait3A_260 = arith.constant 0 : i32
      %dma_wait3A_261 = tpu.memref_slice %arg10[%add3A_258, %dma_wait3A_260] : memref<10240x128xf32, #tpu.memory_space<vmem_shared>> -> memref<40x128xf32, #tpu.memory_space<vmem_shared>>
      %dma_wait3A_262 = tpu.memref_slice %arg11[%dma_wait3A_259] : memref<5x!tpu.dma_semaphore, #tpu.memory_space<semaphore_mem>> -> memref<1x!tpu.dma_semaphore, #tpu.memory_space<semaphore_mem>>
      %dma_wait3A_263 = tpu.memref_squeeze %dma_wait3A_262 : memref<1x!tpu.dma_semaphore, #tpu.memory_space<semaphore_mem>> -> memref<!tpu.dma_semaphore, #tpu.memory_space<semaphore_mem>>
      %dma_wait3A_264 = arith.constant 0 : i32
      %dma_wait3A_265 = tpu.memref_slice %arg10[%add3A_258, %dma_wait3A_264] : memref<10240x128xf32, #tpu.memory_space<vmem_shared>> -> memref<40x128xf32, #tpu.memory_space<vmem_shared>>
      tpu.wait_dma2 semaphore(%dma_wait3A_263 : memref<!tpu.dma_semaphore, #tpu.memory_space<semaphore_mem>>) src(%arg9 : memref<40x128xf32, #tpu.memory_space<vmem>>) dst(%dma_wait3A_265 : memref<40x128xf32, #tpu.memory_space<vmem_shared>>)
      %scan3A_266 = arith.constant 0 : i32
      scf.yield %scan3A_266 : i32
    }
    %scan3A_25 = arith.constant 16 : i32
    %barrier3A = arith.constant 0 : index
    tpu.barrier barrier_id(%barrier3A)
    %add3A_26 = arith.constant 0 : i32
    %add3A_27 = arith.addi %mul3A_2, %add3A_26 : i32
    %run_scoped3A = arith.constant 0 : i32
    "tpu.region"() ({
      %run_scoped3A_252 = tpu.sem_alloc : memref<!tpu.dma_semaphore, #tpu.memory_space<semaphore_mem>>
      %dma_start3A_253 = arith.constant 0 : i32
      %dma_start3A_254 = tpu.memref_slice %arg6[%run_scoped3A, %dma_start3A_253] : memref<5x40xi32, #tpu.memory_space<vmem>> -> memref<1x40xi32, #tpu.memory_space<vmem>>
      %dma_start3A_255 = tpu.memref_squeeze %dma_start3A_254 : memref<1x40xi32, #tpu.memory_space<vmem>> -> memref<40xi32, #tpu.memory_space<vmem>>
      %dma_start3A_256 = tpu.memref_slice %arg3[%add3A_27] : memref<320000xi32, #tpu.memory_space<hbm>> -> memref<40xi32, #tpu.memory_space<hbm>>
      %dma_start3A_257 = arith.constant 0 : i32
      %dma_start3A_258 = tpu.memref_slice %arg6[%run_scoped3A, %dma_start3A_257] : memref<5x40xi32, #tpu.memory_space<vmem>> -> memref<1x40xi32, #tpu.memory_space<vmem>>
      %dma_start3A_259 = tpu.memref_squeeze %dma_start3A_258 : memref<1x40xi32, #tpu.memory_space<vmem>> -> memref<40xi32, #tpu.memory_space<vmem>>
      %dma_start3A_260 = tpu.memref_slice %arg3[%add3A_27] : memref<320000xi32, #tpu.memory_space<hbm>> -> memref<40xi32, #tpu.memory_space<hbm>>
      tpu.enqueue_dma source(%dma_start3A_260 : memref<40xi32, #tpu.memory_space<hbm>>) target(%dma_start3A_259 : memref<40xi32, #tpu.memory_space<vmem>>) target_semaphore(%run_scoped3A_252 : memref<!tpu.dma_semaphore, #tpu.memory_space<semaphore_mem>>)
      %dma_wait3A_261 = arith.constant 0 : i32
      %dma_wait3A_262 = tpu.memref_slice %arg6[%run_scoped3A, %dma_wait3A_261] : memref<5x40xi32, #tpu.memory_space<vmem>> -> memref<1x40xi32, #tpu.memory_space<vmem>>
      %dma_wait3A_263 = tpu.memref_squeeze %dma_wait3A_262 : memref<1x40xi32, #tpu.memory_space<vmem>> -> memref<40xi32, #tpu.memory_space<vmem>>
      %dma_wait3A_264 = tpu.memref_slice %arg3[%add3A_27] : memref<320000xi32, #tpu.memory_space<hbm>> -> memref<40xi32, #tpu.memory_space<hbm>>
      %dma_wait3A_265 = arith.constant 0 : i32
      %dma_wait3A_266 = tpu.memref_slice %arg6[%run_scoped3A, %dma_wait3A_265] : memref<5x40xi32, #tpu.memory_space<vmem>> -> memref<1x40xi32, #tpu.memory_space<vmem>>
      %dma_wait3A_267 = tpu.memref_squeeze %dma_wait3A_266 : memref<1x40xi32, #tpu.memory_space<vmem>> -> memref<40xi32, #tpu.memory_space<vmem>>
      %dma_wait3A_268 = tpu.memref_slice %arg3[%add3A_27] : memref<320000xi32, #tpu.memory_space<hbm>> -> memref<40xi32, #tpu.memory_space<hbm>>
      tpu.wait_dma2 semaphore(%run_scoped3A_252 : memref<!tpu.dma_semaphore, #tpu.memory_space<semaphore_mem>>) src(%dma_wait3A_268 : memref<40xi32, #tpu.memory_space<hbm>>) dst(%dma_wait3A_267 : memref<40xi32, #tpu.memory_space<vmem>>)
      tpu.yield
    }) : () -> ()
    %run_scoped3A_28 = arith.constant 0 : i32
    "tpu.region"() ({
      %run_scoped3A_252 = tpu.sem_alloc : memref<!tpu.dma_semaphore, #tpu.memory_space<semaphore_mem>>
      %dma_start3A_253 = arith.constant 0 : i32
      %dma_start3A_254 = tpu.memref_slice %arg7[%run_scoped3A_28, %dma_start3A_253] : memref<5x40xi32, #tpu.memory_space<vmem>> -> memref<1x40xi32, #tpu.memory_space<vmem>>
      %dma_start3A_255 = tpu.memref_squeeze %dma_start3A_254 : memref<1x40xi32, #tpu.memory_space<vmem>> -> memref<40xi32, #tpu.memory_space<vmem>>
      %dma_start3A_256 = tpu.memref_slice %arg4[%add3A_27] : memref<320000xi32, #tpu.memory_space<hbm>> -> memref<40xi32, #tpu.memory_space<hbm>>
      %dma_start3A_257 = arith.constant 0 : i32
      %dma_start3A_258 = tpu.memref_slice %arg7[%run_scoped3A_28, %dma_start3A_257] : memref<5x40xi32, #tpu.memory_space<vmem>> -> memref<1x40xi32, #tpu.memory_space<vmem>>
      %dma_start3A_259 = tpu.memref_squeeze %dma_start3A_258 : memref<1x40xi32, #tpu.memory_space<vmem>> -> memref<40xi32, #tpu.memory_space<vmem>>
      %dma_start3A_260 = tpu.memref_slice %arg4[%add3A_27] : memref<320000xi32, #tpu.memory_space<hbm>> -> memref<40xi32, #tpu.memory_space<hbm>>
      tpu.enqueue_dma source(%dma_start3A_260 : memref<40xi32, #tpu.memory_space<hbm>>) target(%dma_start3A_259 : memref<40xi32, #tpu.memory_space<vmem>>) target_semaphore(%run_scoped3A_252 : memref<!tpu.dma_semaphore, #tpu.memory_space<semaphore_mem>>)
      %dma_wait3A_261 = arith.constant 0 : i32
      %dma_wait3A_262 = tpu.memref_slice %arg7[%run_scoped3A_28, %dma_wait3A_261] : memref<5x40xi32, #tpu.memory_space<vmem>> -> memref<1x40xi32, #tpu.memory_space<vmem>>
      %dma_wait3A_263 = tpu.memref_squeeze %dma_wait3A_262 : memref<1x40xi32, #tpu.memory_space<vmem>> -> memref<40xi32, #tpu.memory_space<vmem>>
      %dma_wait3A_264 = tpu.memref_slice %arg4[%add3A_27] : memref<320000xi32, #tpu.memory_space<hbm>> -> memref<40xi32, #tpu.memory_space<hbm>>
      %dma_wait3A_265 = arith.constant 0 : i32
      %dma_wait3A_266 = tpu.memref_slice %arg7[%run_scoped3A_28, %dma_wait3A_265] : memref<5x40xi32, #tpu.memory_space<vmem>> -> memref<1x40xi32, #tpu.memory_space<vmem>>
      %dma_wait3A_267 = tpu.memref_squeeze %dma_wait3A_266 : memref<1x40xi32, #tpu.memory_space<vmem>> -> memref<40xi32, #tpu.memory_space<vmem>>
      %dma_wait3A_268 = tpu.memref_slice %arg4[%add3A_27] : memref<320000xi32, #tpu.memory_space<hbm>> -> memref<40xi32, #tpu.memory_space<hbm>>
      tpu.wait_dma2 semaphore(%run_scoped3A_252 : memref<!tpu.dma_semaphore, #tpu.memory_space<semaphore_mem>>) src(%dma_wait3A_268 : memref<40xi32, #tpu.memory_space<hbm>>) dst(%dma_wait3A_267 : memref<40xi32, #tpu.memory_space<vmem>>)
      tpu.yield
    }) : () -> ()
    %dma_start3A = arith.constant 0 : i32
    %dma_start3A_29 = arith.constant 0 : i32
    %dma_start3A_30 = arith.constant 0 : i32
    %dma_start3A_31 = arith.constant 0 : i32
    %dma_start3A_32 = arith.constant 0 : i32
    %dma_start3A_33 = tpu.memref_slice %arg8[%dma_start3A_29, %dma_start3A_31, %dma_start3A_32] : memref<5x40x128xf32, #tpu.memory_space<vmem>> -> memref<1x40x128xf32, #tpu.memory_space<vmem>>
    %dma_start3A_34 = tpu.memref_squeeze %dma_start3A_33 : memref<1x40x128xf32, #tpu.memory_space<vmem>> -> memref<40x128xf32, #tpu.memory_space<vmem>>
    %dma_start3A_35 = arith.constant 0 : i32
    %dma_start3A_36 = tpu.memref_slice %arg6[%dma_start3A, %dma_start3A_35] : memref<5x40xi32, #tpu.memory_space<vmem>> -> memref<1x40xi32, #tpu.memory_space<vmem>>
    %dma_start3A_37 = tpu.memref_squeeze %dma_start3A_36 : memref<1x40xi32, #tpu.memory_space<vmem>> -> memref<40xi32, #tpu.memory_space<vmem>>
    %dma_start3A_38 = arith.constant 0 : i32
    %dma_start3A_39 = arith.constant 0 : i32
    %dma_start3A_40 = tpu.memref_slice %arg2[%dma_start3A_38, %dma_start3A_39] : memref<10240x128xf32, #tpu.memory_space<hbm>> -> memref<10240x128xf32, #tpu.memory_space<hbm>>
    %dma_start3A_41 = tpu.memref_slice %arg11[%dma_start3A_30] : memref<5x!tpu.dma_semaphore, #tpu.memory_space<semaphore_mem>> -> memref<1x!tpu.dma_semaphore, #tpu.memory_space<semaphore_mem>>
    %dma_start3A_42 = tpu.memref_squeeze %dma_start3A_41 : memref<1x!tpu.dma_semaphore, #tpu.memory_space<semaphore_mem>> -> memref<!tpu.dma_semaphore, #tpu.memory_space<semaphore_mem>>
    tpu.enqueue_indirect_dma source(%dma_start3A_40 : memref<10240x128xf32, #tpu.memory_space<hbm>>) target(%dma_start3A_34 : memref<40x128xf32, #tpu.memory_space<vmem>>) offsets(%dma_start3A_37 : memref<40xi32, #tpu.memory_space<vmem>>) semaphore(%dma_start3A_42 : memref<!tpu.dma_semaphore, #tpu.memory_space<semaphore_mem>>)
    %add3A_43 = arith.constant 40 : i32
    %add3A_44 = arith.addi %mul3A_2, %add3A_43 : i32
    %run_scoped3A_45 = arith.constant 1 : i32
    "tpu.region"() ({
      %run_scoped3A_252 = tpu.sem_alloc : memref<!tpu.dma_semaphore, #tpu.memory_space<semaphore_mem>>
      %dma_start3A_253 = arith.constant 0 : i32
      %dma_start3A_254 = tpu.memref_slice %arg6[%run_scoped3A_45, %dma_start3A_253] : memref<5x40xi32, #tpu.memory_space<vmem>> -> memref<1x40xi32, #tpu.memory_space<vmem>>
      %dma_start3A_255 = tpu.memref_squeeze %dma_start3A_254 : memref<1x40xi32, #tpu.memory_space<vmem>> -> memref<40xi32, #tpu.memory_space<vmem>>
      %dma_start3A_256 = tpu.memref_slice %arg3[%add3A_44] : memref<320000xi32, #tpu.memory_space<hbm>> -> memref<40xi32, #tpu.memory_space<hbm>>
      %dma_start3A_257 = arith.constant 0 : i32
      %dma_start3A_258 = tpu.memref_slice %arg6[%run_scoped3A_45, %dma_start3A_257] : memref<5x40xi32, #tpu.memory_space<vmem>> -> memref<1x40xi32, #tpu.memory_space<vmem>>
      %dma_start3A_259 = tpu.memref_squeeze %dma_start3A_258 : memref<1x40xi32, #tpu.memory_space<vmem>> -> memref<40xi32, #tpu.memory_space<vmem>>
      %dma_start3A_260 = tpu.memref_slice %arg3[%add3A_44] : memref<320000xi32, #tpu.memory_space<hbm>> -> memref<40xi32, #tpu.memory_space<hbm>>
      tpu.enqueue_dma source(%dma_start3A_260 : memref<40xi32, #tpu.memory_space<hbm>>) target(%dma_start3A_259 : memref<40xi32, #tpu.memory_space<vmem>>) target_semaphore(%run_scoped3A_252 : memref<!tpu.dma_semaphore, #tpu.memory_space<semaphore_mem>>)
      %dma_wait3A_261 = arith.constant 0 : i32
      %dma_wait3A_262 = tpu.memref_slice %arg6[%run_scoped3A_45, %dma_wait3A_261] : memref<5x40xi32, #tpu.memory_space<vmem>> -> memref<1x40xi32, #tpu.memory_space<vmem>>
      %dma_wait3A_263 = tpu.memref_squeeze %dma_wait3A_262 : memref<1x40xi32, #tpu.memory_space<vmem>> -> memref<40xi32, #tpu.memory_space<vmem>>
      %dma_wait3A_264 = tpu.memref_slice %arg3[%add3A_44] : memref<320000xi32, #tpu.memory_space<hbm>> -> memref<40xi32, #tpu.memory_space<hbm>>
      %dma_wait3A_265 = arith.constant 0 : i32
      %dma_wait3A_266 = tpu.memref_slice %arg6[%run_scoped3A_45, %dma_wait3A_265] : memref<5x40xi32, #tpu.memory_space<vmem>> -> memref<1x40xi32, #tpu.memory_space<vmem>>
      %dma_wait3A_267 = tpu.memref_squeeze %dma_wait3A_266 : memref<1x40xi32, #tpu.memory_space<vmem>> -> memref<40xi32, #tpu.memory_space<vmem>>
      %dma_wait3A_268 = tpu.memref_slice %arg3[%add3A_44] : memref<320000xi32, #tpu.memory_space<hbm>> -> memref<40xi32, #tpu.memory_space<hbm>>
      tpu.wait_dma2 semaphore(%run_scoped3A_252 : memref<!tpu.dma_semaphore, #tpu.memory_space<semaphore_mem>>) src(%dma_wait3A_268 : memref<40xi32, #tpu.memory_space<hbm>>) dst(%dma_wait3A_267 : memref<40xi32, #tpu.memory_space<vmem>>)
      tpu.yield
    }) : () -> ()
    %run_scoped3A_46 = arith.constant 1 : i32
    "tpu.region"() ({
      %run_scoped3A_252 = tpu.sem_alloc : memref<!tpu.dma_semaphore, #tpu.memory_space<semaphore_mem>>
      %dma_start3A_253 = arith.constant 0 : i32
      %dma_start3A_254 = tpu.memref_slice %arg7[%run_scoped3A_46, %dma_start3A_253] : memref<5x40xi32, #tpu.memory_space<vmem>> -> memref<1x40xi32, #tpu.memory_space<vmem>>
      %dma_start3A_255 = tpu.memref_squeeze %dma_start3A_254 : memref<1x40xi32, #tpu.memory_space<vmem>> -> memref<40xi32, #tpu.memory_space<vmem>>
      %dma_start3A_256 = tpu.memref_slice %arg4[%add3A_44] : memref<320000xi32, #tpu.memory_space<hbm>> -> memref<40xi32, #tpu.memory_space<hbm>>
      %dma_start3A_257 = arith.constant 0 : i32
      %dma_start3A_258 = tpu.memref_slice %arg7[%run_scoped3A_46, %dma_start3A_257] : memref<5x40xi32, #tpu.memory_space<vmem>> -> memref<1x40xi32, #tpu.memory_space<vmem>>
      %dma_start3A_259 = tpu.memref_squeeze %dma_start3A_258 : memref<1x40xi32, #tpu.memory_space<vmem>> -> memref<40xi32, #tpu.memory_space<vmem>>
      %dma_start3A_260 = tpu.memref_slice %arg4[%add3A_44] : memref<320000xi32, #tpu.memory_space<hbm>> -> memref<40xi32, #tpu.memory_space<hbm>>
      tpu.enqueue_dma source(%dma_start3A_260 : memref<40xi32, #tpu.memory_space<hbm>>) target(%dma_start3A_259 : memref<40xi32, #tpu.memory_space<vmem>>) target_semaphore(%run_scoped3A_252 : memref<!tpu.dma_semaphore, #tpu.memory_space<semaphore_mem>>)
      %dma_wait3A_261 = arith.constant 0 : i32
      %dma_wait3A_262 = tpu.memref_slice %arg7[%run_scoped3A_46, %dma_wait3A_261] : memref<5x40xi32, #tpu.memory_space<vmem>> -> memref<1x40xi32, #tpu.memory_space<vmem>>
      %dma_wait3A_263 = tpu.memref_squeeze %dma_wait3A_262 : memref<1x40xi32, #tpu.memory_space<vmem>> -> memref<40xi32, #tpu.memory_space<vmem>>
      %dma_wait3A_264 = tpu.memref_slice %arg4[%add3A_44] : memref<320000xi32, #tpu.memory_space<hbm>> -> memref<40xi32, #tpu.memory_space<hbm>>
      %dma_wait3A_265 = arith.constant 0 : i32
      %dma_wait3A_266 = tpu.memref_slice %arg7[%run_scoped3A_46, %dma_wait3A_265] : memref<5x40xi32, #tpu.memory_space<vmem>> -> memref<1x40xi32, #tpu.memory_space<vmem>>
      %dma_wait3A_267 = tpu.memref_squeeze %dma_wait3A_266 : memref<1x40xi32, #tpu.memory_space<vmem>> -> memref<40xi32, #tpu.memory_space<vmem>>
      %dma_wait3A_268 = tpu.memref_slice %arg4[%add3A_44] : memref<320000xi32, #tpu.memory_space<hbm>> -> memref<40xi32, #tpu.memory_space<hbm>>
      tpu.wait_dma2 semaphore(%run_scoped3A_252 : memref<!tpu.dma_semaphore, #tpu.memory_space<semaphore_mem>>) src(%dma_wait3A_268 : memref<40xi32, #tpu.memory_space<hbm>>) dst(%dma_wait3A_267 : memref<40xi32, #tpu.memory_space<vmem>>)
      tpu.yield
    }) : () -> ()
    %dma_start3A_47 = arith.constant 1 : i32
    %dma_start3A_48 = arith.constant 1 : i32
    %dma_start3A_49 = arith.constant 1 : i32
    %dma_start3A_50 = arith.constant 0 : i32
    %dma_start3A_51 = arith.constant 0 : i32
    %dma_start3A_52 = tpu.memref_slice %arg8[%dma_start3A_48, %dma_start3A_50, %dma_start3A_51] : memref<5x40x128xf32, #tpu.memory_space<vmem>> -> memref<1x40x128xf32, #tpu.memory_space<vmem>>
    %dma_start3A_53 = tpu.memref_squeeze %dma_start3A_52 : memref<1x40x128xf32, #tpu.memory_space<vmem>> -> memref<40x128xf32, #tpu.memory_space<vmem>>
    %dma_start3A_54 = arith.constant 0 : i32
    %dma_start3A_55 = tpu.memref_slice %arg6[%dma_start3A_47, %dma_start3A_54] : memref<5x40xi32, #tpu.memory_space<vmem>> -> memref<1x40xi32, #tpu.memory_space<vmem>>
    %dma_start3A_56 = tpu.memref_squeeze %dma_start3A_55 : memref<1x40xi32, #tpu.memory_space<vmem>> -> memref<40xi32, #tpu.memory_space<vmem>>
    %dma_start3A_57 = arith.constant 0 : i32
    %dma_start3A_58 = arith.constant 0 : i32
    %dma_start3A_59 = tpu.memref_slice %arg2[%dma_start3A_57, %dma_start3A_58] : memref<10240x128xf32, #tpu.memory_space<hbm>> -> memref<10240x128xf32, #tpu.memory_space<hbm>>
    %dma_start3A_60 = tpu.memref_slice %arg11[%dma_start3A_49] : memref<5x!tpu.dma_semaphore, #tpu.memory_space<semaphore_mem>> -> memref<1x!tpu.dma_semaphore, #tpu.memory_space<semaphore_mem>>
    %dma_start3A_61 = tpu.memref_squeeze %dma_start3A_60 : memref<1x!tpu.dma_semaphore, #tpu.memory_space<semaphore_mem>> -> memref<!tpu.dma_semaphore, #tpu.memory_space<semaphore_mem>>
    tpu.enqueue_indirect_dma source(%dma_start3A_59 : memref<10240x128xf32, #tpu.memory_space<hbm>>) target(%dma_start3A_53 : memref<40x128xf32, #tpu.memory_space<vmem>>) offsets(%dma_start3A_56 : memref<40xi32, #tpu.memory_space<vmem>>) semaphore(%dma_start3A_61 : memref<!tpu.dma_semaphore, #tpu.memory_space<semaphore_mem>>)
    %add3A_62 = arith.constant 80 : i32
    %add3A_63 = arith.addi %mul3A_2, %add3A_62 : i32
    %run_scoped3A_64 = arith.constant 2 : i32
    "tpu.region"() ({
      %run_scoped3A_252 = tpu.sem_alloc : memref<!tpu.dma_semaphore, #tpu.memory_space<semaphore_mem>>
      %dma_start3A_253 = arith.constant 0 : i32
      %dma_start3A_254 = tpu.memref_slice %arg6[%run_scoped3A_64, %dma_start3A_253] : memref<5x40xi32, #tpu.memory_space<vmem>> -> memref<1x40xi32, #tpu.memory_space<vmem>>
      %dma_start3A_255 = tpu.memref_squeeze %dma_start3A_254 : memref<1x40xi32, #tpu.memory_space<vmem>> -> memref<40xi32, #tpu.memory_space<vmem>>
      %dma_start3A_256 = tpu.memref_slice %arg3[%add3A_63] : memref<320000xi32, #tpu.memory_space<hbm>> -> memref<40xi32, #tpu.memory_space<hbm>>
      %dma_start3A_257 = arith.constant 0 : i32
      %dma_start3A_258 = tpu.memref_slice %arg6[%run_scoped3A_64, %dma_start3A_257] : memref<5x40xi32, #tpu.memory_space<vmem>> -> memref<1x40xi32, #tpu.memory_space<vmem>>
      %dma_start3A_259 = tpu.memref_squeeze %dma_start3A_258 : memref<1x40xi32, #tpu.memory_space<vmem>> -> memref<40xi32, #tpu.memory_space<vmem>>
      %dma_start3A_260 = tpu.memref_slice %arg3[%add3A_63] : memref<320000xi32, #tpu.memory_space<hbm>> -> memref<40xi32, #tpu.memory_space<hbm>>
      tpu.enqueue_dma source(%dma_start3A_260 : memref<40xi32, #tpu.memory_space<hbm>>) target(%dma_start3A_259 : memref<40xi32, #tpu.memory_space<vmem>>) target_semaphore(%run_scoped3A_252 : memref<!tpu.dma_semaphore, #tpu.memory_space<semaphore_mem>>)
      %dma_wait3A_261 = arith.constant 0 : i32
      %dma_wait3A_262 = tpu.memref_slice %arg6[%run_scoped3A_64, %dma_wait3A_261] : memref<5x40xi32, #tpu.memory_space<vmem>> -> memref<1x40xi32, #tpu.memory_space<vmem>>
      %dma_wait3A_263 = tpu.memref_squeeze %dma_wait3A_262 : memref<1x40xi32, #tpu.memory_space<vmem>> -> memref<40xi32, #tpu.memory_space<vmem>>
      %dma_wait3A_264 = tpu.memref_slice %arg3[%add3A_63] : memref<320000xi32, #tpu.memory_space<hbm>> -> memref<40xi32, #tpu.memory_space<hbm>>
      %dma_wait3A_265 = arith.constant 0 : i32
      %dma_wait3A_266 = tpu.memref_slice %arg6[%run_scoped3A_64, %dma_wait3A_265] : memref<5x40xi32, #tpu.memory_space<vmem>> -> memref<1x40xi32, #tpu.memory_space<vmem>>
      %dma_wait3A_267 = tpu.memref_squeeze %dma_wait3A_266 : memref<1x40xi32, #tpu.memory_space<vmem>> -> memref<40xi32, #tpu.memory_space<vmem>>
      %dma_wait3A_268 = tpu.memref_slice %arg3[%add3A_63] : memref<320000xi32, #tpu.memory_space<hbm>> -> memref<40xi32, #tpu.memory_space<hbm>>
      tpu.wait_dma2 semaphore(%run_scoped3A_252 : memref<!tpu.dma_semaphore, #tpu.memory_space<semaphore_mem>>) src(%dma_wait3A_268 : memref<40xi32, #tpu.memory_space<hbm>>) dst(%dma_wait3A_267 : memref<40xi32, #tpu.memory_space<vmem>>)
      tpu.yield
    }) : () -> ()
    %run_scoped3A_65 = arith.constant 2 : i32
    "tpu.region"() ({
      %run_scoped3A_252 = tpu.sem_alloc : memref<!tpu.dma_semaphore, #tpu.memory_space<semaphore_mem>>
      %dma_start3A_253 = arith.constant 0 : i32
      %dma_start3A_254 = tpu.memref_slice %arg7[%run_scoped3A_65, %dma_start3A_253] : memref<5x40xi32, #tpu.memory_space<vmem>> -> memref<1x40xi32, #tpu.memory_space<vmem>>
      %dma_start3A_255 = tpu.memref_squeeze %dma_start3A_254 : memref<1x40xi32, #tpu.memory_space<vmem>> -> memref<40xi32, #tpu.memory_space<vmem>>
      %dma_start3A_256 = tpu.memref_slice %arg4[%add3A_63] : memref<320000xi32, #tpu.memory_space<hbm>> -> memref<40xi32, #tpu.memory_space<hbm>>
      %dma_start3A_257 = arith.constant 0 : i32
      %dma_start3A_258 = tpu.memref_slice %arg7[%run_scoped3A_65, %dma_start3A_257] : memref<5x40xi32, #tpu.memory_space<vmem>> -> memref<1x40xi32, #tpu.memory_space<vmem>>
      %dma_start3A_259 = tpu.memref_squeeze %dma_start3A_258 : memref<1x40xi32, #tpu.memory_space<vmem>> -> memref<40xi32, #tpu.memory_space<vmem>>
      %dma_start3A_260 = tpu.memref_slice %arg4[%add3A_63] : memref<320000xi32, #tpu.memory_space<hbm>> -> memref<40xi32, #tpu.memory_space<hbm>>
      tpu.enqueue_dma source(%dma_start3A_260 : memref<40xi32, #tpu.memory_space<hbm>>) target(%dma_start3A_259 : memref<40xi32, #tpu.memory_space<vmem>>) target_semaphore(%run_scoped3A_252 : memref<!tpu.dma_semaphore, #tpu.memory_space<semaphore_mem>>)
      %dma_wait3A_261 = arith.constant 0 : i32
      %dma_wait3A_262 = tpu.memref_slice %arg7[%run_scoped3A_65, %dma_wait3A_261] : memref<5x40xi32, #tpu.memory_space<vmem>> -> memref<1x40xi32, #tpu.memory_space<vmem>>
      %dma_wait3A_263 = tpu.memref_squeeze %dma_wait3A_262 : memref<1x40xi32, #tpu.memory_space<vmem>> -> memref<40xi32, #tpu.memory_space<vmem>>
      %dma_wait3A_264 = tpu.memref_slice %arg4[%add3A_63] : memref<320000xi32, #tpu.memory_space<hbm>> -> memref<40xi32, #tpu.memory_space<hbm>>
      %dma_wait3A_265 = arith.constant 0 : i32
      %dma_wait3A_266 = tpu.memref_slice %arg7[%run_scoped3A_65, %dma_wait3A_265] : memref<5x40xi32, #tpu.memory_space<vmem>> -> memref<1x40xi32, #tpu.memory_space<vmem>>
      %dma_wait3A_267 = tpu.memref_squeeze %dma_wait3A_266 : memref<1x40xi32, #tpu.memory_space<vmem>> -> memref<40xi32, #tpu.memory_space<vmem>>
      %dma_wait3A_268 = tpu.memref_slice %arg4[%add3A_63] : memref<320000xi32, #tpu.memory_space<hbm>> -> memref<40xi32, #tpu.memory_space<hbm>>
      tpu.wait_dma2 semaphore(%run_scoped3A_252 : memref<!tpu.dma_semaphore, #tpu.memory_space<semaphore_mem>>) src(%dma_wait3A_268 : memref<40xi32, #tpu.memory_space<hbm>>) dst(%dma_wait3A_267 : memref<40xi32, #tpu.memory_space<vmem>>)
      tpu.yield
    }) : () -> ()
    %dma_start3A_66 = arith.constant 2 : i32
    %dma_start3A_67 = arith.constant 2 : i32
    %dma_start3A_68 = arith.constant 2 : i32
    %dma_start3A_69 = arith.constant 0 : i32
    %dma_start3A_70 = arith.constant 0 : i32
    %dma_start3A_71 = tpu.memref_slice %arg8[%dma_start3A_67, %dma_start3A_69, %dma_start3A_70] : memref<5x40x128xf32, #tpu.memory_space<vmem>> -> memref<1x40x128xf32, #tpu.memory_space<vmem>>
    %dma_start3A_72 = tpu.memref_squeeze %dma_start3A_71 : memref<1x40x128xf32, #tpu.memory_space<vmem>> -> memref<40x128xf32, #tpu.memory_space<vmem>>
    %dma_start3A_73 = arith.constant 0 : i32
    %dma_start3A_74 = tpu.memref_slice %arg6[%dma_start3A_66, %dma_start3A_73] : memref<5x40xi32, #tpu.memory_space<vmem>> -> memref<1x40xi32, #tpu.memory_space<vmem>>
    %dma_start3A_75 = tpu.memref_squeeze %dma_start3A_74 : memref<1x40xi32, #tpu.memory_space<vmem>> -> memref<40xi32, #tpu.memory_space<vmem>>
    %dma_start3A_76 = arith.constant 0 : i32
    %dma_start3A_77 = arith.constant 0 : i32
    %dma_start3A_78 = tpu.memref_slice %arg2[%dma_start3A_76, %dma_start3A_77] : memref<10240x128xf32, #tpu.memory_space<hbm>> -> memref<10240x128xf32, #tpu.memory_space<hbm>>
    %dma_start3A_79 = tpu.memref_slice %arg11[%dma_start3A_68] : memref<5x!tpu.dma_semaphore, #tpu.memory_space<semaphore_mem>> -> memref<1x!tpu.dma_semaphore, #tpu.memory_space<semaphore_mem>>
    %dma_start3A_80 = tpu.memref_squeeze %dma_start3A_79 : memref<1x!tpu.dma_semaphore, #tpu.memory_space<semaphore_mem>> -> memref<!tpu.dma_semaphore, #tpu.memory_space<semaphore_mem>>
    tpu.enqueue_indirect_dma source(%dma_start3A_78 : memref<10240x128xf32, #tpu.memory_space<hbm>>) target(%dma_start3A_72 : memref<40x128xf32, #tpu.memory_space<vmem>>) offsets(%dma_start3A_75 : memref<40xi32, #tpu.memory_space<vmem>>) semaphore(%dma_start3A_80 : memref<!tpu.dma_semaphore, #tpu.memory_space<semaphore_mem>>)
    %add3A_81 = arith.constant 120 : i32
    %add3A_82 = arith.addi %mul3A_2, %add3A_81 : i32
    %run_scoped3A_83 = arith.constant 3 : i32
    "tpu.region"() ({
      %run_scoped3A_252 = tpu.sem_alloc : memref<!tpu.dma_semaphore, #tpu.memory_space<semaphore_mem>>
      %dma_start3A_253 = arith.constant 0 : i32
      %dma_start3A_254 = tpu.memref_slice %arg6[%run_scoped3A_83, %dma_start3A_253] : memref<5x40xi32, #tpu.memory_space<vmem>> -> memref<1x40xi32, #tpu.memory_space<vmem>>
      %dma_start3A_255 = tpu.memref_squeeze %dma_start3A_254 : memref<1x40xi32, #tpu.memory_space<vmem>> -> memref<40xi32, #tpu.memory_space<vmem>>
      %dma_start3A_256 = tpu.memref_slice %arg3[%add3A_82] : memref<320000xi32, #tpu.memory_space<hbm>> -> memref<40xi32, #tpu.memory_space<hbm>>
      %dma_start3A_257 = arith.constant 0 : i32
      %dma_start3A_258 = tpu.memref_slice %arg6[%run_scoped3A_83, %dma_start3A_257] : memref<5x40xi32, #tpu.memory_space<vmem>> -> memref<1x40xi32, #tpu.memory_space<vmem>>
      %dma_start3A_259 = tpu.memref_squeeze %dma_start3A_258 : memref<1x40xi32, #tpu.memory_space<vmem>> -> memref<40xi32, #tpu.memory_space<vmem>>
      %dma_start3A_260 = tpu.memref_slice %arg3[%add3A_82] : memref<320000xi32, #tpu.memory_space<hbm>> -> memref<40xi32, #tpu.memory_space<hbm>>
      tpu.enqueue_dma source(%dma_start3A_260 : memref<40xi32, #tpu.memory_space<hbm>>) target(%dma_start3A_259 : memref<40xi32, #tpu.memory_space<vmem>>) target_semaphore(%run_scoped3A_252 : memref<!tpu.dma_semaphore, #tpu.memory_space<semaphore_mem>>)
      %dma_wait3A_261 = arith.constant 0 : i32
      %dma_wait3A_262 = tpu.memref_slice %arg6[%run_scoped3A_83, %dma_wait3A_261] : memref<5x40xi32, #tpu.memory_space<vmem>> -> memref<1x40xi32, #tpu.memory_space<vmem>>
      %dma_wait3A_263 = tpu.memref_squeeze %dma_wait3A_262 : memref<1x40xi32, #tpu.memory_space<vmem>> -> memref<40xi32, #tpu.memory_space<vmem>>
      %dma_wait3A_264 = tpu.memref_slice %arg3[%add3A_82] : memref<320000xi32, #tpu.memory_space<hbm>> -> memref<40xi32, #tpu.memory_space<hbm>>
      %dma_wait3A_265 = arith.constant 0 : i32
      %dma_wait3A_266 = tpu.memref_slice %arg6[%run_scoped3A_83, %dma_wait3A_265] : memref<5x40xi32, #tpu.memory_space<vmem>> -> memref<1x40xi32, #tpu.memory_space<vmem>>
      %dma_wait3A_267 = tpu.memref_squeeze %dma_wait3A_266 : memref<1x40xi32, #tpu.memory_space<vmem>> -> memref<40xi32, #tpu.memory_space<vmem>>
      %dma_wait3A_268 = tpu.memref_slice %arg3[%add3A_82] : memref<320000xi32, #tpu.memory_space<hbm>> -> memref<40xi32, #tpu.memory_space<hbm>>
      tpu.wait_dma2 semaphore(%run_scoped3A_252 : memref<!tpu.dma_semaphore, #tpu.memory_space<semaphore_mem>>) src(%dma_wait3A_268 : memref<40xi32, #tpu.memory_space<hbm>>) dst(%dma_wait3A_267 : memref<40xi32, #tpu.memory_space<vmem>>)
      tpu.yield
    }) : () -> ()
    %run_scoped3A_84 = arith.constant 3 : i32
    "tpu.region"() ({
      %run_scoped3A_252 = tpu.sem_alloc : memref<!tpu.dma_semaphore, #tpu.memory_space<semaphore_mem>>
      %dma_start3A_253 = arith.constant 0 : i32
      %dma_start3A_254 = tpu.memref_slice %arg7[%run_scoped3A_84, %dma_start3A_253] : memref<5x40xi32, #tpu.memory_space<vmem>> -> memref<1x40xi32, #tpu.memory_space<vmem>>
      %dma_start3A_255 = tpu.memref_squeeze %dma_start3A_254 : memref<1x40xi32, #tpu.memory_space<vmem>> -> memref<40xi32, #tpu.memory_space<vmem>>
      %dma_start3A_256 = tpu.memref_slice %arg4[%add3A_82] : memref<320000xi32, #tpu.memory_space<hbm>> -> memref<40xi32, #tpu.memory_space<hbm>>
      %dma_start3A_257 = arith.constant 0 : i32
      %dma_start3A_258 = tpu.memref_slice %arg7[%run_scoped3A_84, %dma_start3A_257] : memref<5x40xi32, #tpu.memory_space<vmem>> -> memref<1x40xi32, #tpu.memory_space<vmem>>
      %dma_start3A_259 = tpu.memref_squeeze %dma_start3A_258 : memref<1x40xi32, #tpu.memory_space<vmem>> -> memref<40xi32, #tpu.memory_space<vmem>>
      %dma_start3A_260 = tpu.memref_slice %arg4[%add3A_82] : memref<320000xi32, #tpu.memory_space<hbm>> -> memref<40xi32, #tpu.memory_space<hbm>>
      tpu.enqueue_dma source(%dma_start3A_260 : memref<40xi32, #tpu.memory_space<hbm>>) target(%dma_start3A_259 : memref<40xi32, #tpu.memory_space<vmem>>) target_semaphore(%run_scoped3A_252 : memref<!tpu.dma_semaphore, #tpu.memory_space<semaphore_mem>>)
      %dma_wait3A_261 = arith.constant 0 : i32
      %dma_wait3A_262 = tpu.memref_slice %arg7[%run_scoped3A_84, %dma_wait3A_261] : memref<5x40xi32, #tpu.memory_space<vmem>> -> memref<1x40xi32, #tpu.memory_space<vmem>>
      %dma_wait3A_263 = tpu.memref_squeeze %dma_wait3A_262 : memref<1x40xi32, #tpu.memory_space<vmem>> -> memref<40xi32, #tpu.memory_space<vmem>>
      %dma_wait3A_264 = tpu.memref_slice %arg4[%add3A_82] : memref<320000xi32, #tpu.memory_space<hbm>> -> memref<40xi32, #tpu.memory_space<hbm>>
      %dma_wait3A_265 = arith.constant 0 : i32
      %dma_wait3A_266 = tpu.memref_slice %arg7[%run_scoped3A_84, %dma_wait3A_265] : memref<5x40xi32, #tpu.memory_space<vmem>> -> memref<1x40xi32, #tpu.memory_space<vmem>>
      %dma_wait3A_267 = tpu.memref_squeeze %dma_wait3A_266 : memref<1x40xi32, #tpu.memory_space<vmem>> -> memref<40xi32, #tpu.memory_space<vmem>>
      %dma_wait3A_268 = tpu.memref_slice %arg4[%add3A_82] : memref<320000xi32, #tpu.memory_space<hbm>> -> memref<40xi32, #tpu.memory_space<hbm>>
      tpu.wait_dma2 semaphore(%run_scoped3A_252 : memref<!tpu.dma_semaphore, #tpu.memory_space<semaphore_mem>>) src(%dma_wait3A_268 : memref<40xi32, #tpu.memory_space<hbm>>) dst(%dma_wait3A_267 : memref<40xi32, #tpu.memory_space<vmem>>)
      tpu.yield
    }) : () -> ()
    %dma_start3A_85 = arith.constant 3 : i32
    %dma_start3A_86 = arith.constant 3 : i32
    %dma_start3A_87 = arith.constant 3 : i32
    %dma_start3A_88 = arith.constant 0 : i32
    %dma_start3A_89 = arith.constant 0 : i32
    %dma_start3A_90 = tpu.memref_slice %arg8[%dma_start3A_86, %dma_start3A_88, %dma_start3A_89] : memref<5x40x128xf32, #tpu.memory_space<vmem>> -> memref<1x40x128xf32, #tpu.memory_space<vmem>>
    %dma_start3A_91 = tpu.memref_squeeze %dma_start3A_90 : memref<1x40x128xf32, #tpu.memory_space<vmem>> -> memref<40x128xf32, #tpu.memory_space<vmem>>
    %dma_start3A_92 = arith.constant 0 : i32
    %dma_start3A_93 = tpu.memref_slice %arg6[%dma_start3A_85, %dma_start3A_92] : memref<5x40xi32, #tpu.memory_space<vmem>> -> memref<1x40xi32, #tpu.memory_space<vmem>>
    %dma_start3A_94 = tpu.memref_squeeze %dma_start3A_93 : memref<1x40xi32, #tpu.memory_space<vmem>> -> memref<40xi32, #tpu.memory_space<vmem>>
    %dma_start3A_95 = arith.constant 0 : i32
    %dma_start3A_96 = arith.constant 0 : i32
    %dma_start3A_97 = tpu.memref_slice %arg2[%dma_start3A_95, %dma_start3A_96] : memref<10240x128xf32, #tpu.memory_space<hbm>> -> memref<10240x128xf32, #tpu.memory_space<hbm>>
    %dma_start3A_98 = tpu.memref_slice %arg11[%dma_start3A_87] : memref<5x!tpu.dma_semaphore, #tpu.memory_space<semaphore_mem>> -> memref<1x!tpu.dma_semaphore, #tpu.memory_space<semaphore_mem>>
    %dma_start3A_99 = tpu.memref_squeeze %dma_start3A_98 : memref<1x!tpu.dma_semaphore, #tpu.memory_space<semaphore_mem>> -> memref<!tpu.dma_semaphore, #tpu.memory_space<semaphore_mem>>
    tpu.enqueue_indirect_dma source(%dma_start3A_97 : memref<10240x128xf32, #tpu.memory_space<hbm>>) target(%dma_start3A_91 : memref<40x128xf32, #tpu.memory_space<vmem>>) offsets(%dma_start3A_94 : memref<40xi32, #tpu.memory_space<vmem>>) semaphore(%dma_start3A_99 : memref<!tpu.dma_semaphore, #tpu.memory_space<semaphore_mem>>)
    %add3A_100 = arith.constant 160 : i32
    %add3A_101 = arith.addi %mul3A_2, %add3A_100 : i32
    %run_scoped3A_102 = arith.constant 4 : i32
    "tpu.region"() ({
      %run_scoped3A_252 = tpu.sem_alloc : memref<!tpu.dma_semaphore, #tpu.memory_space<semaphore_mem>>
      %dma_start3A_253 = arith.constant 0 : i32
      %dma_start3A_254 = tpu.memref_slice %arg6[%run_scoped3A_102, %dma_start3A_253] : memref<5x40xi32, #tpu.memory_space<vmem>> -> memref<1x40xi32, #tpu.memory_space<vmem>>
      %dma_start3A_255 = tpu.memref_squeeze %dma_start3A_254 : memref<1x40xi32, #tpu.memory_space<vmem>> -> memref<40xi32, #tpu.memory_space<vmem>>
      %dma_start3A_256 = tpu.memref_slice %arg3[%add3A_101] : memref<320000xi32, #tpu.memory_space<hbm>> -> memref<40xi32, #tpu.memory_space<hbm>>
      %dma_start3A_257 = arith.constant 0 : i32
      %dma_start3A_258 = tpu.memref_slice %arg6[%run_scoped3A_102, %dma_start3A_257] : memref<5x40xi32, #tpu.memory_space<vmem>> -> memref<1x40xi32, #tpu.memory_space<vmem>>
      %dma_start3A_259 = tpu.memref_squeeze %dma_start3A_258 : memref<1x40xi32, #tpu.memory_space<vmem>> -> memref<40xi32, #tpu.memory_space<vmem>>
      %dma_start3A_260 = tpu.memref_slice %arg3[%add3A_101] : memref<320000xi32, #tpu.memory_space<hbm>> -> memref<40xi32, #tpu.memory_space<hbm>>
      tpu.enqueue_dma source(%dma_start3A_260 : memref<40xi32, #tpu.memory_space<hbm>>) target(%dma_start3A_259 : memref<40xi32, #tpu.memory_space<vmem>>) target_semaphore(%run_scoped3A_252 : memref<!tpu.dma_semaphore, #tpu.memory_space<semaphore_mem>>)
      %dma_wait3A_261 = arith.constant 0 : i32
      %dma_wait3A_262 = tpu.memref_slice %arg6[%run_scoped3A_102, %dma_wait3A_261] : memref<5x40xi32, #tpu.memory_space<vmem>> -> memref<1x40xi32, #tpu.memory_space<vmem>>
      %dma_wait3A_263 = tpu.memref_squeeze %dma_wait3A_262 : memref<1x40xi32, #tpu.memory_space<vmem>> -> memref<40xi32, #tpu.memory_space<vmem>>
      %dma_wait3A_264 = tpu.memref_slice %arg3[%add3A_101] : memref<320000xi32, #tpu.memory_space<hbm>> -> memref<40xi32, #tpu.memory_space<hbm>>
      %dma_wait3A_265 = arith.constant 0 : i32
      %dma_wait3A_266 = tpu.memref_slice %arg6[%run_scoped3A_102, %dma_wait3A_265] : memref<5x40xi32, #tpu.memory_space<vmem>> -> memref<1x40xi32, #tpu.memory_space<vmem>>
      %dma_wait3A_267 = tpu.memref_squeeze %dma_wait3A_266 : memref<1x40xi32, #tpu.memory_space<vmem>> -> memref<40xi32, #tpu.memory_space<vmem>>
      %dma_wait3A_268 = tpu.memref_slice %arg3[%add3A_101] : memref<320000xi32, #tpu.memory_space<hbm>> -> memref<40xi32, #tpu.memory_space<hbm>>
      tpu.wait_dma2 semaphore(%run_scoped3A_252 : memref<!tpu.dma_semaphore, #tpu.memory_space<semaphore_mem>>) src(%dma_wait3A_268 : memref<40xi32, #tpu.memory_space<hbm>>) dst(%dma_wait3A_267 : memref<40xi32, #tpu.memory_space<vmem>>)
      tpu.yield
    }) : () -> ()
    %run_scoped3A_103 = arith.constant 4 : i32
    "tpu.region"() ({
      %run_scoped3A_252 = tpu.sem_alloc : memref<!tpu.dma_semaphore, #tpu.memory_space<semaphore_mem>>
      %dma_start3A_253 = arith.constant 0 : i32
      %dma_start3A_254 = tpu.memref_slice %arg7[%run_scoped3A_103, %dma_start3A_253] : memref<5x40xi32, #tpu.memory_space<vmem>> -> memref<1x40xi32, #tpu.memory_space<vmem>>
      %dma_start3A_255 = tpu.memref_squeeze %dma_start3A_254 : memref<1x40xi32, #tpu.memory_space<vmem>> -> memref<40xi32, #tpu.memory_space<vmem>>
      %dma_start3A_256 = tpu.memref_slice %arg4[%add3A_101] : memref<320000xi32, #tpu.memory_space<hbm>> -> memref<40xi32, #tpu.memory_space<hbm>>
      %dma_start3A_257 = arith.constant 0 : i32
      %dma_start3A_258 = tpu.memref_slice %arg7[%run_scoped3A_103, %dma_start3A_257] : memref<5x40xi32, #tpu.memory_space<vmem>> -> memref<1x40xi32, #tpu.memory_space<vmem>>
      %dma_start3A_259 = tpu.memref_squeeze %dma_start3A_258 : memref<1x40xi32, #tpu.memory_space<vmem>> -> memref<40xi32, #tpu.memory_space<vmem>>
      %dma_start3A_260 = tpu.memref_slice %arg4[%add3A_101] : memref<320000xi32, #tpu.memory_space<hbm>> -> memref<40xi32, #tpu.memory_space<hbm>>
      tpu.enqueue_dma source(%dma_start3A_260 : memref<40xi32, #tpu.memory_space<hbm>>) target(%dma_start3A_259 : memref<40xi32, #tpu.memory_space<vmem>>) target_semaphore(%run_scoped3A_252 : memref<!tpu.dma_semaphore, #tpu.memory_space<semaphore_mem>>)
      %dma_wait3A_261 = arith.constant 0 : i32
      %dma_wait3A_262 = tpu.memref_slice %arg7[%run_scoped3A_103, %dma_wait3A_261] : memref<5x40xi32, #tpu.memory_space<vmem>> -> memref<1x40xi32, #tpu.memory_space<vmem>>
      %dma_wait3A_263 = tpu.memref_squeeze %dma_wait3A_262 : memref<1x40xi32, #tpu.memory_space<vmem>> -> memref<40xi32, #tpu.memory_space<vmem>>
      %dma_wait3A_264 = tpu.memref_slice %arg4[%add3A_101] : memref<320000xi32, #tpu.memory_space<hbm>> -> memref<40xi32, #tpu.memory_space<hbm>>
      %dma_wait3A_265 = arith.constant 0 : i32
      %dma_wait3A_266 = tpu.memref_slice %arg7[%run_scoped3A_103, %dma_wait3A_265] : memref<5x40xi32, #tpu.memory_space<vmem>> -> memref<1x40xi32, #tpu.memory_space<vmem>>
      %dma_wait3A_267 = tpu.memref_squeeze %dma_wait3A_266 : memref<1x40xi32, #tpu.memory_space<vmem>> -> memref<40xi32, #tpu.memory_space<vmem>>
      %dma_wait3A_268 = tpu.memref_slice %arg4[%add3A_101] : memref<320000xi32, #tpu.memory_space<hbm>> -> memref<40xi32, #tpu.memory_space<hbm>>
      tpu.wait_dma2 semaphore(%run_scoped3A_252 : memref<!tpu.dma_semaphore, #tpu.memory_space<semaphore_mem>>) src(%dma_wait3A_268 : memref<40xi32, #tpu.memory_space<hbm>>) dst(%dma_wait3A_267 : memref<40xi32, #tpu.memory_space<vmem>>)
      tpu.yield
    }) : () -> ()
    %dma_start3A_104 = arith.constant 4 : i32
    %dma_start3A_105 = arith.constant 4 : i32
    %dma_start3A_106 = arith.constant 4 : i32
    %dma_start3A_107 = arith.constant 0 : i32
    %dma_start3A_108 = arith.constant 0 : i32
    %dma_start3A_109 = tpu.memref_slice %arg8[%dma_start3A_105, %dma_start3A_107, %dma_start3A_108] : memref<5x40x128xf32, #tpu.memory_space<vmem>> -> memref<1x40x128xf32, #tpu.memory_space<vmem>>
    %dma_start3A_110 = tpu.memref_squeeze %dma_start3A_109 : memref<1x40x128xf32, #tpu.memory_space<vmem>> -> memref<40x128xf32, #tpu.memory_space<vmem>>
    %dma_start3A_111 = arith.constant 0 : i32
    %dma_start3A_112 = tpu.memref_slice %arg6[%dma_start3A_104, %dma_start3A_111] : memref<5x40xi32, #tpu.memory_space<vmem>> -> memref<1x40xi32, #tpu.memory_space<vmem>>
    %dma_start3A_113 = tpu.memref_squeeze %dma_start3A_112 : memref<1x40xi32, #tpu.memory_space<vmem>> -> memref<40xi32, #tpu.memory_space<vmem>>
    %dma_start3A_114 = arith.constant 0 : i32
    %dma_start3A_115 = arith.constant 0 : i32
    %dma_start3A_116 = tpu.memref_slice %arg2[%dma_start3A_114, %dma_start3A_115] : memref<10240x128xf32, #tpu.memory_space<hbm>> -> memref<10240x128xf32, #tpu.memory_space<hbm>>
    %dma_start3A_117 = tpu.memref_slice %arg11[%dma_start3A_106] : memref<5x!tpu.dma_semaphore, #tpu.memory_space<semaphore_mem>> -> memref<1x!tpu.dma_semaphore, #tpu.memory_space<semaphore_mem>>
    %dma_start3A_118 = tpu.memref_squeeze %dma_start3A_117 : memref<1x!tpu.dma_semaphore, #tpu.memory_space<semaphore_mem>> -> memref<!tpu.dma_semaphore, #tpu.memory_space<semaphore_mem>>
    tpu.enqueue_indirect_dma source(%dma_start3A_116 : memref<10240x128xf32, #tpu.memory_space<hbm>>) target(%dma_start3A_110 : memref<40x128xf32, #tpu.memory_space<vmem>>) offsets(%dma_start3A_113 : memref<40xi32, #tpu.memory_space<vmem>>) semaphore(%dma_start3A_118 : memref<!tpu.dma_semaphore, #tpu.memory_space<semaphore_mem>>)
    %scan3A_119 = arith.constant 0 : i32
    %scan3A_120 = arith.constant 0 : i32
    %scan3A_121 = arith.constant 50 : i32
    %scan3A_122 = arith.addi %scan3A_120, %scan3A_121 : i32
    %scan3A_123 = arith.constant 1 : i32
    %scan3A_124 = scf.for %scan3A_252 = %scan3A_120 to %scan3A_122 step %scan3A_123 iter_args(%scan3A_253 = %scan3A_119) -> (i32)  : i32 {
      %mul3A_254 = arith.constant 5 : i32
      %mul3A_255 = arith.muli %scan3A_252, %mul3A_254 : i32
      %add3A_256 = arith.constant 0 : i32
      %add3A_257 = arith.addi %mul3A_255, %add3A_256 : i32
      %dma_wait3A_258 = arith.constant 0 : i32
      %dma_wait3A_259 = arith.constant 0 : i32
      %dma_wait3A_260 = arith.constant 0 : i32
      %dma_wait3A_261 = arith.constant 0 : i32
      %dma_wait3A_262 = arith.constant 0 : i32
      %dma_wait3A_263 = tpu.memref_slice %arg8[%dma_wait3A_259, %dma_wait3A_261, %dma_wait3A_262] : memref<5x40x128xf32, #tpu.memory_space<vmem>> -> memref<1x40x128xf32, #tpu.memory_space<vmem>>
      %dma_wait3A_264 = tpu.memref_squeeze %dma_wait3A_263 : memref<1x40x128xf32, #tpu.memory_space<vmem>> -> memref<40x128xf32, #tpu.memory_space<vmem>>
      %dma_wait3A_265 = arith.constant 0 : i32
      %dma_wait3A_266 = tpu.memref_slice %arg6[%dma_wait3A_258, %dma_wait3A_265] : memref<5x40xi32, #tpu.memory_space<vmem>> -> memref<1x40xi32, #tpu.memory_space<vmem>>
      %dma_wait3A_267 = tpu.memref_squeeze %dma_wait3A_266 : memref<1x40xi32, #tpu.memory_space<vmem>> -> memref<40xi32, #tpu.memory_space<vmem>>
      %dma_wait3A_268 = arith.constant 0 : i32
      %dma_wait3A_269 = arith.constant 0 : i32
      %dma_wait3A_270 = tpu.memref_slice %arg2[%dma_wait3A_268, %dma_wait3A_269] : memref<10240x128xf32, #tpu.memory_space<hbm>> -> memref<10240x128xf32, #tpu.memory_space<hbm>>
      %dma_wait3A_271 = tpu.memref_slice %arg11[%dma_wait3A_260] : memref<5x!tpu.dma_semaphore, #tpu.memory_space<semaphore_mem>> -> memref<1x!tpu.dma_semaphore, #tpu.memory_space<semaphore_mem>>
      %dma_wait3A_272 = tpu.memref_squeeze %dma_wait3A_271 : memref<1x!tpu.dma_semaphore, #tpu.memory_space<semaphore_mem>> -> memref<!tpu.dma_semaphore, #tpu.memory_space<semaphore_mem>>
      tpu.wait_indirect_dma semaphore(%dma_wait3A_272 : memref<!tpu.dma_semaphore, #tpu.memory_space<semaphore_mem>>) src(%dma_wait3A_270 : memref<10240x128xf32, #tpu.memory_space<hbm>>) dst(%dma_wait3A_264 : memref<40x128xf32, #tpu.memory_space<vmem>>)
      %dma_start3A_273 = arith.constant 0 : i32
      %dma_start3A_274 = arith.constant 0 : i32
      %dma_start3A_275 = arith.constant 0 : i32
      %dma_start3A_276 = arith.constant 0 : i32
      %dma_start3A_277 = arith.constant 0 : i32
      %dma_start3A_278 = tpu.memref_slice %arg8[%dma_start3A_273, %dma_start3A_276, %dma_start3A_277] : memref<5x40x128xf32, #tpu.memory_space<vmem>> -> memref<1x40x128xf32, #tpu.memory_space<vmem>>
      %dma_start3A_279 = tpu.memref_squeeze %dma_start3A_278 : memref<1x40x128xf32, #tpu.memory_space<vmem>> -> memref<40x128xf32, #tpu.memory_space<vmem>>
      %dma_start3A_280 = arith.constant 0 : i32
      %dma_start3A_281 = tpu.memref_slice %arg7[%dma_start3A_274, %dma_start3A_280] : memref<5x40xi32, #tpu.memory_space<vmem>> -> memref<1x40xi32, #tpu.memory_space<vmem>>
      %dma_start3A_282 = tpu.memref_squeeze %dma_start3A_281 : memref<1x40xi32, #tpu.memory_space<vmem>> -> memref<40xi32, #tpu.memory_space<vmem>>
      %dma_start3A_283 = arith.constant 0 : i32
      %dma_start3A_284 = arith.constant 0 : i32
      %dma_start3A_285 = tpu.memref_slice %arg10[%dma_start3A_283, %dma_start3A_284] : memref<10240x128xf32, #tpu.memory_space<vmem_shared>> -> memref<10240x128xf32, #tpu.memory_space<vmem_shared>>
      %dma_start3A_286 = tpu.memref_slice %arg12[%dma_start3A_275] : memref<5x!tpu.dma_semaphore, #tpu.memory_space<semaphore_mem>> -> memref<1x!tpu.dma_semaphore, #tpu.memory_space<semaphore_mem>>
      %dma_start3A_287 = tpu.memref_squeeze %dma_start3A_286 : memref<1x!tpu.dma_semaphore, #tpu.memory_space<semaphore_mem>> -> memref<!tpu.dma_semaphore, #tpu.memory_space<semaphore_mem>>
      tpu.enqueue_indirect_dma source(%dma_start3A_279 : memref<40x128xf32, #tpu.memory_space<vmem>>) target(%dma_start3A_285 : memref<10240x128xf32, #tpu.memory_space<vmem_shared>>) offsets(%dma_start3A_282 : memref<40xi32, #tpu.memory_space<vmem>>) semaphore(%dma_start3A_287 : memref<!tpu.dma_semaphore, #tpu.memory_space<semaphore_mem>>) {add = true}
      %lt3A = arith.constant 49 : i32
      %lt3A_288 = arith.cmpi slt, %scan3A_252, %lt3A : i32
      %convert_element_type3A = arith.extui %lt3A_288 : i1 to i32
      %cond3A = arith.constant 0 : i32
      %cond3A_289 = arith.cmpi ne, %convert_element_type3A, %cond3A : i32
      scf.if %cond3A_289 {
        %dma_wait3A_447 = arith.constant 0 : i32
        %dma_wait3A_448 = arith.constant 0 : i32
        %dma_wait3A_449 = arith.constant 0 : i32
        %dma_wait3A_450 = arith.constant 0 : i32
        %dma_wait3A_451 = arith.constant 0 : i32
        %dma_wait3A_452 = tpu.memref_slice %arg8[%dma_wait3A_447, %dma_wait3A_450, %dma_wait3A_451] : memref<5x40x128xf32, #tpu.memory_space<vmem>> -> memref<1x40x128xf32, #tpu.memory_space<vmem>>
        %dma_wait3A_453 = tpu.memref_squeeze %dma_wait3A_452 : memref<1x40x128xf32, #tpu.memory_space<vmem>> -> memref<40x128xf32, #tpu.memory_space<vmem>>
        %dma_wait3A_454 = arith.constant 0 : i32
        %dma_wait3A_455 = tpu.memref_slice %arg7[%dma_wait3A_448, %dma_wait3A_454] : memref<5x40xi32, #tpu.memory_space<vmem>> -> memref<1x40xi32, #tpu.memory_space<vmem>>
        %dma_wait3A_456 = tpu.memref_squeeze %dma_wait3A_455 : memref<1x40xi32, #tpu.memory_space<vmem>> -> memref<40xi32, #tpu.memory_space<vmem>>
        %dma_wait3A_457 = arith.constant 0 : i32
        %dma_wait3A_458 = arith.constant 0 : i32
        %dma_wait3A_459 = tpu.memref_slice %arg10[%dma_wait3A_457, %dma_wait3A_458] : memref<10240x128xf32, #tpu.memory_space<vmem_shared>> -> memref<10240x128xf32, #tpu.memory_space<vmem_shared>>
        %dma_wait3A_460 = tpu.memref_slice %arg12[%dma_wait3A_449] : memref<5x!tpu.dma_semaphore, #tpu.memory_space<semaphore_mem>> -> memref<1x!tpu.dma_semaphore, #tpu.memory_space<semaphore_mem>>
        %dma_wait3A_461 = tpu.memref_squeeze %dma_wait3A_460 : memref<1x!tpu.dma_semaphore, #tpu.memory_space<semaphore_mem>> -> memref<!tpu.dma_semaphore, #tpu.memory_space<semaphore_mem>>
        tpu.wait_indirect_dma semaphore(%dma_wait3A_461 : memref<!tpu.dma_semaphore, #tpu.memory_space<semaphore_mem>>) src(%dma_wait3A_453 : memref<40x128xf32, #tpu.memory_space<vmem>>) dst(%dma_wait3A_459 : memref<10240x128xf32, #tpu.memory_space<vmem_shared>>)
        %add3A_462 = arith.constant 5 : i32
        %add3A_463 = arith.addi %add3A_257, %add3A_462 : i32
        %mul3A_464 = arith.constant 40 : i32
        %mul3A_465 = arith.muli %add3A_463, %mul3A_464 : i32
        %add3A_466 = arith.addi %mul3A_2, %mul3A_465 : i32
        %run_scoped3A_467 = arith.constant 0 : i32
        "tpu.region"() ({
          %run_scoped3A_484 = tpu.sem_alloc : memref<!tpu.dma_semaphore, #tpu.memory_space<semaphore_mem>>
          %dma_start3A_485 = arith.constant 0 : i32
          %dma_start3A_486 = tpu.memref_slice %arg6[%run_scoped3A_467, %dma_start3A_485] : memref<5x40xi32, #tpu.memory_space<vmem>> -> memref<1x40xi32, #tpu.memory_space<vmem>>
          %dma_start3A_487 = tpu.memref_squeeze %dma_start3A_486 : memref<1x40xi32, #tpu.memory_space<vmem>> -> memref<40xi32, #tpu.memory_space<vmem>>
          %dma_start3A_488 = tpu.memref_slice %arg3[%add3A_466] : memref<320000xi32, #tpu.memory_space<hbm>> -> memref<40xi32, #tpu.memory_space<hbm>>
          %dma_start3A_489 = arith.constant 0 : i32
          %dma_start3A_490 = tpu.memref_slice %arg6[%run_scoped3A_467, %dma_start3A_489] : memref<5x40xi32, #tpu.memory_space<vmem>> -> memref<1x40xi32, #tpu.memory_space<vmem>>
          %dma_start3A_491 = tpu.memref_squeeze %dma_start3A_490 : memref<1x40xi32, #tpu.memory_space<vmem>> -> memref<40xi32, #tpu.memory_space<vmem>>
          %dma_start3A_492 = tpu.memref_slice %arg3[%add3A_466] : memref<320000xi32, #tpu.memory_space<hbm>> -> memref<40xi32, #tpu.memory_space<hbm>>
          tpu.enqueue_dma source(%dma_start3A_492 : memref<40xi32, #tpu.memory_space<hbm>>) target(%dma_start3A_491 : memref<40xi32, #tpu.memory_space<vmem>>) target_semaphore(%run_scoped3A_484 : memref<!tpu.dma_semaphore, #tpu.memory_space<semaphore_mem>>)
          %dma_wait3A_493 = arith.constant 0 : i32
          %dma_wait3A_494 = tpu.memref_slice %arg6[%run_scoped3A_467, %dma_wait3A_493] : memref<5x40xi32, #tpu.memory_space<vmem>> -> memref<1x40xi32, #tpu.memory_space<vmem>>
          %dma_wait3A_495 = tpu.memref_squeeze %dma_wait3A_494 : memref<1x40xi32, #tpu.memory_space<vmem>> -> memref<40xi32, #tpu.memory_space<vmem>>
          %dma_wait3A_496 = tpu.memref_slice %arg3[%add3A_466] : memref<320000xi32, #tpu.memory_space<hbm>> -> memref<40xi32, #tpu.memory_space<hbm>>
          %dma_wait3A_497 = arith.constant 0 : i32
          %dma_wait3A_498 = tpu.memref_slice %arg6[%run_scoped3A_467, %dma_wait3A_497] : memref<5x40xi32, #tpu.memory_space<vmem>> -> memref<1x40xi32, #tpu.memory_space<vmem>>
          %dma_wait3A_499 = tpu.memref_squeeze %dma_wait3A_498 : memref<1x40xi32, #tpu.memory_space<vmem>> -> memref<40xi32, #tpu.memory_space<vmem>>
          %dma_wait3A_500 = tpu.memref_slice %arg3[%add3A_466] : memref<320000xi32, #tpu.memory_space<hbm>> -> memref<40xi32, #tpu.memory_space<hbm>>
          tpu.wait_dma2 semaphore(%run_scoped3A_484 : memref<!tpu.dma_semaphore, #tpu.memory_space<semaphore_mem>>) src(%dma_wait3A_500 : memref<40xi32, #tpu.memory_space<hbm>>) dst(%dma_wait3A_499 : memref<40xi32, #tpu.memory_space<vmem>>)
          tpu.yield
        }) : () -> ()
        %run_scoped3A_468 = arith.constant 0 : i32
        "tpu.region"() ({
          %run_scoped3A_484 = tpu.sem_alloc : memref<!tpu.dma_semaphore, #tpu.memory_space<semaphore_mem>>
          %dma_start3A_485 = arith.constant 0 : i32
          %dma_start3A_486 = tpu.memref_slice %arg7[%run_scoped3A_468, %dma_start3A_485] : memref<5x40xi32, #tpu.memory_space<vmem>> -> memref<1x40xi32, #tpu.memory_space<vmem>>
          %dma_start3A_487 = tpu.memref_squeeze %dma_start3A_486 : memref<1x40xi32, #tpu.memory_space<vmem>> -> memref<40xi32, #tpu.memory_space<vmem>>
          %dma_start3A_488 = tpu.memref_slice %arg4[%add3A_466] : memref<320000xi32, #tpu.memory_space<hbm>> -> memref<40xi32, #tpu.memory_space<hbm>>
          %dma_start3A_489 = arith.constant 0 : i32
          %dma_start3A_490 = tpu.memref_slice %arg7[%run_scoped3A_468, %dma_start3A_489] : memref<5x40xi32, #tpu.memory_space<vmem>> -> memref<1x40xi32, #tpu.memory_space<vmem>>
          %dma_start3A_491 = tpu.memref_squeeze %dma_start3A_490 : memref<1x40xi32, #tpu.memory_space<vmem>> -> memref<40xi32, #tpu.memory_space<vmem>>
          %dma_start3A_492 = tpu.memref_slice %arg4[%add3A_466] : memref<320000xi32, #tpu.memory_space<hbm>> -> memref<40xi32, #tpu.memory_space<hbm>>
          tpu.enqueue_dma source(%dma_start3A_492 : memref<40xi32, #tpu.memory_space<hbm>>) target(%dma_start3A_491 : memref<40xi32, #tpu.memory_space<vmem>>) target_semaphore(%run_scoped3A_484 : memref<!tpu.dma_semaphore, #tpu.memory_space<semaphore_mem>>)
          %dma_wait3A_493 = arith.constant 0 : i32
          %dma_wait3A_494 = tpu.memref_slice %arg7[%run_scoped3A_468, %dma_wait3A_493] : memref<5x40xi32, #tpu.memory_space<vmem>> -> memref<1x40xi32, #tpu.memory_space<vmem>>
          %dma_wait3A_495 = tpu.memref_squeeze %dma_wait3A_494 : memref<1x40xi32, #tpu.memory_space<vmem>> -> memref<40xi32, #tpu.memory_space<vmem>>
          %dma_wait3A_496 = tpu.memref_slice %arg4[%add3A_466] : memref<320000xi32, #tpu.memory_space<hbm>> -> memref<40xi32, #tpu.memory_space<hbm>>
          %dma_wait3A_497 = arith.constant 0 : i32
          %dma_wait3A_498 = tpu.memref_slice %arg7[%run_scoped3A_468, %dma_wait3A_497] : memref<5x40xi32, #tpu.memory_space<vmem>> -> memref<1x40xi32, #tpu.memory_space<vmem>>
          %dma_wait3A_499 = tpu.memref_squeeze %dma_wait3A_498 : memref<1x40xi32, #tpu.memory_space<vmem>> -> memref<40xi32, #tpu.memory_space<vmem>>
          %dma_wait3A_500 = tpu.memref_slice %arg4[%add3A_466] : memref<320000xi32, #tpu.memory_space<hbm>> -> memref<40xi32, #tpu.memory_space<hbm>>
          tpu.wait_dma2 semaphore(%run_scoped3A_484 : memref<!tpu.dma_semaphore, #tpu.memory_space<semaphore_mem>>) src(%dma_wait3A_500 : memref<40xi32, #tpu.memory_space<hbm>>) dst(%dma_wait3A_499 : memref<40xi32, #tpu.memory_space<vmem>>)
          tpu.yield
        }) : () -> ()
        %dma_start3A_469 = arith.constant 0 : i32
        %dma_start3A_470 = arith.constant 0 : i32
        %dma_start3A_471 = arith.constant 0 : i32
        %dma_start3A_472 = arith.constant 0 : i32
        %dma_start3A_473 = arith.constant 0 : i32
        %dma_start3A_474 = tpu.memref_slice %arg8[%dma_start3A_470, %dma_start3A_472, %dma_start3A_473] : memref<5x40x128xf32, #tpu.memory_space<vmem>> -> memref<1x40x128xf32, #tpu.memory_space<vmem>>
        %dma_start3A_475 = tpu.memref_squeeze %dma_start3A_474 : memref<1x40x128xf32, #tpu.memory_space<vmem>> -> memref<40x128xf32, #tpu.memory_space<vmem>>
        %dma_start3A_476 = arith.constant 0 : i32
        %dma_start3A_477 = tpu.memref_slice %arg6[%dma_start3A_469, %dma_start3A_476] : memref<5x40xi32, #tpu.memory_space<vmem>> -> memref<1x40xi32, #tpu.memory_space<vmem>>
        %dma_start3A_478 = tpu.memref_squeeze %dma_start3A_477 : memref<1x40xi32, #tpu.memory_space<vmem>> -> memref<40xi32, #tpu.memory_space<vmem>>
        %dma_start3A_479 = arith.constant 0 : i32
        %dma_start3A_480 = arith.constant 0 : i32
        %dma_start3A_481 = tpu.memref_slice %arg2[%dma_start3A_479, %dma_start3A_480] : memref<10240x128xf32, #tpu.memory_space<hbm>> -> memref<10240x128xf32, #tpu.memory_space<hbm>>
        %dma_start3A_482 = tpu.memref_slice %arg11[%dma_start3A_471] : memref<5x!tpu.dma_semaphore, #tpu.memory_space<semaphore_mem>> -> memref<1x!tpu.dma_semaphore, #tpu.memory_space<semaphore_mem>>
        %dma_start3A_483 = tpu.memref_squeeze %dma_start3A_482 : memref<1x!tpu.dma_semaphore, #tpu.memory_space<semaphore_mem>> -> memref<!tpu.dma_semaphore, #tpu.memory_space<semaphore_mem>>
        tpu.enqueue_indirect_dma source(%dma_start3A_481 : memref<10240x128xf32, #tpu.memory_space<hbm>>) target(%dma_start3A_475 : memref<40x128xf32, #tpu.memory_space<vmem>>) offsets(%dma_start3A_478 : memref<40xi32, #tpu.memory_space<vmem>>) semaphore(%dma_start3A_483 : memref<!tpu.dma_semaphore, #tpu.memory_space<semaphore_mem>>)
      } else {
      }
      %mul3A_290 = arith.constant 5 : i32
      %mul3A_291 = arith.muli %scan3A_252, %mul3A_290 : i32
      %add3A_292 = arith.constant 1 : i32
      %add3A_293 = arith.addi %mul3A_291, %add3A_292 : i32
      %dma_wait3A_294 = arith.constant 1 : i32
      %dma_wait3A_295 = arith.constant 1 : i32
      %dma_wait3A_296 = arith.constant 1 : i32
      %dma_wait3A_297 = arith.constant 0 : i32
      %dma_wait3A_298 = arith.constant 0 : i32
      %dma_wait3A_299 = tpu.memref_slice %arg8[%dma_wait3A_295, %dma_wait3A_297, %dma_wait3A_298] : memref<5x40x128xf32, #tpu.memory_space<vmem>> -> memref<1x40x128xf32, #tpu.memory_space<vmem>>
      %dma_wait3A_300 = tpu.memref_squeeze %dma_wait3A_299 : memref<1x40x128xf32, #tpu.memory_space<vmem>> -> memref<40x128xf32, #tpu.memory_space<vmem>>
      %dma_wait3A_301 = arith.constant 0 : i32
      %dma_wait3A_302 = tpu.memref_slice %arg6[%dma_wait3A_294, %dma_wait3A_301] : memref<5x40xi32, #tpu.memory_space<vmem>> -> memref<1x40xi32, #tpu.memory_space<vmem>>
      %dma_wait3A_303 = tpu.memref_squeeze %dma_wait3A_302 : memref<1x40xi32, #tpu.memory_space<vmem>> -> memref<40xi32, #tpu.memory_space<vmem>>
      %dma_wait3A_304 = arith.constant 0 : i32
      %dma_wait3A_305 = arith.constant 0 : i32
      %dma_wait3A_306 = tpu.memref_slice %arg2[%dma_wait3A_304, %dma_wait3A_305] : memref<10240x128xf32, #tpu.memory_space<hbm>> -> memref<10240x128xf32, #tpu.memory_space<hbm>>
      %dma_wait3A_307 = tpu.memref_slice %arg11[%dma_wait3A_296] : memref<5x!tpu.dma_semaphore, #tpu.memory_space<semaphore_mem>> -> memref<1x!tpu.dma_semaphore, #tpu.memory_space<semaphore_mem>>
      %dma_wait3A_308 = tpu.memref_squeeze %dma_wait3A_307 : memref<1x!tpu.dma_semaphore, #tpu.memory_space<semaphore_mem>> -> memref<!tpu.dma_semaphore, #tpu.memory_space<semaphore_mem>>
      tpu.wait_indirect_dma semaphore(%dma_wait3A_308 : memref<!tpu.dma_semaphore, #tpu.memory_space<semaphore_mem>>) src(%dma_wait3A_306 : memref<10240x128xf32, #tpu.memory_space<hbm>>) dst(%dma_wait3A_300 : memref<40x128xf32, #tpu.memory_space<vmem>>)
      %dma_start3A_309 = arith.constant 1 : i32
      %dma_start3A_310 = arith.constant 1 : i32
      %dma_start3A_311 = arith.constant 1 : i32
      %dma_start3A_312 = arith.constant 0 : i32
      %dma_start3A_313 = arith.constant 0 : i32
      %dma_start3A_314 = tpu.memref_slice %arg8[%dma_start3A_309, %dma_start3A_312, %dma_start3A_313] : memref<5x40x128xf32, #tpu.memory_space<vmem>> -> memref<1x40x128xf32, #tpu.memory_space<vmem>>
      %dma_start3A_315 = tpu.memref_squeeze %dma_start3A_314 : memref<1x40x128xf32, #tpu.memory_space<vmem>> -> memref<40x128xf32, #tpu.memory_space<vmem>>
      %dma_start3A_316 = arith.constant 0 : i32
      %dma_start3A_317 = tpu.memref_slice %arg7[%dma_start3A_310, %dma_start3A_316] : memref<5x40xi32, #tpu.memory_space<vmem>> -> memref<1x40xi32, #tpu.memory_space<vmem>>
      %dma_start3A_318 = tpu.memref_squeeze %dma_start3A_317 : memref<1x40xi32, #tpu.memory_space<vmem>> -> memref<40xi32, #tpu.memory_space<vmem>>
      %dma_start3A_319 = arith.constant 0 : i32
      %dma_start3A_320 = arith.constant 0 : i32
      %dma_start3A_321 = tpu.memref_slice %arg10[%dma_start3A_319, %dma_start3A_320] : memref<10240x128xf32, #tpu.memory_space<vmem_shared>> -> memref<10240x128xf32, #tpu.memory_space<vmem_shared>>
      %dma_start3A_322 = tpu.memref_slice %arg12[%dma_start3A_311] : memref<5x!tpu.dma_semaphore, #tpu.memory_space<semaphore_mem>> -> memref<1x!tpu.dma_semaphore, #tpu.memory_space<semaphore_mem>>
      %dma_start3A_323 = tpu.memref_squeeze %dma_start3A_322 : memref<1x!tpu.dma_semaphore, #tpu.memory_space<semaphore_mem>> -> memref<!tpu.dma_semaphore, #tpu.memory_space<semaphore_mem>>
      tpu.enqueue_indirect_dma source(%dma_start3A_315 : memref<40x128xf32, #tpu.memory_space<vmem>>) target(%dma_start3A_321 : memref<10240x128xf32, #tpu.memory_space<vmem_shared>>) offsets(%dma_start3A_318 : memref<40xi32, #tpu.memory_space<vmem>>) semaphore(%dma_start3A_323 : memref<!tpu.dma_semaphore, #tpu.memory_space<semaphore_mem>>) {add = true}
      %lt3A_324 = arith.constant 49 : i32
      %lt3A_325 = arith.cmpi slt, %scan3A_252, %lt3A_324 : i32
      %convert_element_type3A_326 = arith.extui %lt3A_325 : i1 to i32
      %cond3A_327 = arith.constant 0 : i32
      %cond3A_328 = arith.cmpi ne, %convert_element_type3A_326, %cond3A_327 : i32
      scf.if %cond3A_328 {
        %dma_wait3A_447 = arith.constant 1 : i32
        %dma_wait3A_448 = arith.constant 1 : i32
        %dma_wait3A_449 = arith.constant 1 : i32
        %dma_wait3A_450 = arith.constant 0 : i32
        %dma_wait3A_451 = arith.constant 0 : i32
        %dma_wait3A_452 = tpu.memref_slice %arg8[%dma_wait3A_447, %dma_wait3A_450, %dma_wait3A_451] : memref<5x40x128xf32, #tpu.memory_space<vmem>> -> memref<1x40x128xf32, #tpu.memory_space<vmem>>
        %dma_wait3A_453 = tpu.memref_squeeze %dma_wait3A_452 : memref<1x40x128xf32, #tpu.memory_space<vmem>> -> memref<40x128xf32, #tpu.memory_space<vmem>>
        %dma_wait3A_454 = arith.constant 0 : i32
        %dma_wait3A_455 = tpu.memref_slice %arg7[%dma_wait3A_448, %dma_wait3A_454] : memref<5x40xi32, #tpu.memory_space<vmem>> -> memref<1x40xi32, #tpu.memory_space<vmem>>
        %dma_wait3A_456 = tpu.memref_squeeze %dma_wait3A_455 : memref<1x40xi32, #tpu.memory_space<vmem>> -> memref<40xi32, #tpu.memory_space<vmem>>
        %dma_wait3A_457 = arith.constant 0 : i32
        %dma_wait3A_458 = arith.constant 0 : i32
        %dma_wait3A_459 = tpu.memref_slice %arg10[%dma_wait3A_457, %dma_wait3A_458] : memref<10240x128xf32, #tpu.memory_space<vmem_shared>> -> memref<10240x128xf32, #tpu.memory_space<vmem_shared>>
        %dma_wait3A_460 = tpu.memref_slice %arg12[%dma_wait3A_449] : memref<5x!tpu.dma_semaphore, #tpu.memory_space<semaphore_mem>> -> memref<1x!tpu.dma_semaphore, #tpu.memory_space<semaphore_mem>>
        %dma_wait3A_461 = tpu.memref_squeeze %dma_wait3A_460 : memref<1x!tpu.dma_semaphore, #tpu.memory_space<semaphore_mem>> -> memref<!tpu.dma_semaphore, #tpu.memory_space<semaphore_mem>>
        tpu.wait_indirect_dma semaphore(%dma_wait3A_461 : memref<!tpu.dma_semaphore, #tpu.memory_space<semaphore_mem>>) src(%dma_wait3A_453 : memref<40x128xf32, #tpu.memory_space<vmem>>) dst(%dma_wait3A_459 : memref<10240x128xf32, #tpu.memory_space<vmem_shared>>)
        %add3A_462 = arith.constant 5 : i32
        %add3A_463 = arith.addi %add3A_293, %add3A_462 : i32
        %mul3A_464 = arith.constant 40 : i32
        %mul3A_465 = arith.muli %add3A_463, %mul3A_464 : i32
        %add3A_466 = arith.addi %mul3A_2, %mul3A_465 : i32
        %run_scoped3A_467 = arith.constant 1 : i32
        "tpu.region"() ({
          %run_scoped3A_484 = tpu.sem_alloc : memref<!tpu.dma_semaphore, #tpu.memory_space<semaphore_mem>>
          %dma_start3A_485 = arith.constant 0 : i32
          %dma_start3A_486 = tpu.memref_slice %arg6[%run_scoped3A_467, %dma_start3A_485] : memref<5x40xi32, #tpu.memory_space<vmem>> -> memref<1x40xi32, #tpu.memory_space<vmem>>
          %dma_start3A_487 = tpu.memref_squeeze %dma_start3A_486 : memref<1x40xi32, #tpu.memory_space<vmem>> -> memref<40xi32, #tpu.memory_space<vmem>>
          %dma_start3A_488 = tpu.memref_slice %arg3[%add3A_466] : memref<320000xi32, #tpu.memory_space<hbm>> -> memref<40xi32, #tpu.memory_space<hbm>>
          %dma_start3A_489 = arith.constant 0 : i32
          %dma_start3A_490 = tpu.memref_slice %arg6[%run_scoped3A_467, %dma_start3A_489] : memref<5x40xi32, #tpu.memory_space<vmem>> -> memref<1x40xi32, #tpu.memory_space<vmem>>
          %dma_start3A_491 = tpu.memref_squeeze %dma_start3A_490 : memref<1x40xi32, #tpu.memory_space<vmem>> -> memref<40xi32, #tpu.memory_space<vmem>>
          %dma_start3A_492 = tpu.memref_slice %arg3[%add3A_466] : memref<320000xi32, #tpu.memory_space<hbm>> -> memref<40xi32, #tpu.memory_space<hbm>>
          tpu.enqueue_dma source(%dma_start3A_492 : memref<40xi32, #tpu.memory_space<hbm>>) target(%dma_start3A_491 : memref<40xi32, #tpu.memory_space<vmem>>) target_semaphore(%run_scoped3A_484 : memref<!tpu.dma_semaphore, #tpu.memory_space<semaphore_mem>>)
          %dma_wait3A_493 = arith.constant 0 : i32
          %dma_wait3A_494 = tpu.memref_slice %arg6[%run_scoped3A_467, %dma_wait3A_493] : memref<5x40xi32, #tpu.memory_space<vmem>> -> memref<1x40xi32, #tpu.memory_space<vmem>>
          %dma_wait3A_495 = tpu.memref_squeeze %dma_wait3A_494 : memref<1x40xi32, #tpu.memory_space<vmem>> -> memref<40xi32, #tpu.memory_space<vmem>>
          %dma_wait3A_496 = tpu.memref_slice %arg3[%add3A_466] : memref<320000xi32, #tpu.memory_space<hbm>> -> memref<40xi32, #tpu.memory_space<hbm>>
          %dma_wait3A_497 = arith.constant 0 : i32
          %dma_wait3A_498 = tpu.memref_slice %arg6[%run_scoped3A_467, %dma_wait3A_497] : memref<5x40xi32, #tpu.memory_space<vmem>> -> memref<1x40xi32, #tpu.memory_space<vmem>>
          %dma_wait3A_499 = tpu.memref_squeeze %dma_wait3A_498 : memref<1x40xi32, #tpu.memory_space<vmem>> -> memref<40xi32, #tpu.memory_space<vmem>>
          %dma_wait3A_500 = tpu.memref_slice %arg3[%add3A_466] : memref<320000xi32, #tpu.memory_space<hbm>> -> memref<40xi32, #tpu.memory_space<hbm>>
          tpu.wait_dma2 semaphore(%run_scoped3A_484 : memref<!tpu.dma_semaphore, #tpu.memory_space<semaphore_mem>>) src(%dma_wait3A_500 : memref<40xi32, #tpu.memory_space<hbm>>) dst(%dma_wait3A_499 : memref<40xi32, #tpu.memory_space<vmem>>)
          tpu.yield
        }) : () -> ()
        %run_scoped3A_468 = arith.constant 1 : i32
        "tpu.region"() ({
          %run_scoped3A_484 = tpu.sem_alloc : memref<!tpu.dma_semaphore, #tpu.memory_space<semaphore_mem>>
          %dma_start3A_485 = arith.constant 0 : i32
          %dma_start3A_486 = tpu.memref_slice %arg7[%run_scoped3A_468, %dma_start3A_485] : memref<5x40xi32, #tpu.memory_space<vmem>> -> memref<1x40xi32, #tpu.memory_space<vmem>>
          %dma_start3A_487 = tpu.memref_squeeze %dma_start3A_486 : memref<1x40xi32, #tpu.memory_space<vmem>> -> memref<40xi32, #tpu.memory_space<vmem>>
          %dma_start3A_488 = tpu.memref_slice %arg4[%add3A_466] : memref<320000xi32, #tpu.memory_space<hbm>> -> memref<40xi32, #tpu.memory_space<hbm>>
          %dma_start3A_489 = arith.constant 0 : i32
          %dma_start3A_490 = tpu.memref_slice %arg7[%run_scoped3A_468, %dma_start3A_489] : memref<5x40xi32, #tpu.memory_space<vmem>> -> memref<1x40xi32, #tpu.memory_space<vmem>>
          %dma_start3A_491 = tpu.memref_squeeze %dma_start3A_490 : memref<1x40xi32, #tpu.memory_space<vmem>> -> memref<40xi32, #tpu.memory_space<vmem>>
          %dma_start3A_492 = tpu.memref_slice %arg4[%add3A_466] : memref<320000xi32, #tpu.memory_space<hbm>> -> memref<40xi32, #tpu.memory_space<hbm>>
          tpu.enqueue_dma source(%dma_start3A_492 : memref<40xi32, #tpu.memory_space<hbm>>) target(%dma_start3A_491 : memref<40xi32, #tpu.memory_space<vmem>>) target_semaphore(%run_scoped3A_484 : memref<!tpu.dma_semaphore, #tpu.memory_space<semaphore_mem>>)
          %dma_wait3A_493 = arith.constant 0 : i32
          %dma_wait3A_494 = tpu.memref_slice %arg7[%run_scoped3A_468, %dma_wait3A_493] : memref<5x40xi32, #tpu.memory_space<vmem>> -> memref<1x40xi32, #tpu.memory_space<vmem>>
          %dma_wait3A_495 = tpu.memref_squeeze %dma_wait3A_494 : memref<1x40xi32, #tpu.memory_space<vmem>> -> memref<40xi32, #tpu.memory_space<vmem>>
          %dma_wait3A_496 = tpu.memref_slice %arg4[%add3A_466] : memref<320000xi32, #tpu.memory_space<hbm>> -> memref<40xi32, #tpu.memory_space<hbm>>
          %dma_wait3A_497 = arith.constant 0 : i32
          %dma_wait3A_498 = tpu.memref_slice %arg7[%run_scoped3A_468, %dma_wait3A_497] : memref<5x40xi32, #tpu.memory_space<vmem>> -> memref<1x40xi32, #tpu.memory_space<vmem>>
          %dma_wait3A_499 = tpu.memref_squeeze %dma_wait3A_498 : memref<1x40xi32, #tpu.memory_space<vmem>> -> memref<40xi32, #tpu.memory_space<vmem>>
          %dma_wait3A_500 = tpu.memref_slice %arg4[%add3A_466] : memref<320000xi32, #tpu.memory_space<hbm>> -> memref<40xi32, #tpu.memory_space<hbm>>
          tpu.wait_dma2 semaphore(%run_scoped3A_484 : memref<!tpu.dma_semaphore, #tpu.memory_space<semaphore_mem>>) src(%dma_wait3A_500 : memref<40xi32, #tpu.memory_space<hbm>>) dst(%dma_wait3A_499 : memref<40xi32, #tpu.memory_space<vmem>>)
          tpu.yield
        }) : () -> ()
        %dma_start3A_469 = arith.constant 1 : i32
        %dma_start3A_470 = arith.constant 1 : i32
        %dma_start3A_471 = arith.constant 1 : i32
        %dma_start3A_472 = arith.constant 0 : i32
        %dma_start3A_473 = arith.constant 0 : i32
        %dma_start3A_474 = tpu.memref_slice %arg8[%dma_start3A_470, %dma_start3A_472, %dma_start3A_473] : memref<5x40x128xf32, #tpu.memory_space<vmem>> -> memref<1x40x128xf32, #tpu.memory_space<vmem>>
        %dma_start3A_475 = tpu.memref_squeeze %dma_start3A_474 : memref<1x40x128xf32, #tpu.memory_space<vmem>> -> memref<40x128xf32, #tpu.memory_space<vmem>>
        %dma_start3A_476 = arith.constant 0 : i32
        %dma_start3A_477 = tpu.memref_slice %arg6[%dma_start3A_469, %dma_start3A_476] : memref<5x40xi32, #tpu.memory_space<vmem>> -> memref<1x40xi32, #tpu.memory_space<vmem>>
        %dma_start3A_478 = tpu.memref_squeeze %dma_start3A_477 : memref<1x40xi32, #tpu.memory_space<vmem>> -> memref<40xi32, #tpu.memory_space<vmem>>
        %dma_start3A_479 = arith.constant 0 : i32
        %dma_start3A_480 = arith.constant 0 : i32
        %dma_start3A_481 = tpu.memref_slice %arg2[%dma_start3A_479, %dma_start3A_480] : memref<10240x128xf32, #tpu.memory_space<hbm>> -> memref<10240x128xf32, #tpu.memory_space<hbm>>
        %dma_start3A_482 = tpu.memref_slice %arg11[%dma_start3A_471] : memref<5x!tpu.dma_semaphore, #tpu.memory_space<semaphore_mem>> -> memref<1x!tpu.dma_semaphore, #tpu.memory_space<semaphore_mem>>
        %dma_start3A_483 = tpu.memref_squeeze %dma_start3A_482 : memref<1x!tpu.dma_semaphore, #tpu.memory_space<semaphore_mem>> -> memref<!tpu.dma_semaphore, #tpu.memory_space<semaphore_mem>>
        tpu.enqueue_indirect_dma source(%dma_start3A_481 : memref<10240x128xf32, #tpu.memory_space<hbm>>) target(%dma_start3A_475 : memref<40x128xf32, #tpu.memory_space<vmem>>) offsets(%dma_start3A_478 : memref<40xi32, #tpu.memory_space<vmem>>) semaphore(%dma_start3A_483 : memref<!tpu.dma_semaphore, #tpu.memory_space<semaphore_mem>>)
      } else {
      }
      %mul3A_329 = arith.constant 5 : i32
      %mul3A_330 = arith.muli %scan3A_252, %mul3A_329 : i32
      %add3A_331 = arith.constant 2 : i32
      %add3A_332 = arith.addi %mul3A_330, %add3A_331 : i32
      %dma_wait3A_333 = arith.constant 2 : i32
      %dma_wait3A_334 = arith.constant 2 : i32
      %dma_wait3A_335 = arith.constant 2 : i32
      %dma_wait3A_336 = arith.constant 0 : i32
      %dma_wait3A_337 = arith.constant 0 : i32
      %dma_wait3A_338 = tpu.memref_slice %arg8[%dma_wait3A_334, %dma_wait3A_336, %dma_wait3A_337] : memref<5x40x128xf32, #tpu.memory_space<vmem>> -> memref<1x40x128xf32, #tpu.memory_space<vmem>>
      %dma_wait3A_339 = tpu.memref_squeeze %dma_wait3A_338 : memref<1x40x128xf32, #tpu.memory_space<vmem>> -> memref<40x128xf32, #tpu.memory_space<vmem>>
      %dma_wait3A_340 = arith.constant 0 : i32
      %dma_wait3A_341 = tpu.memref_slice %arg6[%dma_wait3A_333, %dma_wait3A_340] : memref<5x40xi32, #tpu.memory_space<vmem>> -> memref<1x40xi32, #tpu.memory_space<vmem>>
      %dma_wait3A_342 = tpu.memref_squeeze %dma_wait3A_341 : memref<1x40xi32, #tpu.memory_space<vmem>> -> memref<40xi32, #tpu.memory_space<vmem>>
      %dma_wait3A_343 = arith.constant 0 : i32
      %dma_wait3A_344 = arith.constant 0 : i32
      %dma_wait3A_345 = tpu.memref_slice %arg2[%dma_wait3A_343, %dma_wait3A_344] : memref<10240x128xf32, #tpu.memory_space<hbm>> -> memref<10240x128xf32, #tpu.memory_space<hbm>>
      %dma_wait3A_346 = tpu.memref_slice %arg11[%dma_wait3A_335] : memref<5x!tpu.dma_semaphore, #tpu.memory_space<semaphore_mem>> -> memref<1x!tpu.dma_semaphore, #tpu.memory_space<semaphore_mem>>
      %dma_wait3A_347 = tpu.memref_squeeze %dma_wait3A_346 : memref<1x!tpu.dma_semaphore, #tpu.memory_space<semaphore_mem>> -> memref<!tpu.dma_semaphore, #tpu.memory_space<semaphore_mem>>
      tpu.wait_indirect_dma semaphore(%dma_wait3A_347 : memref<!tpu.dma_semaphore, #tpu.memory_space<semaphore_mem>>) src(%dma_wait3A_345 : memref<10240x128xf32, #tpu.memory_space<hbm>>) dst(%dma_wait3A_339 : memref<40x128xf32, #tpu.memory_space<vmem>>)
      %dma_start3A_348 = arith.constant 2 : i32
      %dma_start3A_349 = arith.constant 2 : i32
      %dma_start3A_350 = arith.constant 2 : i32
      %dma_start3A_351 = arith.constant 0 : i32
      %dma_start3A_352 = arith.constant 0 : i32
      %dma_start3A_353 = tpu.memref_slice %arg8[%dma_start3A_348, %dma_start3A_351, %dma_start3A_352] : memref<5x40x128xf32, #tpu.memory_space<vmem>> -> memref<1x40x128xf32, #tpu.memory_space<vmem>>
      %dma_start3A_354 = tpu.memref_squeeze %dma_start3A_353 : memref<1x40x128xf32, #tpu.memory_space<vmem>> -> memref<40x128xf32, #tpu.memory_space<vmem>>
      %dma_start3A_355 = arith.constant 0 : i32
      %dma_start3A_356 = tpu.memref_slice %arg7[%dma_start3A_349, %dma_start3A_355] : memref<5x40xi32, #tpu.memory_space<vmem>> -> memref<1x40xi32, #tpu.memory_space<vmem>>
      %dma_start3A_357 = tpu.memref_squeeze %dma_start3A_356 : memref<1x40xi32, #tpu.memory_space<vmem>> -> memref<40xi32, #tpu.memory_space<vmem>>
      %dma_start3A_358 = arith.constant 0 : i32
      %dma_start3A_359 = arith.constant 0 : i32
      %dma_start3A_360 = tpu.memref_slice %arg10[%dma_start3A_358, %dma_start3A_359] : memref<10240x128xf32, #tpu.memory_space<vmem_shared>> -> memref<10240x128xf32, #tpu.memory_space<vmem_shared>>
      %dma_start3A_361 = tpu.memref_slice %arg12[%dma_start3A_350] : memref<5x!tpu.dma_semaphore, #tpu.memory_space<semaphore_mem>> -> memref<1x!tpu.dma_semaphore, #tpu.memory_space<semaphore_mem>>
      %dma_start3A_362 = tpu.memref_squeeze %dma_start3A_361 : memref<1x!tpu.dma_semaphore, #tpu.memory_space<semaphore_mem>> -> memref<!tpu.dma_semaphore, #tpu.memory_space<semaphore_mem>>
      tpu.enqueue_indirect_dma source(%dma_start3A_354 : memref<40x128xf32, #tpu.memory_space<vmem>>) target(%dma_start3A_360 : memref<10240x128xf32, #tpu.memory_space<vmem_shared>>) offsets(%dma_start3A_357 : memref<40xi32, #tpu.memory_space<vmem>>) semaphore(%dma_start3A_362 : memref<!tpu.dma_semaphore, #tpu.memory_space<semaphore_mem>>) {add = true}
      %lt3A_363 = arith.constant 49 : i32
      %lt3A_364 = arith.cmpi slt, %scan3A_252, %lt3A_363 : i32
      %convert_element_type3A_365 = arith.extui %lt3A_364 : i1 to i32
      %cond3A_366 = arith.constant 0 : i32
      %cond3A_367 = arith.cmpi ne, %convert_element_type3A_365, %cond3A_366 : i32
      scf.if %cond3A_367 {
        %dma_wait3A_447 = arith.constant 2 : i32
        %dma_wait3A_448 = arith.constant 2 : i32
        %dma_wait3A_449 = arith.constant 2 : i32
        %dma_wait3A_450 = arith.constant 0 : i32
        %dma_wait3A_451 = arith.constant 0 : i32
        %dma_wait3A_452 = tpu.memref_slice %arg8[%dma_wait3A_447, %dma_wait3A_450, %dma_wait3A_451] : memref<5x40x128xf32, #tpu.memory_space<vmem>> -> memref<1x40x128xf32, #tpu.memory_space<vmem>>
        %dma_wait3A_453 = tpu.memref_squeeze %dma_wait3A_452 : memref<1x40x128xf32, #tpu.memory_space<vmem>> -> memref<40x128xf32, #tpu.memory_space<vmem>>
        %dma_wait3A_454 = arith.constant 0 : i32
        %dma_wait3A_455 = tpu.memref_slice %arg7[%dma_wait3A_448, %dma_wait3A_454] : memref<5x40xi32, #tpu.memory_space<vmem>> -> memref<1x40xi32, #tpu.memory_space<vmem>>
        %dma_wait3A_456 = tpu.memref_squeeze %dma_wait3A_455 : memref<1x40xi32, #tpu.memory_space<vmem>> -> memref<40xi32, #tpu.memory_space<vmem>>
        %dma_wait3A_457 = arith.constant 0 : i32
        %dma_wait3A_458 = arith.constant 0 : i32
        %dma_wait3A_459 = tpu.memref_slice %arg10[%dma_wait3A_457, %dma_wait3A_458] : memref<10240x128xf32, #tpu.memory_space<vmem_shared>> -> memref<10240x128xf32, #tpu.memory_space<vmem_shared>>
        %dma_wait3A_460 = tpu.memref_slice %arg12[%dma_wait3A_449] : memref<5x!tpu.dma_semaphore, #tpu.memory_space<semaphore_mem>> -> memref<1x!tpu.dma_semaphore, #tpu.memory_space<semaphore_mem>>
        %dma_wait3A_461 = tpu.memref_squeeze %dma_wait3A_460 : memref<1x!tpu.dma_semaphore, #tpu.memory_space<semaphore_mem>> -> memref<!tpu.dma_semaphore, #tpu.memory_space<semaphore_mem>>
        tpu.wait_indirect_dma semaphore(%dma_wait3A_461 : memref<!tpu.dma_semaphore, #tpu.memory_space<semaphore_mem>>) src(%dma_wait3A_453 : memref<40x128xf32, #tpu.memory_space<vmem>>) dst(%dma_wait3A_459 : memref<10240x128xf32, #tpu.memory_space<vmem_shared>>)
        %add3A_462 = arith.constant 5 : i32
        %add3A_463 = arith.addi %add3A_332, %add3A_462 : i32
        %mul3A_464 = arith.constant 40 : i32
        %mul3A_465 = arith.muli %add3A_463, %mul3A_464 : i32
        %add3A_466 = arith.addi %mul3A_2, %mul3A_465 : i32
        %run_scoped3A_467 = arith.constant 2 : i32
        "tpu.region"() ({
          %run_scoped3A_484 = tpu.sem_alloc : memref<!tpu.dma_semaphore, #tpu.memory_space<semaphore_mem>>
          %dma_start3A_485 = arith.constant 0 : i32
          %dma_start3A_486 = tpu.memref_slice %arg6[%run_scoped3A_467, %dma_start3A_485] : memref<5x40xi32, #tpu.memory_space<vmem>> -> memref<1x40xi32, #tpu.memory_space<vmem>>
          %dma_start3A_487 = tpu.memref_squeeze %dma_start3A_486 : memref<1x40xi32, #tpu.memory_space<vmem>> -> memref<40xi32, #tpu.memory_space<vmem>>
          %dma_start3A_488 = tpu.memref_slice %arg3[%add3A_466] : memref<320000xi32, #tpu.memory_space<hbm>> -> memref<40xi32, #tpu.memory_space<hbm>>
          %dma_start3A_489 = arith.constant 0 : i32
          %dma_start3A_490 = tpu.memref_slice %arg6[%run_scoped3A_467, %dma_start3A_489] : memref<5x40xi32, #tpu.memory_space<vmem>> -> memref<1x40xi32, #tpu.memory_space<vmem>>
          %dma_start3A_491 = tpu.memref_squeeze %dma_start3A_490 : memref<1x40xi32, #tpu.memory_space<vmem>> -> memref<40xi32, #tpu.memory_space<vmem>>
          %dma_start3A_492 = tpu.memref_slice %arg3[%add3A_466] : memref<320000xi32, #tpu.memory_space<hbm>> -> memref<40xi32, #tpu.memory_space<hbm>>
          tpu.enqueue_dma source(%dma_start3A_492 : memref<40xi32, #tpu.memory_space<hbm>>) target(%dma_start3A_491 : memref<40xi32, #tpu.memory_space<vmem>>) target_semaphore(%run_scoped3A_484 : memref<!tpu.dma_semaphore, #tpu.memory_space<semaphore_mem>>)
          %dma_wait3A_493 = arith.constant 0 : i32
          %dma_wait3A_494 = tpu.memref_slice %arg6[%run_scoped3A_467, %dma_wait3A_493] : memref<5x40xi32, #tpu.memory_space<vmem>> -> memref<1x40xi32, #tpu.memory_space<vmem>>
          %dma_wait3A_495 = tpu.memref_squeeze %dma_wait3A_494 : memref<1x40xi32, #tpu.memory_space<vmem>> -> memref<40xi32, #tpu.memory_space<vmem>>
          %dma_wait3A_496 = tpu.memref_slice %arg3[%add3A_466] : memref<320000xi32, #tpu.memory_space<hbm>> -> memref<40xi32, #tpu.memory_space<hbm>>
          %dma_wait3A_497 = arith.constant 0 : i32
          %dma_wait3A_498 = tpu.memref_slice %arg6[%run_scoped3A_467, %dma_wait3A_497] : memref<5x40xi32, #tpu.memory_space<vmem>> -> memref<1x40xi32, #tpu.memory_space<vmem>>
          %dma_wait3A_499 = tpu.memref_squeeze %dma_wait3A_498 : memref<1x40xi32, #tpu.memory_space<vmem>> -> memref<40xi32, #tpu.memory_space<vmem>>
          %dma_wait3A_500 = tpu.memref_slice %arg3[%add3A_466] : memref<320000xi32, #tpu.memory_space<hbm>> -> memref<40xi32, #tpu.memory_space<hbm>>
          tpu.wait_dma2 semaphore(%run_scoped3A_484 : memref<!tpu.dma_semaphore, #tpu.memory_space<semaphore_mem>>) src(%dma_wait3A_500 : memref<40xi32, #tpu.memory_space<hbm>>) dst(%dma_wait3A_499 : memref<40xi32, #tpu.memory_space<vmem>>)
          tpu.yield
        }) : () -> ()
        %run_scoped3A_468 = arith.constant 2 : i32
        "tpu.region"() ({
          %run_scoped3A_484 = tpu.sem_alloc : memref<!tpu.dma_semaphore, #tpu.memory_space<semaphore_mem>>
          %dma_start3A_485 = arith.constant 0 : i32
          %dma_start3A_486 = tpu.memref_slice %arg7[%run_scoped3A_468, %dma_start3A_485] : memref<5x40xi32, #tpu.memory_space<vmem>> -> memref<1x40xi32, #tpu.memory_space<vmem>>
          %dma_start3A_487 = tpu.memref_squeeze %dma_start3A_486 : memref<1x40xi32, #tpu.memory_space<vmem>> -> memref<40xi32, #tpu.memory_space<vmem>>
          %dma_start3A_488 = tpu.memref_slice %arg4[%add3A_466] : memref<320000xi32, #tpu.memory_space<hbm>> -> memref<40xi32, #tpu.memory_space<hbm>>
          %dma_start3A_489 = arith.constant 0 : i32
          %dma_start3A_490 = tpu.memref_slice %arg7[%run_scoped3A_468, %dma_start3A_489] : memref<5x40xi32, #tpu.memory_space<vmem>> -> memref<1x40xi32, #tpu.memory_space<vmem>>
          %dma_start3A_491 = tpu.memref_squeeze %dma_start3A_490 : memref<1x40xi32, #tpu.memory_space<vmem>> -> memref<40xi32, #tpu.memory_space<vmem>>
          %dma_start3A_492 = tpu.memref_slice %arg4[%add3A_466] : memref<320000xi32, #tpu.memory_space<hbm>> -> memref<40xi32, #tpu.memory_space<hbm>>
          tpu.enqueue_dma source(%dma_start3A_492 : memref<40xi32, #tpu.memory_space<hbm>>) target(%dma_start3A_491 : memref<40xi32, #tpu.memory_space<vmem>>) target_semaphore(%run_scoped3A_484 : memref<!tpu.dma_semaphore, #tpu.memory_space<semaphore_mem>>)
          %dma_wait3A_493 = arith.constant 0 : i32
          %dma_wait3A_494 = tpu.memref_slice %arg7[%run_scoped3A_468, %dma_wait3A_493] : memref<5x40xi32, #tpu.memory_space<vmem>> -> memref<1x40xi32, #tpu.memory_space<vmem>>
          %dma_wait3A_495 = tpu.memref_squeeze %dma_wait3A_494 : memref<1x40xi32, #tpu.memory_space<vmem>> -> memref<40xi32, #tpu.memory_space<vmem>>
          %dma_wait3A_496 = tpu.memref_slice %arg4[%add3A_466] : memref<320000xi32, #tpu.memory_space<hbm>> -> memref<40xi32, #tpu.memory_space<hbm>>
          %dma_wait3A_497 = arith.constant 0 : i32
          %dma_wait3A_498 = tpu.memref_slice %arg7[%run_scoped3A_468, %dma_wait3A_497] : memref<5x40xi32, #tpu.memory_space<vmem>> -> memref<1x40xi32, #tpu.memory_space<vmem>>
          %dma_wait3A_499 = tpu.memref_squeeze %dma_wait3A_498 : memref<1x40xi32, #tpu.memory_space<vmem>> -> memref<40xi32, #tpu.memory_space<vmem>>
          %dma_wait3A_500 = tpu.memref_slice %arg4[%add3A_466] : memref<320000xi32, #tpu.memory_space<hbm>> -> memref<40xi32, #tpu.memory_space<hbm>>
          tpu.wait_dma2 semaphore(%run_scoped3A_484 : memref<!tpu.dma_semaphore, #tpu.memory_space<semaphore_mem>>) src(%dma_wait3A_500 : memref<40xi32, #tpu.memory_space<hbm>>) dst(%dma_wait3A_499 : memref<40xi32, #tpu.memory_space<vmem>>)
          tpu.yield
        }) : () -> ()
        %dma_start3A_469 = arith.constant 2 : i32
        %dma_start3A_470 = arith.constant 2 : i32
        %dma_start3A_471 = arith.constant 2 : i32
        %dma_start3A_472 = arith.constant 0 : i32
        %dma_start3A_473 = arith.constant 0 : i32
        %dma_start3A_474 = tpu.memref_slice %arg8[%dma_start3A_470, %dma_start3A_472, %dma_start3A_473] : memref<5x40x128xf32, #tpu.memory_space<vmem>> -> memref<1x40x128xf32, #tpu.memory_space<vmem>>
        %dma_start3A_475 = tpu.memref_squeeze %dma_start3A_474 : memref<1x40x128xf32, #tpu.memory_space<vmem>> -> memref<40x128xf32, #tpu.memory_space<vmem>>
        %dma_start3A_476 = arith.constant 0 : i32
        %dma_start3A_477 = tpu.memref_slice %arg6[%dma_start3A_469, %dma_start3A_476] : memref<5x40xi32, #tpu.memory_space<vmem>> -> memref<1x40xi32, #tpu.memory_space<vmem>>
        %dma_start3A_478 = tpu.memref_squeeze %dma_start3A_477 : memref<1x40xi32, #tpu.memory_space<vmem>> -> memref<40xi32, #tpu.memory_space<vmem>>
        %dma_start3A_479 = arith.constant 0 : i32
        %dma_start3A_480 = arith.constant 0 : i32
        %dma_start3A_481 = tpu.memref_slice %arg2[%dma_start3A_479, %dma_start3A_480] : memref<10240x128xf32, #tpu.memory_space<hbm>> -> memref<10240x128xf32, #tpu.memory_space<hbm>>
        %dma_start3A_482 = tpu.memref_slice %arg11[%dma_start3A_471] : memref<5x!tpu.dma_semaphore, #tpu.memory_space<semaphore_mem>> -> memref<1x!tpu.dma_semaphore, #tpu.memory_space<semaphore_mem>>
        %dma_start3A_483 = tpu.memref_squeeze %dma_start3A_482 : memref<1x!tpu.dma_semaphore, #tpu.memory_space<semaphore_mem>> -> memref<!tpu.dma_semaphore, #tpu.memory_space<semaphore_mem>>
        tpu.enqueue_indirect_dma source(%dma_start3A_481 : memref<10240x128xf32, #tpu.memory_space<hbm>>) target(%dma_start3A_475 : memref<40x128xf32, #tpu.memory_space<vmem>>) offsets(%dma_start3A_478 : memref<40xi32, #tpu.memory_space<vmem>>) semaphore(%dma_start3A_483 : memref<!tpu.dma_semaphore, #tpu.memory_space<semaphore_mem>>)
      } else {
      }
      %mul3A_368 = arith.constant 5 : i32
      %mul3A_369 = arith.muli %scan3A_252, %mul3A_368 : i32
      %add3A_370 = arith.constant 3 : i32
      %add3A_371 = arith.addi %mul3A_369, %add3A_370 : i32
      %dma_wait3A_372 = arith.constant 3 : i32
      %dma_wait3A_373 = arith.constant 3 : i32
      %dma_wait3A_374 = arith.constant 3 : i32
      %dma_wait3A_375 = arith.constant 0 : i32
      %dma_wait3A_376 = arith.constant 0 : i32
      %dma_wait3A_377 = tpu.memref_slice %arg8[%dma_wait3A_373, %dma_wait3A_375, %dma_wait3A_376] : memref<5x40x128xf32, #tpu.memory_space<vmem>> -> memref<1x40x128xf32, #tpu.memory_space<vmem>>
      %dma_wait3A_378 = tpu.memref_squeeze %dma_wait3A_377 : memref<1x40x128xf32, #tpu.memory_space<vmem>> -> memref<40x128xf32, #tpu.memory_space<vmem>>
      %dma_wait3A_379 = arith.constant 0 : i32
      %dma_wait3A_380 = tpu.memref_slice %arg6[%dma_wait3A_372, %dma_wait3A_379] : memref<5x40xi32, #tpu.memory_space<vmem>> -> memref<1x40xi32, #tpu.memory_space<vmem>>
      %dma_wait3A_381 = tpu.memref_squeeze %dma_wait3A_380 : memref<1x40xi32, #tpu.memory_space<vmem>> -> memref<40xi32, #tpu.memory_space<vmem>>
      %dma_wait3A_382 = arith.constant 0 : i32
      %dma_wait3A_383 = arith.constant 0 : i32
      %dma_wait3A_384 = tpu.memref_slice %arg2[%dma_wait3A_382, %dma_wait3A_383] : memref<10240x128xf32, #tpu.memory_space<hbm>> -> memref<10240x128xf32, #tpu.memory_space<hbm>>
      %dma_wait3A_385 = tpu.memref_slice %arg11[%dma_wait3A_374] : memref<5x!tpu.dma_semaphore, #tpu.memory_space<semaphore_mem>> -> memref<1x!tpu.dma_semaphore, #tpu.memory_space<semaphore_mem>>
      %dma_wait3A_386 = tpu.memref_squeeze %dma_wait3A_385 : memref<1x!tpu.dma_semaphore, #tpu.memory_space<semaphore_mem>> -> memref<!tpu.dma_semaphore, #tpu.memory_space<semaphore_mem>>
      tpu.wait_indirect_dma semaphore(%dma_wait3A_386 : memref<!tpu.dma_semaphore, #tpu.memory_space<semaphore_mem>>) src(%dma_wait3A_384 : memref<10240x128xf32, #tpu.memory_space<hbm>>) dst(%dma_wait3A_378 : memref<40x128xf32, #tpu.memory_space<vmem>>)
      %dma_start3A_387 = arith.constant 3 : i32
      %dma_start3A_388 = arith.constant 3 : i32
      %dma_start3A_389 = arith.constant 3 : i32
      %dma_start3A_390 = arith.constant 0 : i32
      %dma_start3A_391 = arith.constant 0 : i32
      %dma_start3A_392 = tpu.memref_slice %arg8[%dma_start3A_387, %dma_start3A_390, %dma_start3A_391] : memref<5x40x128xf32, #tpu.memory_space<vmem>> -> memref<1x40x128xf32, #tpu.memory_space<vmem>>
      %dma_start3A_393 = tpu.memref_squeeze %dma_start3A_392 : memref<1x40x128xf32, #tpu.memory_space<vmem>> -> memref<40x128xf32, #tpu.memory_space<vmem>>
      %dma_start3A_394 = arith.constant 0 : i32
      %dma_start3A_395 = tpu.memref_slice %arg7[%dma_start3A_388, %dma_start3A_394] : memref<5x40xi32, #tpu.memory_space<vmem>> -> memref<1x40xi32, #tpu.memory_space<vmem>>
      %dma_start3A_396 = tpu.memref_squeeze %dma_start3A_395 : memref<1x40xi32, #tpu.memory_space<vmem>> -> memref<40xi32, #tpu.memory_space<vmem>>
      %dma_start3A_397 = arith.constant 0 : i32
      %dma_start3A_398 = arith.constant 0 : i32
      %dma_start3A_399 = tpu.memref_slice %arg10[%dma_start3A_397, %dma_start3A_398] : memref<10240x128xf32, #tpu.memory_space<vmem_shared>> -> memref<10240x128xf32, #tpu.memory_space<vmem_shared>>
      %dma_start3A_400 = tpu.memref_slice %arg12[%dma_start3A_389] : memref<5x!tpu.dma_semaphore, #tpu.memory_space<semaphore_mem>> -> memref<1x!tpu.dma_semaphore, #tpu.memory_space<semaphore_mem>>
      %dma_start3A_401 = tpu.memref_squeeze %dma_start3A_400 : memref<1x!tpu.dma_semaphore, #tpu.memory_space<semaphore_mem>> -> memref<!tpu.dma_semaphore, #tpu.memory_space<semaphore_mem>>
      tpu.enqueue_indirect_dma source(%dma_start3A_393 : memref<40x128xf32, #tpu.memory_space<vmem>>) target(%dma_start3A_399 : memref<10240x128xf32, #tpu.memory_space<vmem_shared>>) offsets(%dma_start3A_396 : memref<40xi32, #tpu.memory_space<vmem>>) semaphore(%dma_start3A_401 : memref<!tpu.dma_semaphore, #tpu.memory_space<semaphore_mem>>) {add = true}
      %lt3A_402 = arith.constant 49 : i32
      %lt3A_403 = arith.cmpi slt, %scan3A_252, %lt3A_402 : i32
      %convert_element_type3A_404 = arith.extui %lt3A_403 : i1 to i32
      %cond3A_405 = arith.constant 0 : i32
      %cond3A_406 = arith.cmpi ne, %convert_element_type3A_404, %cond3A_405 : i32
      scf.if %cond3A_406 {
        %dma_wait3A_447 = arith.constant 3 : i32
        %dma_wait3A_448 = arith.constant 3 : i32
        %dma_wait3A_449 = arith.constant 3 : i32
        %dma_wait3A_450 = arith.constant 0 : i32
        %dma_wait3A_451 = arith.constant 0 : i32
        %dma_wait3A_452 = tpu.memref_slice %arg8[%dma_wait3A_447, %dma_wait3A_450, %dma_wait3A_451] : memref<5x40x128xf32, #tpu.memory_space<vmem>> -> memref<1x40x128xf32, #tpu.memory_space<vmem>>
        %dma_wait3A_453 = tpu.memref_squeeze %dma_wait3A_452 : memref<1x40x128xf32, #tpu.memory_space<vmem>> -> memref<40x128xf32, #tpu.memory_space<vmem>>
        %dma_wait3A_454 = arith.constant 0 : i32
        %dma_wait3A_455 = tpu.memref_slice %arg7[%dma_wait3A_448, %dma_wait3A_454] : memref<5x40xi32, #tpu.memory_space<vmem>> -> memref<1x40xi32, #tpu.memory_space<vmem>>
        %dma_wait3A_456 = tpu.memref_squeeze %dma_wait3A_455 : memref<1x40xi32, #tpu.memory_space<vmem>> -> memref<40xi32, #tpu.memory_space<vmem>>
        %dma_wait3A_457 = arith.constant 0 : i32
        %dma_wait3A_458 = arith.constant 0 : i32
        %dma_wait3A_459 = tpu.memref_slice %arg10[%dma_wait3A_457, %dma_wait3A_458] : memref<10240x128xf32, #tpu.memory_space<vmem_shared>> -> memref<10240x128xf32, #tpu.memory_space<vmem_shared>>
        %dma_wait3A_460 = tpu.memref_slice %arg12[%dma_wait3A_449] : memref<5x!tpu.dma_semaphore, #tpu.memory_space<semaphore_mem>> -> memref<1x!tpu.dma_semaphore, #tpu.memory_space<semaphore_mem>>
        %dma_wait3A_461 = tpu.memref_squeeze %dma_wait3A_460 : memref<1x!tpu.dma_semaphore, #tpu.memory_space<semaphore_mem>> -> memref<!tpu.dma_semaphore, #tpu.memory_space<semaphore_mem>>
        tpu.wait_indirect_dma semaphore(%dma_wait3A_461 : memref<!tpu.dma_semaphore, #tpu.memory_space<semaphore_mem>>) src(%dma_wait3A_453 : memref<40x128xf32, #tpu.memory_space<vmem>>) dst(%dma_wait3A_459 : memref<10240x128xf32, #tpu.memory_space<vmem_shared>>)
        %add3A_462 = arith.constant 5 : i32
        %add3A_463 = arith.addi %add3A_371, %add3A_462 : i32
        %mul3A_464 = arith.constant 40 : i32
        %mul3A_465 = arith.muli %add3A_463, %mul3A_464 : i32
        %add3A_466 = arith.addi %mul3A_2, %mul3A_465 : i32
        %run_scoped3A_467 = arith.constant 3 : i32
        "tpu.region"() ({
          %run_scoped3A_484 = tpu.sem_alloc : memref<!tpu.dma_semaphore, #tpu.memory_space<semaphore_mem>>
          %dma_start3A_485 = arith.constant 0 : i32
          %dma_start3A_486 = tpu.memref_slice %arg6[%run_scoped3A_467, %dma_start3A_485] : memref<5x40xi32, #tpu.memory_space<vmem>> -> memref<1x40xi32, #tpu.memory_space<vmem>>
          %dma_start3A_487 = tpu.memref_squeeze %dma_start3A_486 : memref<1x40xi32, #tpu.memory_space<vmem>> -> memref<40xi32, #tpu.memory_space<vmem>>
          %dma_start3A_488 = tpu.memref_slice %arg3[%add3A_466] : memref<320000xi32, #tpu.memory_space<hbm>> -> memref<40xi32, #tpu.memory_space<hbm>>
          %dma_start3A_489 = arith.constant 0 : i32
          %dma_start3A_490 = tpu.memref_slice %arg6[%run_scoped3A_467, %dma_start3A_489] : memref<5x40xi32, #tpu.memory_space<vmem>> -> memref<1x40xi32, #tpu.memory_space<vmem>>
          %dma_start3A_491 = tpu.memref_squeeze %dma_start3A_490 : memref<1x40xi32, #tpu.memory_space<vmem>> -> memref<40xi32, #tpu.memory_space<vmem>>
          %dma_start3A_492 = tpu.memref_slice %arg3[%add3A_466] : memref<320000xi32, #tpu.memory_space<hbm>> -> memref<40xi32, #tpu.memory_space<hbm>>
          tpu.enqueue_dma source(%dma_start3A_492 : memref<40xi32, #tpu.memory_space<hbm>>) target(%dma_start3A_491 : memref<40xi32, #tpu.memory_space<vmem>>) target_semaphore(%run_scoped3A_484 : memref<!tpu.dma_semaphore, #tpu.memory_space<semaphore_mem>>)
          %dma_wait3A_493 = arith.constant 0 : i32
          %dma_wait3A_494 = tpu.memref_slice %arg6[%run_scoped3A_467, %dma_wait3A_493] : memref<5x40xi32, #tpu.memory_space<vmem>> -> memref<1x40xi32, #tpu.memory_space<vmem>>
          %dma_wait3A_495 = tpu.memref_squeeze %dma_wait3A_494 : memref<1x40xi32, #tpu.memory_space<vmem>> -> memref<40xi32, #tpu.memory_space<vmem>>
          %dma_wait3A_496 = tpu.memref_slice %arg3[%add3A_466] : memref<320000xi32, #tpu.memory_space<hbm>> -> memref<40xi32, #tpu.memory_space<hbm>>
          %dma_wait3A_497 = arith.constant 0 : i32
          %dma_wait3A_498 = tpu.memref_slice %arg6[%run_scoped3A_467, %dma_wait3A_497] : memref<5x40xi32, #tpu.memory_space<vmem>> -> memref<1x40xi32, #tpu.memory_space<vmem>>
          %dma_wait3A_499 = tpu.memref_squeeze %dma_wait3A_498 : memref<1x40xi32, #tpu.memory_space<vmem>> -> memref<40xi32, #tpu.memory_space<vmem>>
          %dma_wait3A_500 = tpu.memref_slice %arg3[%add3A_466] : memref<320000xi32, #tpu.memory_space<hbm>> -> memref<40xi32, #tpu.memory_space<hbm>>
          tpu.wait_dma2 semaphore(%run_scoped3A_484 : memref<!tpu.dma_semaphore, #tpu.memory_space<semaphore_mem>>) src(%dma_wait3A_500 : memref<40xi32, #tpu.memory_space<hbm>>) dst(%dma_wait3A_499 : memref<40xi32, #tpu.memory_space<vmem>>)
          tpu.yield
        }) : () -> ()
        %run_scoped3A_468 = arith.constant 3 : i32
        "tpu.region"() ({
          %run_scoped3A_484 = tpu.sem_alloc : memref<!tpu.dma_semaphore, #tpu.memory_space<semaphore_mem>>
          %dma_start3A_485 = arith.constant 0 : i32
          %dma_start3A_486 = tpu.memref_slice %arg7[%run_scoped3A_468, %dma_start3A_485] : memref<5x40xi32, #tpu.memory_space<vmem>> -> memref<1x40xi32, #tpu.memory_space<vmem>>
          %dma_start3A_487 = tpu.memref_squeeze %dma_start3A_486 : memref<1x40xi32, #tpu.memory_space<vmem>> -> memref<40xi32, #tpu.memory_space<vmem>>
          %dma_start3A_488 = tpu.memref_slice %arg4[%add3A_466] : memref<320000xi32, #tpu.memory_space<hbm>> -> memref<40xi32, #tpu.memory_space<hbm>>
          %dma_start3A_489 = arith.constant 0 : i32
          %dma_start3A_490 = tpu.memref_slice %arg7[%run_scoped3A_468, %dma_start3A_489] : memref<5x40xi32, #tpu.memory_space<vmem>> -> memref<1x40xi32, #tpu.memory_space<vmem>>
          %dma_start3A_491 = tpu.memref_squeeze %dma_start3A_490 : memref<1x40xi32, #tpu.memory_space<vmem>> -> memref<40xi32, #tpu.memory_space<vmem>>
          %dma_start3A_492 = tpu.memref_slice %arg4[%add3A_466] : memref<320000xi32, #tpu.memory_space<hbm>> -> memref<40xi32, #tpu.memory_space<hbm>>
          tpu.enqueue_dma source(%dma_start3A_492 : memref<40xi32, #tpu.memory_space<hbm>>) target(%dma_start3A_491 : memref<40xi32, #tpu.memory_space<vmem>>) target_semaphore(%run_scoped3A_484 : memref<!tpu.dma_semaphore, #tpu.memory_space<semaphore_mem>>)
          %dma_wait3A_493 = arith.constant 0 : i32
          %dma_wait3A_494 = tpu.memref_slice %arg7[%run_scoped3A_468, %dma_wait3A_493] : memref<5x40xi32, #tpu.memory_space<vmem>> -> memref<1x40xi32, #tpu.memory_space<vmem>>
          %dma_wait3A_495 = tpu.memref_squeeze %dma_wait3A_494 : memref<1x40xi32, #tpu.memory_space<vmem>> -> memref<40xi32, #tpu.memory_space<vmem>>
          %dma_wait3A_496 = tpu.memref_slice %arg4[%add3A_466] : memref<320000xi32, #tpu.memory_space<hbm>> -> memref<40xi32, #tpu.memory_space<hbm>>
          %dma_wait3A_497 = arith.constant 0 : i32
          %dma_wait3A_498 = tpu.memref_slice %arg7[%run_scoped3A_468, %dma_wait3A_497] : memref<5x40xi32, #tpu.memory_space<vmem>> -> memref<1x40xi32, #tpu.memory_space<vmem>>
          %dma_wait3A_499 = tpu.memref_squeeze %dma_wait3A_498 : memref<1x40xi32, #tpu.memory_space<vmem>> -> memref<40xi32, #tpu.memory_space<vmem>>
          %dma_wait3A_500 = tpu.memref_slice %arg4[%add3A_466] : memref<320000xi32, #tpu.memory_space<hbm>> -> memref<40xi32, #tpu.memory_space<hbm>>
          tpu.wait_dma2 semaphore(%run_scoped3A_484 : memref<!tpu.dma_semaphore, #tpu.memory_space<semaphore_mem>>) src(%dma_wait3A_500 : memref<40xi32, #tpu.memory_space<hbm>>) dst(%dma_wait3A_499 : memref<40xi32, #tpu.memory_space<vmem>>)
          tpu.yield
        }) : () -> ()
        %dma_start3A_469 = arith.constant 3 : i32
        %dma_start3A_470 = arith.constant 3 : i32
        %dma_start3A_471 = arith.constant 3 : i32
        %dma_start3A_472 = arith.constant 0 : i32
        %dma_start3A_473 = arith.constant 0 : i32
        %dma_start3A_474 = tpu.memref_slice %arg8[%dma_start3A_470, %dma_start3A_472, %dma_start3A_473] : memref<5x40x128xf32, #tpu.memory_space<vmem>> -> memref<1x40x128xf32, #tpu.memory_space<vmem>>
        %dma_start3A_475 = tpu.memref_squeeze %dma_start3A_474 : memref<1x40x128xf32, #tpu.memory_space<vmem>> -> memref<40x128xf32, #tpu.memory_space<vmem>>
        %dma_start3A_476 = arith.constant 0 : i32
        %dma_start3A_477 = tpu.memref_slice %arg6[%dma_start3A_469, %dma_start3A_476] : memref<5x40xi32, #tpu.memory_space<vmem>> -> memref<1x40xi32, #tpu.memory_space<vmem>>
        %dma_start3A_478 = tpu.memref_squeeze %dma_start3A_477 : memref<1x40xi32, #tpu.memory_space<vmem>> -> memref<40xi32, #tpu.memory_space<vmem>>
        %dma_start3A_479 = arith.constant 0 : i32
        %dma_start3A_480 = arith.constant 0 : i32
        %dma_start3A_481 = tpu.memref_slice %arg2[%dma_start3A_479, %dma_start3A_480] : memref<10240x128xf32, #tpu.memory_space<hbm>> -> memref<10240x128xf32, #tpu.memory_space<hbm>>
        %dma_start3A_482 = tpu.memref_slice %arg11[%dma_start3A_471] : memref<5x!tpu.dma_semaphore, #tpu.memory_space<semaphore_mem>> -> memref<1x!tpu.dma_semaphore, #tpu.memory_space<semaphore_mem>>
        %dma_start3A_483 = tpu.memref_squeeze %dma_start3A_482 : memref<1x!tpu.dma_semaphore, #tpu.memory_space<semaphore_mem>> -> memref<!tpu.dma_semaphore, #tpu.memory_space<semaphore_mem>>
        tpu.enqueue_indirect_dma source(%dma_start3A_481 : memref<10240x128xf32, #tpu.memory_space<hbm>>) target(%dma_start3A_475 : memref<40x128xf32, #tpu.memory_space<vmem>>) offsets(%dma_start3A_478 : memref<40xi32, #tpu.memory_space<vmem>>) semaphore(%dma_start3A_483 : memref<!tpu.dma_semaphore, #tpu.memory_space<semaphore_mem>>)
      } else {
      }
      %mul3A_407 = arith.constant 5 : i32
      %mul3A_408 = arith.muli %scan3A_252, %mul3A_407 : i32
      %add3A_409 = arith.constant 4 : i32
      %add3A_410 = arith.addi %mul3A_408, %add3A_409 : i32
      %dma_wait3A_411 = arith.constant 4 : i32
      %dma_wait3A_412 = arith.constant 4 : i32
      %dma_wait3A_413 = arith.constant 4 : i32
      %dma_wait3A_414 = arith.constant 0 : i32
      %dma_wait3A_415 = arith.constant 0 : i32
      %dma_wait3A_416 = tpu.memref_slice %arg8[%dma_wait3A_412, %dma_wait3A_414, %dma_wait3A_415] : memref<5x40x128xf32, #tpu.memory_space<vmem>> -> memref<1x40x128xf32, #tpu.memory_space<vmem>>
      %dma_wait3A_417 = tpu.memref_squeeze %dma_wait3A_416 : memref<1x40x128xf32, #tpu.memory_space<vmem>> -> memref<40x128xf32, #tpu.memory_space<vmem>>
      %dma_wait3A_418 = arith.constant 0 : i32
      %dma_wait3A_419 = tpu.memref_slice %arg6[%dma_wait3A_411, %dma_wait3A_418] : memref<5x40xi32, #tpu.memory_space<vmem>> -> memref<1x40xi32, #tpu.memory_space<vmem>>
      %dma_wait3A_420 = tpu.memref_squeeze %dma_wait3A_419 : memref<1x40xi32, #tpu.memory_space<vmem>> -> memref<40xi32, #tpu.memory_space<vmem>>
      %dma_wait3A_421 = arith.constant 0 : i32
      %dma_wait3A_422 = arith.constant 0 : i32
      %dma_wait3A_423 = tpu.memref_slice %arg2[%dma_wait3A_421, %dma_wait3A_422] : memref<10240x128xf32, #tpu.memory_space<hbm>> -> memref<10240x128xf32, #tpu.memory_space<hbm>>
      %dma_wait3A_424 = tpu.memref_slice %arg11[%dma_wait3A_413] : memref<5x!tpu.dma_semaphore, #tpu.memory_space<semaphore_mem>> -> memref<1x!tpu.dma_semaphore, #tpu.memory_space<semaphore_mem>>
      %dma_wait3A_425 = tpu.memref_squeeze %dma_wait3A_424 : memref<1x!tpu.dma_semaphore, #tpu.memory_space<semaphore_mem>> -> memref<!tpu.dma_semaphore, #tpu.memory_space<semaphore_mem>>
      tpu.wait_indirect_dma semaphore(%dma_wait3A_425 : memref<!tpu.dma_semaphore, #tpu.memory_space<semaphore_mem>>) src(%dma_wait3A_423 : memref<10240x128xf32, #tpu.memory_space<hbm>>) dst(%dma_wait3A_417 : memref<40x128xf32, #tpu.memory_space<vmem>>)
      %dma_start3A_426 = arith.constant 4 : i32
      %dma_start3A_427 = arith.constant 4 : i32
      %dma_start3A_428 = arith.constant 4 : i32
      %dma_start3A_429 = arith.constant 0 : i32
      %dma_start3A_430 = arith.constant 0 : i32
      %dma_start3A_431 = tpu.memref_slice %arg8[%dma_start3A_426, %dma_start3A_429, %dma_start3A_430] : memref<5x40x128xf32, #tpu.memory_space<vmem>> -> memref<1x40x128xf32, #tpu.memory_space<vmem>>
      %dma_start3A_432 = tpu.memref_squeeze %dma_start3A_431 : memref<1x40x128xf32, #tpu.memory_space<vmem>> -> memref<40x128xf32, #tpu.memory_space<vmem>>
      %dma_start3A_433 = arith.constant 0 : i32
      %dma_start3A_434 = tpu.memref_slice %arg7[%dma_start3A_427, %dma_start3A_433] : memref<5x40xi32, #tpu.memory_space<vmem>> -> memref<1x40xi32, #tpu.memory_space<vmem>>
      %dma_start3A_435 = tpu.memref_squeeze %dma_start3A_434 : memref<1x40xi32, #tpu.memory_space<vmem>> -> memref<40xi32, #tpu.memory_space<vmem>>
      %dma_start3A_436 = arith.constant 0 : i32
      %dma_start3A_437 = arith.constant 0 : i32
      %dma_start3A_438 = tpu.memref_slice %arg10[%dma_start3A_436, %dma_start3A_437] : memref<10240x128xf32, #tpu.memory_space<vmem_shared>> -> memref<10240x128xf32, #tpu.memory_space<vmem_shared>>
      %dma_start3A_439 = tpu.memref_slice %arg12[%dma_start3A_428] : memref<5x!tpu.dma_semaphore, #tpu.memory_space<semaphore_mem>> -> memref<1x!tpu.dma_semaphore, #tpu.memory_space<semaphore_mem>>
      %dma_start3A_440 = tpu.memref_squeeze %dma_start3A_439 : memref<1x!tpu.dma_semaphore, #tpu.memory_space<semaphore_mem>> -> memref<!tpu.dma_semaphore, #tpu.memory_space<semaphore_mem>>
      tpu.enqueue_indirect_dma source(%dma_start3A_432 : memref<40x128xf32, #tpu.memory_space<vmem>>) target(%dma_start3A_438 : memref<10240x128xf32, #tpu.memory_space<vmem_shared>>) offsets(%dma_start3A_435 : memref<40xi32, #tpu.memory_space<vmem>>) semaphore(%dma_start3A_440 : memref<!tpu.dma_semaphore, #tpu.memory_space<semaphore_mem>>) {add = true}
      %lt3A_441 = arith.constant 49 : i32
      %lt3A_442 = arith.cmpi slt, %scan3A_252, %lt3A_441 : i32
      %convert_element_type3A_443 = arith.extui %lt3A_442 : i1 to i32
      %cond3A_444 = arith.constant 0 : i32
      %cond3A_445 = arith.cmpi ne, %convert_element_type3A_443, %cond3A_444 : i32
      scf.if %cond3A_445 {
        %dma_wait3A_447 = arith.constant 4 : i32
        %dma_wait3A_448 = arith.constant 4 : i32
        %dma_wait3A_449 = arith.constant 4 : i32
        %dma_wait3A_450 = arith.constant 0 : i32
        %dma_wait3A_451 = arith.constant 0 : i32
        %dma_wait3A_452 = tpu.memref_slice %arg8[%dma_wait3A_447, %dma_wait3A_450, %dma_wait3A_451] : memref<5x40x128xf32, #tpu.memory_space<vmem>> -> memref<1x40x128xf32, #tpu.memory_space<vmem>>
        %dma_wait3A_453 = tpu.memref_squeeze %dma_wait3A_452 : memref<1x40x128xf32, #tpu.memory_space<vmem>> -> memref<40x128xf32, #tpu.memory_space<vmem>>
        %dma_wait3A_454 = arith.constant 0 : i32
        %dma_wait3A_455 = tpu.memref_slice %arg7[%dma_wait3A_448, %dma_wait3A_454] : memref<5x40xi32, #tpu.memory_space<vmem>> -> memref<1x40xi32, #tpu.memory_space<vmem>>
        %dma_wait3A_456 = tpu.memref_squeeze %dma_wait3A_455 : memref<1x40xi32, #tpu.memory_space<vmem>> -> memref<40xi32, #tpu.memory_space<vmem>>
        %dma_wait3A_457 = arith.constant 0 : i32
        %dma_wait3A_458 = arith.constant 0 : i32
        %dma_wait3A_459 = tpu.memref_slice %arg10[%dma_wait3A_457, %dma_wait3A_458] : memref<10240x128xf32, #tpu.memory_space<vmem_shared>> -> memref<10240x128xf32, #tpu.memory_space<vmem_shared>>
        %dma_wait3A_460 = tpu.memref_slice %arg12[%dma_wait3A_449] : memref<5x!tpu.dma_semaphore, #tpu.memory_space<semaphore_mem>> -> memref<1x!tpu.dma_semaphore, #tpu.memory_space<semaphore_mem>>
        %dma_wait3A_461 = tpu.memref_squeeze %dma_wait3A_460 : memref<1x!tpu.dma_semaphore, #tpu.memory_space<semaphore_mem>> -> memref<!tpu.dma_semaphore, #tpu.memory_space<semaphore_mem>>
        tpu.wait_indirect_dma semaphore(%dma_wait3A_461 : memref<!tpu.dma_semaphore, #tpu.memory_space<semaphore_mem>>) src(%dma_wait3A_453 : memref<40x128xf32, #tpu.memory_space<vmem>>) dst(%dma_wait3A_459 : memref<10240x128xf32, #tpu.memory_space<vmem_shared>>)
        %add3A_462 = arith.constant 5 : i32
        %add3A_463 = arith.addi %add3A_410, %add3A_462 : i32
        %mul3A_464 = arith.constant 40 : i32
        %mul3A_465 = arith.muli %add3A_463, %mul3A_464 : i32
        %add3A_466 = arith.addi %mul3A_2, %mul3A_465 : i32
        %run_scoped3A_467 = arith.constant 4 : i32
        "tpu.region"() ({
          %run_scoped3A_484 = tpu.sem_alloc : memref<!tpu.dma_semaphore, #tpu.memory_space<semaphore_mem>>
          %dma_start3A_485 = arith.constant 0 : i32
          %dma_start3A_486 = tpu.memref_slice %arg6[%run_scoped3A_467, %dma_start3A_485] : memref<5x40xi32, #tpu.memory_space<vmem>> -> memref<1x40xi32, #tpu.memory_space<vmem>>
          %dma_start3A_487 = tpu.memref_squeeze %dma_start3A_486 : memref<1x40xi32, #tpu.memory_space<vmem>> -> memref<40xi32, #tpu.memory_space<vmem>>
          %dma_start3A_488 = tpu.memref_slice %arg3[%add3A_466] : memref<320000xi32, #tpu.memory_space<hbm>> -> memref<40xi32, #tpu.memory_space<hbm>>
          %dma_start3A_489 = arith.constant 0 : i32
          %dma_start3A_490 = tpu.memref_slice %arg6[%run_scoped3A_467, %dma_start3A_489] : memref<5x40xi32, #tpu.memory_space<vmem>> -> memref<1x40xi32, #tpu.memory_space<vmem>>
          %dma_start3A_491 = tpu.memref_squeeze %dma_start3A_490 : memref<1x40xi32, #tpu.memory_space<vmem>> -> memref<40xi32, #tpu.memory_space<vmem>>
          %dma_start3A_492 = tpu.memref_slice %arg3[%add3A_466] : memref<320000xi32, #tpu.memory_space<hbm>> -> memref<40xi32, #tpu.memory_space<hbm>>
          tpu.enqueue_dma source(%dma_start3A_492 : memref<40xi32, #tpu.memory_space<hbm>>) target(%dma_start3A_491 : memref<40xi32, #tpu.memory_space<vmem>>) target_semaphore(%run_scoped3A_484 : memref<!tpu.dma_semaphore, #tpu.memory_space<semaphore_mem>>)
          %dma_wait3A_493 = arith.constant 0 : i32
          %dma_wait3A_494 = tpu.memref_slice %arg6[%run_scoped3A_467, %dma_wait3A_493] : memref<5x40xi32, #tpu.memory_space<vmem>> -> memref<1x40xi32, #tpu.memory_space<vmem>>
          %dma_wait3A_495 = tpu.memref_squeeze %dma_wait3A_494 : memref<1x40xi32, #tpu.memory_space<vmem>> -> memref<40xi32, #tpu.memory_space<vmem>>
          %dma_wait3A_496 = tpu.memref_slice %arg3[%add3A_466] : memref<320000xi32, #tpu.memory_space<hbm>> -> memref<40xi32, #tpu.memory_space<hbm>>
          %dma_wait3A_497 = arith.constant 0 : i32
          %dma_wait3A_498 = tpu.memref_slice %arg6[%run_scoped3A_467, %dma_wait3A_497] : memref<5x40xi32, #tpu.memory_space<vmem>> -> memref<1x40xi32, #tpu.memory_space<vmem>>
          %dma_wait3A_499 = tpu.memref_squeeze %dma_wait3A_498 : memref<1x40xi32, #tpu.memory_space<vmem>> -> memref<40xi32, #tpu.memory_space<vmem>>
          %dma_wait3A_500 = tpu.memref_slice %arg3[%add3A_466] : memref<320000xi32, #tpu.memory_space<hbm>> -> memref<40xi32, #tpu.memory_space<hbm>>
          tpu.wait_dma2 semaphore(%run_scoped3A_484 : memref<!tpu.dma_semaphore, #tpu.memory_space<semaphore_mem>>) src(%dma_wait3A_500 : memref<40xi32, #tpu.memory_space<hbm>>) dst(%dma_wait3A_499 : memref<40xi32, #tpu.memory_space<vmem>>)
          tpu.yield
        }) : () -> ()
        %run_scoped3A_468 = arith.constant 4 : i32
        "tpu.region"() ({
          %run_scoped3A_484 = tpu.sem_alloc : memref<!tpu.dma_semaphore, #tpu.memory_space<semaphore_mem>>
          %dma_start3A_485 = arith.constant 0 : i32
          %dma_start3A_486 = tpu.memref_slice %arg7[%run_scoped3A_468, %dma_start3A_485] : memref<5x40xi32, #tpu.memory_space<vmem>> -> memref<1x40xi32, #tpu.memory_space<vmem>>
          %dma_start3A_487 = tpu.memref_squeeze %dma_start3A_486 : memref<1x40xi32, #tpu.memory_space<vmem>> -> memref<40xi32, #tpu.memory_space<vmem>>
          %dma_start3A_488 = tpu.memref_slice %arg4[%add3A_466] : memref<320000xi32, #tpu.memory_space<hbm>> -> memref<40xi32, #tpu.memory_space<hbm>>
          %dma_start3A_489 = arith.constant 0 : i32
          %dma_start3A_490 = tpu.memref_slice %arg7[%run_scoped3A_468, %dma_start3A_489] : memref<5x40xi32, #tpu.memory_space<vmem>> -> memref<1x40xi32, #tpu.memory_space<vmem>>
          %dma_start3A_491 = tpu.memref_squeeze %dma_start3A_490 : memref<1x40xi32, #tpu.memory_space<vmem>> -> memref<40xi32, #tpu.memory_space<vmem>>
          %dma_start3A_492 = tpu.memref_slice %arg4[%add3A_466] : memref<320000xi32, #tpu.memory_space<hbm>> -> memref<40xi32, #tpu.memory_space<hbm>>
          tpu.enqueue_dma source(%dma_start3A_492 : memref<40xi32, #tpu.memory_space<hbm>>) target(%dma_start3A_491 : memref<40xi32, #tpu.memory_space<vmem>>) target_semaphore(%run_scoped3A_484 : memref<!tpu.dma_semaphore, #tpu.memory_space<semaphore_mem>>)
          %dma_wait3A_493 = arith.constant 0 : i32
          %dma_wait3A_494 = tpu.memref_slice %arg7[%run_scoped3A_468, %dma_wait3A_493] : memref<5x40xi32, #tpu.memory_space<vmem>> -> memref<1x40xi32, #tpu.memory_space<vmem>>
          %dma_wait3A_495 = tpu.memref_squeeze %dma_wait3A_494 : memref<1x40xi32, #tpu.memory_space<vmem>> -> memref<40xi32, #tpu.memory_space<vmem>>
          %dma_wait3A_496 = tpu.memref_slice %arg4[%add3A_466] : memref<320000xi32, #tpu.memory_space<hbm>> -> memref<40xi32, #tpu.memory_space<hbm>>
          %dma_wait3A_497 = arith.constant 0 : i32
          %dma_wait3A_498 = tpu.memref_slice %arg7[%run_scoped3A_468, %dma_wait3A_497] : memref<5x40xi32, #tpu.memory_space<vmem>> -> memref<1x40xi32, #tpu.memory_space<vmem>>
          %dma_wait3A_499 = tpu.memref_squeeze %dma_wait3A_498 : memref<1x40xi32, #tpu.memory_space<vmem>> -> memref<40xi32, #tpu.memory_space<vmem>>
          %dma_wait3A_500 = tpu.memref_slice %arg4[%add3A_466] : memref<320000xi32, #tpu.memory_space<hbm>> -> memref<40xi32, #tpu.memory_space<hbm>>
          tpu.wait_dma2 semaphore(%run_scoped3A_484 : memref<!tpu.dma_semaphore, #tpu.memory_space<semaphore_mem>>) src(%dma_wait3A_500 : memref<40xi32, #tpu.memory_space<hbm>>) dst(%dma_wait3A_499 : memref<40xi32, #tpu.memory_space<vmem>>)
          tpu.yield
        }) : () -> ()
        %dma_start3A_469 = arith.constant 4 : i32
        %dma_start3A_470 = arith.constant 4 : i32
        %dma_start3A_471 = arith.constant 4 : i32
        %dma_start3A_472 = arith.constant 0 : i32
        %dma_start3A_473 = arith.constant 0 : i32
        %dma_start3A_474 = tpu.memref_slice %arg8[%dma_start3A_470, %dma_start3A_472, %dma_start3A_473] : memref<5x40x128xf32, #tpu.memory_space<vmem>> -> memref<1x40x128xf32, #tpu.memory_space<vmem>>
        %dma_start3A_475 = tpu.memref_squeeze %dma_start3A_474 : memref<1x40x128xf32, #tpu.memory_space<vmem>> -> memref<40x128xf32, #tpu.memory_space<vmem>>
        %dma_start3A_476 = arith.constant 0 : i32
        %dma_start3A_477 = tpu.memref_slice %arg6[%dma_start3A_469, %dma_start3A_476] : memref<5x40xi32, #tpu.memory_space<vmem>> -> memref<1x40xi32, #tpu.memory_space<vmem>>
        %dma_start3A_478 = tpu.memref_squeeze %dma_start3A_477 : memref<1x40xi32, #tpu.memory_space<vmem>> -> memref<40xi32, #tpu.memory_space<vmem>>
        %dma_start3A_479 = arith.constant 0 : i32
        %dma_start3A_480 = arith.constant 0 : i32
        %dma_start3A_481 = tpu.memref_slice %arg2[%dma_start3A_479, %dma_start3A_480] : memref<10240x128xf32, #tpu.memory_space<hbm>> -> memref<10240x128xf32, #tpu.memory_space<hbm>>
        %dma_start3A_482 = tpu.memref_slice %arg11[%dma_start3A_471] : memref<5x!tpu.dma_semaphore, #tpu.memory_space<semaphore_mem>> -> memref<1x!tpu.dma_semaphore, #tpu.memory_space<semaphore_mem>>
        %dma_start3A_483 = tpu.memref_squeeze %dma_start3A_482 : memref<1x!tpu.dma_semaphore, #tpu.memory_space<semaphore_mem>> -> memref<!tpu.dma_semaphore, #tpu.memory_space<semaphore_mem>>
        tpu.enqueue_indirect_dma source(%dma_start3A_481 : memref<10240x128xf32, #tpu.memory_space<hbm>>) target(%dma_start3A_475 : memref<40x128xf32, #tpu.memory_space<vmem>>) offsets(%dma_start3A_478 : memref<40xi32, #tpu.memory_space<vmem>>) semaphore(%dma_start3A_483 : memref<!tpu.dma_semaphore, #tpu.memory_space<semaphore_mem>>)
      } else {
      }
      %scan3A_446 = arith.constant 0 : i32
      scf.yield %scan3A_446 : i32
    }
    %scan3A_125 = arith.constant 50 : i32
    %dma_wait3A = arith.constant 0 : i32
    %dma_wait3A_126 = arith.constant 0 : i32
    %dma_wait3A_127 = arith.constant 0 : i32
    %dma_wait3A_128 = arith.constant 0 : i32
    %dma_wait3A_129 = arith.constant 0 : i32
    %dma_wait3A_130 = tpu.memref_slice %arg8[%dma_wait3A, %dma_wait3A_128, %dma_wait3A_129] : memref<5x40x128xf32, #tpu.memory_space<vmem>> -> memref<1x40x128xf32, #tpu.memory_space<vmem>>
    %dma_wait3A_131 = tpu.memref_squeeze %dma_wait3A_130 : memref<1x40x128xf32, #tpu.memory_space<vmem>> -> memref<40x128xf32, #tpu.memory_space<vmem>>
    %dma_wait3A_132 = arith.constant 0 : i32
    %dma_wait3A_133 = tpu.memref_slice %arg7[%dma_wait3A_126, %dma_wait3A_132] : memref<5x40xi32, #tpu.memory_space<vmem>> -> memref<1x40xi32, #tpu.memory_space<vmem>>
    %dma_wait3A_134 = tpu.memref_squeeze %dma_wait3A_133 : memref<1x40xi32, #tpu.memory_space<vmem>> -> memref<40xi32, #tpu.memory_space<vmem>>
    %dma_wait3A_135 = arith.constant 0 : i32
    %dma_wait3A_136 = arith.constant 0 : i32
    %dma_wait3A_137 = tpu.memref_slice %arg10[%dma_wait3A_135, %dma_wait3A_136] : memref<10240x128xf32, #tpu.memory_space<vmem_shared>> -> memref<10240x128xf32, #tpu.memory_space<vmem_shared>>
    %dma_wait3A_138 = tpu.memref_slice %arg12[%dma_wait3A_127] : memref<5x!tpu.dma_semaphore, #tpu.memory_space<semaphore_mem>> -> memref<1x!tpu.dma_semaphore, #tpu.memory_space<semaphore_mem>>
    %dma_wait3A_139 = tpu.memref_squeeze %dma_wait3A_138 : memref<1x!tpu.dma_semaphore, #tpu.memory_space<semaphore_mem>> -> memref<!tpu.dma_semaphore, #tpu.memory_space<semaphore_mem>>
    tpu.wait_indirect_dma semaphore(%dma_wait3A_139 : memref<!tpu.dma_semaphore, #tpu.memory_space<semaphore_mem>>) src(%dma_wait3A_131 : memref<40x128xf32, #tpu.memory_space<vmem>>) dst(%dma_wait3A_137 : memref<10240x128xf32, #tpu.memory_space<vmem_shared>>)
    %dma_wait3A_140 = arith.constant 1 : i32
    %dma_wait3A_141 = arith.constant 1 : i32
    %dma_wait3A_142 = arith.constant 1 : i32
    %dma_wait3A_143 = arith.constant 0 : i32
    %dma_wait3A_144 = arith.constant 0 : i32
    %dma_wait3A_145 = tpu.memref_slice %arg8[%dma_wait3A_140, %dma_wait3A_143, %dma_wait3A_144] : memref<5x40x128xf32, #tpu.memory_space<vmem>> -> memref<1x40x128xf32, #tpu.memory_space<vmem>>
    %dma_wait3A_146 = tpu.memref_squeeze %dma_wait3A_145 : memref<1x40x128xf32, #tpu.memory_space<vmem>> -> memref<40x128xf32, #tpu.memory_space<vmem>>
    %dma_wait3A_147 = arith.constant 0 : i32
    %dma_wait3A_148 = tpu.memref_slice %arg7[%dma_wait3A_141, %dma_wait3A_147] : memref<5x40xi32, #tpu.memory_space<vmem>> -> memref<1x40xi32, #tpu.memory_space<vmem>>
    %dma_wait3A_149 = tpu.memref_squeeze %dma_wait3A_148 : memref<1x40xi32, #tpu.memory_space<vmem>> -> memref<40xi32, #tpu.memory_space<vmem>>
    %dma_wait3A_150 = arith.constant 0 : i32
    %dma_wait3A_151 = arith.constant 0 : i32
    %dma_wait3A_152 = tpu.memref_slice %arg10[%dma_wait3A_150, %dma_wait3A_151] : memref<10240x128xf32, #tpu.memory_space<vmem_shared>> -> memref<10240x128xf32, #tpu.memory_space<vmem_shared>>
    %dma_wait3A_153 = tpu.memref_slice %arg12[%dma_wait3A_142] : memref<5x!tpu.dma_semaphore, #tpu.memory_space<semaphore_mem>> -> memref<1x!tpu.dma_semaphore, #tpu.memory_space<semaphore_mem>>
    %dma_wait3A_154 = tpu.memref_squeeze %dma_wait3A_153 : memref<1x!tpu.dma_semaphore, #tpu.memory_space<semaphore_mem>> -> memref<!tpu.dma_semaphore, #tpu.memory_space<semaphore_mem>>
    tpu.wait_indirect_dma semaphore(%dma_wait3A_154 : memref<!tpu.dma_semaphore, #tpu.memory_space<semaphore_mem>>) src(%dma_wait3A_146 : memref<40x128xf32, #tpu.memory_space<vmem>>) dst(%dma_wait3A_152 : memref<10240x128xf32, #tpu.memory_space<vmem_shared>>)
    %dma_wait3A_155 = arith.constant 2 : i32
    %dma_wait3A_156 = arith.constant 2 : i32
    %dma_wait3A_157 = arith.constant 2 : i32
    %dma_wait3A_158 = arith.constant 0 : i32
    %dma_wait3A_159 = arith.constant 0 : i32
    %dma_wait3A_160 = tpu.memref_slice %arg8[%dma_wait3A_155, %dma_wait3A_158, %dma_wait3A_159] : memref<5x40x128xf32, #tpu.memory_space<vmem>> -> memref<1x40x128xf32, #tpu.memory_space<vmem>>
    %dma_wait3A_161 = tpu.memref_squeeze %dma_wait3A_160 : memref<1x40x128xf32, #tpu.memory_space<vmem>> -> memref<40x128xf32, #tpu.memory_space<vmem>>
    %dma_wait3A_162 = arith.constant 0 : i32
    %dma_wait3A_163 = tpu.memref_slice %arg7[%dma_wait3A_156, %dma_wait3A_162] : memref<5x40xi32, #tpu.memory_space<vmem>> -> memref<1x40xi32, #tpu.memory_space<vmem>>
    %dma_wait3A_164 = tpu.memref_squeeze %dma_wait3A_163 : memref<1x40xi32, #tpu.memory_space<vmem>> -> memref<40xi32, #tpu.memory_space<vmem>>
    %dma_wait3A_165 = arith.constant 0 : i32
    %dma_wait3A_166 = arith.constant 0 : i32
    %dma_wait3A_167 = tpu.memref_slice %arg10[%dma_wait3A_165, %dma_wait3A_166] : memref<10240x128xf32, #tpu.memory_space<vmem_shared>> -> memref<10240x128xf32, #tpu.memory_space<vmem_shared>>
    %dma_wait3A_168 = tpu.memref_slice %arg12[%dma_wait3A_157] : memref<5x!tpu.dma_semaphore, #tpu.memory_space<semaphore_mem>> -> memref<1x!tpu.dma_semaphore, #tpu.memory_space<semaphore_mem>>
    %dma_wait3A_169 = tpu.memref_squeeze %dma_wait3A_168 : memref<1x!tpu.dma_semaphore, #tpu.memory_space<semaphore_mem>> -> memref<!tpu.dma_semaphore, #tpu.memory_space<semaphore_mem>>
    tpu.wait_indirect_dma semaphore(%dma_wait3A_169 : memref<!tpu.dma_semaphore, #tpu.memory_space<semaphore_mem>>) src(%dma_wait3A_161 : memref<40x128xf32, #tpu.memory_space<vmem>>) dst(%dma_wait3A_167 : memref<10240x128xf32, #tpu.memory_space<vmem_shared>>)
    %dma_wait3A_170 = arith.constant 3 : i32
    %dma_wait3A_171 = arith.constant 3 : i32
    %dma_wait3A_172 = arith.constant 3 : i32
    %dma_wait3A_173 = arith.constant 0 : i32
    %dma_wait3A_174 = arith.constant 0 : i32
    %dma_wait3A_175 = tpu.memref_slice %arg8[%dma_wait3A_170, %dma_wait3A_173, %dma_wait3A_174] : memref<5x40x128xf32, #tpu.memory_space<vmem>> -> memref<1x40x128xf32, #tpu.memory_space<vmem>>
    %dma_wait3A_176 = tpu.memref_squeeze %dma_wait3A_175 : memref<1x40x128xf32, #tpu.memory_space<vmem>> -> memref<40x128xf32, #tpu.memory_space<vmem>>
    %dma_wait3A_177 = arith.constant 0 : i32
    %dma_wait3A_178 = tpu.memref_slice %arg7[%dma_wait3A_171, %dma_wait3A_177] : memref<5x40xi32, #tpu.memory_space<vmem>> -> memref<1x40xi32, #tpu.memory_space<vmem>>
    %dma_wait3A_179 = tpu.memref_squeeze %dma_wait3A_178 : memref<1x40xi32, #tpu.memory_space<vmem>> -> memref<40xi32, #tpu.memory_space<vmem>>
    %dma_wait3A_180 = arith.constant 0 : i32
    %dma_wait3A_181 = arith.constant 0 : i32
    %dma_wait3A_182 = tpu.memref_slice %arg10[%dma_wait3A_180, %dma_wait3A_181] : memref<10240x128xf32, #tpu.memory_space<vmem_shared>> -> memref<10240x128xf32, #tpu.memory_space<vmem_shared>>
    %dma_wait3A_183 = tpu.memref_slice %arg12[%dma_wait3A_172] : memref<5x!tpu.dma_semaphore, #tpu.memory_space<semaphore_mem>> -> memref<1x!tpu.dma_semaphore, #tpu.memory_space<semaphore_mem>>
    %dma_wait3A_184 = tpu.memref_squeeze %dma_wait3A_183 : memref<1x!tpu.dma_semaphore, #tpu.memory_space<semaphore_mem>> -> memref<!tpu.dma_semaphore, #tpu.memory_space<semaphore_mem>>
    tpu.wait_indirect_dma semaphore(%dma_wait3A_184 : memref<!tpu.dma_semaphore, #tpu.memory_space<semaphore_mem>>) src(%dma_wait3A_176 : memref<40x128xf32, #tpu.memory_space<vmem>>) dst(%dma_wait3A_182 : memref<10240x128xf32, #tpu.memory_space<vmem_shared>>)
    %dma_wait3A_185 = arith.constant 4 : i32
    %dma_wait3A_186 = arith.constant 4 : i32
    %dma_wait3A_187 = arith.constant 4 : i32
    %dma_wait3A_188 = arith.constant 0 : i32
    %dma_wait3A_189 = arith.constant 0 : i32
    %dma_wait3A_190 = tpu.memref_slice %arg8[%dma_wait3A_185, %dma_wait3A_188, %dma_wait3A_189] : memref<5x40x128xf32, #tpu.memory_space<vmem>> -> memref<1x40x128xf32, #tpu.memory_space<vmem>>
    %dma_wait3A_191 = tpu.memref_squeeze %dma_wait3A_190 : memref<1x40x128xf32, #tpu.memory_space<vmem>> -> memref<40x128xf32, #tpu.memory_space<vmem>>
    %dma_wait3A_192 = arith.constant 0 : i32
    %dma_wait3A_193 = tpu.memref_slice %arg7[%dma_wait3A_186, %dma_wait3A_192] : memref<5x40xi32, #tpu.memory_space<vmem>> -> memref<1x40xi32, #tpu.memory_space<vmem>>
    %dma_wait3A_194 = tpu.memref_squeeze %dma_wait3A_193 : memref<1x40xi32, #tpu.memory_space<vmem>> -> memref<40xi32, #tpu.memory_space<vmem>>
    %dma_wait3A_195 = arith.constant 0 : i32
    %dma_wait3A_196 = arith.constant 0 : i32
    %dma_wait3A_197 = tpu.memref_slice %arg10[%dma_wait3A_195, %dma_wait3A_196] : memref<10240x128xf32, #tpu.memory_space<vmem_shared>> -> memref<10240x128xf32, #tpu.memory_space<vmem_shared>>
    %dma_wait3A_198 = tpu.memref_slice %arg12[%dma_wait3A_187] : memref<5x!tpu.dma_semaphore, #tpu.memory_space<semaphore_mem>> -> memref<1x!tpu.dma_semaphore, #tpu.memory_space<semaphore_mem>>
    %dma_wait3A_199 = tpu.memref_squeeze %dma_wait3A_198 : memref<1x!tpu.dma_semaphore, #tpu.memory_space<semaphore_mem>> -> memref<!tpu.dma_semaphore, #tpu.memory_space<semaphore_mem>>
    tpu.wait_indirect_dma semaphore(%dma_wait3A_199 : memref<!tpu.dma_semaphore, #tpu.memory_space<semaphore_mem>>) src(%dma_wait3A_191 : memref<40x128xf32, #tpu.memory_space<vmem>>) dst(%dma_wait3A_197 : memref<10240x128xf32, #tpu.memory_space<vmem_shared>>)
    %barrier3A_200 = arith.constant 0 : index
    tpu.barrier barrier_id(%barrier3A_200)
    %scan3A_201 = arith.constant 0 : i32
    %scan3A_202 = arith.constant 0 : i32
    %scan3A_203 = arith.constant 8 : i32
    %scan3A_204 = arith.addi %scan3A_202, %scan3A_203 : i32
    %scan3A_205 = arith.constant 1 : i32
    %scan3A_206 = scf.for %scan3A_252 = %scan3A_202 to %scan3A_204 step %scan3A_205 iter_args(%scan3A_253 = %scan3A_201) -> (i32)  : i32 {
      %mul3A_254 = arith.constant 640 : i32
      %mul3A_255 = arith.muli %arg1, %mul3A_254 : i32
      %mul3A_256 = arith.constant 2 : i32
      %mul3A_257 = arith.muli %mul3A_256, %scan3A_252 : i32
      %add3A_258 = arith.constant 0 : i32
      %add3A_259 = arith.addi %mul3A_257, %add3A_258 : i32
      %mul3A_260 = arith.constant 40 : i32
      %mul3A_261 = arith.muli %add3A_259, %mul3A_260 : i32
      %add3A_262 = arith.addi %mul3A_255, %mul3A_261 : i32
      %gt3A = arith.constant 0 : i32
      %gt3A_263 = arith.cmpi sgt, %scan3A_252, %gt3A : i32
      %convert_element_type3A = arith.extui %gt3A_263 : i1 to i32
      %cond3A = arith.constant 0 : i32
      %cond3A_264 = arith.cmpi ne, %convert_element_type3A, %cond3A : i32
      scf.if %cond3A_264 {
        %sub3A = arith.constant 80 : i32
        %sub3A_318 = arith.subi %add3A_262, %sub3A : i32
        %dma_wait3A_319 = arith.constant 0 : i32
        %dma_wait3A_320 = arith.constant 0 : i32
        %dma_wait3A_321 = arith.constant 0 : i32
        %dma_wait3A_322 = arith.constant 0 : i32
        %dma_wait3A_323 = tpu.memref_slice %arg8[%dma_wait3A_319, %dma_wait3A_321, %dma_wait3A_322] : memref<5x40x128xf32, #tpu.memory_space<vmem>> -> memref<1x40x128xf32, #tpu.memory_space<vmem>>
        %dma_wait3A_324 = tpu.memref_squeeze %dma_wait3A_323 : memref<1x40x128xf32, #tpu.memory_space<vmem>> -> memref<40x128xf32, #tpu.memory_space<vmem>>
        %dma_wait3A_325 = arith.constant 0 : i32
        %dma_wait3A_326 = tpu.memref_slice %arg5[%arg0, %sub3A_318, %dma_wait3A_325] : memref<2x10240x128xf32, #tpu.memory_space<hbm>> -> memref<1x40x128xf32, #tpu.memory_space<hbm>>
        %dma_wait3A_327 = tpu.memref_squeeze %dma_wait3A_326 : memref<1x40x128xf32, #tpu.memory_space<hbm>> -> memref<40x128xf32, #tpu.memory_space<hbm>>
        %dma_wait3A_328 = tpu.memref_slice %arg11[%dma_wait3A_320] : memref<5x!tpu.dma_semaphore, #tpu.memory_space<semaphore_mem>> -> memref<1x!tpu.dma_semaphore, #tpu.memory_space<semaphore_mem>>
        %dma_wait3A_329 = tpu.memref_squeeze %dma_wait3A_328 : memref<1x!tpu.dma_semaphore, #tpu.memory_space<semaphore_mem>> -> memref<!tpu.dma_semaphore, #tpu.memory_space<semaphore_mem>>
        %dma_wait3A_330 = arith.constant 0 : i32
        %dma_wait3A_331 = tpu.memref_slice %arg5[%arg0, %sub3A_318, %dma_wait3A_330] : memref<2x10240x128xf32, #tpu.memory_space<hbm>> -> memref<1x40x128xf32, #tpu.memory_space<hbm>>
        %dma_wait3A_332 = tpu.memref_squeeze %dma_wait3A_331 : memref<1x40x128xf32, #tpu.memory_space<hbm>> -> memref<40x128xf32, #tpu.memory_space<hbm>>
        %dma_wait3A_333 = arith.constant 0 : i32
        %dma_wait3A_334 = arith.constant 0 : i32
        %dma_wait3A_335 = tpu.memref_slice %arg8[%dma_wait3A_319, %dma_wait3A_333, %dma_wait3A_334] : memref<5x40x128xf32, #tpu.memory_space<vmem>> -> memref<1x40x128xf32, #tpu.memory_space<vmem>>
        %dma_wait3A_336 = tpu.memref_squeeze %dma_wait3A_335 : memref<1x40x128xf32, #tpu.memory_space<vmem>> -> memref<40x128xf32, #tpu.memory_space<vmem>>
        tpu.wait_dma2 semaphore(%dma_wait3A_329 : memref<!tpu.dma_semaphore, #tpu.memory_space<semaphore_mem>>) src(%dma_wait3A_336 : memref<40x128xf32, #tpu.memory_space<vmem>>) dst(%dma_wait3A_332 : memref<40x128xf32, #tpu.memory_space<hbm>>)
      } else {
      }
      %run_scoped3A_265 = arith.constant 0 : i32
      "tpu.region"() ({
        %run_scoped3A_318 = tpu.sem_alloc : memref<!tpu.dma_semaphore, #tpu.memory_space<semaphore_mem>>
        %dma_start3A_319 = arith.constant 0 : i32
        %dma_start3A_320 = arith.constant 0 : i32
        %dma_start3A_321 = tpu.memref_slice %arg8[%run_scoped3A_265, %dma_start3A_319, %dma_start3A_320] : memref<5x40x128xf32, #tpu.memory_space<vmem>> -> memref<1x40x128xf32, #tpu.memory_space<vmem>>
        %dma_start3A_322 = tpu.memref_squeeze %dma_start3A_321 : memref<1x40x128xf32, #tpu.memory_space<vmem>> -> memref<40x128xf32, #tpu.memory_space<vmem>>
        %dma_start3A_323 = arith.constant 0 : i32
        %dma_start3A_324 = tpu.memref_slice %arg10[%add3A_262, %dma_start3A_323] : memref<10240x128xf32, #tpu.memory_space<vmem_shared>> -> memref<40x128xf32, #tpu.memory_space<vmem_shared>>
        %dma_start3A_325 = arith.constant 0 : i32
        %dma_start3A_326 = arith.constant 0 : i32
        %dma_start3A_327 = tpu.memref_slice %arg8[%run_scoped3A_265, %dma_start3A_325, %dma_start3A_326] : memref<5x40x128xf32, #tpu.memory_space<vmem>> -> memref<1x40x128xf32, #tpu.memory_space<vmem>>
        %dma_start3A_328 = tpu.memref_squeeze %dma_start3A_327 : memref<1x40x128xf32, #tpu.memory_space<vmem>> -> memref<40x128xf32, #tpu.memory_space<vmem>>
        %dma_start3A_329 = arith.constant 0 : i32
        %dma_start3A_330 = tpu.memref_slice %arg10[%add3A_262, %dma_start3A_329] : memref<10240x128xf32, #tpu.memory_space<vmem_shared>> -> memref<40x128xf32, #tpu.memory_space<vmem_shared>>
        tpu.enqueue_dma source(%dma_start3A_330 : memref<40x128xf32, #tpu.memory_space<vmem_shared>>) target(%dma_start3A_328 : memref<40x128xf32, #tpu.memory_space<vmem>>) target_semaphore(%run_scoped3A_318 : memref<!tpu.dma_semaphore, #tpu.memory_space<semaphore_mem>>)
        %dma_wait3A_331 = arith.constant 0 : i32
        %dma_wait3A_332 = arith.constant 0 : i32
        %dma_wait3A_333 = tpu.memref_slice %arg8[%run_scoped3A_265, %dma_wait3A_331, %dma_wait3A_332] : memref<5x40x128xf32, #tpu.memory_space<vmem>> -> memref<1x40x128xf32, #tpu.memory_space<vmem>>
        %dma_wait3A_334 = tpu.memref_squeeze %dma_wait3A_333 : memref<1x40x128xf32, #tpu.memory_space<vmem>> -> memref<40x128xf32, #tpu.memory_space<vmem>>
        %dma_wait3A_335 = arith.constant 0 : i32
        %dma_wait3A_336 = tpu.memref_slice %arg10[%add3A_262, %dma_wait3A_335] : memref<10240x128xf32, #tpu.memory_space<vmem_shared>> -> memref<40x128xf32, #tpu.memory_space<vmem_shared>>
        %dma_wait3A_337 = arith.constant 0 : i32
        %dma_wait3A_338 = arith.constant 0 : i32
        %dma_wait3A_339 = tpu.memref_slice %arg8[%run_scoped3A_265, %dma_wait3A_337, %dma_wait3A_338] : memref<5x40x128xf32, #tpu.memory_space<vmem>> -> memref<1x40x128xf32, #tpu.memory_space<vmem>>
        %dma_wait3A_340 = tpu.memref_squeeze %dma_wait3A_339 : memref<1x40x128xf32, #tpu.memory_space<vmem>> -> memref<40x128xf32, #tpu.memory_space<vmem>>
        %dma_wait3A_341 = arith.constant 0 : i32
        %dma_wait3A_342 = tpu.memref_slice %arg10[%add3A_262, %dma_wait3A_341] : memref<10240x128xf32, #tpu.memory_space<vmem_shared>> -> memref<40x128xf32, #tpu.memory_space<vmem_shared>>
        tpu.wait_dma2 semaphore(%run_scoped3A_318 : memref<!tpu.dma_semaphore, #tpu.memory_space<semaphore_mem>>) src(%dma_wait3A_342 : memref<40x128xf32, #tpu.memory_space<vmem_shared>>) dst(%dma_wait3A_340 : memref<40x128xf32, #tpu.memory_space<vmem>>)
        tpu.yield
      }) : () -> ()
      %dma_start3A_266 = arith.constant 0 : i32
      %dma_start3A_267 = arith.constant 0 : i32
      %dma_start3A_268 = arith.constant 0 : i32
      %dma_start3A_269 = arith.constant 0 : i32
      %dma_start3A_270 = tpu.memref_slice %arg8[%dma_start3A_266, %dma_start3A_268, %dma_start3A_269] : memref<5x40x128xf32, #tpu.memory_space<vmem>> -> memref<1x40x128xf32, #tpu.memory_space<vmem>>
      %dma_start3A_271 = tpu.memref_squeeze %dma_start3A_270 : memref<1x40x128xf32, #tpu.memory_space<vmem>> -> memref<40x128xf32, #tpu.memory_space<vmem>>
      %dma_start3A_272 = arith.constant 0 : i32
      %dma_start3A_273 = tpu.memref_slice %arg5[%arg0, %add3A_262, %dma_start3A_272] : memref<2x10240x128xf32, #tpu.memory_space<hbm>> -> memref<1x40x128xf32, #tpu.memory_space<hbm>>
      %dma_start3A_274 = tpu.memref_squeeze %dma_start3A_273 : memref<1x40x128xf32, #tpu.memory_space<hbm>> -> memref<40x128xf32, #tpu.memory_space<hbm>>
      %dma_start3A_275 = tpu.memref_slice %arg11[%dma_start3A_267] : memref<5x!tpu.dma_semaphore, #tpu.memory_space<semaphore_mem>> -> memref<1x!tpu.dma_semaphore, #tpu.memory_space<semaphore_mem>>
      %dma_start3A_276 = tpu.memref_squeeze %dma_start3A_275 : memref<1x!tpu.dma_semaphore, #tpu.memory_space<semaphore_mem>> -> memref<!tpu.dma_semaphore, #tpu.memory_space<semaphore_mem>>
      %dma_start3A_277 = arith.constant 0 : i32
      %dma_start3A_278 = tpu.memref_slice %arg5[%arg0, %add3A_262, %dma_start3A_277] : memref<2x10240x128xf32, #tpu.memory_space<hbm>> -> memref<1x40x128xf32, #tpu.memory_space<hbm>>
      %dma_start3A_279 = tpu.memref_squeeze %dma_start3A_278 : memref<1x40x128xf32, #tpu.memory_space<hbm>> -> memref<40x128xf32, #tpu.memory_space<hbm>>
      %dma_start3A_280 = arith.constant 0 : i32
      %dma_start3A_281 = arith.constant 0 : i32
      %dma_start3A_282 = tpu.memref_slice %arg8[%dma_start3A_266, %dma_start3A_280, %dma_start3A_281] : memref<5x40x128xf32, #tpu.memory_space<vmem>> -> memref<1x40x128xf32, #tpu.memory_space<vmem>>
      %dma_start3A_283 = tpu.memref_squeeze %dma_start3A_282 : memref<1x40x128xf32, #tpu.memory_space<vmem>> -> memref<40x128xf32, #tpu.memory_space<vmem>>
      tpu.enqueue_dma source(%dma_start3A_283 : memref<40x128xf32, #tpu.memory_space<vmem>>) target(%dma_start3A_279 : memref<40x128xf32, #tpu.memory_space<hbm>>) target_semaphore(%dma_start3A_276 : memref<!tpu.dma_semaphore, #tpu.memory_space<semaphore_mem>>)
      %mul3A_284 = arith.constant 640 : i32
      %mul3A_285 = arith.muli %arg1, %mul3A_284 : i32
      %mul3A_286 = arith.constant 2 : i32
      %mul3A_287 = arith.muli %mul3A_286, %scan3A_252 : i32
      %add3A_288 = arith.constant 1 : i32
      %add3A_289 = arith.addi %mul3A_287, %add3A_288 : i32
      %mul3A_290 = arith.constant 40 : i32
      %mul3A_291 = arith.muli %add3A_289, %mul3A_290 : i32
      %add3A_292 = arith.addi %mul3A_285, %mul3A_291 : i32
      %gt3A_293 = arith.constant 0 : i32
      %gt3A_294 = arith.cmpi sgt, %scan3A_252, %gt3A_293 : i32
      %convert_element_type3A_295 = arith.extui %gt3A_294 : i1 to i32
      %cond3A_296 = arith.constant 0 : i32
      %cond3A_297 = arith.cmpi ne, %convert_element_type3A_295, %cond3A_296 : i32
      scf.if %cond3A_297 {
        %sub3A = arith.constant 80 : i32
        %sub3A_318 = arith.subi %add3A_292, %sub3A : i32
        %dma_wait3A_319 = arith.constant 1 : i32
        %dma_wait3A_320 = arith.constant 1 : i32
        %dma_wait3A_321 = arith.constant 0 : i32
        %dma_wait3A_322 = arith.constant 0 : i32
        %dma_wait3A_323 = tpu.memref_slice %arg8[%dma_wait3A_319, %dma_wait3A_321, %dma_wait3A_322] : memref<5x40x128xf32, #tpu.memory_space<vmem>> -> memref<1x40x128xf32, #tpu.memory_space<vmem>>
        %dma_wait3A_324 = tpu.memref_squeeze %dma_wait3A_323 : memref<1x40x128xf32, #tpu.memory_space<vmem>> -> memref<40x128xf32, #tpu.memory_space<vmem>>
        %dma_wait3A_325 = arith.constant 0 : i32
        %dma_wait3A_326 = tpu.memref_slice %arg5[%arg0, %sub3A_318, %dma_wait3A_325] : memref<2x10240x128xf32, #tpu.memory_space<hbm>> -> memref<1x40x128xf32, #tpu.memory_space<hbm>>
        %dma_wait3A_327 = tpu.memref_squeeze %dma_wait3A_326 : memref<1x40x128xf32, #tpu.memory_space<hbm>> -> memref<40x128xf32, #tpu.memory_space<hbm>>
        %dma_wait3A_328 = tpu.memref_slice %arg11[%dma_wait3A_320] : memref<5x!tpu.dma_semaphore, #tpu.memory_space<semaphore_mem>> -> memref<1x!tpu.dma_semaphore, #tpu.memory_space<semaphore_mem>>
        %dma_wait3A_329 = tpu.memref_squeeze %dma_wait3A_328 : memref<1x!tpu.dma_semaphore, #tpu.memory_space<semaphore_mem>> -> memref<!tpu.dma_semaphore, #tpu.memory_space<semaphore_mem>>
        %dma_wait3A_330 = arith.constant 0 : i32
        %dma_wait3A_331 = tpu.memref_slice %arg5[%arg0, %sub3A_318, %dma_wait3A_330] : memref<2x10240x128xf32, #tpu.memory_space<hbm>> -> memref<1x40x128xf32, #tpu.memory_space<hbm>>
        %dma_wait3A_332 = tpu.memref_squeeze %dma_wait3A_331 : memref<1x40x128xf32, #tpu.memory_space<hbm>> -> memref<40x128xf32, #tpu.memory_space<hbm>>
        %dma_wait3A_333 = arith.constant 0 : i32
        %dma_wait3A_334 = arith.constant 0 : i32
        %dma_wait3A_335 = tpu.memref_slice %arg8[%dma_wait3A_319, %dma_wait3A_333, %dma_wait3A_334] : memref<5x40x128xf32, #tpu.memory_space<vmem>> -> memref<1x40x128xf32, #tpu.memory_space<vmem>>
        %dma_wait3A_336 = tpu.memref_squeeze %dma_wait3A_335 : memref<1x40x128xf32, #tpu.memory_space<vmem>> -> memref<40x128xf32, #tpu.memory_space<vmem>>
        tpu.wait_dma2 semaphore(%dma_wait3A_329 : memref<!tpu.dma_semaphore, #tpu.memory_space<semaphore_mem>>) src(%dma_wait3A_336 : memref<40x128xf32, #tpu.memory_space<vmem>>) dst(%dma_wait3A_332 : memref<40x128xf32, #tpu.memory_space<hbm>>)
      } else {
      }
      %run_scoped3A_298 = arith.constant 1 : i32
      "tpu.region"() ({
        %run_scoped3A_318 = tpu.sem_alloc : memref<!tpu.dma_semaphore, #tpu.memory_space<semaphore_mem>>
        %dma_start3A_319 = arith.constant 0 : i32
        %dma_start3A_320 = arith.constant 0 : i32
        %dma_start3A_321 = tpu.memref_slice %arg8[%run_scoped3A_298, %dma_start3A_319, %dma_start3A_320] : memref<5x40x128xf32, #tpu.memory_space<vmem>> -> memref<1x40x128xf32, #tpu.memory_space<vmem>>
        %dma_start3A_322 = tpu.memref_squeeze %dma_start3A_321 : memref<1x40x128xf32, #tpu.memory_space<vmem>> -> memref<40x128xf32, #tpu.memory_space<vmem>>
        %dma_start3A_323 = arith.constant 0 : i32
        %dma_start3A_324 = tpu.memref_slice %arg10[%add3A_292, %dma_start3A_323] : memref<10240x128xf32, #tpu.memory_space<vmem_shared>> -> memref<40x128xf32, #tpu.memory_space<vmem_shared>>
        %dma_start3A_325 = arith.constant 0 : i32
        %dma_start3A_326 = arith.constant 0 : i32
        %dma_start3A_327 = tpu.memref_slice %arg8[%run_scoped3A_298, %dma_start3A_325, %dma_start3A_326] : memref<5x40x128xf32, #tpu.memory_space<vmem>> -> memref<1x40x128xf32, #tpu.memory_space<vmem>>
        %dma_start3A_328 = tpu.memref_squeeze %dma_start3A_327 : memref<1x40x128xf32, #tpu.memory_space<vmem>> -> memref<40x128xf32, #tpu.memory_space<vmem>>
        %dma_start3A_329 = arith.constant 0 : i32
        %dma_start3A_330 = tpu.memref_slice %arg10[%add3A_292, %dma_start3A_329] : memref<10240x128xf32, #tpu.memory_space<vmem_shared>> -> memref<40x128xf32, #tpu.memory_space<vmem_shared>>
        tpu.enqueue_dma source(%dma_start3A_330 : memref<40x128xf32, #tpu.memory_space<vmem_shared>>) target(%dma_start3A_328 : memref<40x128xf32, #tpu.memory_space<vmem>>) target_semaphore(%run_scoped3A_318 : memref<!tpu.dma_semaphore, #tpu.memory_space<semaphore_mem>>)
        %dma_wait3A_331 = arith.constant 0 : i32
        %dma_wait3A_332 = arith.constant 0 : i32
        %dma_wait3A_333 = tpu.memref_slice %arg8[%run_scoped3A_298, %dma_wait3A_331, %dma_wait3A_332] : memref<5x40x128xf32, #tpu.memory_space<vmem>> -> memref<1x40x128xf32, #tpu.memory_space<vmem>>
        %dma_wait3A_334 = tpu.memref_squeeze %dma_wait3A_333 : memref<1x40x128xf32, #tpu.memory_space<vmem>> -> memref<40x128xf32, #tpu.memory_space<vmem>>
        %dma_wait3A_335 = arith.constant 0 : i32
        %dma_wait3A_336 = tpu.memref_slice %arg10[%add3A_292, %dma_wait3A_335] : memref<10240x128xf32, #tpu.memory_space<vmem_shared>> -> memref<40x128xf32, #tpu.memory_space<vmem_shared>>
        %dma_wait3A_337 = arith.constant 0 : i32
        %dma_wait3A_338 = arith.constant 0 : i32
        %dma_wait3A_339 = tpu.memref_slice %arg8[%run_scoped3A_298, %dma_wait3A_337, %dma_wait3A_338] : memref<5x40x128xf32, #tpu.memory_space<vmem>> -> memref<1x40x128xf32, #tpu.memory_space<vmem>>
        %dma_wait3A_340 = tpu.memref_squeeze %dma_wait3A_339 : memref<1x40x128xf32, #tpu.memory_space<vmem>> -> memref<40x128xf32, #tpu.memory_space<vmem>>
        %dma_wait3A_341 = arith.constant 0 : i32
        %dma_wait3A_342 = tpu.memref_slice %arg10[%add3A_292, %dma_wait3A_341] : memref<10240x128xf32, #tpu.memory_space<vmem_shared>> -> memref<40x128xf32, #tpu.memory_space<vmem_shared>>
        tpu.wait_dma2 semaphore(%run_scoped3A_318 : memref<!tpu.dma_semaphore, #tpu.memory_space<semaphore_mem>>) src(%dma_wait3A_342 : memref<40x128xf32, #tpu.memory_space<vmem_shared>>) dst(%dma_wait3A_340 : memref<40x128xf32, #tpu.memory_space<vmem>>)
        tpu.yield
      }) : () -> ()
      %dma_start3A_299 = arith.constant 1 : i32
      %dma_start3A_300 = arith.constant 1 : i32
      %dma_start3A_301 = arith.constant 0 : i32
      %dma_start3A_302 = arith.constant 0 : i32
      %dma_start3A_303 = tpu.memref_slice %arg8[%dma_start3A_299, %dma_start3A_301, %dma_start3A_302] : memref<5x40x128xf32, #tpu.memory_space<vmem>> -> memref<1x40x128xf32, #tpu.memory_space<vmem>>
      %dma_start3A_304 = tpu.memref_squeeze %dma_start3A_303 : memref<1x40x128xf32, #tpu.memory_space<vmem>> -> memref<40x128xf32, #tpu.memory_space<vmem>>
      %dma_start3A_305 = arith.constant 0 : i32
      %dma_start3A_306 = tpu.memref_slice %arg5[%arg0, %add3A_292, %dma_start3A_305] : memref<2x10240x128xf32, #tpu.memory_space<hbm>> -> memref<1x40x128xf32, #tpu.memory_space<hbm>>
      %dma_start3A_307 = tpu.memref_squeeze %dma_start3A_306 : memref<1x40x128xf32, #tpu.memory_space<hbm>> -> memref<40x128xf32, #tpu.memory_space<hbm>>
      %dma_start3A_308 = tpu.memref_slice %arg11[%dma_start3A_300] : memref<5x!tpu.dma_semaphore, #tpu.memory_space<semaphore_mem>> -> memref<1x!tpu.dma_semaphore, #tpu.memory_space<semaphore_mem>>
      %dma_start3A_309 = tpu.memref_squeeze %dma_start3A_308 : memref<1x!tpu.dma_semaphore, #tpu.memory_space<semaphore_mem>> -> memref<!tpu.dma_semaphore, #tpu.memory_space<semaphore_mem>>
      %dma_start3A_310 = arith.constant 0 : i32
      %dma_start3A_311 = tpu.memref_slice %arg5[%arg0, %add3A_292, %dma_start3A_310] : memref<2x10240x128xf32, #tpu.memory_space<hbm>> -> memref<1x40x128xf32, #tpu.memory_space<hbm>>
      %dma_start3A_312 = tpu.memref_squeeze %dma_start3A_311 : memref<1x40x128xf32, #tpu.memory_space<hbm>> -> memref<40x128xf32, #tpu.memory_space<hbm>>
      %dma_start3A_313 = arith.constant 0 : i32
      %dma_start3A_314 = arith.constant 0 : i32
      %dma_start3A_315 = tpu.memref_slice %arg8[%dma_start3A_299, %dma_start3A_313, %dma_start3A_314] : memref<5x40x128xf32, #tpu.memory_space<vmem>> -> memref<1x40x128xf32, #tpu.memory_space<vmem>>
      %dma_start3A_316 = tpu.memref_squeeze %dma_start3A_315 : memref<1x40x128xf32, #tpu.memory_space<vmem>> -> memref<40x128xf32, #tpu.memory_space<vmem>>
      tpu.enqueue_dma source(%dma_start3A_316 : memref<40x128xf32, #tpu.memory_space<vmem>>) target(%dma_start3A_312 : memref<40x128xf32, #tpu.memory_space<hbm>>) target_semaphore(%dma_start3A_309 : memref<!tpu.dma_semaphore, #tpu.memory_space<semaphore_mem>>)
      %scan3A_317 = arith.constant 0 : i32
      scf.yield %scan3A_317 : i32
    }
    %scan3A_207 = arith.constant 8 : i32
    %mul3A_208 = arith.constant 640 : i32
    %mul3A_209 = arith.muli %arg1, %mul3A_208 : i32
    %add3A_210 = arith.constant 560 : i32
    %add3A_211 = arith.addi %mul3A_209, %add3A_210 : i32
    %dma_wait3A_212 = arith.constant 0 : i32
    %dma_wait3A_213 = arith.constant 0 : i32
    %dma_wait3A_214 = arith.constant 0 : i32
    %dma_wait3A_215 = arith.constant 0 : i32
    %dma_wait3A_216 = tpu.memref_slice %arg8[%dma_wait3A_212, %dma_wait3A_214, %dma_wait3A_215] : memref<5x40x128xf32, #tpu.memory_space<vmem>> -> memref<1x40x128xf32, #tpu.memory_space<vmem>>
    %dma_wait3A_217 = tpu.memref_squeeze %dma_wait3A_216 : memref<1x40x128xf32, #tpu.memory_space<vmem>> -> memref<40x128xf32, #tpu.memory_space<vmem>>
    %dma_wait3A_218 = arith.constant 0 : i32
    %dma_wait3A_219 = tpu.memref_slice %arg5[%arg0, %add3A_211, %dma_wait3A_218] : memref<2x10240x128xf32, #tpu.memory_space<hbm>> -> memref<1x40x128xf32, #tpu.memory_space<hbm>>
    %dma_wait3A_220 = tpu.memref_squeeze %dma_wait3A_219 : memref<1x40x128xf32, #tpu.memory_space<hbm>> -> memref<40x128xf32, #tpu.memory_space<hbm>>
    %dma_wait3A_221 = tpu.memref_slice %arg11[%dma_wait3A_213] : memref<5x!tpu.dma_semaphore, #tpu.memory_space<semaphore_mem>> -> memref<1x!tpu.dma_semaphore, #tpu.memory_space<semaphore_mem>>
    %dma_wait3A_222 = tpu.memref_squeeze %dma_wait3A_221 : memref<1x!tpu.dma_semaphore, #tpu.memory_space<semaphore_mem>> -> memref<!tpu.dma_semaphore, #tpu.memory_space<semaphore_mem>>
    %dma_wait3A_223 = arith.constant 0 : i32
    %dma_wait3A_224 = tpu.memref_slice %arg5[%arg0, %add3A_211, %dma_wait3A_223] : memref<2x10240x128xf32, #tpu.memory_space<hbm>> -> memref<1x40x128xf32, #tpu.memory_space<hbm>>
    %dma_wait3A_225 = tpu.memref_squeeze %dma_wait3A_224 : memref<1x40x128xf32, #tpu.memory_space<hbm>> -> memref<40x128xf32, #tpu.memory_space<hbm>>
    %dma_wait3A_226 = arith.constant 0 : i32
    %dma_wait3A_227 = arith.constant 0 : i32
    %dma_wait3A_228 = tpu.memref_slice %arg8[%dma_wait3A_212, %dma_wait3A_226, %dma_wait3A_227] : memref<5x40x128xf32, #tpu.memory_space<vmem>> -> memref<1x40x128xf32, #tpu.memory_space<vmem>>
    %dma_wait3A_229 = tpu.memref_squeeze %dma_wait3A_228 : memref<1x40x128xf32, #tpu.memory_space<vmem>> -> memref<40x128xf32, #tpu.memory_space<vmem>>
    tpu.wait_dma2 semaphore(%dma_wait3A_222 : memref<!tpu.dma_semaphore, #tpu.memory_space<semaphore_mem>>) src(%dma_wait3A_229 : memref<40x128xf32, #tpu.memory_space<vmem>>) dst(%dma_wait3A_225 : memref<40x128xf32, #tpu.memory_space<hbm>>)
    %mul3A_230 = arith.constant 640 : i32
    %mul3A_231 = arith.muli %arg1, %mul3A_230 : i32
    %add3A_232 = arith.constant 600 : i32
    %add3A_233 = arith.addi %mul3A_231, %add3A_232 : i32
    %dma_wait3A_234 = arith.constant 1 : i32
    %dma_wait3A_235 = arith.constant 1 : i32
    %dma_wait3A_236 = arith.constant 0 : i32
    %dma_wait3A_237 = arith.constant 0 : i32
    %dma_wait3A_238 = tpu.memref_slice %arg8[%dma_wait3A_234, %dma_wait3A_236, %dma_wait3A_237] : memref<5x40x128xf32, #tpu.memory_space<vmem>> -> memref<1x40x128xf32, #tpu.memory_space<vmem>>
    %dma_wait3A_239 = tpu.memref_squeeze %dma_wait3A_238 : memref<1x40x128xf32, #tpu.memory_space<vmem>> -> memref<40x128xf32, #tpu.memory_space<vmem>>
    %dma_wait3A_240 = arith.constant 0 : i32
    %dma_wait3A_241 = tpu.memref_slice %arg5[%arg0, %add3A_233, %dma_wait3A_240] : memref<2x10240x128xf32, #tpu.memory_space<hbm>> -> memref<1x40x128xf32, #tpu.memory_space<hbm>>
    %dma_wait3A_242 = tpu.memref_squeeze %dma_wait3A_241 : memref<1x40x128xf32, #tpu.memory_space<hbm>> -> memref<40x128xf32, #tpu.memory_space<hbm>>
    %dma_wait3A_243 = tpu.memref_slice %arg11[%dma_wait3A_235] : memref<5x!tpu.dma_semaphore, #tpu.memory_space<semaphore_mem>> -> memref<1x!tpu.dma_semaphore, #tpu.memory_space<semaphore_mem>>
    %dma_wait3A_244 = tpu.memref_squeeze %dma_wait3A_243 : memref<1x!tpu.dma_semaphore, #tpu.memory_space<semaphore_mem>> -> memref<!tpu.dma_semaphore, #tpu.memory_space<semaphore_mem>>
    %dma_wait3A_245 = arith.constant 0 : i32
    %dma_wait3A_246 = tpu.memref_slice %arg5[%arg0, %add3A_233, %dma_wait3A_245] : memref<2x10240x128xf32, #tpu.memory_space<hbm>> -> memref<1x40x128xf32, #tpu.memory_space<hbm>>
    %dma_wait3A_247 = tpu.memref_squeeze %dma_wait3A_246 : memref<1x40x128xf32, #tpu.memory_space<hbm>> -> memref<40x128xf32, #tpu.memory_space<hbm>>
    %dma_wait3A_248 = arith.constant 0 : i32
    %dma_wait3A_249 = arith.constant 0 : i32
    %dma_wait3A_250 = tpu.memref_slice %arg8[%dma_wait3A_234, %dma_wait3A_248, %dma_wait3A_249] : memref<5x40x128xf32, #tpu.memory_space<vmem>> -> memref<1x40x128xf32, #tpu.memory_space<vmem>>
    %dma_wait3A_251 = tpu.memref_squeeze %dma_wait3A_250 : memref<1x40x128xf32, #tpu.memory_space<vmem>> -> memref<40x128xf32, #tpu.memory_space<vmem>>
    tpu.wait_dma2 semaphore(%dma_wait3A_244 : memref<!tpu.dma_semaphore, #tpu.memory_space<semaphore_mem>>) src(%dma_wait3A_251 : memref<40x128xf32, #tpu.memory_space<vmem>>) dst(%dma_wait3A_247 : memref<40x128xf32, #tpu.memory_space<hbm>>)
    return
  }
}

module attributes {stable_mosaic.version = 14 : i64} {
  func.func @_tc_pre_body(%arg0: i32, %arg1: memref<1x1xf32, #tpu.memory_space<smem>>, %arg2: memref<1024x128xf32, #tpu.memory_space<vmem>>, %arg3: memref<128x128xf32, #tpu.memory_space<vmem>>, %arg4: memref<1x128xf32, #tpu.memory_space<vmem>>, %arg5: memref<1024x128xf32, #tpu.memory_space<vmem>>, %arg6: memref<1024x128xf32, #tpu.memory_space<vmem>>) attributes {dimension_semantics = [#tpu.dimension_semantics<arbitrary>], iteration_bounds = array<i64: 10>, scalar_prefetch = 0 : i64, scratch_operands = 0 : i64, tpu.core_type = #tpu.core_type<tc>, window_params = [{transform_indices = @transform_0, window_bounds = array<i64: 1, 1>}, {transform_indices = @transform_1, window_bounds = array<i64: 1024, 128>}, {pipeline_mode = #tpu.pipeline_mode<synchronous>, transform_indices = @transform_2, window_bounds = array<i64: 128, 128>}, {pipeline_mode = #tpu.pipeline_mode<synchronous>, transform_indices = @transform_3, window_bounds = array<i64: 1, 128>}, {transform_indices = @transform_4, window_bounds = array<i64: 1024, 128>}, {transform_indices = @transform_5, window_bounds = array<i64: 1024, 128>}]} {
    %get3A = arith.constant 0 : index
    %get3A_0 = arith.constant 0 : index
    %get3A_1 = memref.load %arg1[%get3A, %get3A_0] : memref<1x1xf32, #tpu.memory_space<smem>>
    %get3A_2 = arith.constant 0 : index
    %get3A_3 = arith.constant 0 : index
    %get3A_4 = vector.load %arg2[%get3A_2, %get3A_3] : memref<1024x128xf32, #tpu.memory_space<vmem>>, vector<1024x128xf32>
    %iota3A = tpu.iota {dimensions = array<i32: 1>} : vector<1024x128xi32>
    %eq3A = arith.constant 0 : i32
    %eq3A_5 = vector.broadcast %eq3A : i32 to vector<1024x128xi32>
    %eq3A_6 = arith.cmpi eq, %iota3A, %eq3A_5 : vector<1024x128xi32>
    %jit3A = arith.constant 0.000000e+00 : f32
    %broadcast_in_dim3A = vector.broadcast %jit3A : f32 to vector<1024x128xf32>
    %select_n3A = arith.select %eq3A_6, %broadcast_in_dim3A, %get3A_4 : vector<1024x128xi1>, vector<1024x128xf32>
    %mul3A = arith.mulf %select_n3A, %select_n3A : vector<1024x128xf32>
    %reduce_sum3A = arith.constant dense<0.000000e+00> : vector<1024xf32>
    %reduce_sum3A_7 = vector.multi_reduction <add>, %mul3A, %reduce_sum3A [1] : vector<1024x128xf32> to vector<1024xf32>
    %broadcast_in_dim3A_8 = vector.shape_cast %reduce_sum3A_7 : vector<1024xf32> to vector<1024x1xf32>
    %sqrt3A = math.sqrt %broadcast_in_dim3A_8 : vector<1024x1xf32>
    %max3A = arith.constant 1.000000e-07 : f32
    %max3A_9 = vector.broadcast %max3A : f32 to vector<1024x1xf32>
    %max3A_10 = arith.maximumf %sqrt3A, %max3A_9 : vector<1024x1xf32>
    %slice3A = vector.extract_strided_slice %get3A_4 {offsets = [0, 0], sizes = [1024, 1], strides = [1, 1]} : vector<1024x128xf32> to vector<1024x1xf32>
    %mul3A_11 = vector.broadcast %get3A_1 : f32 to vector<1024x1xf32>
    %mul3A_12 = arith.mulf %mul3A_11, %slice3A : vector<1024x1xf32>
    %max3A_13 = arith.constant 1.00000012 : f32
    %max3A_14 = vector.broadcast %max3A_13 : f32 to vector<1024x1xf32>
    %max3A_15 = arith.maximumf %mul3A_12, %max3A_14 : vector<1024x1xf32>
    %mul3A_16 = arith.mulf %max3A_15, %max3A_15 : vector<1024x1xf32>
    %sub3A = arith.constant 1.000000e+00 : f32
    %sub3A_17 = vector.broadcast %sub3A : f32 to vector<1024x1xf32>
    %sub3A_18 = arith.subf %mul3A_16, %sub3A_17 : vector<1024x1xf32>
    %sqrt3A_19 = math.sqrt %sub3A_18 : vector<1024x1xf32>
    %add3A = arith.addf %max3A_15, %sqrt3A_19 : vector<1024x1xf32>
    %log3A = math.log %add3A : vector<1024x1xf32>
    %mul3A_20 = vector.broadcast %get3A_1 : f32 to vector<1024x1xf32>
    %mul3A_21 = arith.mulf %mul3A_20, %max3A_10 : vector<1024x1xf32>
    %div3A = arith.divf %log3A, %mul3A_21 : vector<1024x1xf32>
    %mul3A_22 = vector.broadcast %div3A : vector<1024x1xf32> to vector<1024x128xf32>
    %mul3A_23 = arith.mulf %mul3A_22, %select_n3A : vector<1024x128xf32>
    %swap3A = arith.constant 0 : index
    %swap3A_24 = arith.constant 0 : index
    %swap3A_25 = vector.load %arg5[%swap3A, %swap3A_24] : memref<1024x128xf32, #tpu.memory_space<vmem>>, vector<1024x128xf32>
    tpu.vector_store %arg5[%swap3A, %swap3A_24], %mul3A_23 {strides = array<i32>} : memref<1024x128xf32, #tpu.memory_space<vmem>>, vector<1024x128xf32>,
    %get3A_26 = arith.constant 0 : index
    %get3A_27 = arith.constant 0 : index
    %get3A_28 = vector.load %arg3[%get3A_26, %get3A_27] : memref<128x128xf32, #tpu.memory_space<vmem>>, vector<128x128xf32>
    %dot_general3A = arith.constant dense<0.000000e+00> : vector<1024x128xf32>
    %dot_general3A_29 = tpu.matmul %mul3A_23, %get3A_28, %dot_general3A {dimension_numbers = #tpu.dot_dimension_numbers<[1], [1], [0], [0], [0, 0, 1, 0], [], []>, transpose_lhs_hint = false} : vector<1024x128xf32>, vector<128x128xf32>, vector<1024x128xf32> -> vector<1024x128xf32>
    %get3A_30 = arith.constant 0 : index
    %get3A_31 = arith.constant 0 : index
    %get3A_32 = vector.load %arg4[%get3A_30, %get3A_31] : memref<1x128xf32, #tpu.memory_space<vmem>>, vector<1x128xf32>
    %add3A_33 = vector.broadcast %get3A_32 : vector<1x128xf32> to vector<1024x128xf32>
    %add3A_34 = arith.addf %dot_general3A_29, %add3A_33 : vector<1024x128xf32>
    %swap3A_35 = arith.constant 0 : index
    %swap3A_36 = arith.constant 0 : index
    %swap3A_37 = vector.load %arg6[%swap3A_35, %swap3A_36] : memref<1024x128xf32, #tpu.memory_space<vmem>>, vector<1024x128xf32>
    tpu.vector_store %arg6[%swap3A_35, %swap3A_36], %add3A_34 {strides = array<i32>} : memref<1024x128xf32, #tpu.memory_space<vmem>>, vector<1024x128xf32>,
    return
  }
  func.func @transform_0(%arg0: i32) -> (i32, i32) {
    %c0_i32 = arith.constant 0 : i32
    %c0_i32_0 = arith.constant 0 : i32
    %c0_i32_1 = arith.constant 0 : i32
    return %c0_i32, %c0_i32_0 : i32, i32
  }
  func.func @transform_1(%arg0: i32) -> (i32, i32) {
    %c0_i32 = arith.constant 0 : i32
    %c0_i32_0 = arith.constant 0 : i32
    return %arg0, %c0_i32 : i32, i32
  }
  func.func @transform_2(%arg0: i32) -> (i32, i32) {
    %c0_i32 = arith.constant 0 : i32
    %c0_i32_0 = arith.constant 0 : i32
    %c0_i32_1 = arith.constant 0 : i32
    return %c0_i32, %c0_i32_0 : i32, i32
  }
  func.func @transform_3(%arg0: i32) -> (i32, i32) {
    %c0_i32 = arith.constant 0 : i32
    %c0_i32_0 = arith.constant 0 : i32
    %c0_i32_1 = arith.constant 0 : i32
    return %c0_i32, %c0_i32_0 : i32, i32
  }
  func.func @transform_4(%arg0: i32) -> (i32, i32) {
    %c0_i32 = arith.constant 0 : i32
    %c0_i32_0 = arith.constant 0 : i32
    return %arg0, %c0_i32 : i32, i32
  }
  func.func @transform_5(%arg0: i32) -> (i32, i32) {
    %c0_i32 = arith.constant 0 : i32
    %c0_i32_0 = arith.constant 0 : i32
    return %arg0, %c0_i32 : i32, i32
  }
}

module attributes {stable_mosaic.version = 14 : i64} {
  func.func @_tc_post_body(%arg0: i32, %arg1: memref<1x1xf32, #tpu.memory_space<smem>>, %arg2: memref<1024x128xf32, #tpu.memory_space<vmem>>, %arg3: memref<1024x128xf32, #tpu.memory_space<vmem>>, %arg4: memref<1024x128xf32, #tpu.memory_space<vmem>>, %arg5: memref<1024x128xf32, #tpu.memory_space<vmem>>, %arg6: memref<1024x128xf32, #tpu.memory_space<vmem>>, %arg7: memref<1x128xf32, #tpu.memory_space<vmem>>, %arg8: memref<1x128xf32, #tpu.memory_space<vmem>>, %arg9: memref<1024x128xf32, #tpu.memory_space<vmem>>) attributes {dimension_semantics = [#tpu.dimension_semantics<arbitrary>], iteration_bounds = array<i64: 10>, scalar_prefetch = 0 : i64, scratch_operands = 0 : i64, tpu.core_type = #tpu.core_type<tc>, window_params = [{transform_indices = @transform_0, window_bounds = array<i64: 1, 1>}, {transform_indices = @transform_1, window_bounds = array<i64: 1024, 128>}, {transform_indices = @transform_2, window_bounds = array<i64: 1024, 128>}, {transform_indices = @transform_3, window_bounds = array<i64: 1024, 128>}, {transform_indices = @transform_4, window_bounds = array<i64: 1024, 128>}, {transform_indices = @transform_5, window_bounds = array<i64: 1024, 128>}, {pipeline_mode = #tpu.pipeline_mode<synchronous>, transform_indices = @transform_6, window_bounds = array<i64: 1, 128>}, {pipeline_mode = #tpu.pipeline_mode<synchronous>, transform_indices = @transform_7, window_bounds = array<i64: 1, 128>}, {transform_indices = @transform_8, window_bounds = array<i64: 1024, 128>}]} {
    %get3A = arith.constant 0 : index
    %get3A_0 = arith.constant 0 : index
    %get3A_1 = memref.load %arg1[%get3A, %get3A_0] : memref<1x1xf32, #tpu.memory_space<smem>>
    %get3A_2 = arith.constant 0 : index
    %get3A_3 = arith.constant 0 : index
    %get3A_4 = vector.load %arg5[%get3A_2, %get3A_3] : memref<1024x128xf32, #tpu.memory_space<vmem>>, vector<1024x128xf32>
    %get3A_5 = arith.constant 0 : index
    %get3A_6 = arith.constant 0 : index
    %get3A_7 = vector.load %arg6[%get3A_5, %get3A_6] : memref<1024x128xf32, #tpu.memory_space<vmem>>, vector<1024x128xf32>
    %add3A = arith.addf %get3A_4, %get3A_7 : vector<1024x128xf32>
    %get3A_8 = arith.constant 0 : index
    %get3A_9 = arith.constant 0 : index
    %get3A_10 = vector.load %arg3[%get3A_8, %get3A_9] : memref<1024x128xf32, #tpu.memory_space<vmem>>, vector<1024x128xf32>
    %get3A_11 = arith.constant 0 : index
    %get3A_12 = arith.constant 0 : index
    %get3A_13 = vector.load %arg4[%get3A_11, %get3A_12] : memref<1024x128xf32, #tpu.memory_space<vmem>>, vector<1024x128xf32>
    %add3A_14 = arith.addf %get3A_10, %get3A_13 : vector<1024x128xf32>
    %max3A = arith.constant 1.000000e+00 : f32
    %max3A_15 = vector.broadcast %max3A : f32 to vector<1024x128xf32>
    %max3A_16 = arith.maximumf %add3A, %max3A_15 : vector<1024x128xf32>
    %div3A = arith.divf %add3A_14, %max3A_16 : vector<1024x128xf32>
    %get3A_17 = arith.constant 0 : index
    %get3A_18 = arith.constant 0 : index
    %get3A_19 = vector.load %arg2[%get3A_17, %get3A_18] : memref<1024x128xf32, #tpu.memory_space<vmem>>, vector<1024x128xf32>
    %add3A_20 = arith.addf %get3A_19, %div3A : vector<1024x128xf32>
    %reduce_sum3A = arith.constant dense<0.000000e+00> : vector<1024xf32>
    %reduce_sum3A_21 = vector.multi_reduction <add>, %add3A_20, %reduce_sum3A [1] : vector<1024x128xf32> to vector<1024xf32>
    %broadcast_in_dim3A = vector.shape_cast %reduce_sum3A_21 : vector<1024xf32> to vector<1024x1xf32>
    %div3A_22 = arith.constant 1.280000e+02 : f32
    %div3A_23 = vector.broadcast %div3A_22 : f32 to vector<1024x1xf32>
    %div3A_24 = arith.divf %broadcast_in_dim3A, %div3A_23 : vector<1024x1xf32>
    %sub3A = vector.broadcast %div3A_24 : vector<1024x1xf32> to vector<1024x128xf32>
    %sub3A_25 = arith.subf %add3A_20, %sub3A : vector<1024x128xf32>
    %integer_pow3A = arith.mulf %sub3A_25, %sub3A_25 : vector<1024x128xf32>
    %reduce_sum3A_26 = arith.constant dense<0.000000e+00> : vector<1024xf32>
    %reduce_sum3A_27 = vector.multi_reduction <add>, %integer_pow3A, %reduce_sum3A_26 [1] : vector<1024x128xf32> to vector<1024xf32>
    %broadcast_in_dim3A_28 = vector.shape_cast %reduce_sum3A_27 : vector<1024xf32> to vector<1024x1xf32>
    %div3A_29 = arith.constant 1.280000e+02 : f32
    %div3A_30 = vector.broadcast %div3A_29 : f32 to vector<1024x1xf32>
    %div3A_31 = arith.divf %broadcast_in_dim3A_28, %div3A_30 : vector<1024x1xf32>
    %sub3A_32 = vector.broadcast %div3A_24 : vector<1024x1xf32> to vector<1024x128xf32>
    %sub3A_33 = arith.subf %add3A_20, %sub3A_32 : vector<1024x128xf32>
    %add3A_34 = arith.constant 9.99999974E-6 : f32
    %add3A_35 = vector.broadcast %add3A_34 : f32 to vector<1024x1xf32>
    %add3A_36 = arith.addf %div3A_31, %add3A_35 : vector<1024x1xf32>
    %sqrt3A = math.sqrt %add3A_36 : vector<1024x1xf32>
    %div3A_37 = vector.broadcast %sqrt3A : vector<1024x1xf32> to vector<1024x128xf32>
    %div3A_38 = arith.divf %sub3A_33, %div3A_37 : vector<1024x128xf32>
    %get3A_39 = arith.constant 0 : index
    %get3A_40 = arith.constant 0 : index
    %get3A_41 = vector.load %arg7[%get3A_39, %get3A_40] : memref<1x128xf32, #tpu.memory_space<vmem>>, vector<1x128xf32>
    %mul3A = vector.broadcast %get3A_41 : vector<1x128xf32> to vector<1024x128xf32>
    %mul3A_42 = arith.mulf %div3A_38, %mul3A : vector<1024x128xf32>
    %get3A_43 = arith.constant 0 : index
    %get3A_44 = arith.constant 0 : index
    %get3A_45 = vector.load %arg8[%get3A_43, %get3A_44] : memref<1x128xf32, #tpu.memory_space<vmem>>, vector<1x128xf32>
    %add3A_46 = vector.broadcast %get3A_45 : vector<1x128xf32> to vector<1024x128xf32>
    %add3A_47 = arith.addf %mul3A_42, %add3A_46 : vector<1024x128xf32>
    %iota3A = tpu.iota {dimensions = array<i32: 1>} : vector<1024x128xi32>
    %eq3A = arith.constant 0 : i32
    %eq3A_48 = vector.broadcast %eq3A : i32 to vector<1024x128xi32>
    %eq3A_49 = arith.cmpi eq, %iota3A, %eq3A_48 : vector<1024x128xi32>
    %jit3A = arith.constant 0.000000e+00 : f32
    %broadcast_in_dim3A_50 = vector.broadcast %jit3A : f32 to vector<1024x128xf32>
    %select_n3A = arith.select %eq3A_49, %broadcast_in_dim3A_50, %add3A_47 : vector<1024x128xi1>, vector<1024x128xf32>
    %mul3A_51 = arith.mulf %select_n3A, %select_n3A : vector<1024x128xf32>
    %reduce_sum3A_52 = arith.constant dense<0.000000e+00> : vector<1024xf32>
    %reduce_sum3A_53 = vector.multi_reduction <add>, %mul3A_51, %reduce_sum3A_52 [1] : vector<1024x128xf32> to vector<1024xf32>
    %broadcast_in_dim3A_54 = vector.shape_cast %reduce_sum3A_53 : vector<1024xf32> to vector<1024x1xf32>
    %sqrt3A_55 = math.sqrt %broadcast_in_dim3A_54 : vector<1024x1xf32>
    %max3A_56 = arith.constant 1.000000e-07 : f32
    %max3A_57 = vector.broadcast %max3A_56 : f32 to vector<1024x1xf32>
    %max3A_58 = arith.maximumf %sqrt3A_55, %max3A_57 : vector<1024x1xf32>
    %mul3A_59 = vector.broadcast %get3A_1 : f32 to vector<1024x1xf32>
    %mul3A_60 = arith.mulf %mul3A_59, %max3A_58 : vector<1024x1xf32>
    %exp3A = math.exp %mul3A_60 : vector<1024x1xf32>
    %div3A_61 = arith.constant 1.000000e+00 : f32
    %div3A_62 = vector.broadcast %div3A_61 : f32 to vector<1024x1xf32>
    %div3A_63 = arith.divf %div3A_62, %exp3A : vector<1024x1xf32>
    %add3A_64 = arith.addf %exp3A, %div3A_63 : vector<1024x1xf32>
    %mul3A_65 = arith.constant 5.000000e-01 : f32
    %mul3A_66 = vector.broadcast %mul3A_65 : f32 to vector<1024x1xf32>
    %mul3A_67 = arith.mulf %mul3A_66, %add3A_64 : vector<1024x1xf32>
    %div3A_68 = vector.broadcast %get3A_1 : f32 to vector<1024x1xf32>
    %div3A_69 = arith.divf %mul3A_67, %div3A_68 : vector<1024x1xf32>
    %sub3A_70 = arith.subf %exp3A, %div3A_63 : vector<1024x1xf32>
    %mul3A_71 = arith.constant 5.000000e-01 : f32
    %mul3A_72 = vector.broadcast %mul3A_71 : f32 to vector<1024x1xf32>
    %mul3A_73 = arith.mulf %mul3A_72, %sub3A_70 : vector<1024x1xf32>
    %mul3A_74 = vector.broadcast %mul3A_73 : vector<1024x1xf32> to vector<1024x128xf32>
    %mul3A_75 = arith.mulf %mul3A_74, %select_n3A : vector<1024x128xf32>
    %mul3A_76 = vector.broadcast %get3A_1 : f32 to vector<1024x1xf32>
    %mul3A_77 = arith.mulf %mul3A_76, %max3A_58 : vector<1024x1xf32>
    %div3A_78 = vector.broadcast %mul3A_77 : vector<1024x1xf32> to vector<1024x128xf32>
    %div3A_79 = arith.divf %mul3A_75, %div3A_78 : vector<1024x128xf32>
    %eq3A_80 = arith.constant 0 : i32
    %eq3A_81 = vector.broadcast %eq3A_80 : i32 to vector<1024x128xi32>
    %eq3A_82 = arith.cmpi eq, %iota3A, %eq3A_81 : vector<1024x128xi32>
    %broadcast_in_dim3A_83 = vector.shape_cast %div3A_69 : vector<1024x1xf32> to vector<1024x1xf32>
    %broadcast_in_dim3A_84 = vector.broadcast %broadcast_in_dim3A_83 : vector<1024x1xf32> to vector<1024x128xf32>
    %select_n3A_85 = arith.select %eq3A_82, %broadcast_in_dim3A_84, %div3A_79 : vector<1024x128xi1>, vector<1024x128xf32>
    %swap3A = arith.constant 0 : index
    %swap3A_86 = arith.constant 0 : index
    %swap3A_87 = vector.load %arg9[%swap3A, %swap3A_86] : memref<1024x128xf32, #tpu.memory_space<vmem>>, vector<1024x128xf32>
    tpu.vector_store %arg9[%swap3A, %swap3A_86], %select_n3A_85 {strides = array<i32>} : memref<1024x128xf32, #tpu.memory_space<vmem>>, vector<1024x128xf32>,
    return
  }
  func.func @transform_0(%arg0: i32) -> (i32, i32) {
    %c0_i32 = arith.constant 0 : i32
    %c0_i32_0 = arith.constant 0 : i32
    %c0_i32_1 = arith.constant 0 : i32
    return %c0_i32, %c0_i32_0 : i32, i32
  }
  func.func @transform_1(%arg0: i32) -> (i32, i32) {
    %c0_i32 = arith.constant 0 : i32
    %c0_i32_0 = arith.constant 0 : i32
    return %arg0, %c0_i32 : i32, i32
  }
  func.func @transform_2(%arg0: i32) -> (i32, i32) {
    %c0_i32 = arith.constant 0 : i32
    %c0_i32_0 = arith.constant 0 : i32
    return %arg0, %c0_i32 : i32, i32
  }
  func.func @transform_3(%arg0: i32) -> (i32, i32) {
    %c0_i32 = arith.constant 0 : i32
    %c0_i32_0 = arith.constant 0 : i32
    return %arg0, %c0_i32 : i32, i32
  }
  func.func @transform_4(%arg0: i32) -> (i32, i32) {
    %c0_i32 = arith.constant 0 : i32
    %c0_i32_0 = arith.constant 0 : i32
    return %arg0, %c0_i32 : i32, i32
  }
  func.func @transform_5(%arg0: i32) -> (i32, i32) {
    %c0_i32 = arith.constant 0 : i32
    %c0_i32_0 = arith.constant 0 : i32
    return %arg0, %c0_i32 : i32, i32
  }
  func.func @transform_6(%arg0: i32) -> (i32, i32) {
    %c0_i32 = arith.constant 0 : i32
    %c0_i32_0 = arith.constant 0 : i32
    %c0_i32_1 = arith.constant 0 : i32
    return %c0_i32, %c0_i32_0 : i32, i32
  }
  func.func @transform_7(%arg0: i32) -> (i32, i32) {
    %c0_i32 = arith.constant 0 : i32
    %c0_i32_0 = arith.constant 0 : i32
    %c0_i32_1 = arith.constant 0 : i32
    return %c0_i32, %c0_i32_0 : i32, i32
  }
  func.func @transform_8(%arg0: i32) -> (i32, i32) {
    %c0_i32 = arith.constant 0 : i32
    %c0_i32_0 = arith.constant 0 : i32
    return %arg0, %c0_i32 : i32, i32
  }
}

</mosaic_0001>

<sc_bundles>
// kernel: kernel.11.cloned.1.call-start
scs
__scs_entry_jumppad:
0x0: {  	(pc) =	sbr.rel $0x88, $3  }
0x1: {  	(tag) =	ssettag $0x0;
	lr =	simm.s32 $0x1  }
0x2: {  	[smem:$0x3F95] =	sst lr;
	_ =	strace $0xD0000000  }
0x3: {  	_ = 	snop  }
0x4: {  	_ = 	snop  }
0x5: {  	_ = 	snop  }
0x6: {  	_ = 	snop  }
0x7: {  	_ = 	snop  }
__scs_overlays_trampoline_lowered:
0x8: {  	[smem:$0x3FA4] =	sst s0  }
0x9: {  	[smem:$0x3FA5] =	sst s1  }
0xa: {  	[smem:$0x3FA6] =	sst s2  }
0xb: {  	[smem:$0x3FA7] =	sst s3  }
0xc: {  	[smem:$0x3FA8] =	sst s4  }
0xd: {  	[smem:$0x3FA9] =	sst s5  }
0xe: {  	[smem:$0x3FAA] =	sst s6  }
0xf: {  	[smem:$0x3FAB] =	sst s7  }
0x10: {  	[smem:$0x3FAC] =	sst s8  }
0x11: {  	[smem:$0x3FAD] =	sst s9;
	s0 =	simm.s32 @!p0 $0x0  }
0x12: {  	s1 =	sld [smem:$0x3F93];
	s0 =	simm.s32 @p0 $0x1  }
0x13: {  	[smem:$0x3FAE] =	sst s0;
	s0 =	simm.s32 @!p1 $0x0  }
0x14: {  	s2 =	sld [smem:$0x3F92];
	s0 =	simm.s32 @p1 $0x1  }
0x15: {  	[smem:$0x3FAF] =	sst s0;
	s0 =	simm.s32 @!p2 $0x0  }
0x16: {  	s3 =	sld [smem:$0x3FDB];
	s0 =	simm.s32 @p2 $0x1  }
0x17: {  	s4 =	simm.s32 $0x1BF5;
	[smem:$0x3FB1] =	sst s0  }
0x18: {  	s0 =	sld [smem:$0x3F94];
	_ =	swait.ge [sflag:s4], $0x0  }
0x19: {  	s7 =	sld [smem:$0x3F95]  }
0x1a: {  	s8 =	sadd.s32 $0xFFFFE003, lr  }
0x1b: {  	s9 =	sadd.s32 $0xFFFFFEF7, lr;
	s5 =	simm.s32 $0xFFFFFFFF;
	p2 =	slt.u32 s8, $0xFFFFF086  }
0x1c: {  	p1 =	slt.u32 s9, $0xF7A;
	s5 =	simm.s32 @!p2 $0x0  }
0x1d: {  	s5 =	simm.s32 @p1 $0x1;
	p0 =	seq.s32 s7, s2  }
0x1e: {  	s7 =	smul.u32 @!p0 $0xF7A, s2;
	p2 =	seq.s32 @!p0 s5, $0x0  }
0x1f: {  	s9 =	smul.u32 $0xF7A, s1;
	s8 =	simm.s32 @!p0 $0x1BF5;
	p2 =	por !p2, p0  }
0x20: {  	[sflag:s8] =	ssyncset.s32 @!p0 $0xFFFFF086;
	s6 =	sadd.s32 @!p0 s3, s7;
	s7 =	simm.s32 @!p0 $0x108  }
0x21: {  	s3 =	sadd.s32 s3, s9;
	s6 =	sadd.s32 @!p0 $0x88, s6;
	s7 =	simm.s32 @p2 $0x1082  }
0x22: {  	[simem:s7], [sflag:s8] =	dma.local @!p0 [hbm:s6], $0xF7A  }
0x23: {  	s9 =	sor.u32 $0xD0000000, s2;
	s6 =	simm.s32 $0x108;
	_ =	swait.ge @!p0 [sflag:s8], $0x0  }
0x24: {  	s3 =	sadd.s32 $0x88, s3;
	s6 =	simm.s32 @!p1 $0x1082;
	[sflag:s4] =	ssyncset.s32 $0xFFFFF086  }
0x25: {  	[simem:s6], [sflag:s4] =	dma.local [hbm:s3], $0xF7A  }
0x26: {  	[smem:$0x3F95] =	sst s1;
	(tag) =	ssettag s2;
	_ =	strace s9  }
0x27: {  	s1 =	sld [smem:$0x3FA5]  }
0x28: {  	s2 =	sld [smem:$0x3FA6]  }
0x29: {  	s4 =	sld [smem:$0x3FA8]  }
0x2a: {  	p0 =	seq.s32 s5, $0x0;
	s5 =	sld [smem:$0x3FA9]  }
0x2b: {  	s6 =	sld [smem:$0x3FAA]  }
0x2c: {  	s7 =	sld [smem:$0x3FAB]  }
0x2d: {  	s3 =	simm.s32 $0x108;
	s8 =	sld [smem:$0x3FAC]  }
0x2e: {  	s3 =	simm.s32 @!p0 $0x1082;
	s9 =	sld [smem:$0x3FAD]  }
0x2f: {  	lr =	sadd.s32 s0, s3;
	s0 =	sld [smem:$0x3FA4]  }
0x30: {  	s3 =	sld [smem:$0x3FA7]  }
0x31: {  	[smem:$0x3FB0] =	sst s10  }
0x32: {  	s10 =	sld [smem:$0x3FAE];
	_ =	sdelay $0x3  }
0x33: {  	p0 =	seq.s32 s10, $0x1;
	s10 =	sld [smem:$0x3FB0];
	_ =	sdelay $0x3  }
0x34: {  	[smem:$0x3FB0] =	sst s10  }
0x35: {  	s10 =	sld [smem:$0x3FAF];
	_ =	sdelay $0x3  }
0x36: {  	p1 =	seq.s32 s10, $0x1;
	s10 =	sld [smem:$0x3FB0];
	_ =	sdelay $0x3  }
0x37: {  	[smem:$0x3FB0] =	sst s10  }
0x38: {  	s10 =	sld [smem:$0x3FB1]  }
0x39: {  	_ = 	snop;
	(pc) =	sbr.ind lr, $3  }
0x3a: {  	_ = 	snop  }
0x3b: {  	_ = 	snop  }
0x3c: {  	p2 =	seq.s32 s10, $0x1;
	s10 =	sld [smem:$0x3FB0]  }
0x3d: {  	_ =	shalt  }
0x3e: {  	_ =	shalt  }
0x3f: {  	_ =	shalt  }
0x40: {  	_ =	shalt  }
0x41: {  	_ =	shalt  }
0x42: {  	_ =	shalt  }
0x43: {  	_ =	shalt  }
0x44: {  	_ =	shalt  }
0x45: {  	_ =	shalt  }
0x46: {  	_ =	shalt  }
0x47: {  	_ =	shalt  }
0x48: {  	_ =	shalt  }
0x49: {  	_ =	shalt  }
0x4a: {  	_ =	shalt  }
0x4b: {  	_ =	shalt  }
0x4c: {  	_ =	shalt  }
0x4d: {  	_ =	shalt  }
0x4e: {  	_ =	shalt  }
0x4f: {  	_ =	shalt  }
0x50: {  	_ =	shalt  }
0x51: {  	_ =	shalt  }
0x52: {  	_ =	shalt  }
0x53: {  	_ =	shalt  }
0x54: {  	_ =	shalt  }
0x55: {  	_ =	shalt  }
0x56: {  	_ =	shalt  }
0x57: {  	_ =	shalt  }
0x58: {  	_ =	shalt  }
0x59: {  	_ =	shalt  }
0x5a: {  	_ =	shalt  }
0x5b: {  	_ =	shalt  }
0x5c: {  	_ =	shalt  }
0x5d: {  	_ =	shalt  }
0x5e: {  	_ =	shalt  }
0x5f: {  	_ =	shalt  }
0x60: {  	_ =	shalt  }
0x61: {  	_ =	shalt  }
0x62: {  	_ =	shalt  }
0x63: {  	_ =	shalt  }
0x64: {  	_ =	shalt  }
0x65: {  	_ =	shalt  }
0x66: {  	_ =	shalt  }
0x67: {  	_ =	shalt  }
0x68: {  	_ =	shalt  }
0x69: {  	_ =	shalt  }
0x6a: {  	_ =	shalt  }
0x6b: {  	_ =	shalt  }
0x6c: {  	_ =	shalt  }
0x6d: {  	_ =	shalt  }
0x6e: {  	_ =	shalt  }
0x6f: {  	_ =	shalt  }
0x70: {  	_ =	shalt  }
0x71: {  	_ =	shalt  }
0x72: {  	_ =	shalt  }
0x73: {  	_ =	shalt  }
0x74: {  	_ =	shalt  }
0x75: {  	_ =	shalt  }
0x76: {  	_ =	shalt  }
0x77: {  	_ =	shalt  }
0x78: {  	_ =	shalt  }
0x79: {  	_ =	shalt  }
0x7a: {  	_ =	shalt  }
0x7b: {  	_ =	shalt  }
0x7c: {  	_ =	shalt  }
0x7d: {  	_ =	shalt  }
0x7e: {  	_ =	shalt  }
0x7f: {  	_ =	shalt  }
0x80: {  	_ =	shalt  }
0x81: {  	_ =	shalt  }
0x82: {  	_ =	shalt  }
0x83: {  	_ =	shalt  }
0x84: {  	_ =	shalt  }
0x85: {  	_ =	shalt  }
0x86: {  	_ =	shalt  }
0x87: {  	_ =	shalt  }
.Lfunc_end0:
.L_simem_size_0:
called_computation.1_lowered:
.L_overlay_start_0:
0x88: {  	s2 =	sld [smem:$0x3FD9]  }
0x89: {  	s3 =	sld [smem:$0x3FFE];
	_ =	sdelay $0x1  }
0x8a: {  	s1 =	srdreg.scid  }
0x8b: {  	s0 =	sand.u32 $0x1, s1  }
0x8c: {  	s17 =	sshll.u32 s0, $0xA;
	s2 =	sadd.s32 s3, s2  }
0x8d: {  	s2 =	sadd.s32 s2, s17  }
0x8e: {  	[smem:$0x3FBC] =	sst s2  }
0x8f: {  	_ = 	snop  }
0x90: {  	s2 =	sld [smem:$0x3FD0];
	(tm) =	ssettm $0x1  }
0x91: {  	s18 =	sld [smem:$0x3FFB];
	_ =	sdelay $0x3  }
0x92: {  	_ =	strace s18  }
0x93: {  	s3 =	sld [smem:$0x3FFC];
	_ =	sdelay $0x3  }
0x94: {  	_ =	strace s3  }
0x95: {  	s3 =	sld [smem:$0x3FFD];
	_ =	sdelay $0x3  }
0x96: {  	_ =	strace s3  }
0x97: {  	_ =	strace $0x8FFFFFFF  }
0x98: {  	s19 =	sld [smem:$0x3FDB];
	_ =	sdelay $0x1  }
0x99: {  	s4 =	simm.s32 $_scs_section_size  }
0x9a: {  	s5 =	simm.s32 $_size__tile_overlayer_lowered;
	s6 =	simm.s32 $_tile_overlayer_lowered  }
0x9b: {  	s22 =	simm.s32 $0x1BFF;
	s21 =	sshll.u32 s6, $0x1;
	s3 =	sadd.s32 s4, s19  }
0x9c: {  	s7 =	simm.s32 $0x0;
	s20 =	sshll.u32 s5, $0x1;
	s5 =	sadd.s32 s21, s3  }
0x9d: {  	[timem:s7], [sflag:s22] =	dma.local [hbm:s5], s20  }
0x9e: {  	_ =	swait.ge [sflag:s22], s20  }
0x9f: {  	s4 =	ssub.s32 $0x0, s20;
	[sflag:s22] =	ssyncset.done $0x0  }
0xa0: {  	[sflag:s22] =	ssyncadd.s32 s4;
	_ =	sdelay $0x1  }
0xa1: {  	s23 =	simm.s32 $0x1B8B  }
0xa2: {  	_ =	swait.ge [sflag:s23], $0x1  }
0xa3: {  	[sflag:s23] =	ssyncset.done $0x0  }
0xa4: {  	s25 =	simm.s32 $0x1B8E;
	s24 =	sld [smem:$0x3FFE];
	[sflag:s23] =	ssyncadd.s32 $0xFFFFFFFF  }
0xa5: {  	s26 =	simm.s32 $execute0_lowered;
	[smem:$0x3FD2] =	sst s25  }
0xa6: {  	s5 =	sshll.u32 s26, $0x1;
	_ =	strace $0x80000049;
	[dreg:$0x1] =	wrdreg $0xFFFFFFFF  }
0xa7: {  	s28 =	simm.s32 $_size_execute0_lowered;
	s3 =	sadd.s32 s3, s5;
	[dreg:$0x0] =	wrdreg $0x0  }
0xa8: {  	s5 =	sshll.u32 s28, $0x1;
	[dreg:$0x2] =	wrdreg s3  }
0xa9: {  	[dreg:$0x3] =	wrdreg s5  }
0xaa: {  	[dreg:$0x4] =	wrdreg $0xC0  }
0xab: {  	_ =	task [dreg:s7], $0x5FFFF  }
0xac: {  	[dreg:$0x1] =	wrdreg $0xFFFFFFFF  }
0xad: {  	[dreg:$0x0] =	wrdreg $0x60  }
0xae: {  	[dreg:$0x2] =	wrdreg s24  }
0xaf: {  	[dreg:$0x3] =	wrdreg s2  }
0xb0: {  	[dreg:$0x4] =	wrdreg $0x80000  }
0xb1: {  	[dreg:$0x5] =	wrdreg $0x9  }
0xb2: {  	_ =	task.clear_ibuf [dreg:s7], $0x6FFFF;
	_ =	strace $0x90000049  }
0xb3: {  	s29 =	simm.s32 $0x9;
	_ =	strace $0x8000004B  }
0xb4: {  	_ =	swait.ge [sflag:s29], $0x1  }
0xb5: {  	[sflag:s29] =	ssyncadd.s32 $0xFFFFFFFF  }
0xb6: {  	_ =	strace $0x9000004B  }
0xb7: {  	_ =	sfence  }
0xb8: {  	s30 =	sld [smem:$0x0];
	_ =	sdelay $0x2  }
0xb9: {  	s31 =	sshll.u32 s1, $0xD;
	s1 =	sshrl.u32 s1, $0x2  }
0xba: {  	s3 =	sand.u32 $0x4000, s31;
	s1 =	sadd.s32 s1, s30  }
0xbb: {  	s0 =	sor.u32 s3, s0;
	s1 =	sshll.u32 s1, $0x11  }
0xbc: {  	s0 =	sor.u32 s1, s0  }
0xbd: {  	s0 =	sadd.s32 $0x8F2B, s0  }
0xbe: {  	[sflag:s0] =	ssyncadd.remote.s32 $0x1  }
0xbf: {  	_ =	sfence.sel $0xFFFF  }
0xc0: {  	[dreg:$0x0] =	wrdreg $0xFFFFFFFF;
	(pc) =	sbr.abs _section_cstart, $3  }
0xc1: {  	[dreg:$0x1] =	wrdreg $0xFFFFFFFF  }
0xc2: {  	_ =	task.clear_ibuf [dreg:s7], $0x2FFFF;
	_ =	strace $0x9FFFFFFF  }
0xc3: {  	(tm) =	ssettm $0x7FFFFFFF  }
tec
execute0_lowered:
.L_overlay_start_1:
0x0: {  	(tag) =	ssettag $0x1  }
0x1: {  	s0 =	rddreg [dreg:$0x0]  }
0x2: {  	s12 =	rddreg [dreg:$0x1]  }
0x3: {  	s3 =	rddreg [dreg:$0x2]  }
0x4: {  	s1 =	srdreg.scid;
	s6 =	stileid.u32  }
0x5: {  	s4 =	simm.s32 $0x0;
	s1 =	sand.u32 $0x1, s1;
	s2 =	sshll.u32 s6, $0x1  }
0x6: {  	[smem:$0x7FF] =	sst s4;
	s5 =	sadd.s32 $0x34200, s0;
	s15 =	smul.u32 $0x14000, s6  }
0x7: {  	s16 =	smul.u32 $0x50000, s6;
	s2 =	sor.u32 s1, s2;
	s7 =	ssub.s32 $0x2, s1  }
0x8: {  	s13 =	sadd.s32 $0x2400, s0;
	s2 =	smul.u32 $0x2710, s2;
	s8 =	sshrl.u32 s7, $0x1  }
0x9: {  	s0 =	sadd.s32 $0x5C200, s0;
	s18 =	smul.u32 $0x4E20, s6;
	s7 =	ssub.s32 s7, s8  }
0xa: {  	_ =	strace $0x8000004A;
	s22 =	sshrl.u32 s2, $0x3;
	s7 =	smax.u32 s7, $0x1  }
0xb: {  	s9 =	sadd.s32 $0x28, s2;
	s10 =	sadd.s32 s13, s22;
	[dreg:$0xe] =	wrdreg s7  }
0xc: {  	s9 =	sshrl.u32 s9, $0x3;
	s23 =	sadd.s32 s12, s22;
	[dreg:$0x4] =	wrdreg s10  }
0xd: {  	s2 =	sadd.s32 $0x78, s2;
	[dreg:$0x5] =	wrdreg s23;
	s24 =	sadd.s32 s13, s9  }
0xe: {  	s25 =	sadd.s32 $0xA, s22;
	s9 =	sadd.s32 s12, s9;
	[dreg:$0x6] =	wrdreg s24  }
0xf: {  	s2 =	sshrl.u32 s2, $0x3;
	s26 =	sadd.s32 s13, s25;
	[dreg:$0x7] =	wrdreg s9  }
0x10: {  	s29 =	smov.u32 s13;
	s28 =	sadd.s32 s13, s2;
	[dreg:$0x8] =	wrdreg s26  }
0x11: {  	s8 =	sadd.s32 $0x14, s22;
	s2 =	sadd.s32 s12, s2;
	[dreg:$0xa] =	wrdreg s28  }
0x12: {  	s7 =	sshrl.u32 s16, $0x2;
	s14 =	sadd.s32 s13, s8;
	[dreg:$0xb] =	wrdreg s2  }
0x13: {  	s10 =	smul.u32 $0x140000, s1;
	s8 =	sadd.s32 s12, s8;
	[dreg:$0xc] =	wrdreg s14  }
0x14: {  	s1 =	smul.u32 $0x2710, s1;
	s9 =	sadd.s32 s12, s25;
	[dreg:$0xd] =	wrdreg s8  }
0x15: {  	s2 =	sor.u32 $0x1400, s15;
	[dreg:$0x9] =	wrdreg s9;
	s17 =	sadd.s32 s10, s15  }
0x16: {  	s9 =	sadd.s32 s10, s2;
	s1 =	sadd.s32 s1, s18;
	s18 =	sadd.s32 s7, s3  }
0x17: {  	s2 =	sadd.s32 s2, s3;
	s11 =	sshrl.u32 s17, $0x3;
	s9 =	sshrl.u32 s9, $0x3  }
0x18: {  	s20 =	sor.u32 $0x3C00, s17;
	s8 =	sor.u32 $0x2800, s17;
	s23 =	sadd.s32 $0x168, s1  }
0x19: {  	s24 =	sadd.s32 $0x140, s1;
	[dreg:$0x12] =	wrdreg s2;
	s6 =	sadd.s32 $0x118, s1  }
0x1a: {  	s7 =	sadd.s32 $0xF0, s1;
	s1 =	sadd.s32 $0xC8, s1;
	[dreg:$0x11] =	wrdreg s18  }
0x1b: {  	s10 =	sadd.s32 $0x1400, s18;
	s14 =	sadd.s32 $0x7800, s18;
	[dreg:$0x18] =	wrdreg s1  }
0x1c: {  	s15 =	sadd.s32 $0x8C00, s18;
	s16 =	sadd.s32 $0xA000, s18;
	[dreg:$0x19] =	wrdreg s10  }
0x1d: {  	s17 =	sadd.s32 $0xB400, s18;
	s19 =	sadd.s32 s0, s11;
	[dreg:$0x1e] =	wrdreg s14  }
0x1e: {  	s21 =	sadd.s32 s0, s9;
	s22 =	sshrl.u32 s20, $0x3;
	[dreg:$0x1f] =	wrdreg s15  }
0x1f: {  	s8 =	sshrl.u32 s8, $0x3;
	s25 =	sshrl.u32 s24, $0x3;
	[smem:$0x7F6] =	sst s16  }
0x20: {  	s9 =	sshrl.u32 s7, $0x3;
	s11 =	sadd.s32 $0x2800, s18;
	[smem:$0x7F7] =	sst s17  }
0x21: {  	s24 =	sadd.s32 $0x3C00, s18;
	s10 =	simm.s32 $0x1;
	[dreg:$0xf] =	wrdreg s19  }
0x22: {  	s1 =	simm.s32 $0xB;
	s15 =	simm.s32 $0x1C00;
	[dreg:$0x10] =	wrdreg s21  }
0x23: {  	s7 =	simm.s32 $0x600;
	s14 =	simm.s32 $0x5800;
	[dreg:$0x1a] =	wrdreg s11  }
0x24: {  	s16 =	simm.s32 $0x3;
	s28 =	sadd.s32 s25, s12;
	[dreg:$0x1b] =	wrdreg s24  }
0x25: {  	s20 =	sadd.s32 s22, s0;
	s2 =	sadd.s32 s25, s13;
	[dreg:$0x15] =	wrdreg s28  }
0x26: {  	s21 =	sadd.s32 s8, s0;
	s19 =	sadd.s32 $0xC800, s18;
	[dreg:$0x16] =	wrdreg s2  }
0x27: {  	s0 =	sshrl.u32 s23, $0x3;
	s22 =	sadd.s32 $0xDC00, s18;
	[smem:$0x7F8] =	sst s19  }
0x28: {  	s31 =	sadd.s32 s9, s12;
	s23 =	sadd.s32 $0xF000, s18;
	[smem:$0x7F9] =	sst s22  }
0x29: {  	s25 =	sadd.s32 $0x10400, s18;
	s26 =	sadd.s32 s0, s12;
	[smem:$0x7FA] =	sst s23  }
0x2a: {  	s0 =	sadd.s32 s0, s13;
	[smem:$0x7FB] =	sst s25;
	s28 =	sadd.s32 $0x12C00, s18  }
0x2b: {  	s23 =	simm.s32 $0x200;
	s19 =	simm.s32 $0x5;
	[dreg:$0x13] =	wrdreg s26  }
0x2c: {  	s22 =	simm.s32 $0xA;
	[dreg:$0x14] =	wrdreg s0;
	s0 =	sshrl.u32 s6, $0x3  }
0x2d: {  	s26 =	sadd.s32 $0x11800, s18;
	[smem:$0x7FD] =	sst s28;
	s6 =	simm.s32 $0x0  }
0x2e: {  	s8 =	sadd.s32 s0, s12;
	s30 =	sadd.s32 s0, s13;
	[smem:$0x7FC] =	sst s26  }
0x2f: {  	s0 =	sadd.s32 s9, s13;
	s12 =	sadd.s32 $0x5000, s18;
	[dreg:$0x17] =	wrdreg s8  }
0x30: {  	s13 =	sadd.s32 $0x6400, s18;
	s9 =	simm.s32 $0x2;
	[dreg:$0x1c] =	wrdreg s12  }
0x31: {  	v0 =	vimm.f32 $0.0e+00;
	[dreg:$0x1d] =	wrdreg s13;
	s12 =	simm.s32 $0x28;
	s13 =	simm.s32 $0x800  }
.LBB2_1:
0x32: {  	s2 =	sand.u32 $0x7E00, s4  }
0x33: {  	[smem:$0x7F5] =	sst s6;
	s8 =	sand.u32 $0x70, s4;
	s11 =	sshrl.u32 s2, $0x2  }
0x34: {  	s2 =	simm.s32 $0x40;
	s11 =	sor.u32 s8, s11;
	s8 =	simm.s32 $0x0  }
.LBB2_2:
0x35: {  	p0 =	sne.s32 s2, $0x4FC0  }
0x36: {  	[tilespmem:s11+$0x6C00] =	vst v0;
	s8 =	sadd.s32 $0x10, s8;
	s11 =	smov.u32 s2;
	s2 =	sadd.s32 $0x40, s2  }
.Ltmp0:
0x37: {  	(pc) =	sbr.rel @p0 .LBB2_2-.Ltmp0, $4  }
0x38: {  	_ = 	snop  }
0x39: {  	s11 =	sand.u32 $0x7E00, s11  }
0x3a: {  	s17 =	sand.u32 $0x70, s8;
	s11 =	sshrl.u32 s11, $0x2  }
0x3b: {  	s11 =	sor.u32 s17, s11  }
0x3c: {  	[tilespmem:s11+$0x6C00] =	vst v0;
	s6 =	simm.s32 $0x6C00  }
0x3d: {  	[spmem:s18] =	stream.linear.scatter [tilespmem:s6], [sflag:$0x1], $0x1400, $0x38;
	[tilespmem:$0x1C000] =	vst v63  }
0x3e: {  	s2 =	rddreg [dreg:$0x19]  }
0x3f: {  	[spmem:s2] =	stream.linear.scatter [tilespmem:s6], [sflag:$0x1], $0x1400, $0x38;
	[tilespmem:$0x1C000] =	vst v63  }
0x40: {  	s26 =	rddreg [dreg:$0x1a]  }
0x41: {  	[spmem:s26] =	stream.linear.scatter [tilespmem:s6], [sflag:$0x1], $0x1400, $0x38;
	[tilespmem:$0x1C000] =	vst v63  }
0x42: {  	s28 =	rddreg [dreg:$0x1c]  }
0x43: {  	[spmem:s24] =	stream.linear.scatter [tilespmem:s6], [sflag:$0x1], $0x1400, $0x38;
	[tilespmem:$0x1C000] =	vst v63  }
0x44: {  	s8 =	rddreg [dreg:$0x1d]  }
0x45: {  	[spmem:s28] =	stream.linear.scatter [tilespmem:s6], [sflag:$0x1], $0x1400, $0x38;
	[tilespmem:$0x1C000] =	vst v63  }
0x46: {  	s11 =	rddreg [dreg:$0x1e]  }
0x47: {  	[spmem:s8] =	stream.linear.scatter [tilespmem:s6], [sflag:$0x1], $0x1400, $0x38;
	[tilespmem:$0x1C000] =	vst v63  }
0x48: {  	s17 =	rddreg [dreg:$0x1f]  }
0x49: {  	[spmem:s11] =	stream.linear.scatter [tilespmem:s6], [sflag:$0x1], $0x1400, $0x38;
	[tilespmem:$0x1C000] =	vst v63  }
0x4a: {  	s18 =	sld [smem:$0x7F6]  }
0x4b: {  	[spmem:s17] =	stream.linear.scatter [tilespmem:s6], [sflag:$0x1], $0x1400, $0x38;
	[tilespmem:$0x1C000] =	vst v63  }
0x4c: {  	s24 =	sld [smem:$0x7F7]  }
0x4d: {  	[spmem:s18] =	stream.linear.scatter [tilespmem:s6], [sflag:$0x1], $0x1400, $0x38;
	[tilespmem:$0x1C000] =	vst v63  }
0x4e: {  	s25 =	sld [smem:$0x7F8]  }
0x4f: {  	[spmem:s24] =	stream.linear.scatter [tilespmem:s6], [sflag:$0x1], $0x1400, $0x38;
	[tilespmem:$0x1C000] =	vst v63  }
0x50: {  	s26 =	sld [smem:$0x7F9]  }
0x51: {  	[spmem:s25] =	stream.linear.scatter [tilespmem:s6], [sflag:$0x1], $0x1400, $0x38;
	[tilespmem:$0x1C000] =	vst v63  }
0x52: {  	s28 =	sld [smem:$0x7FA]  }
0x53: {  	[spmem:s26] =	stream.linear.scatter [tilespmem:s6], [sflag:$0x1], $0x1400, $0x38;
	[tilespmem:$0x1C000] =	vst v63  }
0x54: {  	s8 =	sld [smem:$0x7FB]  }
0x55: {  	[spmem:s28] =	stream.linear.scatter [tilespmem:s6], [sflag:$0x1], $0x1400, $0x38;
	[tilespmem:$0x1C000] =	vst v63  }
0x56: {  	s11 =	sld [smem:$0x7FC]  }
0x57: {  	[spmem:s8] =	stream.linear.scatter [tilespmem:s6], [sflag:$0x1], $0x1400, $0x38;
	[tilespmem:$0x1C000] =	vst v63  }
0x58: {  	s17 =	sld [smem:$0x7FD]  }
0x59: {  	[spmem:s11] =	stream.linear.scatter [tilespmem:s6], [sflag:$0x1], $0x1400, $0x38;
	[tilespmem:$0x1C000] =	vst v63  }
0x5a: {  	_ = 	snop  }
0x5b: {  	[spmem:s17] =	stream.linear.scatter [tilespmem:s6], [sflag:$0x1], $0x1400, $0x38;
	[tilespmem:$0x1C000] =	vst v63  }
0x5c: {  	_ =	swait.ge [sflag:s10], $0x1400  }
0x5d: {  	[sflag:s10] =	ssyncset.done $0x0  }
0x5e: {  	[sflag:s10] =	ssyncadd.s32 $0xFFFFEC00  }
0x5f: {  	_ =	swait.ge [sflag:s10], $0x1400  }
0x60: {  	[sflag:s10] =	ssyncset.done $0x0  }
0x61: {  	[sflag:s10] =	ssyncadd.s32 $0xFFFFEC00  }
0x62: {  	_ =	swait.ge [sflag:s10], $0x1400  }
0x63: {  	[sflag:s10] =	ssyncset.done $0x0  }
0x64: {  	[sflag:s10] =	ssyncadd.s32 $0xFFFFEC00  }
0x65: {  	_ =	swait.ge [sflag:s10], $0x1400  }
0x66: {  	[sflag:s10] =	ssyncset.done $0x0  }
0x67: {  	[sflag:s10] =	ssyncadd.s32 $0xFFFFEC00  }
0x68: {  	_ =	swait.ge [sflag:s10], $0x1400  }
0x69: {  	[sflag:s10] =	ssyncset.done $0x0  }
0x6a: {  	[sflag:s10] =	ssyncadd.s32 $0xFFFFEC00  }
0x6b: {  	_ =	swait.ge [sflag:s10], $0x1400  }
0x6c: {  	[sflag:s10] =	ssyncset.done $0x0  }
0x6d: {  	[sflag:s10] =	ssyncadd.s32 $0xFFFFEC00  }
0x6e: {  	_ =	swait.ge [sflag:s10], $0x1400  }
0x6f: {  	[sflag:s10] =	ssyncset.done $0x0  }
0x70: {  	[sflag:s10] =	ssyncadd.s32 $0xFFFFEC00  }
0x71: {  	_ =	swait.ge [sflag:s10], $0x1400  }
0x72: {  	[sflag:s10] =	ssyncset.done $0x0  }
0x73: {  	[sflag:s10] =	ssyncadd.s32 $0xFFFFEC00  }
0x74: {  	_ =	swait.ge [sflag:s10], $0x1400  }
0x75: {  	[sflag:s10] =	ssyncset.done $0x0  }
0x76: {  	[sflag:s10] =	ssyncadd.s32 $0xFFFFEC00  }
0x77: {  	_ =	swait.ge [sflag:s10], $0x1400  }
0x78: {  	[sflag:s10] =	ssyncset.done $0x0  }
0x79: {  	[sflag:s10] =	ssyncadd.s32 $0xFFFFEC00  }
0x7a: {  	_ =	swait.ge [sflag:s10], $0x1400  }
0x7b: {  	[sflag:s10] =	ssyncset.done $0x0  }
0x7c: {  	[sflag:s10] =	ssyncadd.s32 $0xFFFFEC00  }
0x7d: {  	_ =	swait.ge [sflag:s10], $0x1400  }
0x7e: {  	[sflag:s10] =	ssyncset.done $0x0  }
0x7f: {  	[sflag:s10] =	ssyncadd.s32 $0xFFFFEC00  }
0x80: {  	_ =	swait.ge [sflag:s10], $0x1400  }
0x81: {  	[sflag:s10] =	ssyncset.done $0x0  }
0x82: {  	[sflag:s10] =	ssyncadd.s32 $0xFFFFEC00  }
0x83: {  	_ =	swait.ge [sflag:s10], $0x1400  }
0x84: {  	[sflag:s10] =	ssyncset.done $0x0  }
0x85: {  	[sflag:s10] =	ssyncadd.s32 $0xFFFFEC00  }
0x86: {  	_ =	swait.ge [sflag:s10], $0x1400  }
0x87: {  	[sflag:s10] =	ssyncset.done $0x0  }
0x88: {  	[sflag:s10] =	ssyncadd.s32 $0xFFFFEC00  }
0x89: {  	_ =	swait.ge [sflag:s10], $0x1400  }
0x8a: {  	[sflag:s10] =	ssyncset.done $0x0  }
0x8b: {  	[sflag:s10] =	ssyncadd.s32 $0xFFFFEC00  }
0x8c: {  	[bflag:$0x0] =	sbarrier.arrive $0xFFFF  }
0x8d: {  	s8 =	simm.s32 $0x0;
	s18 =	rddreg [dreg:$0x4]  }
0x8e: {  	[tilespmem:s8], [sflag:$0xB] =	stream.linear.gather [hbm4b:s18+s8], $0x28, $0x38;
	[tilespmem:$0x1C000] =	vst v63  }
0x8f: {  	_ =	swait.ge [sflag:s1], $0x28  }
0x90: {  	[sflag:s1] =	ssyncset.done $0x0  }
0x91: {  	s25 =	simm.s32 $0x400;
	s24 =	rddreg [dreg:$0x5];
	[sflag:s1] =	ssyncadd.s32 $0xFFFFFFD8  }
0x92: {  	[tilespmem:s25], [sflag:$0xB] =	stream.linear.gather [hbm4b:s24+s8], $0x28, $0x38;
	[tilespmem:$0x1C000] =	vst v63  }
0x93: {  	_ =	swait.ge [sflag:s1], $0x28  }
0x94: {  	[sflag:s1] =	ssyncset.done $0x0  }
0x95: {  	[sflag:s1] =	ssyncadd.s32 $0xFFFFFFD8  }
0x96: {  	[tilespmem:s13], [sflag:$0x1] =	stream.indirect.gather [hbm4b:s5+s12], $0x80, s8, s12, $0xb8;
	[tilespmem:$0x1C000] =	vst v63  }
0x97: {  	s28 =	simm.s32 $0x80;
	s26 =	rddreg [dreg:$0x6]  }
0x98: {  	[tilespmem:s28], [sflag:$0xB] =	stream.linear.gather [hbm4b:s26+s8], $0x28, $0x38;
	[tilespmem:$0x1C000] =	vst v63  }
0x99: {  	_ =	swait.ge [sflag:s1], $0x28  }
0x9a: {  	[sflag:s1] =	ssyncset.done $0x0  }
0x9b: {  	s17 =	simm.s32 $0x480;
	s11 =	rddreg [dreg:$0x7];
	[sflag:s1] =	ssyncadd.s32 $0xFFFFFFD8  }
0x9c: {  	[tilespmem:s17], [sflag:$0xB] =	stream.linear.gather [hbm4b:s11+s8], $0x28, $0x38;
	[tilespmem:$0x1C000] =	vst v63  }
0x9d: {  	_ =	swait.ge [sflag:s1], $0x28  }
0x9e: {  	[sflag:s1] =	ssyncset.done $0x0  }
0x9f: {  	[sflag:s1] =	ssyncadd.s32 $0xFFFFFFD8  }
0xa0: {  	[tilespmem:s15], [sflag:$0x2] =	stream.indirect.gather [hbm4b:s5+s12], $0x80, s28, s12, $0xb8;
	[tilespmem:$0x1C000] =	vst v63  }
0xa1: {  	s24 =	simm.s32 $0x100;
	s18 =	rddreg [dreg:$0x8]  }
0xa2: {  	[tilespmem:s24], [sflag:$0xB] =	stream.linear.gather [hbm4b:s18+s8], $0x28, $0x38;
	[tilespmem:$0x1C000] =	vst v63  }
0xa3: {  	_ =	swait.ge [sflag:s1], $0x28  }
0xa4: {  	[sflag:s1] =	ssyncset.done $0x0  }
0xa5: {  	s26 =	simm.s32 $0x500;
	s25 =	rddreg [dreg:$0x9];
	[sflag:s1] =	ssyncadd.s32 $0xFFFFFFD8  }
0xa6: {  	[tilespmem:s26], [sflag:$0xB] =	stream.linear.gather [hbm4b:s25+s8], $0x28, $0x38;
	[tilespmem:$0x1C000] =	vst v63  }
0xa7: {  	_ =	swait.ge [sflag:s1], $0x28  }
0xa8: {  	[sflag:s1] =	ssyncset.done $0x0  }
0xa9: {  	s28 =	simm.s32 $0x3000;
	[sflag:s1] =	ssyncadd.s32 $0xFFFFFFD8  }
0xaa: {  	[tilespmem:s28], [sflag:$0x3] =	stream.indirect.gather [hbm4b:s5+s12], $0x80, s24, s12, $0xb8;
	[tilespmem:$0x1C000] =	vst v63  }
0xab: {  	s17 =	simm.s32 $0x180;
	s11 =	rddreg [dreg:$0xa]  }
0xac: {  	[tilespmem:s17], [sflag:$0xB] =	stream.linear.gather [hbm4b:s11+s8], $0x28, $0x38;
	[tilespmem:$0x1C000] =	vst v63  }
0xad: {  	_ =	swait.ge [sflag:s1], $0x28  }
0xae: {  	[sflag:s1] =	ssyncset.done $0x0  }
0xaf: {  	s24 =	simm.s32 $0x580;
	s18 =	rddreg [dreg:$0xb];
	[sflag:s1] =	ssyncadd.s32 $0xFFFFFFD8  }
0xb0: {  	[tilespmem:s24], [sflag:$0xB] =	stream.linear.gather [hbm4b:s18+s8], $0x28, $0x38;
	[tilespmem:$0x1C000] =	vst v63  }
0xb1: {  	_ =	swait.ge [sflag:s1], $0x28  }
0xb2: {  	[sflag:s1] =	ssyncset.done $0x0  }
0xb3: {  	s25 =	simm.s32 $0x4400;
	[sflag:s1] =	ssyncadd.s32 $0xFFFFFFD8  }
0xb4: {  	[tilespmem:s25], [sflag:$0x4] =	stream.indirect.gather [hbm4b:s5+s12], $0x80, s17, s12, $0xb8;
	[tilespmem:$0x1C000] =	vst v63  }
0xb5: {  	s26 =	rddreg [dreg:$0xc]  }
0xb6: {  	[tilespmem:s23], [sflag:$0xB] =	stream.linear.gather [hbm4b:s26+s8], $0x28, $0x38;
	[tilespmem:$0x1C000] =	vst v63  }
0xb7: {  	_ =	swait.ge [sflag:s1], $0x28  }
0xb8: {  	[sflag:s1] =	ssyncset.done $0x0  }
0xb9: {  	s28 =	rddreg [dreg:$0xd];
	[sflag:s1] =	ssyncadd.s32 $0xFFFFFFD8  }
0xba: {  	[tilespmem:s7], [sflag:$0xB] =	stream.linear.gather [hbm4b:s28+s8], $0x28, $0x38;
	[tilespmem:$0x1C000] =	vst v63  }
0xbb: {  	_ =	swait.ge [sflag:s1], $0x28  }
0xbc: {  	[sflag:s1] =	ssyncset.done $0x0  }
0xbd: {  	s2 =	rddreg [dreg:$0x18];
	[sflag:s1] =	ssyncadd.s32 $0xFFFFFFD8  }
0xbe: {  	[tilespmem:s14], [sflag:$0x5] =	stream.indirect.gather [hbm4b:s5+s12], $0x80, s23, s12, $0xb8;
	[tilespmem:$0x1C000] =	vst v63  }
.LBB2_4:
0xbf: {  	_ =	swait.ge [sflag:s10], $0x1400  }
0xc0: {  	p0 =	seq.s32 s8, $0x4C9;
	[sflag:s10] =	ssyncset.done $0x0  }
0xc1: {  	s6 =	simm.s32 $0x400;
	s11 =	simm.s32 @p0 $0x2;
	[sflag:s10] =	ssyncadd.s32 $0xFFFFEC00  }
0xc2: {  	[spmem:s3] =	stream.indirect.scatter.add.f32 [tilespmem:s13], [sflag:$0x6], $0x80, s6, s12, $0xb8;
	[tilespmem:$0x1C000] =	vst v63  }
0xc3: {  	_ =	swait.ge @p0 [sflag:s11], $0x1400  }
0xc4: {  	s17 =	simm.s32 @p0 $0x1C00;
	[sflag:s11] =	ssyncset.done @p0 $0x0  }
0xc5: {  	s6 =	simm.s32 @p0 $0x28;
	[sflag:s11] =	ssyncadd.s32 @p0 $0xFFFFEC00;
	s11 =	simm.s32 @p0 $0x480  }
0xc6: {  	[spmem:s3] =	stream.indirect.scatter.add.f32 @p0 [tilespmem:s17], [sflag:$0x7], $0x80, s11, s6, $0xb8;
	[tilespmem:$0x1C000] =	vst v63  }
0xc7: {  	s11 =	simm.s32 @!p0 $0x6  }
0xc8: {  	_ =	swait.ge @!p0 [sflag:s11], $0x1400  }
0xc9: {  	s18 =	sshrl.u32 @!p0 s2, $0x3;
	[sflag:s11] =	ssyncset.done @!p0 $0x0  }
0xca: {  	s17 =	simm.s32 @!p0 $0x0;
	[sflag:s11] =	ssyncadd.s32 @!p0 $0xFFFFEC00;
	s11 =	sadd.s32 @!p0 s29, s18  }
0xcb: {  	[tilespmem:s17], [sflag:$0xB] =	stream.linear.gather @!p0 [hbm4b:s11+s17], $0x28, $0x38;
	[tilespmem:$0x1C000] =	vst v63  }
0xcc: {  	s11 =	simm.s32 @!p0 $0xB  }
0xcd: {  	_ =	swait.ge @!p0 [sflag:s11], $0x28  }
0xce: {  	[sflag:s11] =	ssyncset.done @!p0 $0x0  }
0xcf: {  	[sflag:s11] =	ssyncadd.s32 @!p0 $0xFFFFFFD8  }
0xd0: {  	s24 =	rddreg [dreg:$0x1]  }
0xd1: {  	s18 =	sadd.s32 @!p0 s24, s18;
	s24 =	simm.s32 @!p0 $0x400  }
0xd2: {  	[tilespmem:s24], [sflag:$0xB] =	stream.linear.gather @!p0 [hbm4b:s18+s17], $0x28, $0x38;
	[tilespmem:$0x1C000] =	vst v63  }
0xd3: {  	_ =	swait.ge @!p0 [sflag:s11], $0x28  }
0xd4: {  	[sflag:s11] =	ssyncset.done @!p0 $0x0  }
0xd5: {  	s18 =	simm.s32 @!p0 $0x28;
	s24 =	simm.s32 @!p0 $0x800;
	[sflag:s11] =	ssyncadd.s32 @!p0 $0xFFFFFFD8  }
0xd6: {  	[tilespmem:s24], [sflag:$0x1] =	stream.indirect.gather @!p0 [hbm4b:s5+s18], $0x80, s17, s18, $0xb8;
	[tilespmem:$0x1C000] =	vst v63  }
0xd7: {  	s24 =	simm.s32 @!p0 $0x2  }
0xd8: {  	_ =	swait.ge @!p0 [sflag:s24], $0x1400  }
0xd9: {  	s25 =	simm.s32 @!p0 $0x1C00;
	[sflag:s24] =	ssyncset.done @!p0 $0x0  }
0xda: {  	s26 =	simm.s32 @!p0 $0x7;
	[sflag:s24] =	ssyncadd.s32 @!p0 $0xFFFFEC00;
	s24 =	simm.s32 @!p0 $0x480  }
0xdb: {  	[spmem:s3] =	stream.indirect.scatter.add.f32 @!p0 [tilespmem:s25], [sflag:$0x7], $0x80, s24, s18, $0xb8;
	[tilespmem:$0x1C000] =	vst v63  }
0xdc: {  	_ =	swait.ge @!p0 [sflag:s26], $0x1400  }
0xdd: {  	[sflag:s26] =	ssyncset.done @!p0 $0x0  }
0xde: {  	s28 =	simm.s32 @!p0 $0x80;
	[sflag:s26] =	ssyncadd.s32 @!p0 $0xFFFFEC00;
	s26 =	sadd.s32 @!p0 s8, s0  }
0xdf: {  	[tilespmem:s28], [sflag:$0xB] =	stream.linear.gather @!p0 [hbm4b:s26+s17], $0x28, $0x38;
	[tilespmem:$0x1C000] =	vst v63  }
0xe0: {  	_ =	swait.ge @!p0 [sflag:s11], $0x28  }
0xe1: {  	[sflag:s11] =	ssyncset.done @!p0 $0x0  }
0xe2: {  	s26 =	sadd.s32 @!p0 s8, s31;
	[sflag:s11] =	ssyncadd.s32 @!p0 $0xFFFFFFD8  }
0xe3: {  	[tilespmem:s24], [sflag:$0xB] =	stream.linear.gather @!p0 [hbm4b:s26+s17], $0x28, $0x38;
	[tilespmem:$0x1C000] =	vst v63  }
0xe4: {  	_ =	swait.ge @!p0 [sflag:s11], $0x28  }
0xe5: {  	[sflag:s11] =	ssyncset.done @!p0 $0x0  }
0xe6: {  	[sflag:s11] =	ssyncadd.s32 @!p0 $0xFFFFFFD8  }
0xe7: {  	[tilespmem:s25], [sflag:$0x2] =	stream.indirect.gather @!p0 [hbm4b:s5+s18], $0x80, s28, s18, $0xb8;
	[tilespmem:$0x1C000] =	vst v63  }
0xe8: {  	_ =	swait.ge [sflag:s16], $0x1400  }
0xe9: {  	s26 =	simm.s32 $0x500;
	[sflag:s16] =	ssyncset.done $0x0  }
0xea: {  	s24 =	simm.s32 @p0 $0x4;
	s28 =	simm.s32 $0x3000;
	[sflag:s16] =	ssyncadd.s32 $0xFFFFEC00  }
0xeb: {  	[spmem:s3] =	stream.indirect.scatter.add.f32 [tilespmem:s28], [sflag:$0x8], $0x80, s26, s12, $0xb8;
	[tilespmem:$0x1C000] =	vst v63  }
0xec: {  	_ =	swait.ge @p0 [sflag:s24], $0x1400  }
0xed: {  	[sflag:s24] =	ssyncset.done @p0 $0x0  }
0xee: {  	s25 =	simm.s32 @p0 $0x4400;
	[sflag:s24] =	ssyncadd.s32 @p0 $0xFFFFEC00;
	s24 =	simm.s32 @p0 $0x580  }
0xef: {  	[spmem:s3] =	stream.indirect.scatter.add.f32 @p0 [tilespmem:s25], [sflag:$0x9], $0x80, s24, s6, $0xb8;
	[tilespmem:$0x1C000] =	vst v63  }
0xf0: {  	s6 =	simm.s32 @!p0 $0x8  }
0xf1: {  	_ =	swait.ge @!p0 [sflag:s6], $0x1400  }
0xf2: {  	[sflag:s6] =	ssyncset.done @!p0 $0x0  }
0xf3: {  	s24 =	simm.s32 @!p0 $0x100;
	[sflag:s6] =	ssyncadd.s32 @!p0 $0xFFFFEC00;
	s6 =	sadd.s32 @!p0 s8, s30  }
0xf4: {  	[tilespmem:s24], [sflag:$0xB] =	stream.linear.gather @!p0 [hbm4b:s6+s17], $0x28, $0x38;
	[tilespmem:$0x1C000] =	vst v63  }
0xf5: {  	_ =	swait.ge @!p0 [sflag:s11], $0x28  }
0xf6: {  	[sflag:s11] =	ssyncset.done @!p0 $0x0;
	s6 =	rddreg [dreg:$0x17]  }
0xf7: {  	s25 =	simm.s32 @!p0 $0x500;
	[sflag:s11] =	ssyncadd.s32 @!p0 $0xFFFFFFD8;
	s6 =	sadd.s32 @!p0 s8, s6  }
0xf8: {  	[tilespmem:s25], [sflag:$0xB] =	stream.linear.gather @!p0 [hbm4b:s6+s17], $0x28, $0x38;
	[tilespmem:$0x1C000] =	vst v63  }
0xf9: {  	_ =	swait.ge @!p0 [sflag:s11], $0x28  }
0xfa: {  	[sflag:s11] =	ssyncset.done @!p0 $0x0  }
0xfb: {  	s6 =	simm.s32 @!p0 $0x3000;
	[sflag:s11] =	ssyncadd.s32 @!p0 $0xFFFFFFD8  }
0xfc: {  	[tilespmem:s6], [sflag:$0x3] =	stream.indirect.gather @!p0 [hbm4b:s5+s18], $0x80, s24, s18, $0xb8;
	[tilespmem:$0x1C000] =	vst v63  }
0xfd: {  	s6 =	simm.s32 @!p0 $0x4  }
0xfe: {  	_ =	swait.ge @!p0 [sflag:s6], $0x1400  }
0xff: {  	s25 =	simm.s32 @!p0 $0x9;
	[sflag:s6] =	ssyncset.done @!p0 $0x0  }
0x100: {  	s24 =	simm.s32 @!p0 $0x4400;
	[sflag:s6] =	ssyncadd.s32 @!p0 $0xFFFFEC00;
	s6 =	simm.s32 @!p0 $0x580  }
0x101: {  	[spmem:s3] =	stream.indirect.scatter.add.f32 @!p0 [tilespmem:s24], [sflag:$0x9], $0x80, s6, s18, $0xb8;
	[tilespmem:$0x1C000] =	vst v63  }
0x102: {  	_ =	swait.ge @!p0 [sflag:s25], $0x1400  }
0x103: {  	[sflag:s25] =	ssyncset.done @!p0 $0x0  }
0x104: {  	[sflag:s25] =	ssyncadd.s32 @!p0 $0xFFFFEC00;
	s25 =	rddreg [dreg:$0x16]  }
0x105: {  	s26 =	simm.s32 @!p0 $0x180;
	s25 =	sadd.s32 @!p0 s8, s25  }
0x106: {  	[tilespmem:s26], [sflag:$0xB] =	stream.linear.gather @!p0 [hbm4b:s25+s17], $0x28, $0x38;
	[tilespmem:$0x1C000] =	vst v63  }
0x107: {  	_ =	swait.ge @!p0 [sflag:s11], $0x28  }
0x108: {  	[sflag:s11] =	ssyncset.done @!p0 $0x0;
	s25 =	rddreg [dreg:$0x15]  }
0x109: {  	[sflag:s11] =	ssyncadd.s32 @!p0 $0xFFFFFFD8;
	s25 =	sadd.s32 @!p0 s8, s25  }
0x10a: {  	[tilespmem:s6], [sflag:$0xB] =	stream.linear.gather @!p0 [hbm4b:s25+s17], $0x28, $0x38;
	[tilespmem:$0x1C000] =	vst v63  }
0x10b: {  	_ =	swait.ge @!p0 [sflag:s11], $0x28  }
0x10c: {  	[sflag:s11] =	ssyncset.done @!p0 $0x0  }
0x10d: {  	[sflag:s11] =	ssyncadd.s32 @!p0 $0xFFFFFFD8  }
0x10e: {  	[tilespmem:s24], [sflag:$0x4] =	stream.indirect.gather @!p0 [hbm4b:s5+s18], $0x80, s26, s18, $0xb8;
	[tilespmem:$0x1C000] =	vst v63  }
.Ltmp1:
0x10f: {  	_ = 	snop;
	(pc) =	sbr.rel @p0 .LBB2_6-.Ltmp1, $4  }
0x110: {  	_ =	swait.ge [sflag:s19], $0x1400  }
0x111: {  	[sflag:s19] =	ssyncset.done $0x0  }
0x112: {  	[sflag:s19] =	ssyncadd.s32 $0xFFFFEC00  }
0x113: {  	[spmem:s3] =	stream.indirect.scatter.add.f32 [tilespmem:s14], [sflag:$0xA], $0x80, s7, s12, $0xb8;
	[tilespmem:$0x1C000] =	vst v63  }
0x114: {  	_ =	swait.ge [sflag:s22], $0x1400  }
0x115: {  	[sflag:s22] =	ssyncset.done $0x0;
	s6 =	rddreg [dreg:$0x14]  }
0x116: {  	[sflag:s22] =	ssyncadd.s32 $0xFFFFEC00;
	s6 =	sadd.s32 s8, s6  }
0x117: {  	[tilespmem:s23], [sflag:$0xB] =	stream.linear.gather [hbm4b:s6+s4], $0x28, $0x38;
	[tilespmem:$0x1C000] =	vst v63  }
0x118: {  	_ =	swait.ge [sflag:s1], $0x28  }
0x119: {  	[sflag:s1] =	ssyncset.done $0x0;
	s28 =	rddreg [dreg:$0x13]  }
0x11a: {  	[sflag:s1] =	ssyncadd.s32 $0xFFFFFFD8;
	s6 =	sadd.s32 s8, s28  }
0x11b: {  	[tilespmem:s7], [sflag:$0xB] =	stream.linear.gather [hbm4b:s6+s4], $0x28, $0x38;
	[tilespmem:$0x1C000] =	vst v63  }
.Ltmp2:
0x11c: {  	_ = 	snop;
	(pc) =	sbr.rel .LBB2_4-.Ltmp2, $4  }
0x11d: {  	_ =	swait.ge [sflag:s1], $0x28  }
0x11e: {  	[sflag:s1] =	ssyncset.done $0x0  }
0x11f: {  	s2 =	sadd.s32 $0xC8, s2;
	s8 =	sadd.s32 $0x19, s8;
	[sflag:s1] =	ssyncadd.s32 $0xFFFFFFD8  }
0x120: {  	[tilespmem:s14], [sflag:$0x5] =	stream.indirect.gather [hbm4b:s5+s12], $0x80, s23, s12, $0xb8;
	[tilespmem:$0x1C000] =	vst v63  }
.LBB2_6:
0x121: {  	s2 =	simm.s32 $0x6  }
0x122: {  	_ =	swait.ge [sflag:s2], $0x1400  }
0x123: {  	[sflag:s2] =	ssyncset.done $0x0  }
0x124: {  	s6 =	simm.s32 $0x7;
	[sflag:s2] =	ssyncadd.s32 $0xFFFFEC00  }
0x125: {  	_ =	swait.ge [sflag:s6], $0x1400  }
0x126: {  	[sflag:s6] =	ssyncset.done $0x0  }
0x127: {  	s8 =	simm.s32 $0x8;
	[sflag:s6] =	ssyncadd.s32 $0xFFFFEC00  }
0x128: {  	_ =	swait.ge [sflag:s8], $0x1400  }
0x129: {  	[sflag:s8] =	ssyncset.done $0x0  }
0x12a: {  	s11 =	simm.s32 $0x9;
	[sflag:s8] =	ssyncadd.s32 $0xFFFFEC00  }
0x12b: {  	_ =	swait.ge [sflag:s11], $0x1400  }
0x12c: {  	[sflag:s11] =	ssyncset.done $0x0  }
0x12d: {  	[sflag:s11] =	ssyncadd.s32 $0xFFFFEC00  }
0x12e: {  	_ =	swait.ge [sflag:s22], $0x1400  }
0x12f: {  	[sflag:s22] =	ssyncset.done $0x0  }
0x130: {  	[sflag:s22] =	ssyncadd.s32 $0xFFFFEC00  }
0x131: {  	[bflag:$0x0] =	sbarrier.arrive $0xFFFF  }
0x132: {  	s18 =	rddreg [dreg:$0x11]  }
0x133: {  	[tilespmem:s13], [sflag:$0xB] =	stream.linear.gather [spmem:s18], $0x1400, $0x38;
	[tilespmem:$0x1C000] =	vst v63  }
0x134: {  	_ =	swait.ge [sflag:s1], $0x1400  }
0x135: {  	[sflag:s1] =	ssyncset.done $0x0  }
0x136: {  	s17 =	simm.s32 $0x0;
	s6 =	rddreg [dreg:$0xf];
	[sflag:s1] =	ssyncadd.s32 $0xFFFFEC00  }
0x137: {  	[hbm4b:s6+s17] =	stream.linear.scatter [tilespmem:s13], [sflag:$0x1], $0x1400, $0x38;
	[tilespmem:$0x1C000] =	vst v63  }
0x138: {  	s24 =	rddreg [dreg:$0x12]  }
0x139: {  	[tilespmem:s15], [sflag:$0xB] =	stream.linear.gather [spmem:s24], $0x1400, $0x38;
	[tilespmem:$0x1C000] =	vst v63  }
0x13a: {  	_ =	swait.ge [sflag:s1], $0x1400  }
0x13b: {  	[sflag:s1] =	ssyncset.done $0x0  }
0x13c: {  	s25 =	rddreg [dreg:$0x10];
	[sflag:s1] =	ssyncadd.s32 $0xFFFFEC00  }
0x13d: {  	[hbm4b:s25+s17] =	stream.linear.scatter [tilespmem:s15], [sflag:$0x2], $0x1400, $0x38;
	[tilespmem:$0x1C000] =	vst v63  }
0x13e: {  	_ =	swait.ge [sflag:s10], $0x1400  }
0x13f: {  	[sflag:s10] =	ssyncset.done $0x0;
	s24 =	rddreg [dreg:$0x1b]  }
0x140: {  	[sflag:s10] =	ssyncadd.s32 $0xFFFFEC00;
	s26 =	sadd.s32 $0xFFFFEC00, s24  }
0x141: {  	[tilespmem:s13], [sflag:$0xB] =	stream.linear.gather [spmem:s26], $0x1400, $0x38;
	[tilespmem:$0x1C000] =	vst v63  }
0x142: {  	_ =	swait.ge [sflag:s1], $0x1400  }
0x143: {  	[sflag:s1] =	ssyncset.done $0x0  }
0x144: {  	s28 =	sadd.s32 $0x0, s21;
	[sflag:s1] =	ssyncadd.s32 $0xFFFFEC00  }
0x145: {  	[hbm4b:s28+s4] =	stream.linear.scatter [tilespmem:s13], [sflag:$0x1], $0x1400, $0x38;
	[tilespmem:$0x1C000] =	vst v63  }
0x146: {  	_ =	swait.ge [sflag:s9], $0x1400  }
0x147: {  	[sflag:s9] =	ssyncset.done $0x0  }
0x148: {  	[sflag:s9] =	ssyncadd.s32 $0xFFFFEC00  }
0x149: {  	[tilespmem:s15], [sflag:$0xB] =	stream.linear.gather [spmem:s24], $0x1400, $0x38;
	[tilespmem:$0x1C000] =	vst v63  }
0x14a: {  	_ =	swait.ge [sflag:s1], $0x1400  }
0x14b: {  	s2 =	simm.s32 $0x500;
	[sflag:s1] =	ssyncset.done $0x0  }
0x14c: {  	s11 =	sadd.s32 $0x0, s20;
	s8 =	sadd.s32 $0x2800, s24;
	[sflag:s1] =	ssyncadd.s32 $0xFFFFEC00  }
.LBB2_7:
0x14d: {  	[hbm4b:s11+s4] =	stream.linear.scatter [tilespmem:s15], [sflag:$0x2], $0x1400, $0x38;
	[tilespmem:$0x1C000] =	vst v63  }
0x14e: {  	s6 =	smov.u32 s2  }
0x14f: {  	p0 =	sne.s32 s2, $0x1E00;
	s2 =	sadd.s32 $0x500, s2;
	_ =	swait.ge [sflag:s10], $0x1400  }
0x150: {  	[sflag:s10] =	ssyncset.done $0x0  }
0x151: {  	s11 =	sadd.s32 $0xFFFFEC00, s8;
	[sflag:s10] =	ssyncadd.s32 $0xFFFFEC00  }
0x152: {  	[tilespmem:s13], [sflag:$0xB] =	stream.linear.gather [spmem:s11], $0x1400, $0x38;
	[tilespmem:$0x1C000] =	vst v63  }
0x153: {  	_ =	swait.ge [sflag:s1], $0x1400  }
0x154: {  	[sflag:s1] =	ssyncset.done $0x0  }
0x155: {  	s11 =	sadd.s32 s6, s21;
	[sflag:s1] =	ssyncadd.s32 $0xFFFFEC00  }
0x156: {  	[hbm4b:s11+s4] =	stream.linear.scatter [tilespmem:s13], [sflag:$0x1], $0x1400, $0x38;
	[tilespmem:$0x1C000] =	vst v63  }
0x157: {  	_ =	swait.ge [sflag:s9], $0x1400  }
0x158: {  	[sflag:s9] =	ssyncset.done $0x0  }
.Ltmp3:
0x159: {  	[sflag:s9] =	ssyncadd.s32 $0xFFFFEC00;
	(pc) =	sbr.rel @p0 .LBB2_7-.Ltmp3, $4  }
0x15a: {  	[tilespmem:s15], [sflag:$0xB] =	stream.linear.gather [spmem:s8], $0x1400, $0x38;
	[tilespmem:$0x1C000] =	vst v63  }
0x15b: {  	_ =	swait.ge [sflag:s1], $0x1400  }
0x15c: {  	[sflag:s1] =	ssyncset.done $0x0  }
0x15d: {  	s11 =	sadd.s32 s6, s20;
	s8 =	sadd.s32 $0x2800, s8;
	[sflag:s1] =	ssyncadd.s32 $0xFFFFEC00  }
0x15e: {  	[hbm4b:s11+s4] =	stream.linear.scatter [tilespmem:s15], [sflag:$0x2], $0x1400, $0x38;
	[tilespmem:$0x1C000] =	vst v63  }
0x15f: {  	_ =	swait.ge [sflag:s10], $0x1400  }
0x160: {  	[sflag:s10] =	ssyncset.done $0x0  }
0x161: {  	[sflag:s10] =	ssyncadd.s32 $0xFFFFEC00  }
0x162: {  	_ =	swait.ge [sflag:s9], $0x1400  }
0x163: {  	s6 =	sld [smem:$0x7F5];
	_ =	sdelay $0x2  }
0x164: {  	s2 =	rddreg [dreg:$0xe];
	s6 =	sadd.s32 $0x1, s6  }
0x165: {  	p0 =	sne.s32 s6, s2  }
.Ltmp4:
0x166: {  	_ = 	snop;
	(pc) =	sbr.rel @p0 .LBB2_1-.Ltmp4, $3  }
0x167: {  	_ =	sdelay $0x1  }
0x168: {  	[sflag:s9] =	ssyncset.done $0x0  }
0x169: {  	[sflag:s9] =	ssyncadd.s32 $0xFFFFEC00  }
0x16a: {  	_ =	sfence.sel $0x180000  }
0x16b: {  	[bflag:$0x0] =	sbarrier.arrive $0xFFFF  }
0x16c: {  	_ =	strace $0x9000004A  }
0x16d: {  	s0 =	stileid.u32;
	[bflag:$0x2] =	sbarrier.arrive $0xFFFF  }
0x16e: {  	p0 =	sne.s32 s0, $0x0;
	s0 =	rddreg [dreg:$0x3]  }
0x16f: {  	s0 =	sadd.s32 @!p0 $0x100000, s0  }
0x170: {  	[sflag:s0] =	ssyncadd.tile.s32 @!p0 $0x1;
	_ =	shalt  }
.Lfunc_end2:
_tile_overlayer_lowered:
.L_overlay_start_2:
0x171: {  	(tag) =	ssettag $0x2  }
0x172: {  	s0 =	rddreg [dreg:$0x0];
	s2 =	stileid.u32  }
0x173: {  	s1 =	rddreg [dreg:$0x1];
	p0 =	sne.s32 s2, $0x0  }
0x174: {  	s3 =	rddreg [dreg:$0x2];
	[bflag:$0x3] =	sbarrier.arrive $0xFFFF;
	s2 =	simm.s32 @!p0 $0x1C0B  }
0x175: {  	[timem:s3], [sflag:s2] =	dma.local @!p0 [hbm:s0], s1  }
0x176: {  	s0 =	simm.s32 @!p0 $0xB  }
0x177: {  	_ =	swait.ge @!p0 [sflag:s0], s1  }
0x178: {  	s1 =	ssub.s32 @!p0 $0x0, s1;
	[sflag:s0] =	ssyncset.done @!p0 $0x0  }
0x179: {  	[sflag:s0] =	ssyncadd.s32 @!p0 s1  }
0x17a: {  	[bflag:$0x3] =	sbarrier.arrive $0xFFFF  }
0x17b: {  	_ =	shalt  }

// kernel: kernel.8.cloned.1.call-start
scs
__scs_entry_jumppad:
0x0: {  	(pc) =	sbr.rel $0x88, $3  }
0x1: {  	(tag) =	ssettag $0x0;
	lr =	simm.s32 $0x1  }
0x2: {  	[smem:$0x3F95] =	sst lr;
	_ =	strace $0xD0000000  }
0x3: {  	_ = 	snop  }
0x4: {  	_ = 	snop  }
0x5: {  	_ = 	snop  }
0x6: {  	_ = 	snop  }
0x7: {  	_ = 	snop  }
__scs_overlays_trampoline_lowered:
0x8: {  	[smem:$0x3FA4] =	sst s0  }
0x9: {  	[smem:$0x3FA5] =	sst s1  }
0xa: {  	[smem:$0x3FA6] =	sst s2  }
0xb: {  	[smem:$0x3FA7] =	sst s3  }
0xc: {  	[smem:$0x3FA8] =	sst s4  }
0xd: {  	[smem:$0x3FA9] =	sst s5  }
0xe: {  	[smem:$0x3FAA] =	sst s6  }
0xf: {  	[smem:$0x3FAB] =	sst s7  }
0x10: {  	[smem:$0x3FAC] =	sst s8  }
0x11: {  	[smem:$0x3FAD] =	sst s9;
	s0 =	simm.s32 @!p0 $0x0  }
0x12: {  	s1 =	sld [smem:$0x3F93];
	s0 =	simm.s32 @p0 $0x1  }
0x13: {  	[smem:$0x3FAE] =	sst s0;
	s0 =	simm.s32 @!p1 $0x0  }
0x14: {  	s2 =	sld [smem:$0x3F92];
	s0 =	simm.s32 @p1 $0x1  }
0x15: {  	[smem:$0x3FAF] =	sst s0;
	s0 =	simm.s32 @!p2 $0x0  }
0x16: {  	s3 =	sld [smem:$0x3FDB];
	s0 =	simm.s32 @p2 $0x1  }
0x17: {  	s4 =	simm.s32 $0x1BF5;
	[smem:$0x3FB1] =	sst s0  }
0x18: {  	s0 =	sld [smem:$0x3F94];
	_ =	swait.ge [sflag:s4], $0x0  }
0x19: {  	s7 =	sld [smem:$0x3F95]  }
0x1a: {  	s8 =	sadd.s32 $0xFFFFE003, lr  }
0x1b: {  	s9 =	sadd.s32 $0xFFFFFEF7, lr;
	s5 =	simm.s32 $0xFFFFFFFF;
	p2 =	slt.u32 s8, $0xFFFFF086  }
0x1c: {  	p1 =	slt.u32 s9, $0xF7A;
	s5 =	simm.s32 @!p2 $0x0  }
0x1d: {  	s5 =	simm.s32 @p1 $0x1;
	p0 =	seq.s32 s7, s2  }
0x1e: {  	s7 =	smul.u32 @!p0 $0xF7A, s2;
	p2 =	seq.s32 @!p0 s5, $0x0  }
0x1f: {  	s9 =	smul.u32 $0xF7A, s1;
	s8 =	simm.s32 @!p0 $0x1BF5;
	p2 =	por !p2, p0  }
0x20: {  	[sflag:s8] =	ssyncset.s32 @!p0 $0xFFFFF086;
	s6 =	sadd.s32 @!p0 s3, s7;
	s7 =	simm.s32 @!p0 $0x108  }
0x21: {  	s3 =	sadd.s32 s3, s9;
	s6 =	sadd.s32 @!p0 $0x88, s6;
	s7 =	simm.s32 @p2 $0x1082  }
0x22: {  	[simem:s7], [sflag:s8] =	dma.local @!p0 [hbm:s6], $0xF7A  }
0x23: {  	s9 =	sor.u32 $0xD0000000, s2;
	s6 =	simm.s32 $0x108;
	_ =	swait.ge @!p0 [sflag:s8], $0x0  }
0x24: {  	s3 =	sadd.s32 $0x88, s3;
	s6 =	simm.s32 @!p1 $0x1082;
	[sflag:s4] =	ssyncset.s32 $0xFFFFF086  }
0x25: {  	[simem:s6], [sflag:s4] =	dma.local [hbm:s3], $0xF7A  }
0x26: {  	[smem:$0x3F95] =	sst s1;
	(tag) =	ssettag s2;
	_ =	strace s9  }
0x27: {  	s1 =	sld [smem:$0x3FA5]  }
0x28: {  	s2 =	sld [smem:$0x3FA6]  }
0x29: {  	s4 =	sld [smem:$0x3FA8]  }
0x2a: {  	p0 =	seq.s32 s5, $0x0;
	s5 =	sld [smem:$0x3FA9]  }
0x2b: {  	s6 =	sld [smem:$0x3FAA]  }
0x2c: {  	s7 =	sld [smem:$0x3FAB]  }
0x2d: {  	s3 =	simm.s32 $0x108;
	s8 =	sld [smem:$0x3FAC]  }
0x2e: {  	s3 =	simm.s32 @!p0 $0x1082;
	s9 =	sld [smem:$0x3FAD]  }
0x2f: {  	lr =	sadd.s32 s0, s3;
	s0 =	sld [smem:$0x3FA4]  }
0x30: {  	s3 =	sld [smem:$0x3FA7]  }
0x31: {  	[smem:$0x3FB0] =	sst s10  }
0x32: {  	s10 =	sld [smem:$0x3FAE];
	_ =	sdelay $0x3  }
0x33: {  	p0 =	seq.s32 s10, $0x1;
	s10 =	sld [smem:$0x3FB0];
	_ =	sdelay $0x3  }
0x34: {  	[smem:$0x3FB0] =	sst s10  }
0x35: {  	s10 =	sld [smem:$0x3FAF];
	_ =	sdelay $0x3  }
0x36: {  	p1 =	seq.s32 s10, $0x1;
	s10 =	sld [smem:$0x3FB0];
	_ =	sdelay $0x3  }
0x37: {  	[smem:$0x3FB0] =	sst s10  }
0x38: {  	s10 =	sld [smem:$0x3FB1]  }
0x39: {  	_ = 	snop;
	(pc) =	sbr.ind lr, $3  }
0x3a: {  	_ = 	snop  }
0x3b: {  	_ = 	snop  }
0x3c: {  	p2 =	seq.s32 s10, $0x1;
	s10 =	sld [smem:$0x3FB0]  }
0x3d: {  	_ =	shalt  }
0x3e: {  	_ =	shalt  }
0x3f: {  	_ =	shalt  }
0x40: {  	_ =	shalt  }
0x41: {  	_ =	shalt  }
0x42: {  	_ =	shalt  }
0x43: {  	_ =	shalt  }
0x44: {  	_ =	shalt  }
0x45: {  	_ =	shalt  }
0x46: {  	_ =	shalt  }
0x47: {  	_ =	shalt  }
0x48: {  	_ =	shalt  }
0x49: {  	_ =	shalt  }
0x4a: {  	_ =	shalt  }
0x4b: {  	_ =	shalt  }
0x4c: {  	_ =	shalt  }
0x4d: {  	_ =	shalt  }
0x4e: {  	_ =	shalt  }
0x4f: {  	_ =	shalt  }
0x50: {  	_ =	shalt  }
0x51: {  	_ =	shalt  }
0x52: {  	_ =	shalt  }
0x53: {  	_ =	shalt  }
0x54: {  	_ =	shalt  }
0x55: {  	_ =	shalt  }
0x56: {  	_ =	shalt  }
0x57: {  	_ =	shalt  }
0x58: {  	_ =	shalt  }
0x59: {  	_ =	shalt  }
0x5a: {  	_ =	shalt  }
0x5b: {  	_ =	shalt  }
0x5c: {  	_ =	shalt  }
0x5d: {  	_ =	shalt  }
0x5e: {  	_ =	shalt  }
0x5f: {  	_ =	shalt  }
0x60: {  	_ =	shalt  }
0x61: {  	_ =	shalt  }
0x62: {  	_ =	shalt  }
0x63: {  	_ =	shalt  }
0x64: {  	_ =	shalt  }
0x65: {  	_ =	shalt  }
0x66: {  	_ =	shalt  }
0x67: {  	_ =	shalt  }
0x68: {  	_ =	shalt  }
0x69: {  	_ =	shalt  }
0x6a: {  	_ =	shalt  }
0x6b: {  	_ =	shalt  }
0x6c: {  	_ =	shalt  }
0x6d: {  	_ =	shalt  }
0x6e: {  	_ =	shalt  }
0x6f: {  	_ =	shalt  }
0x70: {  	_ =	shalt  }
0x71: {  	_ =	shalt  }
0x72: {  	_ =	shalt  }
0x73: {  	_ =	shalt  }
0x74: {  	_ =	shalt  }
0x75: {  	_ =	shalt  }
0x76: {  	_ =	shalt  }
0x77: {  	_ =	shalt  }
0x78: {  	_ =	shalt  }
0x79: {  	_ =	shalt  }
0x7a: {  	_ =	shalt  }
0x7b: {  	_ =	shalt  }
0x7c: {  	_ =	shalt  }
0x7d: {  	_ =	shalt  }
0x7e: {  	_ =	shalt  }
0x7f: {  	_ =	shalt  }
0x80: {  	_ =	shalt  }
0x81: {  	_ =	shalt  }
0x82: {  	_ =	shalt  }
0x83: {  	_ =	shalt  }
0x84: {  	_ =	shalt  }
0x85: {  	_ =	shalt  }
0x86: {  	_ =	shalt  }
0x87: {  	_ =	shalt  }
.Lfunc_end0:
.L_simem_size_0:
called_computation_lowered:
.L_overlay_start_0:
0x88: {  	s2 =	sld [smem:$0x3FD9]  }
0x89: {  	s3 =	sld [smem:$0x3FFE];
	_ =	sdelay $0x1  }
0x8a: {  	s1 =	srdreg.scid  }
0x8b: {  	s0 =	sand.u32 $0x1, s1  }
0x8c: {  	s17 =	sshll.u32 s0, $0xA;
	s2 =	sadd.s32 s3, s2  }
0x8d: {  	s2 =	sadd.s32 s2, s17  }
0x8e: {  	[smem:$0x3FBC] =	sst s2  }
0x8f: {  	_ = 	snop  }
0x90: {  	s2 =	sld [smem:$0x3FD0];
	(tm) =	ssettm $0x1  }
0x91: {  	s18 =	sld [smem:$0x3FFB];
	_ =	sdelay $0x3  }
0x92: {  	_ =	strace s18  }
0x93: {  	s3 =	sld [smem:$0x3FFC];
	_ =	sdelay $0x3  }
0x94: {  	_ =	strace s3  }
0x95: {  	s3 =	sld [smem:$0x3FFD];
	_ =	sdelay $0x3  }
0x96: {  	_ =	strace s3  }
0x97: {  	_ =	strace $0x8FFFFFFF  }
0x98: {  	s19 =	sld [smem:$0x3FDB];
	_ =	sdelay $0x1  }
0x99: {  	s4 =	simm.s32 $_scs_section_size  }
0x9a: {  	s5 =	simm.s32 $_size__tile_overlayer_lowered;
	s6 =	simm.s32 $_tile_overlayer_lowered  }
0x9b: {  	s22 =	simm.s32 $0x1BFF;
	s21 =	sshll.u32 s6, $0x1;
	s3 =	sadd.s32 s4, s19  }
0x9c: {  	s7 =	simm.s32 $0x0;
	s20 =	sshll.u32 s5, $0x1;
	s5 =	sadd.s32 s21, s3  }
0x9d: {  	[timem:s7], [sflag:s22] =	dma.local [hbm:s5], s20  }
0x9e: {  	_ =	swait.ge [sflag:s22], s20  }
0x9f: {  	s4 =	ssub.s32 $0x0, s20;
	[sflag:s22] =	ssyncset.done $0x0  }
0xa0: {  	[sflag:s22] =	ssyncadd.s32 s4;
	_ =	sdelay $0x1  }
0xa1: {  	s23 =	simm.s32 $0x1B8B  }
0xa2: {  	_ =	swait.ge [sflag:s23], $0x1  }
0xa3: {  	[sflag:s23] =	ssyncset.done $0x0  }
0xa4: {  	s25 =	simm.s32 $0x1B8E;
	s24 =	sld [smem:$0x3FFE];
	[sflag:s23] =	ssyncadd.s32 $0xFFFFFFFF  }
0xa5: {  	s26 =	simm.s32 $execute0_lowered;
	[smem:$0x3FD2] =	sst s25  }
0xa6: {  	s5 =	sshll.u32 s26, $0x1;
	_ =	strace $0x80000046;
	[dreg:$0x1] =	wrdreg $0xFFFFFFFF  }
0xa7: {  	s28 =	simm.s32 $_size_execute0_lowered;
	s3 =	sadd.s32 s3, s5;
	[dreg:$0x0] =	wrdreg $0x0  }
0xa8: {  	s5 =	sshll.u32 s28, $0x1;
	[dreg:$0x2] =	wrdreg s3  }
0xa9: {  	[dreg:$0x3] =	wrdreg s5  }
0xaa: {  	[dreg:$0x4] =	wrdreg $0xC0  }
0xab: {  	_ =	task [dreg:s7], $0x5FFFF  }
0xac: {  	[dreg:$0x1] =	wrdreg $0xFFFFFFFF  }
0xad: {  	[dreg:$0x0] =	wrdreg $0x60  }
0xae: {  	[dreg:$0x2] =	wrdreg s24  }
0xaf: {  	[dreg:$0x3] =	wrdreg s2  }
0xb0: {  	[dreg:$0x4] =	wrdreg $0x80000  }
0xb1: {  	[dreg:$0x5] =	wrdreg $0x9  }
0xb2: {  	_ =	task.clear_ibuf [dreg:s7], $0x6FFFF;
	_ =	strace $0x90000046  }
0xb3: {  	s29 =	simm.s32 $0x9;
	_ =	strace $0x80000048  }
0xb4: {  	_ =	swait.ge [sflag:s29], $0x1  }
0xb5: {  	[sflag:s29] =	ssyncadd.s32 $0xFFFFFFFF  }
0xb6: {  	_ =	strace $0x90000048  }
0xb7: {  	_ =	sfence  }
0xb8: {  	s30 =	sld [smem:$0x0];
	_ =	sdelay $0x2  }
0xb9: {  	s31 =	sshll.u32 s1, $0xD;
	s1 =	sshrl.u32 s1, $0x2  }
0xba: {  	s3 =	sand.u32 $0x4000, s31;
	s1 =	sadd.s32 s1, s30  }
0xbb: {  	s0 =	sor.u32 s3, s0;
	s1 =	sshll.u32 s1, $0x11  }
0xbc: {  	s0 =	sor.u32 s1, s0  }
0xbd: {  	s0 =	sadd.s32 $0x8F2B, s0  }
0xbe: {  	[sflag:s0] =	ssyncadd.remote.s32 $0x1  }
0xbf: {  	_ =	sfence.sel $0xFFFF  }
0xc0: {  	[dreg:$0x0] =	wrdreg $0xFFFFFFFF;
	(pc) =	sbr.abs _section_cstart, $3  }
0xc1: {  	[dreg:$0x1] =	wrdreg $0xFFFFFFFF  }
0xc2: {  	_ =	task.clear_ibuf [dreg:s7], $0x2FFFF;
	_ =	strace $0x9FFFFFFF  }
0xc3: {  	(tm) =	ssettm $0x7FFFFFFF  }
tec
execute0_lowered:
.L_overlay_start_1:
0x0: {  	(tag) =	ssettag $0x1  }
0x1: {  	s0 =	rddreg [dreg:$0x0]  }
0x2: {  	s16 =	rddreg [dreg:$0x1]  }
0x3: {  	s3 =	rddreg [dreg:$0x2];
	s4 =	simm.s32 $0x0;
	s1 =	srdreg.scid  }
0x4: {  	s14 =	stileid.u32;
	[smem:$0x7FF] =	sst s4  }
0x5: {  	s1 =	sand.u32 $0x1, s1;
	s2 =	sshll.u32 s14, $0x1;
	s9 =	smul.u32 $0x14000, s14  }
0x6: {  	s17 =	sadd.s32 $0xC200, s0;
	s24 =	smul.u32 $0x4E20, s14;
	s2 =	sor.u32 s1, s2  }
0x7: {  	s15 =	sadd.s32 $0x2400, s0;
	s6 =	sadd.s32 $0x34200, s0;
	s2 =	smul.u32 $0x2710, s2  }
0x8: {  	s0 =	sadd.s32 $0x84200, s0;
	_ =	strace $0x80000047;
	s21 =	smul.u32 $0x140000, s1  }
0x9: {  	s5 =	ssub.s32 $0x2, s1;
	s1 =	smul.u32 $0x2710, s1;
	s19 =	sshrl.u32 s2, $0x3  }
0xa: {  	[dreg:$0x4] =	wrdreg s15;
	s20 =	sadd.s32 $0x28, s2;
	s8 =	sadd.s32 s15, s19  }
0xb: {  	s10 =	sadd.s32 s16, s19;
	s22 =	sadd.s32 $0xA, s19;
	[dreg:$0x5] =	wrdreg s8  }
0xc: {  	[dreg:$0x6] =	wrdreg s10;
	s8 =	sshrl.u32 s20, $0x3;
	s29 =	sadd.s32 s15, s22  }
0xd: {  	s7 =	sshrl.u32 s5, $0x1;
	s11 =	sadd.s32 s15, s8;
	[dreg:$0x11] =	wrdreg s29  }
0xe: {  	s5 =	ssub.s32 s5, s7;
	s8 =	sadd.s32 s16, s8;
	[dreg:$0x7] =	wrdreg s11  }
0xf: {  	s1 =	sadd.s32 s1, s24;
	[dreg:$0x8] =	wrdreg s8;
	s8 =	sor.u32 $0x1400, s9  }
0x10: {  	s9 =	sadd.s32 s21, s9;
	s11 =	sadd.s32 $0x14, s19;
	s19 =	smax.u32 s5, $0x1  }
0x11: {  	s10 =	sadd.s32 s21, s8;
	s18 =	sadd.s32 s16, s11;
	[dreg:$0x17] =	wrdreg s19  }
0x12: {  	s12 =	sshrl.u32 s9, $0x3;
	s24 =	sadd.s32 s8, s3;
	[dreg:$0x16] =	wrdreg s18  }
0x13: {  	s25 =	sor.u32 $0x3C00, s9;
	s13 =	sadd.s32 s6, s12;
	[dreg:$0x19] =	wrdreg s24  }
0x14: {  	s10 =	sshrl.u32 s10, $0x3;
	s12 =	sadd.s32 s0, s12;
	[dreg:$0x9] =	wrdreg s13  }
0x15: {  	s9 =	sor.u32 $0x2800, s9;
	s23 =	sadd.s32 s6, s10;
	[dreg:$0xb] =	wrdreg s12  }
0x16: {  	s26 =	sshrl.u32 s25, $0x3;
	s10 =	sadd.s32 s0, s10;
	[dreg:$0xa] =	wrdreg s23  }
0x17: {  	s9 =	sshrl.u32 s9, $0x3;
	s12 =	sadd.s32 s26, s6;
	[dreg:$0xc] =	wrdreg s10  }
0x18: {  	s2 =	sadd.s32 $0x78, s2;
	s6 =	sadd.s32 s9, s6;
	[dreg:$0xd] =	wrdreg s12  }
0x19: {  	s13 =	smul.u32 $0x50000, s14;
	s14 =	sadd.s32 s15, s11;
	[dreg:$0xe] =	wrdreg s6  }
0x1a: {  	s10 =	sadd.s32 s26, s0;
	s0 =	sadd.s32 s9, s0;
	[dreg:$0x15] =	wrdreg s14  }
0x1b: {  	s6 =	sadd.s32 s16, s22;
	s9 =	sshrl.u32 s2, $0x3;
	[dreg:$0x10] =	wrdreg s0  }
0x1c: {  	s21 =	sadd.s32 $0x168, s1;
	[dreg:$0x12] =	wrdreg s6;
	s12 =	sadd.s32 s15, s9  }
0x1d: {  	s22 =	sshrl.u32 s21, $0x3;
	s0 =	sadd.s32 s16, s9;
	[dreg:$0x13] =	wrdreg s12  }
0x1e: {  	s23 =	sadd.s32 $0x140, s1;
	s6 =	sadd.s32 $0xC8, s1;
	[dreg:$0x14] =	wrdreg s0  }
0x1f: {  	s20 =	sshrl.u32 s13, $0x2;
	s29 =	sadd.s32 s22, s16;
	[dreg:$0x1e] =	wrdreg s6  }
0x20: {  	s2 =	sshrl.u32 s23, $0x3;
	s0 =	sadd.s32 s22, s15;
	[smem:$0x7FD] =	sst s29  }
0x21: {  	s31 =	sadd.s32 s2, s16;
	s2 =	sadd.s32 s2, s15;
	[dreg:$0x1a] =	wrdreg s0  }
0x22: {  	s18 =	sadd.s32 s20, s3;
	[dreg:$0x1b] =	wrdreg s2  }
0x23: {  	s7 =	sadd.s32 $0x1400, s18;
	[dreg:$0x18] =	wrdreg s18  }
0x24: {  	s8 =	sadd.s32 $0x2800, s18;
	[dreg:$0x1f] =	wrdreg s7  }
0x25: {  	s11 =	sadd.s32 $0x5000, s18;
	[smem:$0x7EF] =	sst s8  }
0x26: {  	s12 =	sadd.s32 $0x6400, s18;
	[smem:$0x7F1] =	sst s11  }
0x27: {  	s13 =	sadd.s32 $0x7800, s18;
	[smem:$0x7F2] =	sst s12  }
0x28: {  	s28 =	simm.s32 $0x1C00;
	s14 =	sadd.s32 $0x8C00, s18;
	[smem:$0x7F3] =	sst s13  }
0x29: {  	s30 =	simm.s32 $0x6;
	s19 =	sadd.s32 $0xA000, s18;
	[smem:$0x7F4] =	sst s14  }
0x2a: {  	s25 =	sadd.s32 $0x118, s1;
	s20 =	sadd.s32 $0xB400, s18;
	[smem:$0x7F5] =	sst s19  }
0x2b: {  	s26 =	sadd.s32 $0xF0, s1;
	s21 =	sadd.s32 $0xC800, s18;
	[smem:$0x7F6] =	sst s20  }
0x2c: {  	s5 =	sshrl.u32 s26, $0x3;
	s22 =	sadd.s32 $0xDC00, s18;
	[smem:$0x7F7] =	sst s21  }
0x2d: {  	s9 =	sadd.s32 s5, s16;
	s23 =	sadd.s32 $0xF000, s18;
	[smem:$0x7F8] =	sst s22  }
0x2e: {  	s0 =	sshrl.u32 s25, $0x3;
	s24 =	sadd.s32 $0x10400, s18;
	[smem:$0x7F9] =	sst s23  }
0x2f: {  	s25 =	sadd.s32 $0x11800, s18;
	s26 =	sadd.s32 $0x12C00, s18;
	[smem:$0x7FA] =	sst s24  }
0x30: {  	s2 =	sadd.s32 s0, s16;
	s0 =	sadd.s32 s0, s15;
	[smem:$0x7FB] =	sst s25  }
0x31: {  	[smem:$0x7FC] =	sst s26;
	s23 =	simm.s32 $0x6C00;
	s25 =	simm.s32 $0x1  }
0x32: {  	s8 =	simm.s32 $0xB;
	s20 =	simm.s32 $0x28;
	s22 =	simm.s32 $0x800  }
0x33: {  	s24 =	simm.s32 $0x480;
	s13 =	simm.s32 $0x500;
	s21 =	simm.s32 $0x580  }
0x34: {  	s26 =	simm.s32 $0x600;
	s7 =	simm.s32 $0x8;
	s11 =	simm.s32 $0x9  }
0x35: {  	s12 =	simm.s32 $0xA;
	[dreg:$0x1c] =	wrdreg s0;
	s0 =	sadd.s32 s5, s15  }
0x36: {  	s15 =	smov.u32 s10;
	s10 =	sadd.s32 $0x3C00, s18;
	[dreg:$0x1d] =	wrdreg s0  }
0x37: {  	s19 =	simm.s32 $0x2;
	s5 =	simm.s32 $0x0;
	[smem:$0x7F0] =	sst s10  }
0x38: {  	v0 =	vimm.f32 $0.0e+00;
	v1 =	vimm.f32 $1.000000000e+00;
	s10 =	simm.s32 $0x400;
	s0 =	simm.s32 $0x7;
	[dreg:$0xf] =	wrdreg s15  }
.LBB2_1:
0x39: {  	s1 =	sand.u32 $0x7E00, s4  }
0x3a: {  	[smem:$0x7EE] =	sst s5;
	s29 =	sand.u32 $0x70, s4;
	s6 =	sshrl.u32 s1, $0x2  }
0x3b: {  	s5 =	simm.s32 $0x0;
	s1 =	simm.s32 $0x40;
	s6 =	sor.u32 s29, s6  }
.LBB2_2:
0x3c: {  	p0 =	sne.s32 s1, $0x4FC0  }
0x3d: {  	[tilespmem:s6+$0x6C00] =	vst v0;
	s5 =	sadd.s32 $0x10, s5;
	s6 =	smov.u32 s1;
	s1 =	sadd.s32 $0x40, s1  }
.Ltmp0:
0x3e: {  	(pc) =	sbr.rel @p0 .LBB2_2-.Ltmp0, $4  }
0x3f: {  	_ = 	snop  }
0x40: {  	s6 =	sand.u32 $0x7E00, s6  }
0x41: {  	s14 =	sand.u32 $0x70, s5;
	s6 =	sshrl.u32 s6, $0x2  }
0x42: {  	s6 =	sor.u32 s14, s6  }
0x43: {  	[tilespmem:s6+$0x6C00] =	vst v0;
	s1 =	rddreg [dreg:$0x1f]  }
0x44: {  	[spmem:s18] =	stream.linear.scatter [tilespmem:s23], [sflag:$0x1], $0x1400, $0x38;
	[tilespmem:$0x1C000] =	vst v63  }
0x45: {  	s29 =	sld [smem:$0x7EF]  }
0x46: {  	[spmem:s1] =	stream.linear.scatter [tilespmem:s23], [sflag:$0x1], $0x1400, $0x38;
	[tilespmem:$0x1C000] =	vst v63  }
0x47: {  	s5 =	sld [smem:$0x7F0]  }
0x48: {  	[spmem:s29] =	stream.linear.scatter [tilespmem:s23], [sflag:$0x1], $0x1400, $0x38;
	[tilespmem:$0x1C000] =	vst v63  }
0x49: {  	s6 =	sld [smem:$0x7F1]  }
0x4a: {  	[spmem:s5] =	stream.linear.scatter [tilespmem:s23], [sflag:$0x1], $0x1400, $0x38;
	[tilespmem:$0x1C000] =	vst v63  }
0x4b: {  	s14 =	sld [smem:$0x7F2]  }
0x4c: {  	[spmem:s6] =	stream.linear.scatter [tilespmem:s23], [sflag:$0x1], $0x1400, $0x38;
	[tilespmem:$0x1C000] =	vst v63  }
0x4d: {  	s15 =	sld [smem:$0x7F3]  }
0x4e: {  	[spmem:s14] =	stream.linear.scatter [tilespmem:s23], [sflag:$0x1], $0x1400, $0x38;
	[tilespmem:$0x1C000] =	vst v63  }
0x4f: {  	s18 =	sld [smem:$0x7F4]  }
0x50: {  	[spmem:s15] =	stream.linear.scatter [tilespmem:s23], [sflag:$0x1], $0x1400, $0x38;
	[tilespmem:$0x1C000] =	vst v63  }
0x51: {  	s29 =	sld [smem:$0x7F5]  }
0x52: {  	[spmem:s18] =	stream.linear.scatter [tilespmem:s23], [sflag:$0x1], $0x1400, $0x38;
	[tilespmem:$0x1C000] =	vst v63  }
0x53: {  	s5 =	sld [smem:$0x7F6]  }
0x54: {  	[spmem:s29] =	stream.linear.scatter [tilespmem:s23], [sflag:$0x1], $0x1400, $0x38;
	[tilespmem:$0x1C000] =	vst v63  }
0x55: {  	s6 =	sld [smem:$0x7F7]  }
0x56: {  	[spmem:s5] =	stream.linear.scatter [tilespmem:s23], [sflag:$0x1], $0x1400, $0x38;
	[tilespmem:$0x1C000] =	vst v63  }
0x57: {  	s14 =	sld [smem:$0x7F8]  }
0x58: {  	[spmem:s6] =	stream.linear.scatter [tilespmem:s23], [sflag:$0x1], $0x1400, $0x38;
	[tilespmem:$0x1C000] =	vst v63  }
0x59: {  	s15 =	sld [smem:$0x7F9]  }
0x5a: {  	[spmem:s14] =	stream.linear.scatter [tilespmem:s23], [sflag:$0x1], $0x1400, $0x38;
	[tilespmem:$0x1C000] =	vst v63  }
0x5b: {  	s18 =	sld [smem:$0x7FA]  }
0x5c: {  	[spmem:s15] =	stream.linear.scatter [tilespmem:s23], [sflag:$0x1], $0x1400, $0x38;
	[tilespmem:$0x1C000] =	vst v63  }
0x5d: {  	s29 =	sld [smem:$0x7FB]  }
0x5e: {  	[spmem:s18] =	stream.linear.scatter [tilespmem:s23], [sflag:$0x1], $0x1400, $0x38;
	[tilespmem:$0x1C000] =	vst v63  }
0x5f: {  	s5 =	sld [smem:$0x7FC]  }
0x60: {  	[spmem:s29] =	stream.linear.scatter [tilespmem:s23], [sflag:$0x1], $0x1400, $0x38;
	[tilespmem:$0x1C000] =	vst v63  }
0x61: {  	_ = 	snop  }
0x62: {  	[spmem:s5] =	stream.linear.scatter [tilespmem:s23], [sflag:$0x1], $0x1400, $0x38;
	[tilespmem:$0x1C000] =	vst v63  }
0x63: {  	_ =	swait.ge [sflag:s25], $0x1400  }
0x64: {  	[sflag:s25] =	ssyncset.done $0x0  }
0x65: {  	[sflag:s25] =	ssyncadd.s32 $0xFFFFEC00  }
0x66: {  	_ =	swait.ge [sflag:s25], $0x1400  }
0x67: {  	[sflag:s25] =	ssyncset.done $0x0  }
0x68: {  	[sflag:s25] =	ssyncadd.s32 $0xFFFFEC00  }
0x69: {  	_ =	swait.ge [sflag:s25], $0x1400  }
0x6a: {  	[sflag:s25] =	ssyncset.done $0x0  }
0x6b: {  	[sflag:s25] =	ssyncadd.s32 $0xFFFFEC00  }
0x6c: {  	_ =	swait.ge [sflag:s25], $0x1400  }
0x6d: {  	[sflag:s25] =	ssyncset.done $0x0  }
0x6e: {  	[sflag:s25] =	ssyncadd.s32 $0xFFFFEC00  }
0x6f: {  	_ =	swait.ge [sflag:s25], $0x1400  }
0x70: {  	[sflag:s25] =	ssyncset.done $0x0  }
0x71: {  	[sflag:s25] =	ssyncadd.s32 $0xFFFFEC00  }
0x72: {  	_ =	swait.ge [sflag:s25], $0x1400  }
0x73: {  	[sflag:s25] =	ssyncset.done $0x0  }
0x74: {  	[sflag:s25] =	ssyncadd.s32 $0xFFFFEC00  }
0x75: {  	_ =	swait.ge [sflag:s25], $0x1400  }
0x76: {  	[sflag:s25] =	ssyncset.done $0x0  }
0x77: {  	[sflag:s25] =	ssyncadd.s32 $0xFFFFEC00  }
0x78: {  	_ =	swait.ge [sflag:s25], $0x1400  }
0x79: {  	[sflag:s25] =	ssyncset.done $0x0  }
0x7a: {  	[sflag:s25] =	ssyncadd.s32 $0xFFFFEC00  }
0x7b: {  	_ =	swait.ge [sflag:s25], $0x1400  }
0x7c: {  	[sflag:s25] =	ssyncset.done $0x0  }
0x7d: {  	[sflag:s25] =	ssyncadd.s32 $0xFFFFEC00  }
0x7e: {  	_ =	swait.ge [sflag:s25], $0x1400  }
0x7f: {  	[sflag:s25] =	ssyncset.done $0x0  }
0x80: {  	[sflag:s25] =	ssyncadd.s32 $0xFFFFEC00  }
0x81: {  	_ =	swait.ge [sflag:s25], $0x1400  }
0x82: {  	[sflag:s25] =	ssyncset.done $0x0  }
0x83: {  	[sflag:s25] =	ssyncadd.s32 $0xFFFFEC00  }
0x84: {  	_ =	swait.ge [sflag:s25], $0x1400  }
0x85: {  	[sflag:s25] =	ssyncset.done $0x0  }
0x86: {  	[sflag:s25] =	ssyncadd.s32 $0xFFFFEC00  }
0x87: {  	_ =	swait.ge [sflag:s25], $0x1400  }
0x88: {  	[sflag:s25] =	ssyncset.done $0x0  }
0x89: {  	[sflag:s25] =	ssyncadd.s32 $0xFFFFEC00  }
0x8a: {  	_ =	swait.ge [sflag:s25], $0x1400  }
0x8b: {  	[sflag:s25] =	ssyncset.done $0x0  }
0x8c: {  	[sflag:s25] =	ssyncadd.s32 $0xFFFFEC00  }
0x8d: {  	_ =	swait.ge [sflag:s25], $0x1400  }
0x8e: {  	[sflag:s25] =	ssyncset.done $0x0  }
0x8f: {  	[sflag:s25] =	ssyncadd.s32 $0xFFFFEC00  }
0x90: {  	_ =	swait.ge [sflag:s25], $0x1400  }
0x91: {  	[sflag:s25] =	ssyncset.done $0x0  }
0x92: {  	[sflag:s25] =	ssyncadd.s32 $0xFFFFEC00  }
0x93: {  	[bflag:$0x0] =	sbarrier.arrive $0xFFFF  }
0x94: {  	s14 =	simm.s32 $0x0;
	s6 =	rddreg [dreg:$0x5]  }
0x95: {  	[tilespmem:s14], [sflag:$0xB] =	stream.linear.gather [hbm4b:s6+s14], $0x28, $0x38;
	[tilespmem:$0x1C000] =	vst v63  }
0x96: {  	_ =	swait.ge [sflag:s8], $0x28  }
0x97: {  	[sflag:s8] =	ssyncset.done $0x0  }
0x98: {  	s15 =	rddreg [dreg:$0x6];
	[sflag:s8] =	ssyncadd.s32 $0xFFFFFFD8  }
0x99: {  	[tilespmem:s10], [sflag:$0xB] =	stream.linear.gather [hbm4b:s15+s14], $0x28, $0x38;
	[tilespmem:$0x1C000] =	vst v63  }
0x9a: {  	_ =	swait.ge [sflag:s8], $0x28  }
0x9b: {  	[sflag:s8] =	ssyncset.done $0x0  }
0x9c: {  	[sflag:s8] =	ssyncadd.s32 $0xFFFFFFD8  }
0x9d: {  	[tilespmem:s22], [sflag:$0x1] =	stream.indirect.gather [hbm4b:s17+s20], $0x80, s14, s20, $0xb8;
	[tilespmem:$0x1C000] =	vst v63  }
0x9e: {  	s5 =	simm.s32 $0x80;
	s18 =	rddreg [dreg:$0x7]  }
0x9f: {  	[tilespmem:s5], [sflag:$0xB] =	stream.linear.gather [hbm4b:s18+s14], $0x28, $0x38;
	[tilespmem:$0x1C000] =	vst v63  }
0xa0: {  	_ =	swait.ge [sflag:s8], $0x28  }
0xa1: {  	[sflag:s8] =	ssyncset.done $0x0  }
0xa2: {  	s29 =	rddreg [dreg:$0x8];
	[sflag:s8] =	ssyncadd.s32 $0xFFFFFFD8  }
0xa3: {  	[tilespmem:s24], [sflag:$0xB] =	stream.linear.gather [hbm4b:s29+s14], $0x28, $0x38;
	[tilespmem:$0x1C000] =	vst v63  }
0xa4: {  	_ =	swait.ge [sflag:s8], $0x28  }
0xa5: {  	[sflag:s8] =	ssyncset.done $0x0  }
0xa6: {  	[sflag:s8] =	ssyncadd.s32 $0xFFFFFFD8  }
0xa7: {  	[tilespmem:s28], [sflag:$0x2] =	stream.indirect.gather [hbm4b:s17+s20], $0x80, s5, s20, $0xb8;
	[tilespmem:$0x1C000] =	vst v63  }
0xa8: {  	s15 =	simm.s32 $0x100;
	s6 =	rddreg [dreg:$0x11]  }
0xa9: {  	[tilespmem:s15], [sflag:$0xB] =	stream.linear.gather [hbm4b:s6+s14], $0x28, $0x38;
	[tilespmem:$0x1C000] =	vst v63  }
0xaa: {  	_ =	swait.ge [sflag:s8], $0x28  }
0xab: {  	[sflag:s8] =	ssyncset.done $0x0  }
0xac: {  	s18 =	rddreg [dreg:$0x12];
	[sflag:s8] =	ssyncadd.s32 $0xFFFFFFD8  }
0xad: {  	[tilespmem:s13], [sflag:$0xB] =	stream.linear.gather [hbm4b:s18+s14], $0x28, $0x38;
	[tilespmem:$0x1C000] =	vst v63  }
0xae: {  	_ =	swait.ge [sflag:s8], $0x28  }
0xaf: {  	[sflag:s8] =	ssyncset.done $0x0  }
0xb0: {  	s29 =	simm.s32 $0x3000;
	[sflag:s8] =	ssyncadd.s32 $0xFFFFFFD8  }
0xb1: {  	[tilespmem:s29], [sflag:$0x3] =	stream.indirect.gather [hbm4b:s17+s20], $0x80, s15, s20, $0xb8;
	[tilespmem:$0x1C000] =	vst v63  }
0xb2: {  	s6 =	rddreg [dreg:$0x13];
	s15 =	simm.s32 $0x180  }
0xb3: {  	[tilespmem:s15], [sflag:$0xB] =	stream.linear.gather [hbm4b:s6+s14], $0x28, $0x38;
	[tilespmem:$0x1C000] =	vst v63  }
0xb4: {  	_ =	swait.ge [sflag:s8], $0x28  }
0xb5: {  	[sflag:s8] =	ssyncset.done $0x0  }
0xb6: {  	s18 =	rddreg [dreg:$0x14];
	[sflag:s8] =	ssyncadd.s32 $0xFFFFFFD8  }
0xb7: {  	[tilespmem:s21], [sflag:$0xB] =	stream.linear.gather [hbm4b:s18+s14], $0x28, $0x38;
	[tilespmem:$0x1C000] =	vst v63  }
0xb8: {  	_ =	swait.ge [sflag:s8], $0x28  }
0xb9: {  	[sflag:s8] =	ssyncset.done $0x0  }
0xba: {  	s29 =	simm.s32 $0x4400;
	[sflag:s8] =	ssyncadd.s32 $0xFFFFFFD8  }
0xbb: {  	[tilespmem:s29], [sflag:$0x4] =	stream.indirect.gather [hbm4b:s17+s20], $0x80, s15, s20, $0xb8;
	[tilespmem:$0x1C000] =	vst v63  }
0xbc: {  	s6 =	rddreg [dreg:$0x15];
	s15 =	simm.s32 $0x200  }
0xbd: {  	[tilespmem:s15], [sflag:$0xB] =	stream.linear.gather [hbm4b:s6+s14], $0x28, $0x38;
	[tilespmem:$0x1C000] =	vst v63  }
0xbe: {  	_ =	swait.ge [sflag:s8], $0x28  }
0xbf: {  	[sflag:s8] =	ssyncset.done $0x0  }
0xc0: {  	s18 =	rddreg [dreg:$0x16];
	[sflag:s8] =	ssyncadd.s32 $0xFFFFFFD8  }
0xc1: {  	[tilespmem:s26], [sflag:$0xB] =	stream.linear.gather [hbm4b:s18+s14], $0x28, $0x38;
	[tilespmem:$0x1C000] =	vst v63  }
0xc2: {  	_ =	swait.ge [sflag:s8], $0x28  }
0xc3: {  	[sflag:s8] =	ssyncset.done $0x0  }
0xc4: {  	s29 =	simm.s32 $0x5800;
	s6 =	rddreg [dreg:$0x1e];
	[sflag:s8] =	ssyncadd.s32 $0xFFFFFFD8  }
0xc5: {  	[tilespmem:s29], [sflag:$0x5] =	stream.indirect.gather [hbm4b:s17+s20], $0x80, s15, s20, $0xb8;
	[tilespmem:$0x1C000] =	vst v63  }
.LBB2_4:
0xc6: {  	_ =	swait.ge [sflag:s25], $0x1400  }
0xc7: {  	p0 =	seq.s32 s14, $0x4C9;
	[sflag:s25] =	ssyncset.done $0x0  }
0xc8: {  	s1 =	simm.s32 @p0 $0x2;
	[sflag:s25] =	ssyncadd.s32 $0xFFFFEC00  }
0xc9: {  	[spmem:s3] =	stream.indirect.scatter.add.f32 [tilespmem:s22], [sflag:$0x6], $0x80, s10, s20, $0xb8;
	[tilespmem:$0x1C000] =	vst v63  }
0xca: {  	_ =	swait.ge @p0 [sflag:s1], $0x1400  }
0xcb: {  	s15 =	simm.s32 @p0 $0x28;
	[sflag:s1] =	ssyncset.done @p0 $0x0  }
0xcc: {  	s5 =	simm.s32 @p0 $0x1C00;
	[sflag:s1] =	ssyncadd.s32 @p0 $0xFFFFEC00;
	s1 =	simm.s32 @p0 $0x480  }
0xcd: {  	[spmem:s3] =	stream.indirect.scatter.add.f32 @p0 [tilespmem:s5], [sflag:$0x7], $0x80, s1, s15, $0xb8;
	[tilespmem:$0x1C000] =	vst v63  }
0xce: {  	s1 =	simm.s32 @!p0 $0x6  }
0xcf: {  	_ =	swait.ge @!p0 [sflag:s1], $0x1400  }
0xd0: {  	[sflag:s1] =	ssyncset.done @!p0 $0x0;
	[smem:$0x7ED] =	sst s6  }
0xd1: {  	s6 =	sshrl.u32 @!p0 s6, $0x3;
	[sflag:s1] =	ssyncadd.s32 @!p0 $0xFFFFEC00;
	s1 =	rddreg [dreg:$0x4]  }
0xd2: {  	s5 =	sadd.s32 @!p0 s1, s6;
	s1 =	simm.s32 @!p0 $0x0  }
0xd3: {  	[tilespmem:s1], [sflag:$0xB] =	stream.linear.gather @!p0 [hbm4b:s5+s1], $0x28, $0x38;
	[tilespmem:$0x1C000] =	vst v63  }
0xd4: {  	s5 =	simm.s32 @!p0 $0xB  }
0xd5: {  	_ =	swait.ge @!p0 [sflag:s5], $0x28  }
0xd6: {  	[sflag:s5] =	ssyncset.done @!p0 $0x0  }
0xd7: {  	s15 =	simm.s32 @!p0 $0x400;
	s6 =	sadd.s32 @!p0 s16, s6;
	[sflag:s5] =	ssyncadd.s32 @!p0 $0xFFFFFFD8  }
0xd8: {  	[tilespmem:s15], [sflag:$0xB] =	stream.linear.gather @!p0 [hbm4b:s6+s1], $0x28, $0x38;
	[tilespmem:$0x1C000] =	vst v63  }
0xd9: {  	_ =	swait.ge @!p0 [sflag:s5], $0x28  }
0xda: {  	[sflag:s5] =	ssyncset.done @!p0 $0x0  }
0xdb: {  	s29 =	simm.s32 @!p0 $0x28;
	s15 =	simm.s32 @!p0 $0x800;
	[sflag:s5] =	ssyncadd.s32 @!p0 $0xFFFFFFD8  }
0xdc: {  	[tilespmem:s15], [sflag:$0x1] =	stream.indirect.gather @!p0 [hbm4b:s17+s29], $0x80, s1, s29, $0xb8;
	[tilespmem:$0x1C000] =	vst v63  }
0xdd: {  	s15 =	simm.s32 @!p0 $0x2  }
0xde: {  	_ =	swait.ge @!p0 [sflag:s15], $0x1400  }
0xdf: {  	s16 =	simm.s32 @!p0 $0x7;
	[sflag:s15] =	ssyncset.done @!p0 $0x0  }
0xe0: {  	s6 =	simm.s32 @!p0 $0x1C00;
	[sflag:s15] =	ssyncadd.s32 @!p0 $0xFFFFEC00;
	s15 =	simm.s32 @!p0 $0x480  }
0xe1: {  	[spmem:s3] =	stream.indirect.scatter.add.f32 @!p0 [tilespmem:s6], [sflag:$0x7], $0x80, s15, s29, $0xb8;
	[tilespmem:$0x1C000] =	vst v63  }
0xe2: {  	_ =	swait.ge @!p0 [sflag:s16], $0x1400  }
0xe3: {  	[sflag:s16] =	ssyncset.done @!p0 $0x0  }
0xe4: {  	[sflag:s16] =	ssyncadd.s32 @!p0 $0xFFFFEC00;
	s16 =	rddreg [dreg:$0x1d]  }
0xe5: {  	s18 =	simm.s32 @!p0 $0x80;
	s16 =	sadd.s32 @!p0 s14, s16  }
0xe6: {  	[tilespmem:s18], [sflag:$0xB] =	stream.linear.gather @!p0 [hbm4b:s16+s1], $0x28, $0x38;
	[tilespmem:$0x1C000] =	vst v63  }
0xe7: {  	_ =	swait.ge @!p0 [sflag:s5], $0x28  }
0xe8: {  	[sflag:s5] =	ssyncset.done @!p0 $0x0  }
0xe9: {  	s16 =	sadd.s32 @!p0 s14, s9;
	[sflag:s5] =	ssyncadd.s32 @!p0 $0xFFFFFFD8  }
0xea: {  	[tilespmem:s15], [sflag:$0xB] =	stream.linear.gather @!p0 [hbm4b:s16+s1], $0x28, $0x38;
	[tilespmem:$0x1C000] =	vst v63  }
0xeb: {  	_ =	swait.ge @!p0 [sflag:s5], $0x28  }
0xec: {  	[sflag:s5] =	ssyncset.done @!p0 $0x0  }
0xed: {  	s15 =	simm.s32 $0x3;
	[sflag:s5] =	ssyncadd.s32 @!p0 $0xFFFFFFD8  }
0xee: {  	[tilespmem:s6], [sflag:$0x2] =	stream.indirect.gather @!p0 [hbm4b:s17+s29], $0x80, s18, s29, $0xb8;
	[tilespmem:$0x1C000] =	vst v63  }
0xef: {  	_ =	swait.ge [sflag:s15], $0x1400  }
0xf0: {  	[sflag:s15] =	ssyncset.done $0x0  }
0xf1: {  	s16 =	simm.s32 $0x3000;
	s6 =	simm.s32 @p0 $0x4;
	[sflag:s15] =	ssyncadd.s32 $0xFFFFEC00  }
0xf2: {  	[spmem:s3] =	stream.indirect.scatter.add.f32 [tilespmem:s16], [sflag:$0x8], $0x80, s13, s20, $0xb8;
	[tilespmem:$0x1C000] =	vst v63  }
0xf3: {  	_ =	swait.ge @p0 [sflag:s6], $0x1400  }
0xf4: {  	s15 =	simm.s32 @p0 $0x4400;
	[sflag:s6] =	ssyncset.done @p0 $0x0  }
0xf5: {  	s16 =	simm.s32 @p0 $0x28;
	[sflag:s6] =	ssyncadd.s32 @p0 $0xFFFFEC00;
	s6 =	simm.s32 @p0 $0x580  }
0xf6: {  	[spmem:s3] =	stream.indirect.scatter.add.f32 @p0 [tilespmem:s15], [sflag:$0x9], $0x80, s6, s16, $0xb8;
	[tilespmem:$0x1C000] =	vst v63  }
0xf7: {  	s6 =	simm.s32 @!p0 $0x8  }
0xf8: {  	_ =	swait.ge @!p0 [sflag:s6], $0x1400  }
0xf9: {  	[sflag:s6] =	ssyncset.done @!p0 $0x0  }
0xfa: {  	[sflag:s6] =	ssyncadd.s32 @!p0 $0xFFFFEC00;
	s6 =	rddreg [dreg:$0x1c]  }
0xfb: {  	s15 =	simm.s32 @!p0 $0x100;
	s6 =	sadd.s32 @!p0 s14, s6  }
0xfc: {  	[tilespmem:s15], [sflag:$0xB] =	stream.linear.gather @!p0 [hbm4b:s6+s1], $0x28, $0x38;
	[tilespmem:$0x1C000] =	vst v63  }
0xfd: {  	_ =	swait.ge @!p0 [sflag:s5], $0x28  }
0xfe: {  	[sflag:s5] =	ssyncset.done @!p0 $0x0  }
0xff: {  	s16 =	simm.s32 @!p0 $0x500;
	s6 =	sadd.s32 @!p0 s14, s2;
	[sflag:s5] =	ssyncadd.s32 @!p0 $0xFFFFFFD8  }
0x100: {  	[tilespmem:s16], [sflag:$0xB] =	stream.linear.gather @!p0 [hbm4b:s6+s1], $0x28, $0x38;
	[tilespmem:$0x1C000] =	vst v63  }
0x101: {  	_ =	swait.ge @!p0 [sflag:s5], $0x28  }
0x102: {  	[sflag:s5] =	ssyncset.done @!p0 $0x0  }
0x103: {  	s6 =	simm.s32 @!p0 $0x3000;
	s16 =	simm.s32 @!p0 $0x28;
	[sflag:s5] =	ssyncadd.s32 @!p0 $0xFFFFFFD8  }
0x104: {  	[tilespmem:s6], [sflag:$0x3] =	stream.indirect.gather @!p0 [hbm4b:s17+s16], $0x80, s15, s16, $0xb8;
	[tilespmem:$0x1C000] =	vst v63  }
0x105: {  	s6 =	simm.s32 @!p0 $0x4  }
0x106: {  	_ =	swait.ge @!p0 [sflag:s6], $0x1400  }
0x107: {  	[sflag:s6] =	ssyncset.done @!p0 $0x0  }
0x108: {  	s15 =	simm.s32 @!p0 $0x4400;
	[sflag:s6] =	ssyncadd.s32 @!p0 $0xFFFFEC00;
	s6 =	simm.s32 @!p0 $0x580  }
0x109: {  	[spmem:s3] =	stream.indirect.scatter.add.f32 @!p0 [tilespmem:s15], [sflag:$0x9], $0x80, s6, s16, $0xb8;
	[tilespmem:$0x1C000] =	vst v63  }
0x10a: {  	s16 =	simm.s32 @!p0 $0x9  }
0x10b: {  	_ =	swait.ge @!p0 [sflag:s16], $0x1400  }
0x10c: {  	[sflag:s16] =	ssyncset.done @!p0 $0x0  }
0x10d: {  	[sflag:s16] =	ssyncadd.s32 @!p0 $0xFFFFEC00;
	s16 =	rddreg [dreg:$0x1b]  }
0x10e: {  	s18 =	simm.s32 @!p0 $0x180;
	s16 =	sadd.s32 @!p0 s14, s16  }
0x10f: {  	[tilespmem:s18], [sflag:$0xB] =	stream.linear.gather @!p0 [hbm4b:s16+s1], $0x28, $0x38;
	[tilespmem:$0x1C000] =	vst v63  }
0x110: {  	_ =	swait.ge @!p0 [sflag:s5], $0x28  }
0x111: {  	[sflag:s5] =	ssyncset.done @!p0 $0x0  }
0x112: {  	s16 =	sadd.s32 @!p0 s14, s31;
	[sflag:s5] =	ssyncadd.s32 @!p0 $0xFFFFFFD8  }
0x113: {  	[tilespmem:s6], [sflag:$0xB] =	stream.linear.gather @!p0 [hbm4b:s16+s1], $0x28, $0x38;
	[tilespmem:$0x1C000] =	vst v63  }
0x114: {  	_ =	swait.ge @!p0 [sflag:s5], $0x28  }
0x115: {  	[sflag:s5] =	ssyncset.done @!p0 $0x0  }
0x116: {  	s29 =	simm.s32 @!p0 $0x28;
	[sflag:s5] =	ssyncadd.s32 @!p0 $0xFFFFFFD8  }
0x117: {  	[tilespmem:s15], [sflag:$0x4] =	stream.indirect.gather @!p0 [hbm4b:s17+s29], $0x80, s18, s29, $0xb8;
	[tilespmem:$0x1C000] =	vst v63  }
.Ltmp1:
0x118: {  	s18 =	simm.s32 $0x5;
	(pc) =	sbr.rel @p0 .LBB2_6-.Ltmp1, $4  }
0x119: {  	_ =	swait.ge [sflag:s18], $0x1400  }
0x11a: {  	[sflag:s18] =	ssyncset.done $0x0  }
0x11b: {  	s6 =	simm.s32 $0x5800;
	s29 =	simm.s32 $0x5800;
	[sflag:s18] =	ssyncadd.s32 $0xFFFFEC00  }
0x11c: {  	[spmem:s3] =	stream.indirect.scatter.add.f32 [tilespmem:s29], [sflag:$0xA], $0x80, s26, s20, $0xb8;
	[tilespmem:$0x1C000] =	vst v63  }
0x11d: {  	_ =	swait.ge [sflag:s12], $0x1400  }
0x11e: {  	[sflag:s12] =	ssyncset.done $0x0;
	s1 =	rddreg [dreg:$0x1a]  }
0x11f: {  	s5 =	simm.s32 $0x200;
	[sflag:s12] =	ssyncadd.s32 $0xFFFFEC00;
	s1 =	sadd.s32 s14, s1  }
0x120: {  	[tilespmem:s5], [sflag:$0xB] =	stream.linear.gather [hbm4b:s1+s4], $0x28, $0x38;
	[tilespmem:$0x1C000] =	vst v63  }
0x121: {  	_ =	swait.ge [sflag:s8], $0x28  }
0x122: {  	s18 =	sld [smem:$0x7FD];
	_ =	sdelay $0x1  }
0x123: {  	[sflag:s8] =	ssyncset.done $0x0  }
0x124: {  	[sflag:s8] =	ssyncadd.s32 $0xFFFFFFD8;
	s1 =	sadd.s32 s14, s18  }
0x125: {  	[tilespmem:s26], [sflag:$0xB] =	stream.linear.gather [hbm4b:s1+s4], $0x28, $0x38;
	[tilespmem:$0x1C000] =	vst v63  }
.Ltmp2:
0x126: {  	_ =	swait.ge [sflag:s8], $0x28;
	(pc) =	sbr.rel .LBB2_4-.Ltmp2, $4  }
0x127: {  	[sflag:s8] =	ssyncset.done $0x0;
	s29 =	sld [smem:$0x7ED]  }
0x128: {  	[sflag:s8] =	ssyncadd.s32 $0xFFFFFFD8  }
0x129: {  	[tilespmem:s6], [sflag:$0x5] =	stream.indirect.gather [hbm4b:s17+s20], $0x80, s5, s20, $0xb8;
	[tilespmem:$0x1C000] =	vst v63  }
0x12a: {  	s14 =	sadd.s32 $0x19, s14;
	s16 =	rddreg [dreg:$0x1];
	s6 =	sadd.s32 $0xC8, s29  }
.LBB2_6:
0x12b: {  	_ =	swait.ge [sflag:s30], $0x1400  }
0x12c: {  	[sflag:s30] =	ssyncset.done $0x0  }
0x12d: {  	[sflag:s30] =	ssyncadd.s32 $0xFFFFEC00  }
0x12e: {  	_ =	swait.ge [sflag:s0], $0x1400  }
0x12f: {  	[sflag:s0] =	ssyncset.done $0x0  }
0x130: {  	[sflag:s0] =	ssyncadd.s32 $0xFFFFEC00  }
0x131: {  	_ =	swait.ge [sflag:s7], $0x1400  }
0x132: {  	[sflag:s7] =	ssyncset.done $0x0  }
0x133: {  	[sflag:s7] =	ssyncadd.s32 $0xFFFFEC00  }
0x134: {  	_ =	swait.ge [sflag:s11], $0x1400  }
0x135: {  	[sflag:s11] =	ssyncset.done $0x0  }
0x136: {  	[sflag:s11] =	ssyncadd.s32 $0xFFFFEC00  }
0x137: {  	_ =	swait.ge [sflag:s12], $0x1400  }
0x138: {  	[sflag:s12] =	ssyncset.done $0x0  }
0x139: {  	[sflag:s12] =	ssyncadd.s32 $0xFFFFEC00  }
0x13a: {  	[bflag:$0x0] =	sbarrier.arrive $0xFFFF  }
0x13b: {  	s18 =	rddreg [dreg:$0x18]  }
0x13c: {  	[tilespmem:s22], [sflag:$0xB] =	stream.linear.gather [spmem:s18], $0x1400, $0x38;
	[tilespmem:$0x1C000] =	vst v63  }
0x13d: {  	_ =	swait.ge [sflag:s8], $0x1400  }
0x13e: {  	[sflag:s8] =	ssyncset.done $0x0  }
0x13f: {  	s1 =	simm.s32 $0x0;
	s5 =	rddreg [dreg:$0x9];
	[sflag:s8] =	ssyncadd.s32 $0xFFFFEC00  }
0x140: {  	[hbm4b:s5+s1] =	stream.linear.scatter [tilespmem:s22], [sflag:$0x1], $0x1400, $0x38;
	[tilespmem:$0x1C000] =	vst v63  }
0x141: {  	s16 =	rddreg [dreg:$0x19]  }
0x142: {  	[tilespmem:s28], [sflag:$0xB] =	stream.linear.gather [spmem:s16], $0x1400, $0x38;
	[tilespmem:$0x1C000] =	vst v63  }
0x143: {  	_ =	swait.ge [sflag:s8], $0x1400  }
0x144: {  	[sflag:s8] =	ssyncset.done $0x0  }
0x145: {  	s6 =	rddreg [dreg:$0xa];
	[sflag:s8] =	ssyncadd.s32 $0xFFFFEC00  }
0x146: {  	[hbm4b:s6+s1] =	stream.linear.scatter [tilespmem:s28], [sflag:$0x2], $0x1400, $0x38;
	[tilespmem:$0x1C000] =	vst v63  }
0x147: {  	_ =	swait.ge [sflag:s25], $0x1400  }
0x148: {  	s5 =	sld [smem:$0x7F0];
	_ =	sdelay $0x2  }
0x149: {  	[sflag:s25] =	ssyncset.done $0x0;
	s14 =	sadd.s32 $0xFFFFEC00, s5  }
0x14a: {  	[sflag:s25] =	ssyncadd.s32 $0xFFFFEC00;
	[smem:$0x7EC] =	sst s14  }
0x14b: {  	[tilespmem:s22], [sflag:$0xB] =	stream.linear.gather [spmem:s14], $0x1400, $0x38;
	[tilespmem:$0x1C000] =	vst v63  }
0x14c: {  	_ =	swait.ge [sflag:s8], $0x1400  }
0x14d: {  	[sflag:s8] =	ssyncset.done $0x0;
	s16 =	rddreg [dreg:$0xe]  }
0x14e: {  	[sflag:s8] =	ssyncadd.s32 $0xFFFFEC00;
	s15 =	sadd.s32 $0x0, s16  }
0x14f: {  	[hbm4b:s15+s4] =	stream.linear.scatter [tilespmem:s22], [sflag:$0x1], $0x1400, $0x38;
	[tilespmem:$0x1C000] =	vst v63  }
0x150: {  	_ =	swait.ge [sflag:s19], $0x1400  }
0x151: {  	[sflag:s19] =	ssyncset.done $0x0  }
0x152: {  	[sflag:s19] =	ssyncadd.s32 $0xFFFFEC00  }
0x153: {  	[tilespmem:s28], [sflag:$0xB] =	stream.linear.gather [spmem:s5], $0x1400, $0x38;
	[tilespmem:$0x1C000] =	vst v63  }
0x154: {  	s1 =	simm.s32 $0x500;
	_ =	swait.ge [sflag:s8], $0x1400  }
0x155: {  	s5 =	sadd.s32 $0x2800, s5;
	[sflag:s8] =	ssyncset.done $0x0;
	s15 =	rddreg [dreg:$0xd]  }
0x156: {  	s29 =	sld [smem:$0x7FD];
	[sflag:s8] =	ssyncadd.s32 $0xFFFFEC00;
	s6 =	sadd.s32 $0x0, s15  }
.LBB2_7:
0x157: {  	[hbm4b:s6+s4] =	stream.linear.scatter [tilespmem:s28], [sflag:$0x2], $0x1400, $0x38;
	[tilespmem:$0x1C000] =	vst v63  }
0x158: {  	s6 =	smov.u32 s1  }
0x159: {  	p0 =	sne.s32 s1, $0x1E00;
	s1 =	sadd.s32 $0x500, s1;
	_ =	swait.ge [sflag:s25], $0x1400  }
0x15a: {  	[sflag:s25] =	ssyncset.done $0x0  }
0x15b: {  	s14 =	sadd.s32 $0xFFFFEC00, s5;
	[sflag:s25] =	ssyncadd.s32 $0xFFFFEC00  }
0x15c: {  	[tilespmem:s22], [sflag:$0xB] =	stream.linear.gather [spmem:s14], $0x1400, $0x38;
	[tilespmem:$0x1C000] =	vst v63  }
0x15d: {  	_ =	swait.ge [sflag:s8], $0x1400  }
0x15e: {  	[sflag:s8] =	ssyncset.done $0x0  }
0x15f: {  	s14 =	sadd.s32 s6, s16;
	[sflag:s8] =	ssyncadd.s32 $0xFFFFEC00  }
0x160: {  	[hbm4b:s14+s4] =	stream.linear.scatter [tilespmem:s22], [sflag:$0x1], $0x1400, $0x38;
	[tilespmem:$0x1C000] =	vst v63  }
0x161: {  	_ =	swait.ge [sflag:s19], $0x1400  }
0x162: {  	[sflag:s19] =	ssyncset.done $0x0  }
.Ltmp3:
0x163: {  	[sflag:s19] =	ssyncadd.s32 $0xFFFFEC00;
	(pc) =	sbr.rel @p0 .LBB2_7-.Ltmp3, $4  }
0x164: {  	[tilespmem:s28], [sflag:$0xB] =	stream.linear.gather [spmem:s5], $0x1400, $0x38;
	[tilespmem:$0x1C000] =	vst v63  }
0x165: {  	_ =	swait.ge [sflag:s8], $0x1400  }
0x166: {  	[sflag:s8] =	ssyncset.done $0x0  }
0x167: {  	s6 =	sadd.s32 s6, s15;
	s5 =	sadd.s32 $0x2800, s5;
	[sflag:s8] =	ssyncadd.s32 $0xFFFFEC00  }
0x168: {  	[hbm4b:s6+s4] =	stream.linear.scatter [tilespmem:s28], [sflag:$0x2], $0x1400, $0x38;
	[tilespmem:$0x1C000] =	vst v63  }
0x169: {  	_ =	swait.ge [sflag:s25], $0x1400  }
0x16a: {  	[sflag:s25] =	ssyncset.done $0x0  }
0x16b: {  	[sflag:s25] =	ssyncadd.s32 $0xFFFFEC00  }
0x16c: {  	_ =	swait.ge [sflag:s19], $0x1400  }
0x16d: {  	s1 =	simm.s32 $0x0;
	[sflag:s19] =	ssyncset.done $0x0  }
0x16e: {  	s5 =	sand.u32 $0x7E00, s1;
	[sflag:s19] =	ssyncadd.s32 $0xFFFFEC00  }
0x16f: {  	s16 =	sand.u32 $0x70, s1;
	s14 =	sshrl.u32 s5, $0x2;
	[bflag:$0x0] =	sbarrier.arrive $0xFFFF  }
0x170: {  	s6 =	sor.u32 s16, s14;
	s16 =	rddreg [dreg:$0x1]  }
0x171: {  	s5 =	simm.s32 $0x40;
	s15 =	rddreg [dreg:$0x6]  }
.LBB2_9:
0x172: {  	p0 =	sne.s32 s5, $0x4FC0  }
0x173: {  	[tilespmem:s6+$0x6C00] =	vst v0;
	s1 =	sadd.s32 $0x10, s1;
	s6 =	smov.u32 s5;
	s5 =	sadd.s32 $0x40, s5  }
.Ltmp4:
0x174: {  	(pc) =	sbr.rel @p0 .LBB2_9-.Ltmp4, $4  }
0x175: {  	_ = 	snop  }
0x176: {  	s6 =	sand.u32 $0x7E00, s6  }
0x177: {  	s14 =	sand.u32 $0x70, s1;
	s6 =	sshrl.u32 s6, $0x2  }
0x178: {  	s6 =	sor.u32 s14, s6  }
0x179: {  	[tilespmem:s6+$0x6C00] =	vst v0;
	s1 =	rddreg [dreg:$0x1f]  }
0x17a: {  	[spmem:s18] =	stream.linear.scatter [tilespmem:s23], [sflag:$0x1], $0x1400, $0x38;
	[tilespmem:$0x1C000] =	vst v63  }
0x17b: {  	s6 =	sld [smem:$0x7EF]  }
0x17c: {  	[spmem:s1] =	stream.linear.scatter [tilespmem:s23], [sflag:$0x1], $0x1400, $0x38;
	[tilespmem:$0x1C000] =	vst v63  }
0x17d: {  	s14 =	sld [smem:$0x7F0]  }
0x17e: {  	[spmem:s6] =	stream.linear.scatter [tilespmem:s23], [sflag:$0x1], $0x1400, $0x38;
	[tilespmem:$0x1C000] =	vst v63  }
0x17f: {  	s5 =	sld [smem:$0x7F1]  }
0x180: {  	[spmem:s14] =	stream.linear.scatter [tilespmem:s23], [sflag:$0x1], $0x1400, $0x38;
	[tilespmem:$0x1C000] =	vst v63  }
0x181: {  	s6 =	sld [smem:$0x7F2]  }
0x182: {  	[spmem:s5] =	stream.linear.scatter [tilespmem:s23], [sflag:$0x1], $0x1400, $0x38;
	[tilespmem:$0x1C000] =	vst v63  }
0x183: {  	s14 =	sld [smem:$0x7F3]  }
0x184: {  	[spmem:s6] =	stream.linear.scatter [tilespmem:s23], [sflag:$0x1], $0x1400, $0x38;
	[tilespmem:$0x1C000] =	vst v63  }
0x185: {  	s5 =	sld [smem:$0x7F4]  }
0x186: {  	[spmem:s14] =	stream.linear.scatter [tilespmem:s23], [sflag:$0x1], $0x1400, $0x38;
	[tilespmem:$0x1C000] =	vst v63  }
0x187: {  	s6 =	sld [smem:$0x7F5]  }
0x188: {  	[spmem:s5] =	stream.linear.scatter [tilespmem:s23], [sflag:$0x1], $0x1400, $0x38;
	[tilespmem:$0x1C000] =	vst v63  }
0x189: {  	s14 =	sld [smem:$0x7F6]  }
0x18a: {  	[spmem:s6] =	stream.linear.scatter [tilespmem:s23], [sflag:$0x1], $0x1400, $0x38;
	[tilespmem:$0x1C000] =	vst v63  }
0x18b: {  	s5 =	sld [smem:$0x7F7]  }
0x18c: {  	[spmem:s14] =	stream.linear.scatter [tilespmem:s23], [sflag:$0x1], $0x1400, $0x38;
	[tilespmem:$0x1C000] =	vst v63  }
0x18d: {  	s6 =	sld [smem:$0x7F8]  }
0x18e: {  	[spmem:s5] =	stream.linear.scatter [tilespmem:s23], [sflag:$0x1], $0x1400, $0x38;
	[tilespmem:$0x1C000] =	vst v63  }
0x18f: {  	s14 =	sld [smem:$0x7F9]  }
0x190: {  	[spmem:s6] =	stream.linear.scatter [tilespmem:s23], [sflag:$0x1], $0x1400, $0x38;
	[tilespmem:$0x1C000] =	vst v63  }
0x191: {  	s5 =	sld [smem:$0x7FA]  }
0x192: {  	[spmem:s14] =	stream.linear.scatter [tilespmem:s23], [sflag:$0x1], $0x1400, $0x38;
	[tilespmem:$0x1C000] =	vst v63  }
0x193: {  	s6 =	sld [smem:$0x7FB]  }
0x194: {  	[spmem:s5] =	stream.linear.scatter [tilespmem:s23], [sflag:$0x1], $0x1400, $0x38;
	[tilespmem:$0x1C000] =	vst v63  }
0x195: {  	s14 =	sld [smem:$0x7FC]  }
0x196: {  	[spmem:s6] =	stream.linear.scatter [tilespmem:s23], [sflag:$0x1], $0x1400, $0x38;
	[tilespmem:$0x1C000] =	vst v63  }
0x197: {  	_ = 	snop  }
0x198: {  	[spmem:s14] =	stream.linear.scatter [tilespmem:s23], [sflag:$0x1], $0x1400, $0x38;
	[tilespmem:$0x1C000] =	vst v63  }
0x199: {  	_ =	swait.ge [sflag:s25], $0x1400  }
0x19a: {  	[sflag:s25] =	ssyncset.done $0x0  }
0x19b: {  	[sflag:s25] =	ssyncadd.s32 $0xFFFFEC00  }
0x19c: {  	_ =	swait.ge [sflag:s25], $0x1400  }
0x19d: {  	[sflag:s25] =	ssyncset.done $0x0  }
0x19e: {  	[sflag:s25] =	ssyncadd.s32 $0xFFFFEC00  }
0x19f: {  	_ =	swait.ge [sflag:s25], $0x1400  }
0x1a0: {  	[sflag:s25] =	ssyncset.done $0x0  }
0x1a1: {  	[sflag:s25] =	ssyncadd.s32 $0xFFFFEC00  }
0x1a2: {  	_ =	swait.ge [sflag:s25], $0x1400  }
0x1a3: {  	[sflag:s25] =	ssyncset.done $0x0  }
0x1a4: {  	[sflag:s25] =	ssyncadd.s32 $0xFFFFEC00  }
0x1a5: {  	_ =	swait.ge [sflag:s25], $0x1400  }
0x1a6: {  	[sflag:s25] =	ssyncset.done $0x0  }
0x1a7: {  	[sflag:s25] =	ssyncadd.s32 $0xFFFFEC00  }
0x1a8: {  	_ =	swait.ge [sflag:s25], $0x1400  }
0x1a9: {  	[sflag:s25] =	ssyncset.done $0x0  }
0x1aa: {  	[sflag:s25] =	ssyncadd.s32 $0xFFFFEC00  }
0x1ab: {  	_ =	swait.ge [sflag:s25], $0x1400  }
0x1ac: {  	[sflag:s25] =	ssyncset.done $0x0  }
0x1ad: {  	[sflag:s25] =	ssyncadd.s32 $0xFFFFEC00  }
0x1ae: {  	_ =	swait.ge [sflag:s25], $0x1400  }
0x1af: {  	[sflag:s25] =	ssyncset.done $0x0  }
0x1b0: {  	[sflag:s25] =	ssyncadd.s32 $0xFFFFEC00  }
0x1b1: {  	_ =	swait.ge [sflag:s25], $0x1400  }
0x1b2: {  	[sflag:s25] =	ssyncset.done $0x0  }
0x1b3: {  	[sflag:s25] =	ssyncadd.s32 $0xFFFFEC00  }
0x1b4: {  	_ =	swait.ge [sflag:s25], $0x1400  }
0x1b5: {  	[sflag:s25] =	ssyncset.done $0x0  }
0x1b6: {  	[sflag:s25] =	ssyncadd.s32 $0xFFFFEC00  }
0x1b7: {  	_ =	swait.ge [sflag:s25], $0x1400  }
0x1b8: {  	[sflag:s25] =	ssyncset.done $0x0  }
0x1b9: {  	[sflag:s25] =	ssyncadd.s32 $0xFFFFEC00  }
0x1ba: {  	_ =	swait.ge [sflag:s25], $0x1400  }
0x1bb: {  	[sflag:s25] =	ssyncset.done $0x0  }
0x1bc: {  	[sflag:s25] =	ssyncadd.s32 $0xFFFFEC00  }
0x1bd: {  	_ =	swait.ge [sflag:s25], $0x1400  }
0x1be: {  	[sflag:s25] =	ssyncset.done $0x0  }
0x1bf: {  	[sflag:s25] =	ssyncadd.s32 $0xFFFFEC00  }
0x1c0: {  	_ =	swait.ge [sflag:s25], $0x1400  }
0x1c1: {  	[sflag:s25] =	ssyncset.done $0x0  }
0x1c2: {  	[sflag:s25] =	ssyncadd.s32 $0xFFFFEC00  }
0x1c3: {  	_ =	swait.ge [sflag:s25], $0x1400  }
0x1c4: {  	[sflag:s25] =	ssyncset.done $0x0  }
0x1c5: {  	[sflag:s25] =	ssyncadd.s32 $0xFFFFEC00  }
0x1c6: {  	s1 =	simm.s32 $0x0;
	_ =	swait.ge [sflag:s25], $0x1400  }
0x1c7: {  	s5 =	sand.u32 $0x7E00, s1;
	[sflag:s25] =	ssyncset.done $0x0  }
0x1c8: {  	s6 =	sand.u32 $0x70, s1;
	s14 =	sshrl.u32 s5, $0x2;
	[sflag:s25] =	ssyncadd.s32 $0xFFFFEC00  }
0x1c9: {  	s5 =	simm.s32 $0x40;
	s6 =	sor.u32 s6, s14;
	[bflag:$0x0] =	sbarrier.arrive $0xFFFF  }
.LBB2_11:
0x1ca: {  	p0 =	sne.s32 s5, $0x4FC0  }
0x1cb: {  	[tilespmem:s6+$0x6C00] =	vst v1;
	s1 =	sadd.s32 $0x10, s1;
	s6 =	smov.u32 s5;
	s5 =	sadd.s32 $0x40, s5  }
.Ltmp5:
0x1cc: {  	(pc) =	sbr.rel @p0 .LBB2_11-.Ltmp5, $4  }
0x1cd: {  	_ = 	snop  }
0x1ce: {  	s6 =	sand.u32 $0x7E00, s6  }
0x1cf: {  	s14 =	sand.u32 $0x70, s1;
	s6 =	sshrl.u32 s6, $0x2  }
0x1d0: {  	s6 =	sor.u32 s14, s6  }
0x1d1: {  	[tilespmem:s6+$0x6C00] =	vst v1;
	s1 =	simm.s32 $0x0  }
0x1d2: {  	[tilespmem:s10], [sflag:$0xB] =	stream.linear.gather [hbm4b:s15+s1], $0x28, $0x38;
	[tilespmem:$0x1C000] =	vst v63  }
0x1d3: {  	_ =	swait.ge [sflag:s8], $0x28  }
0x1d4: {  	[sflag:s8] =	ssyncset.done $0x0  }
0x1d5: {  	[sflag:s8] =	ssyncadd.s32 $0xFFFFFFD8  }
0x1d6: {  	[spmem:s3] =	stream.indirect.scatter.add.f32 [tilespmem:s23], [sflag:$0x6], $0x80, s10, s20, $0xb8;
	[tilespmem:$0x1C000] =	vst v63  }
0x1d7: {  	s5 =	rddreg [dreg:$0x8]  }
0x1d8: {  	[tilespmem:s24], [sflag:$0xB] =	stream.linear.gather [hbm4b:s5+s1], $0x28, $0x38;
	[tilespmem:$0x1C000] =	vst v63  }
0x1d9: {  	_ =	swait.ge [sflag:s8], $0x28  }
0x1da: {  	[sflag:s8] =	ssyncset.done $0x0  }
0x1db: {  	[sflag:s8] =	ssyncadd.s32 $0xFFFFFFD8  }
0x1dc: {  	[spmem:s3] =	stream.indirect.scatter.add.f32 [tilespmem:s23], [sflag:$0x7], $0x80, s24, s20, $0xb8;
	[tilespmem:$0x1C000] =	vst v63  }
0x1dd: {  	s14 =	rddreg [dreg:$0x12]  }
0x1de: {  	[tilespmem:s13], [sflag:$0xB] =	stream.linear.gather [hbm4b:s14+s1], $0x28, $0x38;
	[tilespmem:$0x1C000] =	vst v63  }
0x1df: {  	_ =	swait.ge [sflag:s8], $0x28  }
0x1e0: {  	[sflag:s8] =	ssyncset.done $0x0  }
0x1e1: {  	[sflag:s8] =	ssyncadd.s32 $0xFFFFFFD8  }
0x1e2: {  	[spmem:s3] =	stream.indirect.scatter.add.f32 [tilespmem:s23], [sflag:$0x8], $0x80, s13, s20, $0xb8;
	[tilespmem:$0x1C000] =	vst v63  }
0x1e3: {  	s15 =	rddreg [dreg:$0x14]  }
0x1e4: {  	[tilespmem:s21], [sflag:$0xB] =	stream.linear.gather [hbm4b:s15+s1], $0x28, $0x38;
	[tilespmem:$0x1C000] =	vst v63  }
0x1e5: {  	_ =	swait.ge [sflag:s8], $0x28  }
0x1e6: {  	[sflag:s8] =	ssyncset.done $0x0  }
0x1e7: {  	[sflag:s8] =	ssyncadd.s32 $0xFFFFFFD8  }
0x1e8: {  	[spmem:s3] =	stream.indirect.scatter.add.f32 [tilespmem:s23], [sflag:$0x9], $0x80, s21, s20, $0xb8;
	[tilespmem:$0x1C000] =	vst v63  }
0x1e9: {  	s6 =	rddreg [dreg:$0x16]  }
0x1ea: {  	[tilespmem:s26], [sflag:$0xB] =	stream.linear.gather [hbm4b:s6+s1], $0x28, $0x38;
	[tilespmem:$0x1C000] =	vst v63  }
0x1eb: {  	_ =	swait.ge [sflag:s8], $0x28  }
0x1ec: {  	[sflag:s8] =	ssyncset.done $0x0  }
0x1ed: {  	[sflag:s8] =	ssyncadd.s32 $0xFFFFFFD8  }
0x1ee: {  	[spmem:s3] =	stream.indirect.scatter.add.f32 [tilespmem:s23], [sflag:$0xA], $0x80, s26, s20, $0xb8;
	[tilespmem:$0x1C000] =	vst v63  }
0x1ef: {  	_ =	swait.ge [sflag:s30], $0x1400  }
0x1f0: {  	s5 =	rddreg [dreg:$0x1e]  }
0x1f1: {  	[sflag:s30] =	ssyncset.done $0x0;
	s14 =	sshrl.u32 s5, $0x3  }
0x1f2: {  	[sflag:s30] =	ssyncadd.s32 $0xFFFFEC00;
	s1 =	sadd.s32 s16, s14  }
0x1f3: {  	[tilespmem:s10], [sflag:$0xB] =	stream.linear.gather [hbm4b:s1+s4], $0x28, $0x38;
	[tilespmem:$0x1C000] =	vst v63  }
0x1f4: {  	_ =	swait.ge [sflag:s8], $0x28  }
0x1f5: {  	[sflag:s8] =	ssyncset.done $0x0  }
0x1f6: {  	[sflag:s8] =	ssyncadd.s32 $0xFFFFFFD8  }
0x1f7: {  	[spmem:s3] =	stream.indirect.scatter.add.f32 [tilespmem:s23], [sflag:$0x6], $0x80, s10, s20, $0xb8;
	[tilespmem:$0x1C000] =	vst v63  }
0x1f8: {  	_ =	swait.ge [sflag:s0], $0x1400  }
0x1f9: {  	[sflag:s0] =	ssyncset.done $0x0  }
0x1fa: {  	s15 =	sadd.s32 $0x0, s9;
	[sflag:s0] =	ssyncadd.s32 $0xFFFFEC00  }
0x1fb: {  	[tilespmem:s24], [sflag:$0xB] =	stream.linear.gather [hbm4b:s15+s4], $0x28, $0x38;
	[tilespmem:$0x1C000] =	vst v63  }
0x1fc: {  	_ =	swait.ge [sflag:s8], $0x28  }
0x1fd: {  	[sflag:s8] =	ssyncset.done $0x0  }
0x1fe: {  	[sflag:s8] =	ssyncadd.s32 $0xFFFFFFD8  }
0x1ff: {  	[spmem:s3] =	stream.indirect.scatter.add.f32 [tilespmem:s23], [sflag:$0x7], $0x80, s24, s20, $0xb8;
	[tilespmem:$0x1C000] =	vst v63  }
0x200: {  	_ =	swait.ge [sflag:s7], $0x1400  }
0x201: {  	[sflag:s7] =	ssyncset.done $0x0  }
0x202: {  	s6 =	sadd.s32 $0x0, s2;
	[sflag:s7] =	ssyncadd.s32 $0xFFFFEC00  }
0x203: {  	[tilespmem:s13], [sflag:$0xB] =	stream.linear.gather [hbm4b:s6+s4], $0x28, $0x38;
	[tilespmem:$0x1C000] =	vst v63  }
0x204: {  	_ =	swait.ge [sflag:s8], $0x28  }
0x205: {  	[sflag:s8] =	ssyncset.done $0x0  }
0x206: {  	[sflag:s8] =	ssyncadd.s32 $0xFFFFFFD8  }
0x207: {  	[spmem:s3] =	stream.indirect.scatter.add.f32 [tilespmem:s23], [sflag:$0x8], $0x80, s13, s20, $0xb8;
	[tilespmem:$0x1C000] =	vst v63  }
0x208: {  	_ =	swait.ge [sflag:s11], $0x1400  }
0x209: {  	[sflag:s11] =	ssyncset.done $0x0  }
0x20a: {  	s14 =	sadd.s32 $0x0, s31;
	[sflag:s11] =	ssyncadd.s32 $0xFFFFEC00  }
0x20b: {  	[tilespmem:s21], [sflag:$0xB] =	stream.linear.gather [hbm4b:s14+s4], $0x28, $0x38;
	[tilespmem:$0x1C000] =	vst v63  }
0x20c: {  	_ =	swait.ge [sflag:s8], $0x28  }
0x20d: {  	[sflag:s8] =	ssyncset.done $0x0  }
0x20e: {  	[sflag:s8] =	ssyncadd.s32 $0xFFFFFFD8  }
0x20f: {  	[spmem:s3] =	stream.indirect.scatter.add.f32 [tilespmem:s23], [sflag:$0x9], $0x80, s21, s20, $0xb8;
	[tilespmem:$0x1C000] =	vst v63  }
0x210: {  	_ =	swait.ge [sflag:s12], $0x1400  }
0x211: {  	[sflag:s12] =	ssyncset.done $0x0  }
0x212: {  	s15 =	sadd.s32 $0x0, s29;
	[sflag:s12] =	ssyncadd.s32 $0xFFFFEC00  }
0x213: {  	[tilespmem:s26], [sflag:$0xB] =	stream.linear.gather [hbm4b:s15+s4], $0x28, $0x38;
	[tilespmem:$0x1C000] =	vst v63  }
0x214: {  	_ =	swait.ge [sflag:s8], $0x28  }
0x215: {  	[sflag:s8] =	ssyncset.done $0x0  }
0x216: {  	[sflag:s8] =	ssyncadd.s32 $0xFFFFFFD8  }
0x217: {  	[spmem:s3] =	stream.indirect.scatter.add.f32 [tilespmem:s23], [sflag:$0xA], $0x80, s26, s20, $0xb8;
	[tilespmem:$0x1C000] =	vst v63  }
0x218: {  	s6 =	sadd.s32 $0xC8, s5;
	s5 =	simm.s32 $0x32;
	_ =	swait.ge [sflag:s30], $0x1400  }
0x219: {  	s1 =	sshrl.u32 s6, $0x3;
	s14 =	simm.s32 $0x19;
	[sflag:s30] =	ssyncset.done $0x0  }
.LBB2_13:
0x21a: {  	p0 =	sne.s32 s5, $0x4B0;
	s1 =	sadd.s32 s16, s1;
	[sflag:s30] =	ssyncadd.s32 $0xFFFFEC00  }
0x21b: {  	[tilespmem:s10], [sflag:$0xB] =	stream.linear.gather [hbm4b:s1+s4], $0x28, $0x38;
	[tilespmem:$0x1C000] =	vst v63  }
0x21c: {  	s1 =	smov.u32 s5;
	s5 =	sadd.s32 $0x19, s5;
	_ =	swait.ge [sflag:s8], $0x28  }
0x21d: {  	[sflag:s8] =	ssyncset.done $0x0  }
0x21e: {  	[sflag:s8] =	ssyncadd.s32 $0xFFFFFFD8  }
0x21f: {  	[spmem:s3] =	stream.indirect.scatter.add.f32 [tilespmem:s23], [sflag:$0x6], $0x80, s10, s20, $0xb8;
	[tilespmem:$0x1C000] =	vst v63  }
0x220: {  	_ =	swait.ge [sflag:s0], $0x1400  }
0x221: {  	[sflag:s0] =	ssyncset.done $0x0  }
0x222: {  	s15 =	sadd.s32 s14, s9;
	[sflag:s0] =	ssyncadd.s32 $0xFFFFEC00  }
0x223: {  	[tilespmem:s24], [sflag:$0xB] =	stream.linear.gather [hbm4b:s15+s4], $0x28, $0x38;
	[tilespmem:$0x1C000] =	vst v63  }
0x224: {  	_ =	swait.ge [sflag:s8], $0x28  }
0x225: {  	[sflag:s8] =	ssyncset.done $0x0  }
0x226: {  	[sflag:s8] =	ssyncadd.s32 $0xFFFFFFD8  }
0x227: {  	[spmem:s3] =	stream.indirect.scatter.add.f32 [tilespmem:s23], [sflag:$0x7], $0x80, s24, s20, $0xb8;
	[tilespmem:$0x1C000] =	vst v63  }
0x228: {  	_ =	swait.ge [sflag:s7], $0x1400  }
0x229: {  	[sflag:s7] =	ssyncset.done $0x0  }
0x22a: {  	s15 =	sadd.s32 s14, s2;
	[sflag:s7] =	ssyncadd.s32 $0xFFFFEC00  }
0x22b: {  	[tilespmem:s13], [sflag:$0xB] =	stream.linear.gather [hbm4b:s15+s4], $0x28, $0x38;
	[tilespmem:$0x1C000] =	vst v63  }
0x22c: {  	_ =	swait.ge [sflag:s8], $0x28  }
0x22d: {  	[sflag:s8] =	ssyncset.done $0x0  }
0x22e: {  	[sflag:s8] =	ssyncadd.s32 $0xFFFFFFD8  }
0x22f: {  	[spmem:s3] =	stream.indirect.scatter.add.f32 [tilespmem:s23], [sflag:$0x8], $0x80, s13, s20, $0xb8;
	[tilespmem:$0x1C000] =	vst v63  }
0x230: {  	_ =	swait.ge [sflag:s11], $0x1400  }
0x231: {  	[sflag:s11] =	ssyncset.done $0x0  }
0x232: {  	s15 =	sadd.s32 s14, s31;
	[sflag:s11] =	ssyncadd.s32 $0xFFFFEC00  }
0x233: {  	[tilespmem:s21], [sflag:$0xB] =	stream.linear.gather [hbm4b:s15+s4], $0x28, $0x38;
	[tilespmem:$0x1C000] =	vst v63  }
0x234: {  	_ =	swait.ge [sflag:s8], $0x28  }
0x235: {  	[sflag:s8] =	ssyncset.done $0x0  }
0x236: {  	[sflag:s8] =	ssyncadd.s32 $0xFFFFFFD8  }
0x237: {  	[spmem:s3] =	stream.indirect.scatter.add.f32 [tilespmem:s23], [sflag:$0x9], $0x80, s21, s20, $0xb8;
	[tilespmem:$0x1C000] =	vst v63  }
0x238: {  	_ =	swait.ge [sflag:s12], $0x1400  }
0x239: {  	[sflag:s12] =	ssyncset.done $0x0  }
0x23a: {  	s15 =	sadd.s32 s14, s29;
	s14 =	smov.u32 s1;
	[sflag:s12] =	ssyncadd.s32 $0xFFFFEC00  }
0x23b: {  	[tilespmem:s26], [sflag:$0xB] =	stream.linear.gather [hbm4b:s15+s4], $0x28, $0x38;
	[tilespmem:$0x1C000] =	vst v63  }
0x23c: {  	_ =	swait.ge [sflag:s8], $0x28  }
.Ltmp6:
0x23d: {  	[sflag:s8] =	ssyncset.done $0x0;
	(pc) =	sbr.rel @p0 .LBB2_13-.Ltmp6, $4  }
0x23e: {  	[sflag:s8] =	ssyncadd.s32 $0xFFFFFFD8  }
0x23f: {  	[spmem:s3] =	stream.indirect.scatter.add.f32 [tilespmem:s23], [sflag:$0xA], $0x80, s26, s20, $0xb8;
	[tilespmem:$0x1C000] =	vst v63  }
0x240: {  	s6 =	sadd.s32 $0xC8, s6;
	_ =	swait.ge [sflag:s30], $0x1400  }
0x241: {  	s1 =	sshrl.u32 s6, $0x3;
	[sflag:s30] =	ssyncset.done $0x0  }
0x242: {  	s1 =	sadd.s32 s16, s1;
	[sflag:s30] =	ssyncadd.s32 $0xFFFFEC00  }
0x243: {  	[tilespmem:s10], [sflag:$0xB] =	stream.linear.gather [hbm4b:s1+s4], $0x28, $0x38;
	[tilespmem:$0x1C000] =	vst v63  }
0x244: {  	_ =	swait.ge [sflag:s8], $0x28  }
0x245: {  	[sflag:s8] =	ssyncset.done $0x0  }
0x246: {  	[sflag:s8] =	ssyncadd.s32 $0xFFFFFFD8  }
0x247: {  	[spmem:s3] =	stream.indirect.scatter.add.f32 [tilespmem:s23], [sflag:$0x6], $0x80, s10, s20, $0xb8;
	[tilespmem:$0x1C000] =	vst v63  }
0x248: {  	_ =	swait.ge [sflag:s0], $0x1400  }
0x249: {  	[sflag:s0] =	ssyncset.done $0x0  }
0x24a: {  	s15 =	sadd.s32 s14, s9;
	[sflag:s0] =	ssyncadd.s32 $0xFFFFEC00  }
0x24b: {  	[tilespmem:s24], [sflag:$0xB] =	stream.linear.gather [hbm4b:s15+s4], $0x28, $0x38;
	[tilespmem:$0x1C000] =	vst v63  }
0x24c: {  	_ =	swait.ge [sflag:s8], $0x28  }
0x24d: {  	[sflag:s8] =	ssyncset.done $0x0  }
0x24e: {  	[sflag:s8] =	ssyncadd.s32 $0xFFFFFFD8  }
0x24f: {  	[spmem:s3] =	stream.indirect.scatter.add.f32 [tilespmem:s23], [sflag:$0x7], $0x80, s24, s20, $0xb8;
	[tilespmem:$0x1C000] =	vst v63  }
0x250: {  	_ =	swait.ge [sflag:s7], $0x1400  }
0x251: {  	[sflag:s7] =	ssyncset.done $0x0  }
0x252: {  	s5 =	sadd.s32 s14, s2;
	[sflag:s7] =	ssyncadd.s32 $0xFFFFEC00  }
0x253: {  	[tilespmem:s13], [sflag:$0xB] =	stream.linear.gather [hbm4b:s5+s4], $0x28, $0x38;
	[tilespmem:$0x1C000] =	vst v63  }
0x254: {  	_ =	swait.ge [sflag:s8], $0x28  }
0x255: {  	[sflag:s8] =	ssyncset.done $0x0  }
0x256: {  	[sflag:s8] =	ssyncadd.s32 $0xFFFFFFD8  }
0x257: {  	[spmem:s3] =	stream.indirect.scatter.add.f32 [tilespmem:s23], [sflag:$0x8], $0x80, s13, s20, $0xb8;
	[tilespmem:$0x1C000] =	vst v63  }
0x258: {  	_ =	swait.ge [sflag:s11], $0x1400  }
0x259: {  	[sflag:s11] =	ssyncset.done $0x0  }
0x25a: {  	s6 =	sadd.s32 s14, s31;
	[sflag:s11] =	ssyncadd.s32 $0xFFFFEC00  }
0x25b: {  	[tilespmem:s21], [sflag:$0xB] =	stream.linear.gather [hbm4b:s6+s4], $0x28, $0x38;
	[tilespmem:$0x1C000] =	vst v63  }
0x25c: {  	_ =	swait.ge [sflag:s8], $0x28  }
0x25d: {  	[sflag:s8] =	ssyncset.done $0x0  }
0x25e: {  	[sflag:s8] =	ssyncadd.s32 $0xFFFFFFD8  }
0x25f: {  	[spmem:s3] =	stream.indirect.scatter.add.f32 [tilespmem:s23], [sflag:$0x9], $0x80, s21, s20, $0xb8;
	[tilespmem:$0x1C000] =	vst v63  }
0x260: {  	_ =	swait.ge [sflag:s12], $0x1400  }
0x261: {  	[sflag:s12] =	ssyncset.done $0x0  }
0x262: {  	s15 =	sadd.s32 s14, s29;
	[sflag:s12] =	ssyncadd.s32 $0xFFFFEC00  }
0x263: {  	[tilespmem:s26], [sflag:$0xB] =	stream.linear.gather [hbm4b:s15+s4], $0x28, $0x38;
	[tilespmem:$0x1C000] =	vst v63  }
0x264: {  	_ =	swait.ge [sflag:s8], $0x28  }
0x265: {  	[sflag:s8] =	ssyncset.done $0x0  }
0x266: {  	[sflag:s8] =	ssyncadd.s32 $0xFFFFFFD8  }
0x267: {  	[spmem:s3] =	stream.indirect.scatter.add.f32 [tilespmem:s23], [sflag:$0xA], $0x80, s26, s20, $0xb8;
	[tilespmem:$0x1C000] =	vst v63  }
0x268: {  	_ =	swait.ge [sflag:s30], $0x1400  }
0x269: {  	[sflag:s30] =	ssyncset.done $0x0  }
0x26a: {  	[sflag:s30] =	ssyncadd.s32 $0xFFFFEC00  }
0x26b: {  	_ =	swait.ge [sflag:s0], $0x1400  }
0x26c: {  	[sflag:s0] =	ssyncset.done $0x0  }
0x26d: {  	[sflag:s0] =	ssyncadd.s32 $0xFFFFEC00  }
0x26e: {  	_ =	swait.ge [sflag:s7], $0x1400  }
0x26f: {  	[sflag:s7] =	ssyncset.done $0x0  }
0x270: {  	[sflag:s7] =	ssyncadd.s32 $0xFFFFEC00  }
0x271: {  	_ =	swait.ge [sflag:s11], $0x1400  }
0x272: {  	[sflag:s11] =	ssyncset.done $0x0  }
0x273: {  	[sflag:s11] =	ssyncadd.s32 $0xFFFFEC00  }
0x274: {  	_ =	swait.ge [sflag:s12], $0x1400  }
0x275: {  	[sflag:s12] =	ssyncset.done $0x0  }
0x276: {  	[sflag:s12] =	ssyncadd.s32 $0xFFFFEC00  }
0x277: {  	[bflag:$0x0] =	sbarrier.arrive $0xFFFF  }
0x278: {  	[tilespmem:s22], [sflag:$0xB] =	stream.linear.gather [spmem:s18], $0x1400, $0x38;
	[tilespmem:$0x1C000] =	vst v63  }
0x279: {  	_ =	swait.ge [sflag:s8], $0x1400  }
0x27a: {  	[sflag:s8] =	ssyncset.done $0x0  }
0x27b: {  	s18 =	simm.s32 $0x0;
	s5 =	rddreg [dreg:$0xb];
	[sflag:s8] =	ssyncadd.s32 $0xFFFFEC00  }
0x27c: {  	[hbm4b:s5+s18] =	stream.linear.scatter [tilespmem:s22], [sflag:$0x1], $0x1400, $0x38;
	[tilespmem:$0x1C000] =	vst v63  }
0x27d: {  	s29 =	rddreg [dreg:$0x19]  }
0x27e: {  	[tilespmem:s28], [sflag:$0xB] =	stream.linear.gather [spmem:s29], $0x1400, $0x38;
	[tilespmem:$0x1C000] =	vst v63  }
0x27f: {  	_ =	swait.ge [sflag:s8], $0x1400  }
0x280: {  	[sflag:s8] =	ssyncset.done $0x0  }
0x281: {  	s6 =	rddreg [dreg:$0xc];
	[sflag:s8] =	ssyncadd.s32 $0xFFFFEC00  }
0x282: {  	[hbm4b:s6+s18] =	stream.linear.scatter [tilespmem:s28], [sflag:$0x2], $0x1400, $0x38;
	[tilespmem:$0x1C000] =	vst v63  }
0x283: {  	_ =	swait.ge [sflag:s25], $0x1400  }
0x284: {  	s14 =	sld [smem:$0x7EC]  }
0x285: {  	[sflag:s25] =	ssyncset.done $0x0  }
0x286: {  	[sflag:s25] =	ssyncadd.s32 $0xFFFFEC00  }
0x287: {  	[tilespmem:s22], [sflag:$0xB] =	stream.linear.gather [spmem:s14], $0x1400, $0x38;
	[tilespmem:$0x1C000] =	vst v63  }
0x288: {  	_ =	swait.ge [sflag:s8], $0x1400  }
0x289: {  	[sflag:s8] =	ssyncset.done $0x0;
	s18 =	rddreg [dreg:$0x10]  }
0x28a: {  	[sflag:s8] =	ssyncadd.s32 $0xFFFFEC00;
	s15 =	sadd.s32 $0x0, s18  }
0x28b: {  	[hbm4b:s15+s4] =	stream.linear.scatter [tilespmem:s22], [sflag:$0x1], $0x1400, $0x38;
	[tilespmem:$0x1C000] =	vst v63  }
0x28c: {  	_ =	swait.ge [sflag:s19], $0x1400  }
0x28d: {  	s29 =	sld [smem:$0x7F0]  }
0x28e: {  	[sflag:s19] =	ssyncset.done $0x0  }
0x28f: {  	[sflag:s19] =	ssyncadd.s32 $0xFFFFEC00  }
0x290: {  	[tilespmem:s28], [sflag:$0xB] =	stream.linear.gather [spmem:s29], $0x1400, $0x38;
	[tilespmem:$0x1C000] =	vst v63  }
0x291: {  	_ =	swait.ge [sflag:s8], $0x1400  }
0x292: {  	s1 =	simm.s32 $0x500;
	[sflag:s8] =	ssyncset.done $0x0;
	s15 =	rddreg [dreg:$0xf]  }
0x293: {  	s5 =	sadd.s32 $0x2800, s29;
	[sflag:s8] =	ssyncadd.s32 $0xFFFFEC00;
	s6 =	sadd.s32 $0x0, s15  }
.LBB2_15:
0x294: {  	[hbm4b:s6+s4] =	stream.linear.scatter [tilespmem:s28], [sflag:$0x2], $0x1400, $0x38;
	[tilespmem:$0x1C000] =	vst v63  }
0x295: {  	s6 =	smov.u32 s1  }
0x296: {  	p0 =	sne.s32 s1, $0x1E00;
	s1 =	sadd.s32 $0x500, s1;
	_ =	swait.ge [sflag:s25], $0x1400  }
0x297: {  	[sflag:s25] =	ssyncset.done $0x0  }
0x298: {  	s14 =	sadd.s32 $0xFFFFEC00, s5;
	[sflag:s25] =	ssyncadd.s32 $0xFFFFEC00  }
0x299: {  	[tilespmem:s22], [sflag:$0xB] =	stream.linear.gather [spmem:s14], $0x1400, $0x38;
	[tilespmem:$0x1C000] =	vst v63  }
0x29a: {  	_ =	swait.ge [sflag:s8], $0x1400  }
0x29b: {  	[sflag:s8] =	ssyncset.done $0x0  }
0x29c: {  	s14 =	sadd.s32 s6, s18;
	[sflag:s8] =	ssyncadd.s32 $0xFFFFEC00  }
0x29d: {  	[hbm4b:s14+s4] =	stream.linear.scatter [tilespmem:s22], [sflag:$0x1], $0x1400, $0x38;
	[tilespmem:$0x1C000] =	vst v63  }
0x29e: {  	_ =	swait.ge [sflag:s19], $0x1400  }
0x29f: {  	[sflag:s19] =	ssyncset.done $0x0  }
.Ltmp7:
0x2a0: {  	[sflag:s19] =	ssyncadd.s32 $0xFFFFEC00;
	(pc) =	sbr.rel @p0 .LBB2_15-.Ltmp7, $4  }
0x2a1: {  	[tilespmem:s28], [sflag:$0xB] =	stream.linear.gather [spmem:s5], $0x1400, $0x38;
	[tilespmem:$0x1C000] =	vst v63  }
0x2a2: {  	_ =	swait.ge [sflag:s8], $0x1400  }
0x2a3: {  	[sflag:s8] =	ssyncset.done $0x0  }
0x2a4: {  	s6 =	sadd.s32 s6, s15;
	s5 =	sadd.s32 $0x2800, s5;
	[sflag:s8] =	ssyncadd.s32 $0xFFFFEC00  }
0x2a5: {  	[hbm4b:s6+s4] =	stream.linear.scatter [tilespmem:s28], [sflag:$0x2], $0x1400, $0x38;
	[tilespmem:$0x1C000] =	vst v63  }
0x2a6: {  	_ =	swait.ge [sflag:s25], $0x1400  }
0x2a7: {  	[sflag:s25] =	ssyncset.done $0x0  }
0x2a8: {  	[sflag:s25] =	ssyncadd.s32 $0xFFFFEC00  }
0x2a9: {  	_ =	swait.ge [sflag:s19], $0x1400  }
0x2aa: {  	s5 =	sld [smem:$0x7EE];
	_ =	sdelay $0x2  }
0x2ab: {  	s1 =	rddreg [dreg:$0x17];
	s5 =	sadd.s32 $0x1, s5  }
0x2ac: {  	p0 =	sne.s32 s5, s1  }
.Ltmp8:
0x2ad: {  	_ = 	snop;
	(pc) =	sbr.rel @p0 .LBB2_1-.Ltmp8, $3  }
0x2ae: {  	_ =	sdelay $0x1  }
0x2af: {  	[sflag:s19] =	ssyncset.done $0x0  }
0x2b0: {  	s18 =	rddreg [dreg:$0x18];
	[sflag:s19] =	ssyncadd.s32 $0xFFFFEC00  }
0x2b1: {  	_ =	sfence.sel $0x180000  }
0x2b2: {  	[bflag:$0x0] =	sbarrier.arrive $0xFFFF  }
0x2b3: {  	_ =	strace $0x90000047  }
0x2b4: {  	s0 =	stileid.u32;
	[bflag:$0x2] =	sbarrier.arrive $0xFFFF  }
0x2b5: {  	p0 =	sne.s32 s0, $0x0;
	s0 =	rddreg [dreg:$0x3]  }
0x2b6: {  	s0 =	sadd.s32 @!p0 $0x100000, s0  }
0x2b7: {  	[sflag:s0] =	ssyncadd.tile.s32 @!p0 $0x1;
	_ =	shalt  }
.Lfunc_end2:
_tile_overlayer_lowered:
.L_overlay_start_2:
0x2b8: {  	(tag) =	ssettag $0x2  }
0x2b9: {  	s0 =	rddreg [dreg:$0x0];
	s2 =	stileid.u32  }
0x2ba: {  	s1 =	rddreg [dreg:$0x1];
	p0 =	sne.s32 s2, $0x0  }
0x2bb: {  	s3 =	rddreg [dreg:$0x2];
	[bflag:$0x3] =	sbarrier.arrive $0xFFFF;
	s2 =	simm.s32 @!p0 $0x1C0B  }
0x2bc: {  	[timem:s3], [sflag:s2] =	dma.local @!p0 [hbm:s0], s1  }
0x2bd: {  	s0 =	simm.s32 @!p0 $0xB  }
0x2be: {  	_ =	swait.ge @!p0 [sflag:s0], s1  }
0x2bf: {  	s1 =	ssub.s32 @!p0 $0x0, s1;
	[sflag:s0] =	ssyncset.done @!p0 $0x0  }
0x2c0: {  	[sflag:s0] =	ssyncadd.s32 @!p0 s1  }
0x2c1: {  	[bflag:$0x3] =	sbarrier.arrive $0xFFFF  }
0x2c2: {  	_ =	shalt  }

</sc_bundles>
